<compile_context>
chip_gen: v7x
topology: tpu7x:2x2x1
jax: 0.10.2.dev20260603
libtpu: 0.0.44.dev20260713+nightly
codegen_flags: <defaults>
</compile_context>

<pallas_src>
import functools

import jax
import jax.numpy as jnp
from jax import lax
from jax.experimental import pallas as pl
from jax.experimental.pallas import tpu as pltpu
from jax.experimental.pallas import tpu_sc as plsc

N = 10000
H = 64
WAUG = 80
NC, NS = 2, 16
NW = NC * NS
IDX = 128

f32 = jnp.float32
i32 = jnp.int32
U = 2



@functools.lru_cache(maxsize=None)
def _make_seg_sum(n_rows, W, K, n_acc, CK):
    NCK = K // CK
    rz = n_acc // NS
    assert rz * NS == n_acc and rz % 8 == 0 and NCK * CK == K
    mesh = plsc.VectorSubcoreMesh(core_axis_name="c", subcore_axis_name="s",
                                  num_cores=NC, num_subcores=NS)

    @functools.partial(
        pl.kernel,
        mesh=mesh,
        compiler_params=pltpu.CompilerParams(use_tc_tiling_on_sc=False),
        out_type=jax.ShapeDtypeStruct((NC, n_acc, W), f32),
        scratch_types=[
            pltpu.VMEM((CK, IDX), i32),
            pltpu.VMEM((CK, IDX), i32),
            pltpu.VMEM((2, IDX, W), f32),
            pltpu.VMEM_SHARED((n_acc, W), f32),
            pltpu.SemaphoreType.DMA((2,)),
        ],
    )
    def seg_sum(table, src3d, dst3d, zeros, out, src_v, dst_v, rows_v, acc,
                sems):
        c = lax.axis_index("c")
        s = lax.axis_index("s")
        wid = s * NC + c
        pltpu.sync_copy(zeros.at[pl.ds(s * rz, rz)], acc.at[pl.ds(s * rz, rz)])
        plsc.subcore_barrier()

        def outer(tc, carry):
            pltpu.sync_copy(src3d.at[wid].at[pl.ds(tc * CK, CK)], src_v)
            pltpu.sync_copy(dst3d.at[wid].at[pl.ds(tc * CK, CK)], dst_v)
            pltpu.sync_copy(table.at[src_v.at[0]], rows_v.at[0])

            def body(j, carry2):
                b = lax.rem(j, 2)
                d = pltpu.async_copy(table.at[src_v.at[j + 1]],
                                     rows_v.at[1 - b], sems.at[1 - b])
                pltpu.sync_copy(rows_v.at[b], acc.at[dst_v.at[j]], add=True)
                d.wait()
                return carry2

            lax.fori_loop(0, CK - 1, body, 0)
            pltpu.sync_copy(rows_v.at[(CK - 1) % 2], acc.at[dst_v.at[CK - 1]],
                            add=True)
            return carry

        lax.fori_loop(0, NCK, outer, 0)
        plsc.subcore_barrier()
        pltpu.sync_copy(acc.at[pl.ds(s * rz, rz)], out.at[c].at[pl.ds(s * rz, rz)])

    return seg_sum


def _seg_sum(table, src, dst, n_out):
    n_rows, W = table.shape
    a = src.shape[0]
    gran = NW * IDX
    a_pad = ((a + gran - 1) // gran) * gran
    CK = a_pad // gran
    n_acc = ((n_out + 1 + 127) // 128) * 128
    if a_pad != a:
        pad = a_pad - a
        src = jnp.concatenate([src, jnp.zeros((pad,), i32)])
        spare = jnp.arange(pad, dtype=i32) % (n_acc - n_out) + n_out
        dst = jnp.concatenate([dst, spare])
    K = a_pad // (NW * IDX)
    fn = _make_seg_sum(n_rows, W, K, n_acc, CK)
    zeros = jnp.zeros((n_acc, W), f32)
    return fn(table, src.reshape(NW, K, IDX), dst.reshape(NW, K, IDX), zeros)



RB = 1000


def _elu(v):
    return jnp.where(v > 0, v, jnp.exp(jnp.minimum(v, 0.0)) - 1.0)


def _dot(a, b):
    return jnp.dot(a, b, preferred_element_type=f32)


def _entry_body(x_ref, wn_ref, wr_ref, b_ref, y_ref, r_ref):
    h = x_ref[...]
    y_ref[...] = _dot(h, wn_ref[...])
    r_ref[...] = _dot(h, wr_ref[...]) + b_ref[...]


def _mid_body(p_ref, r_ref, wn_ref, wr_ref, b_ref, y_ref, r2_ref):
    p = p_ref[...]
    h = _elu(p[0] + p[1] + r_ref[...])
    y_ref[...] = _dot(h, wn_ref[...])
    r2_ref[...] = _dot(h, wr_ref[...]) + b_ref[...]


def _aug_body(p_ref, r_ref, o_ref):
    p = p_ref[...]
    h = _elu(p[0] + p[1] + r_ref[...])
    o_ref[...] = jnp.concatenate(
        [h, jnp.ones((h.shape[0], 1), f32), jnp.zeros((h.shape[0], WAUG - H - 1), f32)],
        axis=1,
    )


def _lvl_entry_body(p_ref, iso_ref, wna_ref, wnb_ref, wra_ref, wrb_ref, b_ref,
                    y_ref, r_ref):
    p = p_ref[...]
    s = p[0] + p[1]
    m = s[:, :H] / jnp.maximum(s[:, H:H + 1], 1.0)
    iso = iso_ref[...]
    y_ref[...] = _dot(m, wna_ref[...]) + _dot(iso, wnb_ref[...])
    r_ref[...] = _dot(m, wra_ref[...]) + _dot(iso, wrb_ref[...]) + b_ref[...]


def _rows_spec(w):
    return pl.BlockSpec((2, RB, w), lambda i: (0, i, 0))


def _full_spec(shape):
    nd = len(shape)
    return pl.BlockSpec(shape, lambda i: (0,) * nd)


def _entry(x, wn, wr, b):
    return pl.pallas_call(
        _entry_body,
        grid=(N // RB,),
        in_specs=[
            pl.BlockSpec((RB, x.shape[1]), lambda i: (i, 0)),
            _full_spec(wn.shape), _full_spec(wr.shape), _full_spec(b.shape),
        ],
        out_specs=[pl.BlockSpec((RB, H), lambda i: (i, 0))] * 2,
        out_shape=[jax.ShapeDtypeStruct((N, H), f32)] * 2,
    )(x, wn, wr, b)


def _mid(p, r, wn, wr, b):
    return pl.pallas_call(
        _mid_body,
        grid=(N // RB,),
        in_specs=[
            _rows_spec(H),
            pl.BlockSpec((RB, H), lambda i: (i, 0)),
            _full_spec(wn.shape), _full_spec(wr.shape), _full_spec(b.shape),
        ],
        out_specs=[pl.BlockSpec((RB, H), lambda i: (i, 0))] * 2,
        out_shape=[jax.ShapeDtypeStruct((N, H), f32)] * 2,
    )(p, r, wn, wr, b)


def _aug(p, r):
    return pl.pallas_call(
        _aug_body,
        grid=(N // RB,),
        in_specs=[_rows_spec(H), pl.BlockSpec((RB, H), lambda i: (i, 0))],
        out_specs=pl.BlockSpec((RB, WAUG), lambda i: (i, 0)),
        out_shape=jax.ShapeDtypeStruct((N, WAUG), f32),
    )(p, r)


def _lvl_entry(p, iso, wna, wnb, wra, wrb, b):
    ni = iso.shape[1]
    return pl.pallas_call(
        _lvl_entry_body,
        grid=(N // RB,),
        in_specs=[
            _rows_spec(WAUG),
            pl.BlockSpec((RB, ni), lambda i: (i, 0)),
            _full_spec(wna.shape), _full_spec(wnb.shape),
            _full_spec(wra.shape), _full_spec(wrb.shape), _full_spec(b.shape),
        ],
        out_specs=[pl.BlockSpec((RB, H), lambda i: (i, 0))] * 2,
        out_shape=[jax.ShapeDtypeStruct((N, H), f32)] * 2,
    )(p, iso, wna, wnb, wra, wrb, b)


def _head_body(x1_ref, x2_ref, x3_ref, f1a_ref, f1b_ref, f1c_ref, b1_ref,
               w2_ref, b2_ref, w3_ref, b3_ref, o_ref):
    a = x1_ref[...]
    x1 = (a[0] + a[1])[:, :H]
    a = x2_ref[...]
    s = a[0] + a[1]
    x2 = s[:, :H] / jnp.maximum(s[:, H:H + 1], 1.0)
    a = x3_ref[...]
    s = a[0] + a[1]
    x3 = s[:, :H] / jnp.maximum(s[:, H:H + 1], 1.0)
    z = _elu(_dot(x1, f1a_ref[...]) + _dot(x2, f1b_ref[...])
             + _dot(x3, f1c_ref[...]) + b1_ref[...])
    z = _elu(_dot(z, w2_ref[...]) + b2_ref[...])
    z = _dot(z, w3_ref[...]) + b3_ref[...]
    m = jnp.max(z, axis=1, keepdims=True)
    lse = jnp.log(jnp.sum(jnp.exp(z - m), axis=1, keepdims=True)) + m
    o_ref[...] = z - lse


def _head(x1s, x2s, x3s, f1a, f1b, f1c, b1, w2, b2, w3, b3):
    args = (x1s, x2s, x3s, f1a, f1b, f1c, b1, w2, b2, w3, b3)

    def spec(shape):
        return pl.BlockSpec(shape, functools.partial(lambda n: (0,) * n, len(shape)))

    return pl.pallas_call(
        _head_body,
        in_specs=[spec(a.shape) for a in args],
        out_specs=pl.BlockSpec((64, 10), lambda: (0, 0)),
        out_shape=jax.ShapeDtypeStruct((64, 10), f32),
    )(*args)



def kernel(x, edge_index, batch, assignment_index_2, iso_type_2, edge_index_2,
           batch_2, assignment_index_3, iso_type_3, edge_index_3, batch_3,
           W1_root, W1_rel, b1, W2_root, W2_rel, b2, W3_root, W3_rel, b3,
           W4_root, W4_rel, b4, W5_root, W5_rel, b5, W6_root, W6_rel, b6,
           W7_root, W7_rel, b7, fc1_W, fc1_b, fc2_W, fc2_b, fc3_W, fc3_b):
    iota = jnp.arange(N, dtype=i32)
    src1, dst1 = edge_index[0], edge_index[1]

    y, r = _entry(x, W1_rel, W1_root, b1.reshape(1, H))
    p = _seg_sum(y, src1, dst1, N)
    y, r = _mid(p, r, W2_rel, W2_root, b2.reshape(1, H))
    p = _seg_sum(y, src1, dst1, N)
    y, r = _mid(p, r, W3_rel, W3_root, b3.reshape(1, H))
    p = _seg_sum(y, src1, dst1, N)
    h_aug = _aug(p, r)

    src_all = jnp.concatenate([iota, assignment_index_2[0], assignment_index_3[0]])
    dst_all = jnp.concatenate([batch, assignment_index_2[1] + 64,
                               assignment_index_3[1] + 10064])
    mega = _seg_sum(h_aug, src_all, dst_all, 20064)
    x1s = mega[:, :64]
    pool2 = mega[:, 64:10064]
    pool3 = mega[:, 10064:20064]

    def level(pool, iso, wroot_e, wrel_e, b_e, wroot_m, wrel_m, b_m, ei, bat):
        y, r = _lvl_entry(pool, iso, wrel_e[:H], wrel_e[H:],
                          wroot_e[:H], wroot_e[H:], b_e.reshape(1, H))
        p = _seg_sum(y, ei[0], ei[1], N)
        y, r = _mid(p, r, wrel_m, wroot_m, b_m.reshape(1, H))
        p = _seg_sum(y, ei[0], ei[1], N)
        haug = _aug(p, r)
        return _seg_sum(haug, iota, bat, 64)[:, :64], p

    x2s, p_l2 = level(pool2, iso_type_2, W4_root, W4_rel, b4, W5_root, W5_rel,
                      b5, edge_index_2, batch_2)
    pool3, _ = lax.optimization_barrier((pool3, p_l2))
    x3s, _ = level(pool3, iso_type_3, W6_root, W6_rel, b6, W7_root, W7_rel, b7,
                   edge_index_3, batch_3)

    return _head(x1s, x2s, x3s,
                 fc1_W[:H], fc1_W[H:2 * H], fc1_W[2 * H:],
                 fc1_b.reshape(1, H), fc2_W, fc2_b.reshape(1, 32),
                 fc3_W, fc3_b.reshape(1, 10))

# --- scband reference (transcript-rebuilt; emitter-appended) ---
"""Pipeline reference for scband-net-71296457113910 (READ-ONLY COPY).

The authoritative reference and input builder live on the scoring server;
editing this copy changes nothing except your own understanding.
"""

import jax, jax.numpy as jnp
import numpy as np

N = 10000; E = 320000; D = 128; H = 64
N2 = 10000; N3 = 10000; A2 = 20000; A3 = 30000; E2 = 320000; E3 = 320000
NUM_I2 = 32; NUM_I3 = 64; B = 64; C = 10


def setup_inputs(seed: int = 0):
    key = jax.random.key(seed)
    ks = jax.random.split(key, 48)
    w = lambda k, s: jax.random.normal(k, s, dtype=jnp.float32) * 0.05
    inp = {}
    inp["x"] = jax.random.normal(ks[0], (N, D), dtype=jnp.float32)
    inp["edge_index"] = jax.random.randint(ks[1], (2, E), 0, N)
    inp["batch"] = jnp.sort(jax.random.randint(ks[2], (N,), 0, B))
    inp["assignment_index_2"] = jax.random.randint(ks[3], (2, A2), 0, N)
    inp["iso_type_2"] = jax.random.uniform(ks[4], (N2, NUM_I2), dtype=jnp.float32)
    inp["edge_index_2"] = jax.random.randint(ks[5], (2, E2), 0, N2)
    inp["batch_2"] = jnp.sort(jax.random.randint(ks[6], (N2,), 0, B))
    inp["assignment_index_3"] = jax.random.randint(ks[7], (2, A3), 0, N)
    inp["iso_type_3"] = jax.random.uniform(ks[8], (N3, NUM_I3), dtype=jnp.float32)
    inp["edge_index_3"] = jax.random.randint(ks[9], (2, E3), 0, N3)
    inp["batch_3"] = jnp.sort(jax.random.randint(ks[10], (N3,), 0, B))
    inp["W1_root"] = w(ks[11], (D, H)); inp["W1_rel"] = w(ks[12], (D, H)); inp["b1"] = jnp.zeros((H,), jnp.float32)
    inp["W2_root"] = w(ks[13], (H, H)); inp["W2_rel"] = w(ks[14], (H, H)); inp["b2"] = jnp.zeros((H,), jnp.float32)
    inp["W3_root"] = w(ks[15], (H, H)); inp["W3_rel"] = w(ks[16], (H, H)); inp["b3"] = jnp.zeros((H,), jnp.float32)
    inp["W4_root"] = w(ks[17], (H + NUM_I2, H)); inp["W4_rel"] = w(ks[18], (H + NUM_I2, H)); inp["b4"] = jnp.zeros((H,), jnp.float32)
    inp["W5_root"] = w(ks[19], (H, H)); inp["W5_rel"] = w(ks[20], (H, H)); inp["b5"] = jnp.zeros((H,), jnp.float32)
    inp["W6_root"] = w(ks[21], (H + NUM_I3, H)); inp["W6_rel"] = w(ks[22], (H + NUM_I3, H)); inp["b6"] = jnp.zeros((H,), jnp.float32)
    inp["W7_root"] = w(ks[23], (H, H)); inp["W7_rel"] = w(ks[24], (H, H)); inp["b7"] = jnp.zeros((H,), jnp.float32)
    inp["fc1_W"] = w(ks[25], (3 * H, H)); inp["fc1_b"] = jnp.zeros((H,), jnp.float32)
    inp["fc2_W"] = w(ks[26], (H, H // 2)); inp["fc2_b"] = jnp.zeros((H // 2,), jnp.float32)
    inp["fc3_W"] = w(ks[27], (H // 2, C)); inp["fc3_b"] = jnp.zeros((C,), jnp.float32)
    return inp


def _graph_conv(x, ei, Wr, Wn, b):
    # PyG GraphConv: lin_root(x) + lin_rel(sum_{j in N(i)} x_j) + bias
    agg = jax.ops.segment_sum(x[ei[0]], ei[1], num_segments=x.shape[0])
    return x @ Wr + agg @ Wn + b


def _scatter_mean(v, ids, ns):
    s = jax.ops.segment_sum(v, ids, num_segments=ns)
    c = jax.ops.segment_sum(jnp.ones((v.shape[0], 1), v.dtype), ids, num_segments=ns)
    return s / jnp.maximum(c, 1.0)


def _avg_pool(x, assign, ns):
    # k-GNN avg_pool: scatter_mean(x[assign[0]], assign[1])
    return _scatter_mean(x[assign[0]], assign[1], ns)


def reference(x, edge_index, batch, assignment_index_2, iso_type_2, edge_index_2, batch_2, assignment_index_3, iso_type_3, edge_index_3, batch_3, W1_root, W1_rel, b1, W2_root, W2_rel, b2, W3_root, W3_rel, b3, W4_root, W4_rel, b4, W5_root, W5_rel, b5, W6_root, W6_rel, b6, W7_root, W7_rel, b7, fc1_W, fc1_b, fc2_W, fc2_b, fc3_W, fc3_b):
    elu = jax.nn.elu
    h = elu(_graph_conv(x, edge_index, W1_root, W1_rel, b1))
    h = elu(_graph_conv(h, edge_index, W2_root, W2_rel, b2))
    h = elu(_graph_conv(h, edge_index, W3_root, W3_rel, b3))
    x_1 = jax.ops.segment_sum(h, batch, num_segments=B)
    h2 = _avg_pool(h, assignment_index_2, N2)
    h2 = jnp.concatenate([h2, iso_type_2], axis=1)
    h2 = elu(_graph_conv(h2, edge_index_2, W4_root, W4_rel, b4))
    h2 = elu(_graph_conv(h2, edge_index_2, W5_root, W5_rel, b5))
    x_2 = _scatter_mean(h2, batch_2, B)
    h3 = _avg_pool(h, assignment_index_3, N3)
    h3 = jnp.concatenate([h3, iso_type_3], axis=1)
    h3 = elu(_graph_conv(h3, edge_index_3, W6_root, W6_rel, b6))
    h3 = elu(_graph_conv(h3, edge_index_3, W7_root, W7_rel, b7))
    x_3 = _scatter_mean(h3, batch_3, B)
    z = jnp.concatenate([x_1, x_2, x_3], axis=1)
    z = elu(z @ fc1_W + fc1_b)
    # dropout is identity in eval mode
    z = elu(z @ fc2_W + fc2_b)
    z = z @ fc3_W + fc3_b
    return jax.nn.log_softmax(z, axis=1)

if __name__ == "__main__":
    import jax
    _d = setup_inputs()
    print(jax.jit(kernel)(*tuple(_d.values())))

</pallas_src>

<mosaic_0001>
#map = affine_map<(d0, d1) -> (0, 0)>
#map1 = affine_map<(d0, d1) -> (0, 0, 0)>
module attributes {stable_mosaic.version = 14 : i64} {
  func.func @seg_sum(%arg0: i32, %arg1: i32, %arg2: memref<10000x80xf32, #tpu.memory_space<hbm>>, %arg3: memref<32x15x128xi32, #tpu.memory_space<hbm>>, %arg4: memref<32x15x128xi32, #tpu.memory_space<hbm>>, %arg5: memref<20096x80xf32, #tpu.memory_space<hbm>>, %arg6: memref<2x20096x80xf32, #tpu.memory_space<hbm>>, %arg7: memref<15x128xi32, #tpu.memory_space<vmem>>, %arg8: memref<15x128xi32, #tpu.memory_space<vmem>>, %arg9: memref<2x128x80xf32, #tpu.memory_space<vmem>>, %arg10: memref<20096x80xf32, #tpu.memory_space<vmem_shared>>, %arg11: memref<2x!tpu.dma_semaphore, #tpu.memory_space<semaphore_mem>>) attributes {dimension_semantics = [#tpu.dimension_semantics<core_parallel>, #tpu.dimension_semantics<subcore_parallel>], iteration_bounds = array<i64: 2, 16>, scalar_prefetch = 0 : i64, scratch_operands = 5 : i64, tpu.core_type = #tpu.core_type<sc_vector_subcore>, window_params = [{transform_indices = #map}, {transform_indices = #map1}, {transform_indices = #map1}, {transform_indices = #map}, {transform_indices = #map1}]} {
    %mul3A = arith.constant 2 : i32
    %mul3A_0 = arith.muli %arg1, %mul3A : i32
    %add3A = arith.addi %mul3A_0, %arg0 : i32
    %mul3A_1 = arith.constant 1256 : i32
    %mul3A_2 = arith.muli %arg1, %mul3A_1 : i32
    %mul3A_3 = arith.constant 1256 : i32
    %mul3A_4 = arith.muli %arg1, %mul3A_3 : i32
    "tpu.region"() ({
      %run_scoped3A_25 = tpu.sem_alloc : memref<!tpu.dma_semaphore, #tpu.memory_space<semaphore_mem>>
      %dma_start3A = arith.constant 0 : i32
      %dma_start3A_26 = tpu.memref_slice %arg10[%mul3A_4, %dma_start3A] : memref<20096x80xf32, #tpu.memory_space<vmem_shared>> -> memref<1256x80xf32, #tpu.memory_space<vmem_shared>>
      %dma_start3A_27 = arith.constant 0 : i32
      %dma_start3A_28 = tpu.memref_slice %arg5[%mul3A_2, %dma_start3A_27] : memref<20096x80xf32, #tpu.memory_space<hbm>> -> memref<1256x80xf32, #tpu.memory_space<hbm>>
      tpu.enqueue_dma source(%dma_start3A_28 : memref<1256x80xf32, #tpu.memory_space<hbm>>) target(%dma_start3A_26 : memref<1256x80xf32, #tpu.memory_space<vmem_shared>>) target_semaphore(%run_scoped3A_25 : memref<!tpu.dma_semaphore, #tpu.memory_space<semaphore_mem>>)
      %dma_wait3A = arith.constant 0 : i32
      %dma_wait3A_29 = tpu.memref_slice %arg10[%mul3A_4, %dma_wait3A] : memref<20096x80xf32, #tpu.memory_space<vmem_shared>> -> memref<1256x80xf32, #tpu.memory_space<vmem_shared>>
      %dma_wait3A_30 = arith.constant 0 : i32
      %dma_wait3A_31 = tpu.memref_slice %arg5[%mul3A_2, %dma_wait3A_30] : memref<20096x80xf32, #tpu.memory_space<hbm>> -> memref<1256x80xf32, #tpu.memory_space<hbm>>
      tpu.wait_dma2 semaphore(%run_scoped3A_25 : memref<!tpu.dma_semaphore, #tpu.memory_space<semaphore_mem>>) src(%dma_wait3A_31 : memref<1256x80xf32, #tpu.memory_space<hbm>>) dst(%dma_wait3A_29 : memref<1256x80xf32, #tpu.memory_space<vmem_shared>>)
      tpu.yield
    }) : () -> ()
    %barrier3A = arith.constant 0 : index
    tpu.barrier barrier_id(%barrier3A)
    %scan3A = arith.constant 0 : i32
    %scan3A_5 = arith.constant 0 : i32
    %mul3A_6 = arith.constant 15 : i32
    %mul3A_7 = arith.muli %scan3A_5, %mul3A_6 : i32
    "tpu.region"() ({
      %run_scoped3A_25 = tpu.sem_alloc : memref<!tpu.dma_semaphore, #tpu.memory_space<semaphore_mem>>
      %dma_start3A = arith.constant 0 : i32
      %dma_start3A_26 = arith.constant 0 : i32
      %dma_start3A_27 = tpu.memref_slice %arg3[%add3A, %dma_start3A, %dma_start3A_26] : memref<32x15x128xi32, #tpu.memory_space<hbm>> -> memref<1x15x128xi32, #tpu.memory_space<hbm>>
      %dma_start3A_28 = tpu.memref_squeeze %dma_start3A_27 : memref<1x15x128xi32, #tpu.memory_space<hbm>> -> memref<15x128xi32, #tpu.memory_space<hbm>>
      %dma_start3A_29 = arith.constant 0 : i32
      %dma_start3A_30 = tpu.memref_slice %dma_start3A_28[%mul3A_7, %dma_start3A_29] : memref<15x128xi32, #tpu.memory_space<hbm>> -> memref<15x128xi32, #tpu.memory_space<hbm>>
      %dma_start3A_31 = arith.constant 0 : i32
      %dma_start3A_32 = arith.constant 0 : i32
      %dma_start3A_33 = tpu.memref_slice %arg3[%add3A, %dma_start3A_31, %dma_start3A_32] : memref<32x15x128xi32, #tpu.memory_space<hbm>> -> memref<1x15x128xi32, #tpu.memory_space<hbm>>
      %dma_start3A_34 = tpu.memref_squeeze %dma_start3A_33 : memref<1x15x128xi32, #tpu.memory_space<hbm>> -> memref<15x128xi32, #tpu.memory_space<hbm>>
      %dma_start3A_35 = arith.constant 0 : i32
      %dma_start3A_36 = tpu.memref_slice %dma_start3A_34[%mul3A_7, %dma_start3A_35] : memref<15x128xi32, #tpu.memory_space<hbm>> -> memref<15x128xi32, #tpu.memory_space<hbm>>
      tpu.enqueue_dma source(%dma_start3A_36 : memref<15x128xi32, #tpu.memory_space<hbm>>) target(%arg7 : memref<15x128xi32, #tpu.memory_space<vmem>>) target_semaphore(%run_scoped3A_25 : memref<!tpu.dma_semaphore, #tpu.memory_space<semaphore_mem>>)
      %dma_wait3A = arith.constant 0 : i32
      %dma_wait3A_37 = arith.constant 0 : i32
      %dma_wait3A_38 = tpu.memref_slice %arg3[%add3A, %dma_wait3A, %dma_wait3A_37] : memref<32x15x128xi32, #tpu.memory_space<hbm>> -> memref<1x15x128xi32, #tpu.memory_space<hbm>>
      %dma_wait3A_39 = tpu.memref_squeeze %dma_wait3A_38 : memref<1x15x128xi32, #tpu.memory_space<hbm>> -> memref<15x128xi32, #tpu.memory_space<hbm>>
      %dma_wait3A_40 = arith.constant 0 : i32
      %dma_wait3A_41 = tpu.memref_slice %dma_wait3A_39[%mul3A_7, %dma_wait3A_40] : memref<15x128xi32, #tpu.memory_space<hbm>> -> memref<15x128xi32, #tpu.memory_space<hbm>>
      %dma_wait3A_42 = arith.constant 0 : i32
      %dma_wait3A_43 = arith.constant 0 : i32
      %dma_wait3A_44 = tpu.memref_slice %arg3[%add3A, %dma_wait3A_42, %dma_wait3A_43] : memref<32x15x128xi32, #tpu.memory_space<hbm>> -> memref<1x15x128xi32, #tpu.memory_space<hbm>>
      %dma_wait3A_45 = tpu.memref_squeeze %dma_wait3A_44 : memref<1x15x128xi32, #tpu.memory_space<hbm>> -> memref<15x128xi32, #tpu.memory_space<hbm>>
      %dma_wait3A_46 = arith.constant 0 : i32
      %dma_wait3A_47 = tpu.memref_slice %dma_wait3A_45[%mul3A_7, %dma_wait3A_46] : memref<15x128xi32, #tpu.memory_space<hbm>> -> memref<15x128xi32, #tpu.memory_space<hbm>>
      tpu.wait_dma2 semaphore(%run_scoped3A_25 : memref<!tpu.dma_semaphore, #tpu.memory_space<semaphore_mem>>) src(%dma_wait3A_47 : memref<15x128xi32, #tpu.memory_space<hbm>>) dst(%arg7 : memref<15x128xi32, #tpu.memory_space<vmem>>)
      tpu.yield
    }) : () -> ()
    %mul3A_8 = arith.constant 15 : i32
    %mul3A_9 = arith.muli %scan3A_5, %mul3A_8 : i32
    "tpu.region"() ({
      %run_scoped3A_25 = tpu.sem_alloc : memref<!tpu.dma_semaphore, #tpu.memory_space<semaphore_mem>>
      %dma_start3A = arith.constant 0 : i32
      %dma_start3A_26 = arith.constant 0 : i32
      %dma_start3A_27 = tpu.memref_slice %arg4[%add3A, %dma_start3A, %dma_start3A_26] : memref<32x15x128xi32, #tpu.memory_space<hbm>> -> memref<1x15x128xi32, #tpu.memory_space<hbm>>
      %dma_start3A_28 = tpu.memref_squeeze %dma_start3A_27 : memref<1x15x128xi32, #tpu.memory_space<hbm>> -> memref<15x128xi32, #tpu.memory_space<hbm>>
      %dma_start3A_29 = arith.constant 0 : i32
      %dma_start3A_30 = tpu.memref_slice %dma_start3A_28[%mul3A_9, %dma_start3A_29] : memref<15x128xi32, #tpu.memory_space<hbm>> -> memref<15x128xi32, #tpu.memory_space<hbm>>
      %dma_start3A_31 = arith.constant 0 : i32
      %dma_start3A_32 = arith.constant 0 : i32
      %dma_start3A_33 = tpu.memref_slice %arg4[%add3A, %dma_start3A_31, %dma_start3A_32] : memref<32x15x128xi32, #tpu.memory_space<hbm>> -> memref<1x15x128xi32, #tpu.memory_space<hbm>>
      %dma_start3A_34 = tpu.memref_squeeze %dma_start3A_33 : memref<1x15x128xi32, #tpu.memory_space<hbm>> -> memref<15x128xi32, #tpu.memory_space<hbm>>
      %dma_start3A_35 = arith.constant 0 : i32
      %dma_start3A_36 = tpu.memref_slice %dma_start3A_34[%mul3A_9, %dma_start3A_35] : memref<15x128xi32, #tpu.memory_space<hbm>> -> memref<15x128xi32, #tpu.memory_space<hbm>>
      tpu.enqueue_dma source(%dma_start3A_36 : memref<15x128xi32, #tpu.memory_space<hbm>>) target(%arg8 : memref<15x128xi32, #tpu.memory_space<vmem>>) target_semaphore(%run_scoped3A_25 : memref<!tpu.dma_semaphore, #tpu.memory_space<semaphore_mem>>)
      %dma_wait3A = arith.constant 0 : i32
      %dma_wait3A_37 = arith.constant 0 : i32
      %dma_wait3A_38 = tpu.memref_slice %arg4[%add3A, %dma_wait3A, %dma_wait3A_37] : memref<32x15x128xi32, #tpu.memory_space<hbm>> -> memref<1x15x128xi32, #tpu.memory_space<hbm>>
      %dma_wait3A_39 = tpu.memref_squeeze %dma_wait3A_38 : memref<1x15x128xi32, #tpu.memory_space<hbm>> -> memref<15x128xi32, #tpu.memory_space<hbm>>
      %dma_wait3A_40 = arith.constant 0 : i32
      %dma_wait3A_41 = tpu.memref_slice %dma_wait3A_39[%mul3A_9, %dma_wait3A_40] : memref<15x128xi32, #tpu.memory_space<hbm>> -> memref<15x128xi32, #tpu.memory_space<hbm>>
      %dma_wait3A_42 = arith.constant 0 : i32
      %dma_wait3A_43 = arith.constant 0 : i32
      %dma_wait3A_44 = tpu.memref_slice %arg4[%add3A, %dma_wait3A_42, %dma_wait3A_43] : memref<32x15x128xi32, #tpu.memory_space<hbm>> -> memref<1x15x128xi32, #tpu.memory_space<hbm>>
      %dma_wait3A_45 = tpu.memref_squeeze %dma_wait3A_44 : memref<1x15x128xi32, #tpu.memory_space<hbm>> -> memref<15x128xi32, #tpu.memory_space<hbm>>
      %dma_wait3A_46 = arith.constant 0 : i32
      %dma_wait3A_47 = tpu.memref_slice %dma_wait3A_45[%mul3A_9, %dma_wait3A_46] : memref<15x128xi32, #tpu.memory_space<hbm>> -> memref<15x128xi32, #tpu.memory_space<hbm>>
      tpu.wait_dma2 semaphore(%run_scoped3A_25 : memref<!tpu.dma_semaphore, #tpu.memory_space<semaphore_mem>>) src(%dma_wait3A_47 : memref<15x128xi32, #tpu.memory_space<hbm>>) dst(%arg8 : memref<15x128xi32, #tpu.memory_space<vmem>>)
      tpu.yield
    }) : () -> ()
    %run_scoped3A = arith.constant 0 : i32
    %run_scoped3A_10 = arith.constant 0 : i32
    "tpu.region"() ({
      %run_scoped3A_25 = tpu.sem_alloc : memref<!tpu.dma_semaphore, #tpu.memory_space<semaphore_mem>>
      %dma_start3A = arith.constant 0 : i32
      %dma_start3A_26 = arith.constant 0 : i32
      %dma_start3A_27 = tpu.memref_slice %arg9[%run_scoped3A_10, %dma_start3A, %dma_start3A_26] : memref<2x128x80xf32, #tpu.memory_space<vmem>> -> memref<1x128x80xf32, #tpu.memory_space<vmem>>
      %dma_start3A_28 = tpu.memref_squeeze %dma_start3A_27 : memref<1x128x80xf32, #tpu.memory_space<vmem>> -> memref<128x80xf32, #tpu.memory_space<vmem>>
      %dma_start3A_29 = arith.constant 0 : i32
      %dma_start3A_30 = tpu.memref_slice %arg7[%run_scoped3A, %dma_start3A_29] : memref<15x128xi32, #tpu.memory_space<vmem>> -> memref<1x128xi32, #tpu.memory_space<vmem>>
      %dma_start3A_31 = tpu.memref_squeeze %dma_start3A_30 : memref<1x128xi32, #tpu.memory_space<vmem>> -> memref<128xi32, #tpu.memory_space<vmem>>
      %dma_start3A_32 = arith.constant 0 : i32
      %dma_start3A_33 = arith.constant 0 : i32
      %dma_start3A_34 = tpu.memref_slice %arg2[%dma_start3A_32, %dma_start3A_33] : memref<10000x80xf32, #tpu.memory_space<hbm>> -> memref<10000x80xf32, #tpu.memory_space<hbm>>
      tpu.enqueue_indirect_dma source(%dma_start3A_34 : memref<10000x80xf32, #tpu.memory_space<hbm>>) target(%dma_start3A_28 : memref<128x80xf32, #tpu.memory_space<vmem>>) offsets(%dma_start3A_31 : memref<128xi32, #tpu.memory_space<vmem>>) semaphore(%run_scoped3A_25 : memref<!tpu.dma_semaphore, #tpu.memory_space<semaphore_mem>>)
      %dma_wait3A = arith.constant 0 : i32
      %dma_wait3A_35 = arith.constant 0 : i32
      %dma_wait3A_36 = tpu.memref_slice %arg9[%run_scoped3A_10, %dma_wait3A, %dma_wait3A_35] : memref<2x128x80xf32, #tpu.memory_space<vmem>> -> memref<1x128x80xf32, #tpu.memory_space<vmem>>
      %dma_wait3A_37 = tpu.memref_squeeze %dma_wait3A_36 : memref<1x128x80xf32, #tpu.memory_space<vmem>> -> memref<128x80xf32, #tpu.memory_space<vmem>>
      %dma_wait3A_38 = arith.constant 0 : i32
      %dma_wait3A_39 = tpu.memref_slice %arg7[%run_scoped3A, %dma_wait3A_38] : memref<15x128xi32, #tpu.memory_space<vmem>> -> memref<1x128xi32, #tpu.memory_space<vmem>>
      %dma_wait3A_40 = tpu.memref_squeeze %dma_wait3A_39 : memref<1x128xi32, #tpu.memory_space<vmem>> -> memref<128xi32, #tpu.memory_space<vmem>>
      %dma_wait3A_41 = arith.constant 0 : i32
      %dma_wait3A_42 = arith.constant 0 : i32
      %dma_wait3A_43 = tpu.memref_slice %arg2[%dma_wait3A_41, %dma_wait3A_42] : memref<10000x80xf32, #tpu.memory_space<hbm>> -> memref<10000x80xf32, #tpu.memory_space<hbm>>
      tpu.wait_indirect_dma semaphore(%run_scoped3A_25 : memref<!tpu.dma_semaphore, #tpu.memory_space<semaphore_mem>>) src(%dma_wait3A_43 : memref<10000x80xf32, #tpu.memory_space<hbm>>) dst(%dma_wait3A_37 : memref<128x80xf32, #tpu.memory_space<vmem>>)
      tpu.yield
    }) : () -> ()
    %scan3A_11 = arith.constant 0 : i32
    %scan3A_12 = arith.constant 0 : i32
    %scan3A_13 = arith.constant 14 : i32
    %scan3A_14 = arith.addi %scan3A_12, %scan3A_13 : i32
    %scan3A_15 = arith.constant 1 : i32
    scf.for %scan3A_25 = %scan3A_12 to %scan3A_14 step %scan3A_15  : i32 {
      %rem3A = arith.constant 2 : i32
      %rem3A_26 = arith.remsi %scan3A_25, %rem3A : i32
      %add3A_27 = arith.constant 1 : i32
      %add3A_28 = arith.addi %scan3A_25, %add3A_27 : i32
      %sub3A = arith.constant 1 : i32
      %sub3A_29 = arith.subi %sub3A, %rem3A_26 : i32
      %sub3A_30 = arith.constant 1 : i32
      %sub3A_31 = arith.subi %sub3A_30, %rem3A_26 : i32
      %dma_start3A = arith.constant 0 : i32
      %dma_start3A_32 = arith.constant 0 : i32
      %dma_start3A_33 = tpu.memref_slice %arg9[%sub3A_29, %dma_start3A, %dma_start3A_32] : memref<2x128x80xf32, #tpu.memory_space<vmem>> -> memref<1x128x80xf32, #tpu.memory_space<vmem>>
      %dma_start3A_34 = tpu.memref_squeeze %dma_start3A_33 : memref<1x128x80xf32, #tpu.memory_space<vmem>> -> memref<128x80xf32, #tpu.memory_space<vmem>>
      %dma_start3A_35 = arith.constant 0 : i32
      %dma_start3A_36 = tpu.memref_slice %arg7[%add3A_28, %dma_start3A_35] : memref<15x128xi32, #tpu.memory_space<vmem>> -> memref<1x128xi32, #tpu.memory_space<vmem>>
      %dma_start3A_37 = tpu.memref_squeeze %dma_start3A_36 : memref<1x128xi32, #tpu.memory_space<vmem>> -> memref<128xi32, #tpu.memory_space<vmem>>
      %dma_start3A_38 = arith.constant 0 : i32
      %dma_start3A_39 = arith.constant 0 : i32
      %dma_start3A_40 = tpu.memref_slice %arg2[%dma_start3A_38, %dma_start3A_39] : memref<10000x80xf32, #tpu.memory_space<hbm>> -> memref<10000x80xf32, #tpu.memory_space<hbm>>
      %dma_start3A_41 = tpu.memref_slice %arg11[%sub3A_31] : memref<2x!tpu.dma_semaphore, #tpu.memory_space<semaphore_mem>> -> memref<1x!tpu.dma_semaphore, #tpu.memory_space<semaphore_mem>>
      %dma_start3A_42 = tpu.memref_squeeze %dma_start3A_41 : memref<1x!tpu.dma_semaphore, #tpu.memory_space<semaphore_mem>> -> memref<!tpu.dma_semaphore, #tpu.memory_space<semaphore_mem>>
      tpu.enqueue_indirect_dma source(%dma_start3A_40 : memref<10000x80xf32, #tpu.memory_space<hbm>>) target(%dma_start3A_34 : memref<128x80xf32, #tpu.memory_space<vmem>>) offsets(%dma_start3A_37 : memref<128xi32, #tpu.memory_space<vmem>>) semaphore(%dma_start3A_42 : memref<!tpu.dma_semaphore, #tpu.memory_space<semaphore_mem>>)
      "tpu.region"() ({
        %run_scoped3A_54 = tpu.sem_alloc : memref<!tpu.dma_semaphore, #tpu.memory_space<semaphore_mem>>
        %dma_start3A_55 = arith.constant 0 : i32
        %dma_start3A_56 = arith.constant 0 : i32
        %dma_start3A_57 = tpu.memref_slice %arg9[%rem3A_26, %dma_start3A_55, %dma_start3A_56] : memref<2x128x80xf32, #tpu.memory_space<vmem>> -> memref<1x128x80xf32, #tpu.memory_space<vmem>>
        %dma_start3A_58 = tpu.memref_squeeze %dma_start3A_57 : memref<1x128x80xf32, #tpu.memory_space<vmem>> -> memref<128x80xf32, #tpu.memory_space<vmem>>
        %dma_start3A_59 = arith.constant 0 : i32
        %dma_start3A_60 = tpu.memref_slice %arg8[%scan3A_25, %dma_start3A_59] : memref<15x128xi32, #tpu.memory_space<vmem>> -> memref<1x128xi32, #tpu.memory_space<vmem>>
        %dma_start3A_61 = tpu.memref_squeeze %dma_start3A_60 : memref<1x128xi32, #tpu.memory_space<vmem>> -> memref<128xi32, #tpu.memory_space<vmem>>
        %dma_start3A_62 = arith.constant 0 : i32
        %dma_start3A_63 = arith.constant 0 : i32
        %dma_start3A_64 = tpu.memref_slice %arg10[%dma_start3A_62, %dma_start3A_63] : memref<20096x80xf32, #tpu.memory_space<vmem_shared>> -> memref<20096x80xf32, #tpu.memory_space<vmem_shared>>
        tpu.enqueue_indirect_dma source(%dma_start3A_58 : memref<128x80xf32, #tpu.memory_space<vmem>>) target(%dma_start3A_64 : memref<20096x80xf32, #tpu.memory_space<vmem_shared>>) offsets(%dma_start3A_61 : memref<128xi32, #tpu.memory_space<vmem>>) semaphore(%run_scoped3A_54 : memref<!tpu.dma_semaphore, #tpu.memory_space<semaphore_mem>>) {add = true}
        %dma_wait3A_65 = arith.constant 0 : i32
        %dma_wait3A_66 = arith.constant 0 : i32
        %dma_wait3A_67 = tpu.memref_slice %arg9[%rem3A_26, %dma_wait3A_65, %dma_wait3A_66] : memref<2x128x80xf32, #tpu.memory_space<vmem>> -> memref<1x128x80xf32, #tpu.memory_space<vmem>>
        %dma_wait3A_68 = tpu.memref_squeeze %dma_wait3A_67 : memref<1x128x80xf32, #tpu.memory_space<vmem>> -> memref<128x80xf32, #tpu.memory_space<vmem>>
        %dma_wait3A_69 = arith.constant 0 : i32
        %dma_wait3A_70 = tpu.memref_slice %arg8[%scan3A_25, %dma_wait3A_69] : memref<15x128xi32, #tpu.memory_space<vmem>> -> memref<1x128xi32, #tpu.memory_space<vmem>>
        %dma_wait3A_71 = tpu.memref_squeeze %dma_wait3A_70 : memref<1x128xi32, #tpu.memory_space<vmem>> -> memref<128xi32, #tpu.memory_space<vmem>>
        %dma_wait3A_72 = arith.constant 0 : i32
        %dma_wait3A_73 = arith.constant 0 : i32
        %dma_wait3A_74 = tpu.memref_slice %arg10[%dma_wait3A_72, %dma_wait3A_73] : memref<20096x80xf32, #tpu.memory_space<vmem_shared>> -> memref<20096x80xf32, #tpu.memory_space<vmem_shared>>
        tpu.wait_indirect_dma semaphore(%run_scoped3A_54 : memref<!tpu.dma_semaphore, #tpu.memory_space<semaphore_mem>>) src(%dma_wait3A_68 : memref<128x80xf32, #tpu.memory_space<vmem>>) dst(%dma_wait3A_74 : memref<20096x80xf32, #tpu.memory_space<vmem_shared>>)
        tpu.yield
      }) : () -> ()
      %dma_wait3A = arith.constant 0 : i32
      %dma_wait3A_43 = arith.constant 0 : i32
      %dma_wait3A_44 = tpu.memref_slice %arg9[%sub3A_29, %dma_wait3A, %dma_wait3A_43] : memref<2x128x80xf32, #tpu.memory_space<vmem>> -> memref<1x128x80xf32, #tpu.memory_space<vmem>>
      %dma_wait3A_45 = tpu.memref_squeeze %dma_wait3A_44 : memref<1x128x80xf32, #tpu.memory_space<vmem>> -> memref<128x80xf32, #tpu.memory_space<vmem>>
      %dma_wait3A_46 = arith.constant 0 : i32
      %dma_wait3A_47 = tpu.memref_slice %arg7[%add3A_28, %dma_wait3A_46] : memref<15x128xi32, #tpu.memory_space<vmem>> -> memref<1x128xi32, #tpu.memory_space<vmem>>
      %dma_wait3A_48 = tpu.memref_squeeze %dma_wait3A_47 : memref<1x128xi32, #tpu.memory_space<vmem>> -> memref<128xi32, #tpu.memory_space<vmem>>
      %dma_wait3A_49 = arith.constant 0 : i32
      %dma_wait3A_50 = arith.constant 0 : i32
      %dma_wait3A_51 = tpu.memref_slice %arg2[%dma_wait3A_49, %dma_wait3A_50] : memref<10000x80xf32, #tpu.memory_space<hbm>> -> memref<10000x80xf32, #tpu.memory_space<hbm>>
      %dma_wait3A_52 = tpu.memref_slice %arg11[%sub3A_31] : memref<2x!tpu.dma_semaphore, #tpu.memory_space<semaphore_mem>> -> memref<1x!tpu.dma_semaphore, #tpu.memory_space<semaphore_mem>>
      %dma_wait3A_53 = tpu.memref_squeeze %dma_wait3A_52 : memref<1x!tpu.dma_semaphore, #tpu.memory_space<semaphore_mem>> -> memref<!tpu.dma_semaphore, #tpu.memory_space<semaphore_mem>>
      tpu.wait_indirect_dma semaphore(%dma_wait3A_53 : memref<!tpu.dma_semaphore, #tpu.memory_space<semaphore_mem>>) src(%dma_wait3A_51 : memref<10000x80xf32, #tpu.memory_space<hbm>>) dst(%dma_wait3A_45 : memref<128x80xf32, #tpu.memory_space<vmem>>)
    }
    %scan3A_16 = arith.constant 14 : i32
    %run_scoped3A_17 = arith.constant 0 : i32
    %run_scoped3A_18 = arith.constant 14 : i32
    "tpu.region"() ({
      %run_scoped3A_25 = tpu.sem_alloc : memref<!tpu.dma_semaphore, #tpu.memory_space<semaphore_mem>>
      %dma_start3A = arith.constant 0 : i32
      %dma_start3A_26 = arith.constant 0 : i32
      %dma_start3A_27 = tpu.memref_slice %arg9[%run_scoped3A_17, %dma_start3A, %dma_start3A_26] : memref<2x128x80xf32, #tpu.memory_space<vmem>> -> memref<1x128x80xf32, #tpu.memory_space<vmem>>
      %dma_start3A_28 = tpu.memref_squeeze %dma_start3A_27 : memref<1x128x80xf32, #tpu.memory_space<vmem>> -> memref<128x80xf32, #tpu.memory_space<vmem>>
      %dma_start3A_29 = arith.constant 0 : i32
      %dma_start3A_30 = tpu.memref_slice %arg8[%run_scoped3A_18, %dma_start3A_29] : memref<15x128xi32, #tpu.memory_space<vmem>> -> memref<1x128xi32, #tpu.memory_space<vmem>>
      %dma_start3A_31 = tpu.memref_squeeze %dma_start3A_30 : memref<1x128xi32, #tpu.memory_space<vmem>> -> memref<128xi32, #tpu.memory_space<vmem>>
      %dma_start3A_32 = arith.constant 0 : i32
      %dma_start3A_33 = arith.constant 0 : i32
      %dma_start3A_34 = tpu.memref_slice %arg10[%dma_start3A_32, %dma_start3A_33] : memref<20096x80xf32, #tpu.memory_space<vmem_shared>> -> memref<20096x80xf32, #tpu.memory_space<vmem_shared>>
      tpu.enqueue_indirect_dma source(%dma_start3A_28 : memref<128x80xf32, #tpu.memory_space<vmem>>) target(%dma_start3A_34 : memref<20096x80xf32, #tpu.memory_space<vmem_shared>>) offsets(%dma_start3A_31 : memref<128xi32, #tpu.memory_space<vmem>>) semaphore(%run_scoped3A_25 : memref<!tpu.dma_semaphore, #tpu.memory_space<semaphore_mem>>) {add = true}
      %dma_wait3A = arith.constant 0 : i32
      %dma_wait3A_35 = arith.constant 0 : i32
      %dma_wait3A_36 = tpu.memref_slice %arg9[%run_scoped3A_17, %dma_wait3A, %dma_wait3A_35] : memref<2x128x80xf32, #tpu.memory_space<vmem>> -> memref<1x128x80xf32, #tpu.memory_space<vmem>>
      %dma_wait3A_37 = tpu.memref_squeeze %dma_wait3A_36 : memref<1x128x80xf32, #tpu.memory_space<vmem>> -> memref<128x80xf32, #tpu.memory_space<vmem>>
      %dma_wait3A_38 = arith.constant 0 : i32
      %dma_wait3A_39 = tpu.memref_slice %arg8[%run_scoped3A_18, %dma_wait3A_38] : memref<15x128xi32, #tpu.memory_space<vmem>> -> memref<1x128xi32, #tpu.memory_space<vmem>>
      %dma_wait3A_40 = tpu.memref_squeeze %dma_wait3A_39 : memref<1x128xi32, #tpu.memory_space<vmem>> -> memref<128xi32, #tpu.memory_space<vmem>>
      %dma_wait3A_41 = arith.constant 0 : i32
      %dma_wait3A_42 = arith.constant 0 : i32
      %dma_wait3A_43 = tpu.memref_slice %arg10[%dma_wait3A_41, %dma_wait3A_42] : memref<20096x80xf32, #tpu.memory_space<vmem_shared>> -> memref<20096x80xf32, #tpu.memory_space<vmem_shared>>
      tpu.wait_indirect_dma semaphore(%run_scoped3A_25 : memref<!tpu.dma_semaphore, #tpu.memory_space<semaphore_mem>>) src(%dma_wait3A_37 : memref<128x80xf32, #tpu.memory_space<vmem>>) dst(%dma_wait3A_43 : memref<20096x80xf32, #tpu.memory_space<vmem_shared>>)
      tpu.yield
    }) : () -> ()
    %scan3A_19 = arith.constant 1 : i32
    %barrier3A_20 = arith.constant 0 : index
    tpu.barrier barrier_id(%barrier3A_20)
    %mul3A_21 = arith.constant 1256 : i32
    %mul3A_22 = arith.muli %arg1, %mul3A_21 : i32
    %mul3A_23 = arith.constant 1256 : i32
    %mul3A_24 = arith.muli %arg1, %mul3A_23 : i32
    "tpu.region"() ({
      %run_scoped3A_25 = tpu.sem_alloc : memref<!tpu.dma_semaphore, #tpu.memory_space<semaphore_mem>>
      %dma_start3A = arith.constant 0 : i32
      %dma_start3A_26 = arith.constant 0 : i32
      %dma_start3A_27 = tpu.memref_slice %arg6[%arg0, %dma_start3A, %dma_start3A_26] : memref<2x20096x80xf32, #tpu.memory_space<hbm>> -> memref<1x20096x80xf32, #tpu.memory_space<hbm>>
      %dma_start3A_28 = tpu.memref_squeeze %dma_start3A_27 : memref<1x20096x80xf32, #tpu.memory_space<hbm>> -> memref<20096x80xf32, #tpu.memory_space<hbm>>
      %dma_start3A_29 = arith.constant 0 : i32
      %dma_start3A_30 = tpu.memref_slice %dma_start3A_28[%mul3A_24, %dma_start3A_29] : memref<20096x80xf32, #tpu.memory_space<hbm>> -> memref<1256x80xf32, #tpu.memory_space<hbm>>
      %dma_start3A_31 = arith.constant 0 : i32
      %dma_start3A_32 = tpu.memref_slice %arg10[%mul3A_22, %dma_start3A_31] : memref<20096x80xf32, #tpu.memory_space<vmem_shared>> -> memref<1256x80xf32, #tpu.memory_space<vmem_shared>>
      tpu.enqueue_dma source(%dma_start3A_32 : memref<1256x80xf32, #tpu.memory_space<vmem_shared>>) target(%dma_start3A_30 : memref<1256x80xf32, #tpu.memory_space<hbm>>) target_semaphore(%run_scoped3A_25 : memref<!tpu.dma_semaphore, #tpu.memory_space<semaphore_mem>>)
      %dma_wait3A = arith.constant 0 : i32
      %dma_wait3A_33 = arith.constant 0 : i32
      %dma_wait3A_34 = tpu.memref_slice %arg6[%arg0, %dma_wait3A, %dma_wait3A_33] : memref<2x20096x80xf32, #tpu.memory_space<hbm>> -> memref<1x20096x80xf32, #tpu.memory_space<hbm>>
      %dma_wait3A_35 = tpu.memref_squeeze %dma_wait3A_34 : memref<1x20096x80xf32, #tpu.memory_space<hbm>> -> memref<20096x80xf32, #tpu.memory_space<hbm>>
      %dma_wait3A_36 = arith.constant 0 : i32
      %dma_wait3A_37 = tpu.memref_slice %dma_wait3A_35[%mul3A_24, %dma_wait3A_36] : memref<20096x80xf32, #tpu.memory_space<hbm>> -> memref<1256x80xf32, #tpu.memory_space<hbm>>
      %dma_wait3A_38 = arith.constant 0 : i32
      %dma_wait3A_39 = tpu.memref_slice %arg10[%mul3A_22, %dma_wait3A_38] : memref<20096x80xf32, #tpu.memory_space<vmem_shared>> -> memref<1256x80xf32, #tpu.memory_space<vmem_shared>>
      tpu.wait_dma2 semaphore(%run_scoped3A_25 : memref<!tpu.dma_semaphore, #tpu.memory_space<semaphore_mem>>) src(%dma_wait3A_39 : memref<1256x80xf32, #tpu.memory_space<vmem_shared>>) dst(%dma_wait3A_37 : memref<1256x80xf32, #tpu.memory_space<hbm>>)
      tpu.yield
    }) : () -> ()
    return
  }
}

#map = affine_map<(d0, d1) -> (0, 0)>
#map1 = affine_map<(d0, d1) -> (0, 0, 0)>
module attributes {stable_mosaic.version = 14 : i64} {
  func.func @seg_sum(%arg0: i32, %arg1: i32, %arg2: memref<10000x64xf32, #tpu.memory_space<hbm>>, %arg3: memref<32x79x128xi32, #tpu.memory_space<hbm>>, %arg4: memref<32x79x128xi32, #tpu.memory_space<hbm>>, %arg5: memref<10112x64xf32, #tpu.memory_space<hbm>>, %arg6: memref<2x10112x64xf32, #tpu.memory_space<hbm>>, %arg7: memref<79x128xi32, #tpu.memory_space<vmem>>, %arg8: memref<79x128xi32, #tpu.memory_space<vmem>>, %arg9: memref<2x128x64xf32, #tpu.memory_space<vmem>>, %arg10: memref<10112x64xf32, #tpu.memory_space<vmem_shared>>, %arg11: memref<2x!tpu.dma_semaphore, #tpu.memory_space<semaphore_mem>>) attributes {dimension_semantics = [#tpu.dimension_semantics<core_parallel>, #tpu.dimension_semantics<subcore_parallel>], iteration_bounds = array<i64: 2, 16>, scalar_prefetch = 0 : i64, scratch_operands = 5 : i64, tpu.core_type = #tpu.core_type<sc_vector_subcore>, window_params = [{transform_indices = #map}, {transform_indices = #map1}, {transform_indices = #map1}, {transform_indices = #map}, {transform_indices = #map1}]} {
    %mul3A = arith.constant 2 : i32
    %mul3A_0 = arith.muli %arg1, %mul3A : i32
    %add3A = arith.addi %mul3A_0, %arg0 : i32
    %mul3A_1 = arith.constant 632 : i32
    %mul3A_2 = arith.muli %arg1, %mul3A_1 : i32
    %mul3A_3 = arith.constant 632 : i32
    %mul3A_4 = arith.muli %arg1, %mul3A_3 : i32
    "tpu.region"() ({
      %run_scoped3A_25 = tpu.sem_alloc : memref<!tpu.dma_semaphore, #tpu.memory_space<semaphore_mem>>
      %dma_start3A = arith.constant 0 : i32
      %dma_start3A_26 = tpu.memref_slice %arg10[%mul3A_4, %dma_start3A] : memref<10112x64xf32, #tpu.memory_space<vmem_shared>> -> memref<632x64xf32, #tpu.memory_space<vmem_shared>>
      %dma_start3A_27 = arith.constant 0 : i32
      %dma_start3A_28 = tpu.memref_slice %arg5[%mul3A_2, %dma_start3A_27] : memref<10112x64xf32, #tpu.memory_space<hbm>> -> memref<632x64xf32, #tpu.memory_space<hbm>>
      tpu.enqueue_dma source(%dma_start3A_28 : memref<632x64xf32, #tpu.memory_space<hbm>>) target(%dma_start3A_26 : memref<632x64xf32, #tpu.memory_space<vmem_shared>>) target_semaphore(%run_scoped3A_25 : memref<!tpu.dma_semaphore, #tpu.memory_space<semaphore_mem>>)
      %dma_wait3A = arith.constant 0 : i32
      %dma_wait3A_29 = tpu.memref_slice %arg10[%mul3A_4, %dma_wait3A] : memref<10112x64xf32, #tpu.memory_space<vmem_shared>> -> memref<632x64xf32, #tpu.memory_space<vmem_shared>>
      %dma_wait3A_30 = arith.constant 0 : i32
      %dma_wait3A_31 = tpu.memref_slice %arg5[%mul3A_2, %dma_wait3A_30] : memref<10112x64xf32, #tpu.memory_space<hbm>> -> memref<632x64xf32, #tpu.memory_space<hbm>>
      tpu.wait_dma2 semaphore(%run_scoped3A_25 : memref<!tpu.dma_semaphore, #tpu.memory_space<semaphore_mem>>) src(%dma_wait3A_31 : memref<632x64xf32, #tpu.memory_space<hbm>>) dst(%dma_wait3A_29 : memref<632x64xf32, #tpu.memory_space<vmem_shared>>)
      tpu.yield
    }) : () -> ()
    %barrier3A = arith.constant 0 : index
    tpu.barrier barrier_id(%barrier3A)
    %scan3A = arith.constant 0 : i32
    %scan3A_5 = arith.constant 0 : i32
    %mul3A_6 = arith.constant 79 : i32
    %mul3A_7 = arith.muli %scan3A_5, %mul3A_6 : i32
    "tpu.region"() ({
      %run_scoped3A_25 = tpu.sem_alloc : memref<!tpu.dma_semaphore, #tpu.memory_space<semaphore_mem>>
      %dma_start3A = arith.constant 0 : i32
      %dma_start3A_26 = arith.constant 0 : i32
      %dma_start3A_27 = tpu.memref_slice %arg3[%add3A, %dma_start3A, %dma_start3A_26] : memref<32x79x128xi32, #tpu.memory_space<hbm>> -> memref<1x79x128xi32, #tpu.memory_space<hbm>>
      %dma_start3A_28 = tpu.memref_squeeze %dma_start3A_27 : memref<1x79x128xi32, #tpu.memory_space<hbm>> -> memref<79x128xi32, #tpu.memory_space<hbm>>
      %dma_start3A_29 = arith.constant 0 : i32
      %dma_start3A_30 = tpu.memref_slice %dma_start3A_28[%mul3A_7, %dma_start3A_29] : memref<79x128xi32, #tpu.memory_space<hbm>> -> memref<79x128xi32, #tpu.memory_space<hbm>>
      %dma_start3A_31 = arith.constant 0 : i32
      %dma_start3A_32 = arith.constant 0 : i32
      %dma_start3A_33 = tpu.memref_slice %arg3[%add3A, %dma_start3A_31, %dma_start3A_32] : memref<32x79x128xi32, #tpu.memory_space<hbm>> -> memref<1x79x128xi32, #tpu.memory_space<hbm>>
      %dma_start3A_34 = tpu.memref_squeeze %dma_start3A_33 : memref<1x79x128xi32, #tpu.memory_space<hbm>> -> memref<79x128xi32, #tpu.memory_space<hbm>>
      %dma_start3A_35 = arith.constant 0 : i32
      %dma_start3A_36 = tpu.memref_slice %dma_start3A_34[%mul3A_7, %dma_start3A_35] : memref<79x128xi32, #tpu.memory_space<hbm>> -> memref<79x128xi32, #tpu.memory_space<hbm>>
      tpu.enqueue_dma source(%dma_start3A_36 : memref<79x128xi32, #tpu.memory_space<hbm>>) target(%arg7 : memref<79x128xi32, #tpu.memory_space<vmem>>) target_semaphore(%run_scoped3A_25 : memref<!tpu.dma_semaphore, #tpu.memory_space<semaphore_mem>>)
      %dma_wait3A = arith.constant 0 : i32
      %dma_wait3A_37 = arith.constant 0 : i32
      %dma_wait3A_38 = tpu.memref_slice %arg3[%add3A, %dma_wait3A, %dma_wait3A_37] : memref<32x79x128xi32, #tpu.memory_space<hbm>> -> memref<1x79x128xi32, #tpu.memory_space<hbm>>
      %dma_wait3A_39 = tpu.memref_squeeze %dma_wait3A_38 : memref<1x79x128xi32, #tpu.memory_space<hbm>> -> memref<79x128xi32, #tpu.memory_space<hbm>>
      %dma_wait3A_40 = arith.constant 0 : i32
      %dma_wait3A_41 = tpu.memref_slice %dma_wait3A_39[%mul3A_7, %dma_wait3A_40] : memref<79x128xi32, #tpu.memory_space<hbm>> -> memref<79x128xi32, #tpu.memory_space<hbm>>
      %dma_wait3A_42 = arith.constant 0 : i32
      %dma_wait3A_43 = arith.constant 0 : i32
      %dma_wait3A_44 = tpu.memref_slice %arg3[%add3A, %dma_wait3A_42, %dma_wait3A_43] : memref<32x79x128xi32, #tpu.memory_space<hbm>> -> memref<1x79x128xi32, #tpu.memory_space<hbm>>
      %dma_wait3A_45 = tpu.memref_squeeze %dma_wait3A_44 : memref<1x79x128xi32, #tpu.memory_space<hbm>> -> memref<79x128xi32, #tpu.memory_space<hbm>>
      %dma_wait3A_46 = arith.constant 0 : i32
      %dma_wait3A_47 = tpu.memref_slice %dma_wait3A_45[%mul3A_7, %dma_wait3A_46] : memref<79x128xi32, #tpu.memory_space<hbm>> -> memref<79x128xi32, #tpu.memory_space<hbm>>
      tpu.wait_dma2 semaphore(%run_scoped3A_25 : memref<!tpu.dma_semaphore, #tpu.memory_space<semaphore_mem>>) src(%dma_wait3A_47 : memref<79x128xi32, #tpu.memory_space<hbm>>) dst(%arg7 : memref<79x128xi32, #tpu.memory_space<vmem>>)
      tpu.yield
    }) : () -> ()
    %mul3A_8 = arith.constant 79 : i32
    %mul3A_9 = arith.muli %scan3A_5, %mul3A_8 : i32
    "tpu.region"() ({
      %run_scoped3A_25 = tpu.sem_alloc : memref<!tpu.dma_semaphore, #tpu.memory_space<semaphore_mem>>
      %dma_start3A = arith.constant 0 : i32
      %dma_start3A_26 = arith.constant 0 : i32
      %dma_start3A_27 = tpu.memref_slice %arg4[%add3A, %dma_start3A, %dma_start3A_26] : memref<32x79x128xi32, #tpu.memory_space<hbm>> -> memref<1x79x128xi32, #tpu.memory_space<hbm>>
      %dma_start3A_28 = tpu.memref_squeeze %dma_start3A_27 : memref<1x79x128xi32, #tpu.memory_space<hbm>> -> memref<79x128xi32, #tpu.memory_space<hbm>>
      %dma_start3A_29 = arith.constant 0 : i32
      %dma_start3A_30 = tpu.memref_slice %dma_start3A_28[%mul3A_9, %dma_start3A_29] : memref<79x128xi32, #tpu.memory_space<hbm>> -> memref<79x128xi32, #tpu.memory_space<hbm>>
      %dma_start3A_31 = arith.constant 0 : i32
      %dma_start3A_32 = arith.constant 0 : i32
      %dma_start3A_33 = tpu.memref_slice %arg4[%add3A, %dma_start3A_31, %dma_start3A_32] : memref<32x79x128xi32, #tpu.memory_space<hbm>> -> memref<1x79x128xi32, #tpu.memory_space<hbm>>
      %dma_start3A_34 = tpu.memref_squeeze %dma_start3A_33 : memref<1x79x128xi32, #tpu.memory_space<hbm>> -> memref<79x128xi32, #tpu.memory_space<hbm>>
      %dma_start3A_35 = arith.constant 0 : i32
      %dma_start3A_36 = tpu.memref_slice %dma_start3A_34[%mul3A_9, %dma_start3A_35] : memref<79x128xi32, #tpu.memory_space<hbm>> -> memref<79x128xi32, #tpu.memory_space<hbm>>
      tpu.enqueue_dma source(%dma_start3A_36 : memref<79x128xi32, #tpu.memory_space<hbm>>) target(%arg8 : memref<79x128xi32, #tpu.memory_space<vmem>>) target_semaphore(%run_scoped3A_25 : memref<!tpu.dma_semaphore, #tpu.memory_space<semaphore_mem>>)
      %dma_wait3A = arith.constant 0 : i32
      %dma_wait3A_37 = arith.constant 0 : i32
      %dma_wait3A_38 = tpu.memref_slice %arg4[%add3A, %dma_wait3A, %dma_wait3A_37] : memref<32x79x128xi32, #tpu.memory_space<hbm>> -> memref<1x79x128xi32, #tpu.memory_space<hbm>>
      %dma_wait3A_39 = tpu.memref_squeeze %dma_wait3A_38 : memref<1x79x128xi32, #tpu.memory_space<hbm>> -> memref<79x128xi32, #tpu.memory_space<hbm>>
      %dma_wait3A_40 = arith.constant 0 : i32
      %dma_wait3A_41 = tpu.memref_slice %dma_wait3A_39[%mul3A_9, %dma_wait3A_40] : memref<79x128xi32, #tpu.memory_space<hbm>> -> memref<79x128xi32, #tpu.memory_space<hbm>>
      %dma_wait3A_42 = arith.constant 0 : i32
      %dma_wait3A_43 = arith.constant 0 : i32
      %dma_wait3A_44 = tpu.memref_slice %arg4[%add3A, %dma_wait3A_42, %dma_wait3A_43] : memref<32x79x128xi32, #tpu.memory_space<hbm>> -> memref<1x79x128xi32, #tpu.memory_space<hbm>>
      %dma_wait3A_45 = tpu.memref_squeeze %dma_wait3A_44 : memref<1x79x128xi32, #tpu.memory_space<hbm>> -> memref<79x128xi32, #tpu.memory_space<hbm>>
      %dma_wait3A_46 = arith.constant 0 : i32
      %dma_wait3A_47 = tpu.memref_slice %dma_wait3A_45[%mul3A_9, %dma_wait3A_46] : memref<79x128xi32, #tpu.memory_space<hbm>> -> memref<79x128xi32, #tpu.memory_space<hbm>>
      tpu.wait_dma2 semaphore(%run_scoped3A_25 : memref<!tpu.dma_semaphore, #tpu.memory_space<semaphore_mem>>) src(%dma_wait3A_47 : memref<79x128xi32, #tpu.memory_space<hbm>>) dst(%arg8 : memref<79x128xi32, #tpu.memory_space<vmem>>)
      tpu.yield
    }) : () -> ()
    %run_scoped3A = arith.constant 0 : i32
    %run_scoped3A_10 = arith.constant 0 : i32
    "tpu.region"() ({
      %run_scoped3A_25 = tpu.sem_alloc : memref<!tpu.dma_semaphore, #tpu.memory_space<semaphore_mem>>
      %dma_start3A = arith.constant 0 : i32
      %dma_start3A_26 = arith.constant 0 : i32
      %dma_start3A_27 = tpu.memref_slice %arg9[%run_scoped3A_10, %dma_start3A, %dma_start3A_26] : memref<2x128x64xf32, #tpu.memory_space<vmem>> -> memref<1x128x64xf32, #tpu.memory_space<vmem>>
      %dma_start3A_28 = tpu.memref_squeeze %dma_start3A_27 : memref<1x128x64xf32, #tpu.memory_space<vmem>> -> memref<128x64xf32, #tpu.memory_space<vmem>>
      %dma_start3A_29 = arith.constant 0 : i32
      %dma_start3A_30 = tpu.memref_slice %arg7[%run_scoped3A, %dma_start3A_29] : memref<79x128xi32, #tpu.memory_space<vmem>> -> memref<1x128xi32, #tpu.memory_space<vmem>>
      %dma_start3A_31 = tpu.memref_squeeze %dma_start3A_30 : memref<1x128xi32, #tpu.memory_space<vmem>> -> memref<128xi32, #tpu.memory_space<vmem>>
      %dma_start3A_32 = arith.constant 0 : i32
      %dma_start3A_33 = arith.constant 0 : i32
      %dma_start3A_34 = tpu.memref_slice %arg2[%dma_start3A_32, %dma_start3A_33] : memref<10000x64xf32, #tpu.memory_space<hbm>> -> memref<10000x64xf32, #tpu.memory_space<hbm>>
      tpu.enqueue_indirect_dma source(%dma_start3A_34 : memref<10000x64xf32, #tpu.memory_space<hbm>>) target(%dma_start3A_28 : memref<128x64xf32, #tpu.memory_space<vmem>>) offsets(%dma_start3A_31 : memref<128xi32, #tpu.memory_space<vmem>>) semaphore(%run_scoped3A_25 : memref<!tpu.dma_semaphore, #tpu.memory_space<semaphore_mem>>)
      %dma_wait3A = arith.constant 0 : i32
      %dma_wait3A_35 = arith.constant 0 : i32
      %dma_wait3A_36 = tpu.memref_slice %arg9[%run_scoped3A_10, %dma_wait3A, %dma_wait3A_35] : memref<2x128x64xf32, #tpu.memory_space<vmem>> -> memref<1x128x64xf32, #tpu.memory_space<vmem>>
      %dma_wait3A_37 = tpu.memref_squeeze %dma_wait3A_36 : memref<1x128x64xf32, #tpu.memory_space<vmem>> -> memref<128x64xf32, #tpu.memory_space<vmem>>
      %dma_wait3A_38 = arith.constant 0 : i32
      %dma_wait3A_39 = tpu.memref_slice %arg7[%run_scoped3A, %dma_wait3A_38] : memref<79x128xi32, #tpu.memory_space<vmem>> -> memref<1x128xi32, #tpu.memory_space<vmem>>
      %dma_wait3A_40 = tpu.memref_squeeze %dma_wait3A_39 : memref<1x128xi32, #tpu.memory_space<vmem>> -> memref<128xi32, #tpu.memory_space<vmem>>
      %dma_wait3A_41 = arith.constant 0 : i32
      %dma_wait3A_42 = arith.constant 0 : i32
      %dma_wait3A_43 = tpu.memref_slice %arg2[%dma_wait3A_41, %dma_wait3A_42] : memref<10000x64xf32, #tpu.memory_space<hbm>> -> memref<10000x64xf32, #tpu.memory_space<hbm>>
      tpu.wait_indirect_dma semaphore(%run_scoped3A_25 : memref<!tpu.dma_semaphore, #tpu.memory_space<semaphore_mem>>) src(%dma_wait3A_43 : memref<10000x64xf32, #tpu.memory_space<hbm>>) dst(%dma_wait3A_37 : memref<128x64xf32, #tpu.memory_space<vmem>>)
      tpu.yield
    }) : () -> ()
    %scan3A_11 = arith.constant 0 : i32
    %scan3A_12 = arith.constant 0 : i32
    %scan3A_13 = arith.constant 78 : i32
    %scan3A_14 = arith.addi %scan3A_12, %scan3A_13 : i32
    %scan3A_15 = arith.constant 1 : i32
    scf.for %scan3A_25 = %scan3A_12 to %scan3A_14 step %scan3A_15  : i32 {
      %rem3A = arith.constant 2 : i32
      %rem3A_26 = arith.remsi %scan3A_25, %rem3A : i32
      %add3A_27 = arith.constant 1 : i32
      %add3A_28 = arith.addi %scan3A_25, %add3A_27 : i32
      %sub3A = arith.constant 1 : i32
      %sub3A_29 = arith.subi %sub3A, %rem3A_26 : i32
      %sub3A_30 = arith.constant 1 : i32
      %sub3A_31 = arith.subi %sub3A_30, %rem3A_26 : i32
      %dma_start3A = arith.constant 0 : i32
      %dma_start3A_32 = arith.constant 0 : i32
      %dma_start3A_33 = tpu.memref_slice %arg9[%sub3A_29, %dma_start3A, %dma_start3A_32] : memref<2x128x64xf32, #tpu.memory_space<vmem>> -> memref<1x128x64xf32, #tpu.memory_space<vmem>>
      %dma_start3A_34 = tpu.memref_squeeze %dma_start3A_33 : memref<1x128x64xf32, #tpu.memory_space<vmem>> -> memref<128x64xf32, #tpu.memory_space<vmem>>
      %dma_start3A_35 = arith.constant 0 : i32
      %dma_start3A_36 = tpu.memref_slice %arg7[%add3A_28, %dma_start3A_35] : memref<79x128xi32, #tpu.memory_space<vmem>> -> memref<1x128xi32, #tpu.memory_space<vmem>>
      %dma_start3A_37 = tpu.memref_squeeze %dma_start3A_36 : memref<1x128xi32, #tpu.memory_space<vmem>> -> memref<128xi32, #tpu.memory_space<vmem>>
      %dma_start3A_38 = arith.constant 0 : i32
      %dma_start3A_39 = arith.constant 0 : i32
      %dma_start3A_40 = tpu.memref_slice %arg2[%dma_start3A_38, %dma_start3A_39] : memref<10000x64xf32, #tpu.memory_space<hbm>> -> memref<10000x64xf32, #tpu.memory_space<hbm>>
      %dma_start3A_41 = tpu.memref_slice %arg11[%sub3A_31] : memref<2x!tpu.dma_semaphore, #tpu.memory_space<semaphore_mem>> -> memref<1x!tpu.dma_semaphore, #tpu.memory_space<semaphore_mem>>
      %dma_start3A_42 = tpu.memref_squeeze %dma_start3A_41 : memref<1x!tpu.dma_semaphore, #tpu.memory_space<semaphore_mem>> -> memref<!tpu.dma_semaphore, #tpu.memory_space<semaphore_mem>>
      tpu.enqueue_indirect_dma source(%dma_start3A_40 : memref<10000x64xf32, #tpu.memory_space<hbm>>) target(%dma_start3A_34 : memref<128x64xf32, #tpu.memory_space<vmem>>) offsets(%dma_start3A_37 : memref<128xi32, #tpu.memory_space<vmem>>) semaphore(%dma_start3A_42 : memref<!tpu.dma_semaphore, #tpu.memory_space<semaphore_mem>>)
      "tpu.region"() ({
        %run_scoped3A_54 = tpu.sem_alloc : memref<!tpu.dma_semaphore, #tpu.memory_space<semaphore_mem>>
        %dma_start3A_55 = arith.constant 0 : i32
        %dma_start3A_56 = arith.constant 0 : i32
        %dma_start3A_57 = tpu.memref_slice %arg9[%rem3A_26, %dma_start3A_55, %dma_start3A_56] : memref<2x128x64xf32, #tpu.memory_space<vmem>> -> memref<1x128x64xf32, #tpu.memory_space<vmem>>
        %dma_start3A_58 = tpu.memref_squeeze %dma_start3A_57 : memref<1x128x64xf32, #tpu.memory_space<vmem>> -> memref<128x64xf32, #tpu.memory_space<vmem>>
        %dma_start3A_59 = arith.constant 0 : i32
        %dma_start3A_60 = tpu.memref_slice %arg8[%scan3A_25, %dma_start3A_59] : memref<79x128xi32, #tpu.memory_space<vmem>> -> memref<1x128xi32, #tpu.memory_space<vmem>>
        %dma_start3A_61 = tpu.memref_squeeze %dma_start3A_60 : memref<1x128xi32, #tpu.memory_space<vmem>> -> memref<128xi32, #tpu.memory_space<vmem>>
        %dma_start3A_62 = arith.constant 0 : i32
        %dma_start3A_63 = arith.constant 0 : i32
        %dma_start3A_64 = tpu.memref_slice %arg10[%dma_start3A_62, %dma_start3A_63] : memref<10112x64xf32, #tpu.memory_space<vmem_shared>> -> memref<10112x64xf32, #tpu.memory_space<vmem_shared>>
        tpu.enqueue_indirect_dma source(%dma_start3A_58 : memref<128x64xf32, #tpu.memory_space<vmem>>) target(%dma_start3A_64 : memref<10112x64xf32, #tpu.memory_space<vmem_shared>>) offsets(%dma_start3A_61 : memref<128xi32, #tpu.memory_space<vmem>>) semaphore(%run_scoped3A_54 : memref<!tpu.dma_semaphore, #tpu.memory_space<semaphore_mem>>) {add = true}
        %dma_wait3A_65 = arith.constant 0 : i32
        %dma_wait3A_66 = arith.constant 0 : i32
        %dma_wait3A_67 = tpu.memref_slice %arg9[%rem3A_26, %dma_wait3A_65, %dma_wait3A_66] : memref<2x128x64xf32, #tpu.memory_space<vmem>> -> memref<1x128x64xf32, #tpu.memory_space<vmem>>
        %dma_wait3A_68 = tpu.memref_squeeze %dma_wait3A_67 : memref<1x128x64xf32, #tpu.memory_space<vmem>> -> memref<128x64xf32, #tpu.memory_space<vmem>>
        %dma_wait3A_69 = arith.constant 0 : i32
        %dma_wait3A_70 = tpu.memref_slice %arg8[%scan3A_25, %dma_wait3A_69] : memref<79x128xi32, #tpu.memory_space<vmem>> -> memref<1x128xi32, #tpu.memory_space<vmem>>
        %dma_wait3A_71 = tpu.memref_squeeze %dma_wait3A_70 : memref<1x128xi32, #tpu.memory_space<vmem>> -> memref<128xi32, #tpu.memory_space<vmem>>
        %dma_wait3A_72 = arith.constant 0 : i32
        %dma_wait3A_73 = arith.constant 0 : i32
        %dma_wait3A_74 = tpu.memref_slice %arg10[%dma_wait3A_72, %dma_wait3A_73] : memref<10112x64xf32, #tpu.memory_space<vmem_shared>> -> memref<10112x64xf32, #tpu.memory_space<vmem_shared>>
        tpu.wait_indirect_dma semaphore(%run_scoped3A_54 : memref<!tpu.dma_semaphore, #tpu.memory_space<semaphore_mem>>) src(%dma_wait3A_68 : memref<128x64xf32, #tpu.memory_space<vmem>>) dst(%dma_wait3A_74 : memref<10112x64xf32, #tpu.memory_space<vmem_shared>>)
        tpu.yield
      }) : () -> ()
      %dma_wait3A = arith.constant 0 : i32
      %dma_wait3A_43 = arith.constant 0 : i32
      %dma_wait3A_44 = tpu.memref_slice %arg9[%sub3A_29, %dma_wait3A, %dma_wait3A_43] : memref<2x128x64xf32, #tpu.memory_space<vmem>> -> memref<1x128x64xf32, #tpu.memory_space<vmem>>
      %dma_wait3A_45 = tpu.memref_squeeze %dma_wait3A_44 : memref<1x128x64xf32, #tpu.memory_space<vmem>> -> memref<128x64xf32, #tpu.memory_space<vmem>>
      %dma_wait3A_46 = arith.constant 0 : i32
      %dma_wait3A_47 = tpu.memref_slice %arg7[%add3A_28, %dma_wait3A_46] : memref<79x128xi32, #tpu.memory_space<vmem>> -> memref<1x128xi32, #tpu.memory_space<vmem>>
      %dma_wait3A_48 = tpu.memref_squeeze %dma_wait3A_47 : memref<1x128xi32, #tpu.memory_space<vmem>> -> memref<128xi32, #tpu.memory_space<vmem>>
      %dma_wait3A_49 = arith.constant 0 : i32
      %dma_wait3A_50 = arith.constant 0 : i32
      %dma_wait3A_51 = tpu.memref_slice %arg2[%dma_wait3A_49, %dma_wait3A_50] : memref<10000x64xf32, #tpu.memory_space<hbm>> -> memref<10000x64xf32, #tpu.memory_space<hbm>>
      %dma_wait3A_52 = tpu.memref_slice %arg11[%sub3A_31] : memref<2x!tpu.dma_semaphore, #tpu.memory_space<semaphore_mem>> -> memref<1x!tpu.dma_semaphore, #tpu.memory_space<semaphore_mem>>
      %dma_wait3A_53 = tpu.memref_squeeze %dma_wait3A_52 : memref<1x!tpu.dma_semaphore, #tpu.memory_space<semaphore_mem>> -> memref<!tpu.dma_semaphore, #tpu.memory_space<semaphore_mem>>
      tpu.wait_indirect_dma semaphore(%dma_wait3A_53 : memref<!tpu.dma_semaphore, #tpu.memory_space<semaphore_mem>>) src(%dma_wait3A_51 : memref<10000x64xf32, #tpu.memory_space<hbm>>) dst(%dma_wait3A_45 : memref<128x64xf32, #tpu.memory_space<vmem>>)
    }
    %scan3A_16 = arith.constant 78 : i32
    %run_scoped3A_17 = arith.constant 0 : i32
    %run_scoped3A_18 = arith.constant 78 : i32
    "tpu.region"() ({
      %run_scoped3A_25 = tpu.sem_alloc : memref<!tpu.dma_semaphore, #tpu.memory_space<semaphore_mem>>
      %dma_start3A = arith.constant 0 : i32
      %dma_start3A_26 = arith.constant 0 : i32
      %dma_start3A_27 = tpu.memref_slice %arg9[%run_scoped3A_17, %dma_start3A, %dma_start3A_26] : memref<2x128x64xf32, #tpu.memory_space<vmem>> -> memref<1x128x64xf32, #tpu.memory_space<vmem>>
      %dma_start3A_28 = tpu.memref_squeeze %dma_start3A_27 : memref<1x128x64xf32, #tpu.memory_space<vmem>> -> memref<128x64xf32, #tpu.memory_space<vmem>>
      %dma_start3A_29 = arith.constant 0 : i32
      %dma_start3A_30 = tpu.memref_slice %arg8[%run_scoped3A_18, %dma_start3A_29] : memref<79x128xi32, #tpu.memory_space<vmem>> -> memref<1x128xi32, #tpu.memory_space<vmem>>
      %dma_start3A_31 = tpu.memref_squeeze %dma_start3A_30 : memref<1x128xi32, #tpu.memory_space<vmem>> -> memref<128xi32, #tpu.memory_space<vmem>>
      %dma_start3A_32 = arith.constant 0 : i32
      %dma_start3A_33 = arith.constant 0 : i32
      %dma_start3A_34 = tpu.memref_slice %arg10[%dma_start3A_32, %dma_start3A_33] : memref<10112x64xf32, #tpu.memory_space<vmem_shared>> -> memref<10112x64xf32, #tpu.memory_space<vmem_shared>>
      tpu.enqueue_indirect_dma source(%dma_start3A_28 : memref<128x64xf32, #tpu.memory_space<vmem>>) target(%dma_start3A_34 : memref<10112x64xf32, #tpu.memory_space<vmem_shared>>) offsets(%dma_start3A_31 : memref<128xi32, #tpu.memory_space<vmem>>) semaphore(%run_scoped3A_25 : memref<!tpu.dma_semaphore, #tpu.memory_space<semaphore_mem>>) {add = true}
      %dma_wait3A = arith.constant 0 : i32
      %dma_wait3A_35 = arith.constant 0 : i32
      %dma_wait3A_36 = tpu.memref_slice %arg9[%run_scoped3A_17, %dma_wait3A, %dma_wait3A_35] : memref<2x128x64xf32, #tpu.memory_space<vmem>> -> memref<1x128x64xf32, #tpu.memory_space<vmem>>
      %dma_wait3A_37 = tpu.memref_squeeze %dma_wait3A_36 : memref<1x128x64xf32, #tpu.memory_space<vmem>> -> memref<128x64xf32, #tpu.memory_space<vmem>>
      %dma_wait3A_38 = arith.constant 0 : i32
      %dma_wait3A_39 = tpu.memref_slice %arg8[%run_scoped3A_18, %dma_wait3A_38] : memref<79x128xi32, #tpu.memory_space<vmem>> -> memref<1x128xi32, #tpu.memory_space<vmem>>
      %dma_wait3A_40 = tpu.memref_squeeze %dma_wait3A_39 : memref<1x128xi32, #tpu.memory_space<vmem>> -> memref<128xi32, #tpu.memory_space<vmem>>
      %dma_wait3A_41 = arith.constant 0 : i32
      %dma_wait3A_42 = arith.constant 0 : i32
      %dma_wait3A_43 = tpu.memref_slice %arg10[%dma_wait3A_41, %dma_wait3A_42] : memref<10112x64xf32, #tpu.memory_space<vmem_shared>> -> memref<10112x64xf32, #tpu.memory_space<vmem_shared>>
      tpu.wait_indirect_dma semaphore(%run_scoped3A_25 : memref<!tpu.dma_semaphore, #tpu.memory_space<semaphore_mem>>) src(%dma_wait3A_37 : memref<128x64xf32, #tpu.memory_space<vmem>>) dst(%dma_wait3A_43 : memref<10112x64xf32, #tpu.memory_space<vmem_shared>>)
      tpu.yield
    }) : () -> ()
    %scan3A_19 = arith.constant 1 : i32
    %barrier3A_20 = arith.constant 0 : index
    tpu.barrier barrier_id(%barrier3A_20)
    %mul3A_21 = arith.constant 632 : i32
    %mul3A_22 = arith.muli %arg1, %mul3A_21 : i32
    %mul3A_23 = arith.constant 632 : i32
    %mul3A_24 = arith.muli %arg1, %mul3A_23 : i32
    "tpu.region"() ({
      %run_scoped3A_25 = tpu.sem_alloc : memref<!tpu.dma_semaphore, #tpu.memory_space<semaphore_mem>>
      %dma_start3A = arith.constant 0 : i32
      %dma_start3A_26 = arith.constant 0 : i32
      %dma_start3A_27 = tpu.memref_slice %arg6[%arg0, %dma_start3A, %dma_start3A_26] : memref<2x10112x64xf32, #tpu.memory_space<hbm>> -> memref<1x10112x64xf32, #tpu.memory_space<hbm>>
      %dma_start3A_28 = tpu.memref_squeeze %dma_start3A_27 : memref<1x10112x64xf32, #tpu.memory_space<hbm>> -> memref<10112x64xf32, #tpu.memory_space<hbm>>
      %dma_start3A_29 = arith.constant 0 : i32
      %dma_start3A_30 = tpu.memref_slice %dma_start3A_28[%mul3A_24, %dma_start3A_29] : memref<10112x64xf32, #tpu.memory_space<hbm>> -> memref<632x64xf32, #tpu.memory_space<hbm>>
      %dma_start3A_31 = arith.constant 0 : i32
      %dma_start3A_32 = tpu.memref_slice %arg10[%mul3A_22, %dma_start3A_31] : memref<10112x64xf32, #tpu.memory_space<vmem_shared>> -> memref<632x64xf32, #tpu.memory_space<vmem_shared>>
      tpu.enqueue_dma source(%dma_start3A_32 : memref<632x64xf32, #tpu.memory_space<vmem_shared>>) target(%dma_start3A_30 : memref<632x64xf32, #tpu.memory_space<hbm>>) target_semaphore(%run_scoped3A_25 : memref<!tpu.dma_semaphore, #tpu.memory_space<semaphore_mem>>)
      %dma_wait3A = arith.constant 0 : i32
      %dma_wait3A_33 = arith.constant 0 : i32
      %dma_wait3A_34 = tpu.memref_slice %arg6[%arg0, %dma_wait3A, %dma_wait3A_33] : memref<2x10112x64xf32, #tpu.memory_space<hbm>> -> memref<1x10112x64xf32, #tpu.memory_space<hbm>>
      %dma_wait3A_35 = tpu.memref_squeeze %dma_wait3A_34 : memref<1x10112x64xf32, #tpu.memory_space<hbm>> -> memref<10112x64xf32, #tpu.memory_space<hbm>>
      %dma_wait3A_36 = arith.constant 0 : i32
      %dma_wait3A_37 = tpu.memref_slice %dma_wait3A_35[%mul3A_24, %dma_wait3A_36] : memref<10112x64xf32, #tpu.memory_space<hbm>> -> memref<632x64xf32, #tpu.memory_space<hbm>>
      %dma_wait3A_38 = arith.constant 0 : i32
      %dma_wait3A_39 = tpu.memref_slice %arg10[%mul3A_22, %dma_wait3A_38] : memref<10112x64xf32, #tpu.memory_space<vmem_shared>> -> memref<632x64xf32, #tpu.memory_space<vmem_shared>>
      tpu.wait_dma2 semaphore(%run_scoped3A_25 : memref<!tpu.dma_semaphore, #tpu.memory_space<semaphore_mem>>) src(%dma_wait3A_39 : memref<632x64xf32, #tpu.memory_space<vmem_shared>>) dst(%dma_wait3A_37 : memref<632x64xf32, #tpu.memory_space<hbm>>)
      tpu.yield
    }) : () -> ()
    return
  }
}

#map = affine_map<(d0, d1) -> (0, 0)>
#map1 = affine_map<(d0, d1) -> (0, 0, 0)>
module attributes {stable_mosaic.version = 14 : i64} {
  func.func @seg_sum(%arg0: i32, %arg1: i32, %arg2: memref<10000x64xf32, #tpu.memory_space<hbm>>, %arg3: memref<32x79x128xi32, #tpu.memory_space<hbm>>, %arg4: memref<32x79x128xi32, #tpu.memory_space<hbm>>, %arg5: memref<10112x64xf32, #tpu.memory_space<hbm>>, %arg6: memref<2x10112x64xf32, #tpu.memory_space<hbm>>, %arg7: memref<79x128xi32, #tpu.memory_space<vmem>>, %arg8: memref<79x128xi32, #tpu.memory_space<vmem>>, %arg9: memref<2x128x64xf32, #tpu.memory_space<vmem>>, %arg10: memref<10112x64xf32, #tpu.memory_space<vmem_shared>>, %arg11: memref<2x!tpu.dma_semaphore, #tpu.memory_space<semaphore_mem>>) attributes {dimension_semantics = [#tpu.dimension_semantics<core_parallel>, #tpu.dimension_semantics<subcore_parallel>], iteration_bounds = array<i64: 2, 16>, scalar_prefetch = 0 : i64, scratch_operands = 5 : i64, tpu.core_type = #tpu.core_type<sc_vector_subcore>, window_params = [{transform_indices = #map}, {transform_indices = #map1}, {transform_indices = #map1}, {transform_indices = #map}, {transform_indices = #map1}]} {
    %mul3A = arith.constant 2 : i32
    %mul3A_0 = arith.muli %arg1, %mul3A : i32
    %add3A = arith.addi %mul3A_0, %arg0 : i32
    %mul3A_1 = arith.constant 632 : i32
    %mul3A_2 = arith.muli %arg1, %mul3A_1 : i32
    %mul3A_3 = arith.constant 632 : i32
    %mul3A_4 = arith.muli %arg1, %mul3A_3 : i32
    "tpu.region"() ({
      %run_scoped3A_25 = tpu.sem_alloc : memref<!tpu.dma_semaphore, #tpu.memory_space<semaphore_mem>>
      %dma_start3A = arith.constant 0 : i32
      %dma_start3A_26 = tpu.memref_slice %arg10[%mul3A_4, %dma_start3A] : memref<10112x64xf32, #tpu.memory_space<vmem_shared>> -> memref<632x64xf32, #tpu.memory_space<vmem_shared>>
      %dma_start3A_27 = arith.constant 0 : i32
      %dma_start3A_28 = tpu.memref_slice %arg5[%mul3A_2, %dma_start3A_27] : memref<10112x64xf32, #tpu.memory_space<hbm>> -> memref<632x64xf32, #tpu.memory_space<hbm>>
      tpu.enqueue_dma source(%dma_start3A_28 : memref<632x64xf32, #tpu.memory_space<hbm>>) target(%dma_start3A_26 : memref<632x64xf32, #tpu.memory_space<vmem_shared>>) target_semaphore(%run_scoped3A_25 : memref<!tpu.dma_semaphore, #tpu.memory_space<semaphore_mem>>)
      %dma_wait3A = arith.constant 0 : i32
      %dma_wait3A_29 = tpu.memref_slice %arg10[%mul3A_4, %dma_wait3A] : memref<10112x64xf32, #tpu.memory_space<vmem_shared>> -> memref<632x64xf32, #tpu.memory_space<vmem_shared>>
      %dma_wait3A_30 = arith.constant 0 : i32
      %dma_wait3A_31 = tpu.memref_slice %arg5[%mul3A_2, %dma_wait3A_30] : memref<10112x64xf32, #tpu.memory_space<hbm>> -> memref<632x64xf32, #tpu.memory_space<hbm>>
      tpu.wait_dma2 semaphore(%run_scoped3A_25 : memref<!tpu.dma_semaphore, #tpu.memory_space<semaphore_mem>>) src(%dma_wait3A_31 : memref<632x64xf32, #tpu.memory_space<hbm>>) dst(%dma_wait3A_29 : memref<632x64xf32, #tpu.memory_space<vmem_shared>>)
      tpu.yield
    }) : () -> ()
    %barrier3A = arith.constant 0 : index
    tpu.barrier barrier_id(%barrier3A)
    %scan3A = arith.constant 0 : i32
    %scan3A_5 = arith.constant 0 : i32
    %mul3A_6 = arith.constant 79 : i32
    %mul3A_7 = arith.muli %scan3A_5, %mul3A_6 : i32
    "tpu.region"() ({
      %run_scoped3A_25 = tpu.sem_alloc : memref<!tpu.dma_semaphore, #tpu.memory_space<semaphore_mem>>
      %dma_start3A = arith.constant 0 : i32
      %dma_start3A_26 = arith.constant 0 : i32
      %dma_start3A_27 = tpu.memref_slice %arg3[%add3A, %dma_start3A, %dma_start3A_26] : memref<32x79x128xi32, #tpu.memory_space<hbm>> -> memref<1x79x128xi32, #tpu.memory_space<hbm>>
      %dma_start3A_28 = tpu.memref_squeeze %dma_start3A_27 : memref<1x79x128xi32, #tpu.memory_space<hbm>> -> memref<79x128xi32, #tpu.memory_space<hbm>>
      %dma_start3A_29 = arith.constant 0 : i32
      %dma_start3A_30 = tpu.memref_slice %dma_start3A_28[%mul3A_7, %dma_start3A_29] : memref<79x128xi32, #tpu.memory_space<hbm>> -> memref<79x128xi32, #tpu.memory_space<hbm>>
      %dma_start3A_31 = arith.constant 0 : i32
      %dma_start3A_32 = arith.constant 0 : i32
      %dma_start3A_33 = tpu.memref_slice %arg3[%add3A, %dma_start3A_31, %dma_start3A_32] : memref<32x79x128xi32, #tpu.memory_space<hbm>> -> memref<1x79x128xi32, #tpu.memory_space<hbm>>
      %dma_start3A_34 = tpu.memref_squeeze %dma_start3A_33 : memref<1x79x128xi32, #tpu.memory_space<hbm>> -> memref<79x128xi32, #tpu.memory_space<hbm>>
      %dma_start3A_35 = arith.constant 0 : i32
      %dma_start3A_36 = tpu.memref_slice %dma_start3A_34[%mul3A_7, %dma_start3A_35] : memref<79x128xi32, #tpu.memory_space<hbm>> -> memref<79x128xi32, #tpu.memory_space<hbm>>
      tpu.enqueue_dma source(%dma_start3A_36 : memref<79x128xi32, #tpu.memory_space<hbm>>) target(%arg7 : memref<79x128xi32, #tpu.memory_space<vmem>>) target_semaphore(%run_scoped3A_25 : memref<!tpu.dma_semaphore, #tpu.memory_space<semaphore_mem>>)
      %dma_wait3A = arith.constant 0 : i32
      %dma_wait3A_37 = arith.constant 0 : i32
      %dma_wait3A_38 = tpu.memref_slice %arg3[%add3A, %dma_wait3A, %dma_wait3A_37] : memref<32x79x128xi32, #tpu.memory_space<hbm>> -> memref<1x79x128xi32, #tpu.memory_space<hbm>>
      %dma_wait3A_39 = tpu.memref_squeeze %dma_wait3A_38 : memref<1x79x128xi32, #tpu.memory_space<hbm>> -> memref<79x128xi32, #tpu.memory_space<hbm>>
      %dma_wait3A_40 = arith.constant 0 : i32
      %dma_wait3A_41 = tpu.memref_slice %dma_wait3A_39[%mul3A_7, %dma_wait3A_40] : memref<79x128xi32, #tpu.memory_space<hbm>> -> memref<79x128xi32, #tpu.memory_space<hbm>>
      %dma_wait3A_42 = arith.constant 0 : i32
      %dma_wait3A_43 = arith.constant 0 : i32
      %dma_wait3A_44 = tpu.memref_slice %arg3[%add3A, %dma_wait3A_42, %dma_wait3A_43] : memref<32x79x128xi32, #tpu.memory_space<hbm>> -> memref<1x79x128xi32, #tpu.memory_space<hbm>>
      %dma_wait3A_45 = tpu.memref_squeeze %dma_wait3A_44 : memref<1x79x128xi32, #tpu.memory_space<hbm>> -> memref<79x128xi32, #tpu.memory_space<hbm>>
      %dma_wait3A_46 = arith.constant 0 : i32
      %dma_wait3A_47 = tpu.memref_slice %dma_wait3A_45[%mul3A_7, %dma_wait3A_46] : memref<79x128xi32, #tpu.memory_space<hbm>> -> memref<79x128xi32, #tpu.memory_space<hbm>>
      tpu.wait_dma2 semaphore(%run_scoped3A_25 : memref<!tpu.dma_semaphore, #tpu.memory_space<semaphore_mem>>) src(%dma_wait3A_47 : memref<79x128xi32, #tpu.memory_space<hbm>>) dst(%arg7 : memref<79x128xi32, #tpu.memory_space<vmem>>)
      tpu.yield
    }) : () -> ()
    %mul3A_8 = arith.constant 79 : i32
    %mul3A_9 = arith.muli %scan3A_5, %mul3A_8 : i32
    "tpu.region"() ({
      %run_scoped3A_25 = tpu.sem_alloc : memref<!tpu.dma_semaphore, #tpu.memory_space<semaphore_mem>>
      %dma_start3A = arith.constant 0 : i32
      %dma_start3A_26 = arith.constant 0 : i32
      %dma_start3A_27 = tpu.memref_slice %arg4[%add3A, %dma_start3A, %dma_start3A_26] : memref<32x79x128xi32, #tpu.memory_space<hbm>> -> memref<1x79x128xi32, #tpu.memory_space<hbm>>
      %dma_start3A_28 = tpu.memref_squeeze %dma_start3A_27 : memref<1x79x128xi32, #tpu.memory_space<hbm>> -> memref<79x128xi32, #tpu.memory_space<hbm>>
      %dma_start3A_29 = arith.constant 0 : i32
      %dma_start3A_30 = tpu.memref_slice %dma_start3A_28[%mul3A_9, %dma_start3A_29] : memref<79x128xi32, #tpu.memory_space<hbm>> -> memref<79x128xi32, #tpu.memory_space<hbm>>
      %dma_start3A_31 = arith.constant 0 : i32
      %dma_start3A_32 = arith.constant 0 : i32
      %dma_start3A_33 = tpu.memref_slice %arg4[%add3A, %dma_start3A_31, %dma_start3A_32] : memref<32x79x128xi32, #tpu.memory_space<hbm>> -> memref<1x79x128xi32, #tpu.memory_space<hbm>>
      %dma_start3A_34 = tpu.memref_squeeze %dma_start3A_33 : memref<1x79x128xi32, #tpu.memory_space<hbm>> -> memref<79x128xi32, #tpu.memory_space<hbm>>
      %dma_start3A_35 = arith.constant 0 : i32
      %dma_start3A_36 = tpu.memref_slice %dma_start3A_34[%mul3A_9, %dma_start3A_35] : memref<79x128xi32, #tpu.memory_space<hbm>> -> memref<79x128xi32, #tpu.memory_space<hbm>>
      tpu.enqueue_dma source(%dma_start3A_36 : memref<79x128xi32, #tpu.memory_space<hbm>>) target(%arg8 : memref<79x128xi32, #tpu.memory_space<vmem>>) target_semaphore(%run_scoped3A_25 : memref<!tpu.dma_semaphore, #tpu.memory_space<semaphore_mem>>)
      %dma_wait3A = arith.constant 0 : i32
      %dma_wait3A_37 = arith.constant 0 : i32
      %dma_wait3A_38 = tpu.memref_slice %arg4[%add3A, %dma_wait3A, %dma_wait3A_37] : memref<32x79x128xi32, #tpu.memory_space<hbm>> -> memref<1x79x128xi32, #tpu.memory_space<hbm>>
      %dma_wait3A_39 = tpu.memref_squeeze %dma_wait3A_38 : memref<1x79x128xi32, #tpu.memory_space<hbm>> -> memref<79x128xi32, #tpu.memory_space<hbm>>
      %dma_wait3A_40 = arith.constant 0 : i32
      %dma_wait3A_41 = tpu.memref_slice %dma_wait3A_39[%mul3A_9, %dma_wait3A_40] : memref<79x128xi32, #tpu.memory_space<hbm>> -> memref<79x128xi32, #tpu.memory_space<hbm>>
      %dma_wait3A_42 = arith.constant 0 : i32
      %dma_wait3A_43 = arith.constant 0 : i32
      %dma_wait3A_44 = tpu.memref_slice %arg4[%add3A, %dma_wait3A_42, %dma_wait3A_43] : memref<32x79x128xi32, #tpu.memory_space<hbm>> -> memref<1x79x128xi32, #tpu.memory_space<hbm>>
      %dma_wait3A_45 = tpu.memref_squeeze %dma_wait3A_44 : memref<1x79x128xi32, #tpu.memory_space<hbm>> -> memref<79x128xi32, #tpu.memory_space<hbm>>
      %dma_wait3A_46 = arith.constant 0 : i32
      %dma_wait3A_47 = tpu.memref_slice %dma_wait3A_45[%mul3A_9, %dma_wait3A_46] : memref<79x128xi32, #tpu.memory_space<hbm>> -> memref<79x128xi32, #tpu.memory_space<hbm>>
      tpu.wait_dma2 semaphore(%run_scoped3A_25 : memref<!tpu.dma_semaphore, #tpu.memory_space<semaphore_mem>>) src(%dma_wait3A_47 : memref<79x128xi32, #tpu.memory_space<hbm>>) dst(%arg8 : memref<79x128xi32, #tpu.memory_space<vmem>>)
      tpu.yield
    }) : () -> ()
    %run_scoped3A = arith.constant 0 : i32
    %run_scoped3A_10 = arith.constant 0 : i32
    "tpu.region"() ({
      %run_scoped3A_25 = tpu.sem_alloc : memref<!tpu.dma_semaphore, #tpu.memory_space<semaphore_mem>>
      %dma_start3A = arith.constant 0 : i32
      %dma_start3A_26 = arith.constant 0 : i32
      %dma_start3A_27 = tpu.memref_slice %arg9[%run_scoped3A_10, %dma_start3A, %dma_start3A_26] : memref<2x128x64xf32, #tpu.memory_space<vmem>> -> memref<1x128x64xf32, #tpu.memory_space<vmem>>
      %dma_start3A_28 = tpu.memref_squeeze %dma_start3A_27 : memref<1x128x64xf32, #tpu.memory_space<vmem>> -> memref<128x64xf32, #tpu.memory_space<vmem>>
      %dma_start3A_29 = arith.constant 0 : i32
      %dma_start3A_30 = tpu.memref_slice %arg7[%run_scoped3A, %dma_start3A_29] : memref<79x128xi32, #tpu.memory_space<vmem>> -> memref<1x128xi32, #tpu.memory_space<vmem>>
      %dma_start3A_31 = tpu.memref_squeeze %dma_start3A_30 : memref<1x128xi32, #tpu.memory_space<vmem>> -> memref<128xi32, #tpu.memory_space<vmem>>
      %dma_start3A_32 = arith.constant 0 : i32
      %dma_start3A_33 = arith.constant 0 : i32
      %dma_start3A_34 = tpu.memref_slice %arg2[%dma_start3A_32, %dma_start3A_33] : memref<10000x64xf32, #tpu.memory_space<hbm>> -> memref<10000x64xf32, #tpu.memory_space<hbm>>
      tpu.enqueue_indirect_dma source(%dma_start3A_34 : memref<10000x64xf32, #tpu.memory_space<hbm>>) target(%dma_start3A_28 : memref<128x64xf32, #tpu.memory_space<vmem>>) offsets(%dma_start3A_31 : memref<128xi32, #tpu.memory_space<vmem>>) semaphore(%run_scoped3A_25 : memref<!tpu.dma_semaphore, #tpu.memory_space<semaphore_mem>>)
      %dma_wait3A = arith.constant 0 : i32
      %dma_wait3A_35 = arith.constant 0 : i32
      %dma_wait3A_36 = tpu.memref_slice %arg9[%run_scoped3A_10, %dma_wait3A, %dma_wait3A_35] : memref<2x128x64xf32, #tpu.memory_space<vmem>> -> memref<1x128x64xf32, #tpu.memory_space<vmem>>
      %dma_wait3A_37 = tpu.memref_squeeze %dma_wait3A_36 : memref<1x128x64xf32, #tpu.memory_space<vmem>> -> memref<128x64xf32, #tpu.memory_space<vmem>>
      %dma_wait3A_38 = arith.constant 0 : i32
      %dma_wait3A_39 = tpu.memref_slice %arg7[%run_scoped3A, %dma_wait3A_38] : memref<79x128xi32, #tpu.memory_space<vmem>> -> memref<1x128xi32, #tpu.memory_space<vmem>>
      %dma_wait3A_40 = tpu.memref_squeeze %dma_wait3A_39 : memref<1x128xi32, #tpu.memory_space<vmem>> -> memref<128xi32, #tpu.memory_space<vmem>>
      %dma_wait3A_41 = arith.constant 0 : i32
      %dma_wait3A_42 = arith.constant 0 : i32
      %dma_wait3A_43 = tpu.memref_slice %arg2[%dma_wait3A_41, %dma_wait3A_42] : memref<10000x64xf32, #tpu.memory_space<hbm>> -> memref<10000x64xf32, #tpu.memory_space<hbm>>
      tpu.wait_indirect_dma semaphore(%run_scoped3A_25 : memref<!tpu.dma_semaphore, #tpu.memory_space<semaphore_mem>>) src(%dma_wait3A_43 : memref<10000x64xf32, #tpu.memory_space<hbm>>) dst(%dma_wait3A_37 : memref<128x64xf32, #tpu.memory_space<vmem>>)
      tpu.yield
    }) : () -> ()
    %scan3A_11 = arith.constant 0 : i32
    %scan3A_12 = arith.constant 0 : i32
    %scan3A_13 = arith.constant 78 : i32
    %scan3A_14 = arith.addi %scan3A_12, %scan3A_13 : i32
    %scan3A_15 = arith.constant 1 : i32
    scf.for %scan3A_25 = %scan3A_12 to %scan3A_14 step %scan3A_15  : i32 {
      %rem3A = arith.constant 2 : i32
      %rem3A_26 = arith.remsi %scan3A_25, %rem3A : i32
      %add3A_27 = arith.constant 1 : i32
      %add3A_28 = arith.addi %scan3A_25, %add3A_27 : i32
      %sub3A = arith.constant 1 : i32
      %sub3A_29 = arith.subi %sub3A, %rem3A_26 : i32
      %sub3A_30 = arith.constant 1 : i32
      %sub3A_31 = arith.subi %sub3A_30, %rem3A_26 : i32
      %dma_start3A = arith.constant 0 : i32
      %dma_start3A_32 = arith.constant 0 : i32
      %dma_start3A_33 = tpu.memref_slice %arg9[%sub3A_29, %dma_start3A, %dma_start3A_32] : memref<2x128x64xf32, #tpu.memory_space<vmem>> -> memref<1x128x64xf32, #tpu.memory_space<vmem>>
      %dma_start3A_34 = tpu.memref_squeeze %dma_start3A_33 : memref<1x128x64xf32, #tpu.memory_space<vmem>> -> memref<128x64xf32, #tpu.memory_space<vmem>>
      %dma_start3A_35 = arith.constant 0 : i32
      %dma_start3A_36 = tpu.memref_slice %arg7[%add3A_28, %dma_start3A_35] : memref<79x128xi32, #tpu.memory_space<vmem>> -> memref<1x128xi32, #tpu.memory_space<vmem>>
      %dma_start3A_37 = tpu.memref_squeeze %dma_start3A_36 : memref<1x128xi32, #tpu.memory_space<vmem>> -> memref<128xi32, #tpu.memory_space<vmem>>
      %dma_start3A_38 = arith.constant 0 : i32
      %dma_start3A_39 = arith.constant 0 : i32
      %dma_start3A_40 = tpu.memref_slice %arg2[%dma_start3A_38, %dma_start3A_39] : memref<10000x64xf32, #tpu.memory_space<hbm>> -> memref<10000x64xf32, #tpu.memory_space<hbm>>
      %dma_start3A_41 = tpu.memref_slice %arg11[%sub3A_31] : memref<2x!tpu.dma_semaphore, #tpu.memory_space<semaphore_mem>> -> memref<1x!tpu.dma_semaphore, #tpu.memory_space<semaphore_mem>>
      %dma_start3A_42 = tpu.memref_squeeze %dma_start3A_41 : memref<1x!tpu.dma_semaphore, #tpu.memory_space<semaphore_mem>> -> memref<!tpu.dma_semaphore, #tpu.memory_space<semaphore_mem>>
      tpu.enqueue_indirect_dma source(%dma_start3A_40 : memref<10000x64xf32, #tpu.memory_space<hbm>>) target(%dma_start3A_34 : memref<128x64xf32, #tpu.memory_space<vmem>>) offsets(%dma_start3A_37 : memref<128xi32, #tpu.memory_space<vmem>>) semaphore(%dma_start3A_42 : memref<!tpu.dma_semaphore, #tpu.memory_space<semaphore_mem>>)
      "tpu.region"() ({
        %run_scoped3A_54 = tpu.sem_alloc : memref<!tpu.dma_semaphore, #tpu.memory_space<semaphore_mem>>
        %dma_start3A_55 = arith.constant 0 : i32
        %dma_start3A_56 = arith.constant 0 : i32
        %dma_start3A_57 = tpu.memref_slice %arg9[%rem3A_26, %dma_start3A_55, %dma_start3A_56] : memref<2x128x64xf32, #tpu.memory_space<vmem>> -> memref<1x128x64xf32, #tpu.memory_space<vmem>>
        %dma_start3A_58 = tpu.memref_squeeze %dma_start3A_57 : memref<1x128x64xf32, #tpu.memory_space<vmem>> -> memref<128x64xf32, #tpu.memory_space<vmem>>
        %dma_start3A_59 = arith.constant 0 : i32
        %dma_start3A_60 = tpu.memref_slice %arg8[%scan3A_25, %dma_start3A_59] : memref<79x128xi32, #tpu.memory_space<vmem>> -> memref<1x128xi32, #tpu.memory_space<vmem>>
        %dma_start3A_61 = tpu.memref_squeeze %dma_start3A_60 : memref<1x128xi32, #tpu.memory_space<vmem>> -> memref<128xi32, #tpu.memory_space<vmem>>
        %dma_start3A_62 = arith.constant 0 : i32
        %dma_start3A_63 = arith.constant 0 : i32
        %dma_start3A_64 = tpu.memref_slice %arg10[%dma_start3A_62, %dma_start3A_63] : memref<10112x64xf32, #tpu.memory_space<vmem_shared>> -> memref<10112x64xf32, #tpu.memory_space<vmem_shared>>
        tpu.enqueue_indirect_dma source(%dma_start3A_58 : memref<128x64xf32, #tpu.memory_space<vmem>>) target(%dma_start3A_64 : memref<10112x64xf32, #tpu.memory_space<vmem_shared>>) offsets(%dma_start3A_61 : memref<128xi32, #tpu.memory_space<vmem>>) semaphore(%run_scoped3A_54 : memref<!tpu.dma_semaphore, #tpu.memory_space<semaphore_mem>>) {add = true}
        %dma_wait3A_65 = arith.constant 0 : i32
        %dma_wait3A_66 = arith.constant 0 : i32
        %dma_wait3A_67 = tpu.memref_slice %arg9[%rem3A_26, %dma_wait3A_65, %dma_wait3A_66] : memref<2x128x64xf32, #tpu.memory_space<vmem>> -> memref<1x128x64xf32, #tpu.memory_space<vmem>>
        %dma_wait3A_68 = tpu.memref_squeeze %dma_wait3A_67 : memref<1x128x64xf32, #tpu.memory_space<vmem>> -> memref<128x64xf32, #tpu.memory_space<vmem>>
        %dma_wait3A_69 = arith.constant 0 : i32
        %dma_wait3A_70 = tpu.memref_slice %arg8[%scan3A_25, %dma_wait3A_69] : memref<79x128xi32, #tpu.memory_space<vmem>> -> memref<1x128xi32, #tpu.memory_space<vmem>>
        %dma_wait3A_71 = tpu.memref_squeeze %dma_wait3A_70 : memref<1x128xi32, #tpu.memory_space<vmem>> -> memref<128xi32, #tpu.memory_space<vmem>>
        %dma_wait3A_72 = arith.constant 0 : i32
        %dma_wait3A_73 = arith.constant 0 : i32
        %dma_wait3A_74 = tpu.memref_slice %arg10[%dma_wait3A_72, %dma_wait3A_73] : memref<10112x64xf32, #tpu.memory_space<vmem_shared>> -> memref<10112x64xf32, #tpu.memory_space<vmem_shared>>
        tpu.wait_indirect_dma semaphore(%run_scoped3A_54 : memref<!tpu.dma_semaphore, #tpu.memory_space<semaphore_mem>>) src(%dma_wait3A_68 : memref<128x64xf32, #tpu.memory_space<vmem>>) dst(%dma_wait3A_74 : memref<10112x64xf32, #tpu.memory_space<vmem_shared>>)
        tpu.yield
      }) : () -> ()
      %dma_wait3A = arith.constant 0 : i32
      %dma_wait3A_43 = arith.constant 0 : i32
      %dma_wait3A_44 = tpu.memref_slice %arg9[%sub3A_29, %dma_wait3A, %dma_wait3A_43] : memref<2x128x64xf32, #tpu.memory_space<vmem>> -> memref<1x128x64xf32, #tpu.memory_space<vmem>>
      %dma_wait3A_45 = tpu.memref_squeeze %dma_wait3A_44 : memref<1x128x64xf32, #tpu.memory_space<vmem>> -> memref<128x64xf32, #tpu.memory_space<vmem>>
      %dma_wait3A_46 = arith.constant 0 : i32
      %dma_wait3A_47 = tpu.memref_slice %arg7[%add3A_28, %dma_wait3A_46] : memref<79x128xi32, #tpu.memory_space<vmem>> -> memref<1x128xi32, #tpu.memory_space<vmem>>
      %dma_wait3A_48 = tpu.memref_squeeze %dma_wait3A_47 : memref<1x128xi32, #tpu.memory_space<vmem>> -> memref<128xi32, #tpu.memory_space<vmem>>
      %dma_wait3A_49 = arith.constant 0 : i32
      %dma_wait3A_50 = arith.constant 0 : i32
      %dma_wait3A_51 = tpu.memref_slice %arg2[%dma_wait3A_49, %dma_wait3A_50] : memref<10000x64xf32, #tpu.memory_space<hbm>> -> memref<10000x64xf32, #tpu.memory_space<hbm>>
      %dma_wait3A_52 = tpu.memref_slice %arg11[%sub3A_31] : memref<2x!tpu.dma_semaphore, #tpu.memory_space<semaphore_mem>> -> memref<1x!tpu.dma_semaphore, #tpu.memory_space<semaphore_mem>>
      %dma_wait3A_53 = tpu.memref_squeeze %dma_wait3A_52 : memref<1x!tpu.dma_semaphore, #tpu.memory_space<semaphore_mem>> -> memref<!tpu.dma_semaphore, #tpu.memory_space<semaphore_mem>>
      tpu.wait_indirect_dma semaphore(%dma_wait3A_53 : memref<!tpu.dma_semaphore, #tpu.memory_space<semaphore_mem>>) src(%dma_wait3A_51 : memref<10000x64xf32, #tpu.memory_space<hbm>>) dst(%dma_wait3A_45 : memref<128x64xf32, #tpu.memory_space<vmem>>)
    }
    %scan3A_16 = arith.constant 78 : i32
    %run_scoped3A_17 = arith.constant 0 : i32
    %run_scoped3A_18 = arith.constant 78 : i32
    "tpu.region"() ({
      %run_scoped3A_25 = tpu.sem_alloc : memref<!tpu.dma_semaphore, #tpu.memory_space<semaphore_mem>>
      %dma_start3A = arith.constant 0 : i32
      %dma_start3A_26 = arith.constant 0 : i32
      %dma_start3A_27 = tpu.memref_slice %arg9[%run_scoped3A_17, %dma_start3A, %dma_start3A_26] : memref<2x128x64xf32, #tpu.memory_space<vmem>> -> memref<1x128x64xf32, #tpu.memory_space<vmem>>
      %dma_start3A_28 = tpu.memref_squeeze %dma_start3A_27 : memref<1x128x64xf32, #tpu.memory_space<vmem>> -> memref<128x64xf32, #tpu.memory_space<vmem>>
      %dma_start3A_29 = arith.constant 0 : i32
      %dma_start3A_30 = tpu.memref_slice %arg8[%run_scoped3A_18, %dma_start3A_29] : memref<79x128xi32, #tpu.memory_space<vmem>> -> memref<1x128xi32, #tpu.memory_space<vmem>>
      %dma_start3A_31 = tpu.memref_squeeze %dma_start3A_30 : memref<1x128xi32, #tpu.memory_space<vmem>> -> memref<128xi32, #tpu.memory_space<vmem>>
      %dma_start3A_32 = arith.constant 0 : i32
      %dma_start3A_33 = arith.constant 0 : i32
      %dma_start3A_34 = tpu.memref_slice %arg10[%dma_start3A_32, %dma_start3A_33] : memref<10112x64xf32, #tpu.memory_space<vmem_shared>> -> memref<10112x64xf32, #tpu.memory_space<vmem_shared>>
      tpu.enqueue_indirect_dma source(%dma_start3A_28 : memref<128x64xf32, #tpu.memory_space<vmem>>) target(%dma_start3A_34 : memref<10112x64xf32, #tpu.memory_space<vmem_shared>>) offsets(%dma_start3A_31 : memref<128xi32, #tpu.memory_space<vmem>>) semaphore(%run_scoped3A_25 : memref<!tpu.dma_semaphore, #tpu.memory_space<semaphore_mem>>) {add = true}
      %dma_wait3A = arith.constant 0 : i32
      %dma_wait3A_35 = arith.constant 0 : i32
      %dma_wait3A_36 = tpu.memref_slice %arg9[%run_scoped3A_17, %dma_wait3A, %dma_wait3A_35] : memref<2x128x64xf32, #tpu.memory_space<vmem>> -> memref<1x128x64xf32, #tpu.memory_space<vmem>>
      %dma_wait3A_37 = tpu.memref_squeeze %dma_wait3A_36 : memref<1x128x64xf32, #tpu.memory_space<vmem>> -> memref<128x64xf32, #tpu.memory_space<vmem>>
      %dma_wait3A_38 = arith.constant 0 : i32
      %dma_wait3A_39 = tpu.memref_slice %arg8[%run_scoped3A_18, %dma_wait3A_38] : memref<79x128xi32, #tpu.memory_space<vmem>> -> memref<1x128xi32, #tpu.memory_space<vmem>>
      %dma_wait3A_40 = tpu.memref_squeeze %dma_wait3A_39 : memref<1x128xi32, #tpu.memory_space<vmem>> -> memref<128xi32, #tpu.memory_space<vmem>>
      %dma_wait3A_41 = arith.constant 0 : i32
      %dma_wait3A_42 = arith.constant 0 : i32
      %dma_wait3A_43 = tpu.memref_slice %arg10[%dma_wait3A_41, %dma_wait3A_42] : memref<10112x64xf32, #tpu.memory_space<vmem_shared>> -> memref<10112x64xf32, #tpu.memory_space<vmem_shared>>
      tpu.wait_indirect_dma semaphore(%run_scoped3A_25 : memref<!tpu.dma_semaphore, #tpu.memory_space<semaphore_mem>>) src(%dma_wait3A_37 : memref<128x64xf32, #tpu.memory_space<vmem>>) dst(%dma_wait3A_43 : memref<10112x64xf32, #tpu.memory_space<vmem_shared>>)
      tpu.yield
    }) : () -> ()
    %scan3A_19 = arith.constant 1 : i32
    %barrier3A_20 = arith.constant 0 : index
    tpu.barrier barrier_id(%barrier3A_20)
    %mul3A_21 = arith.constant 632 : i32
    %mul3A_22 = arith.muli %arg1, %mul3A_21 : i32
    %mul3A_23 = arith.constant 632 : i32
    %mul3A_24 = arith.muli %arg1, %mul3A_23 : i32
    "tpu.region"() ({
      %run_scoped3A_25 = tpu.sem_alloc : memref<!tpu.dma_semaphore, #tpu.memory_space<semaphore_mem>>
      %dma_start3A = arith.constant 0 : i32
      %dma_start3A_26 = arith.constant 0 : i32
      %dma_start3A_27 = tpu.memref_slice %arg6[%arg0, %dma_start3A, %dma_start3A_26] : memref<2x10112x64xf32, #tpu.memory_space<hbm>> -> memref<1x10112x64xf32, #tpu.memory_space<hbm>>
      %dma_start3A_28 = tpu.memref_squeeze %dma_start3A_27 : memref<1x10112x64xf32, #tpu.memory_space<hbm>> -> memref<10112x64xf32, #tpu.memory_space<hbm>>
      %dma_start3A_29 = arith.constant 0 : i32
      %dma_start3A_30 = tpu.memref_slice %dma_start3A_28[%mul3A_24, %dma_start3A_29] : memref<10112x64xf32, #tpu.memory_space<hbm>> -> memref<632x64xf32, #tpu.memory_space<hbm>>
      %dma_start3A_31 = arith.constant 0 : i32
      %dma_start3A_32 = tpu.memref_slice %arg10[%mul3A_22, %dma_start3A_31] : memref<10112x64xf32, #tpu.memory_space<vmem_shared>> -> memref<632x64xf32, #tpu.memory_space<vmem_shared>>
      tpu.enqueue_dma source(%dma_start3A_32 : memref<632x64xf32, #tpu.memory_space<vmem_shared>>) target(%dma_start3A_30 : memref<632x64xf32, #tpu.memory_space<hbm>>) target_semaphore(%run_scoped3A_25 : memref<!tpu.dma_semaphore, #tpu.memory_space<semaphore_mem>>)
      %dma_wait3A = arith.constant 0 : i32
      %dma_wait3A_33 = arith.constant 0 : i32
      %dma_wait3A_34 = tpu.memref_slice %arg6[%arg0, %dma_wait3A, %dma_wait3A_33] : memref<2x10112x64xf32, #tpu.memory_space<hbm>> -> memref<1x10112x64xf32, #tpu.memory_space<hbm>>
      %dma_wait3A_35 = tpu.memref_squeeze %dma_wait3A_34 : memref<1x10112x64xf32, #tpu.memory_space<hbm>> -> memref<10112x64xf32, #tpu.memory_space<hbm>>
      %dma_wait3A_36 = arith.constant 0 : i32
      %dma_wait3A_37 = tpu.memref_slice %dma_wait3A_35[%mul3A_24, %dma_wait3A_36] : memref<10112x64xf32, #tpu.memory_space<hbm>> -> memref<632x64xf32, #tpu.memory_space<hbm>>
      %dma_wait3A_38 = arith.constant 0 : i32
      %dma_wait3A_39 = tpu.memref_slice %arg10[%mul3A_22, %dma_wait3A_38] : memref<10112x64xf32, #tpu.memory_space<vmem_shared>> -> memref<632x64xf32, #tpu.memory_space<vmem_shared>>
      tpu.wait_dma2 semaphore(%run_scoped3A_25 : memref<!tpu.dma_semaphore, #tpu.memory_space<semaphore_mem>>) src(%dma_wait3A_39 : memref<632x64xf32, #tpu.memory_space<vmem_shared>>) dst(%dma_wait3A_37 : memref<632x64xf32, #tpu.memory_space<hbm>>)
      tpu.yield
    }) : () -> ()
    return
  }
}

#map = affine_map<(d0, d1) -> (0, 0)>
#map1 = affine_map<(d0, d1) -> (0, 0, 0)>
module attributes {stable_mosaic.version = 14 : i64} {
  func.func @seg_sum(%arg0: i32, %arg1: i32, %arg2: memref<10000x64xf32, #tpu.memory_space<hbm>>, %arg3: memref<32x79x128xi32, #tpu.memory_space<hbm>>, %arg4: memref<32x79x128xi32, #tpu.memory_space<hbm>>, %arg5: memref<10112x64xf32, #tpu.memory_space<hbm>>, %arg6: memref<2x10112x64xf32, #tpu.memory_space<hbm>>, %arg7: memref<79x128xi32, #tpu.memory_space<vmem>>, %arg8: memref<79x128xi32, #tpu.memory_space<vmem>>, %arg9: memref<2x128x64xf32, #tpu.memory_space<vmem>>, %arg10: memref<10112x64xf32, #tpu.memory_space<vmem_shared>>, %arg11: memref<2x!tpu.dma_semaphore, #tpu.memory_space<semaphore_mem>>) attributes {dimension_semantics = [#tpu.dimension_semantics<core_parallel>, #tpu.dimension_semantics<subcore_parallel>], iteration_bounds = array<i64: 2, 16>, scalar_prefetch = 0 : i64, scratch_operands = 5 : i64, tpu.core_type = #tpu.core_type<sc_vector_subcore>, window_params = [{transform_indices = #map}, {transform_indices = #map1}, {transform_indices = #map1}, {transform_indices = #map}, {transform_indices = #map1}]} {
    %mul3A = arith.constant 2 : i32
    %mul3A_0 = arith.muli %arg1, %mul3A : i32
    %add3A = arith.addi %mul3A_0, %arg0 : i32
    %mul3A_1 = arith.constant 632 : i32
    %mul3A_2 = arith.muli %arg1, %mul3A_1 : i32
    %mul3A_3 = arith.constant 632 : i32
    %mul3A_4 = arith.muli %arg1, %mul3A_3 : i32
    "tpu.region"() ({
      %run_scoped3A_25 = tpu.sem_alloc : memref<!tpu.dma_semaphore, #tpu.memory_space<semaphore_mem>>
      %dma_start3A = arith.constant 0 : i32
      %dma_start3A_26 = tpu.memref_slice %arg10[%mul3A_4, %dma_start3A] : memref<10112x64xf32, #tpu.memory_space<vmem_shared>> -> memref<632x64xf32, #tpu.memory_space<vmem_shared>>
      %dma_start3A_27 = arith.constant 0 : i32
      %dma_start3A_28 = tpu.memref_slice %arg5[%mul3A_2, %dma_start3A_27] : memref<10112x64xf32, #tpu.memory_space<hbm>> -> memref<632x64xf32, #tpu.memory_space<hbm>>
      tpu.enqueue_dma source(%dma_start3A_28 : memref<632x64xf32, #tpu.memory_space<hbm>>) target(%dma_start3A_26 : memref<632x64xf32, #tpu.memory_space<vmem_shared>>) target_semaphore(%run_scoped3A_25 : memref<!tpu.dma_semaphore, #tpu.memory_space<semaphore_mem>>)
      %dma_wait3A = arith.constant 0 : i32
      %dma_wait3A_29 = tpu.memref_slice %arg10[%mul3A_4, %dma_wait3A] : memref<10112x64xf32, #tpu.memory_space<vmem_shared>> -> memref<632x64xf32, #tpu.memory_space<vmem_shared>>
      %dma_wait3A_30 = arith.constant 0 : i32
      %dma_wait3A_31 = tpu.memref_slice %arg5[%mul3A_2, %dma_wait3A_30] : memref<10112x64xf32, #tpu.memory_space<hbm>> -> memref<632x64xf32, #tpu.memory_space<hbm>>
      tpu.wait_dma2 semaphore(%run_scoped3A_25 : memref<!tpu.dma_semaphore, #tpu.memory_space<semaphore_mem>>) src(%dma_wait3A_31 : memref<632x64xf32, #tpu.memory_space<hbm>>) dst(%dma_wait3A_29 : memref<632x64xf32, #tpu.memory_space<vmem_shared>>)
      tpu.yield
    }) : () -> ()
    %barrier3A = arith.constant 0 : index
    tpu.barrier barrier_id(%barrier3A)
    %scan3A = arith.constant 0 : i32
    %scan3A_5 = arith.constant 0 : i32
    %mul3A_6 = arith.constant 79 : i32
    %mul3A_7 = arith.muli %scan3A_5, %mul3A_6 : i32
    "tpu.region"() ({
      %run_scoped3A_25 = tpu.sem_alloc : memref<!tpu.dma_semaphore, #tpu.memory_space<semaphore_mem>>
      %dma_start3A = arith.constant 0 : i32
      %dma_start3A_26 = arith.constant 0 : i32
      %dma_start3A_27 = tpu.memref_slice %arg3[%add3A, %dma_start3A, %dma_start3A_26] : memref<32x79x128xi32, #tpu.memory_space<hbm>> -> memref<1x79x128xi32, #tpu.memory_space<hbm>>
      %dma_start3A_28 = tpu.memref_squeeze %dma_start3A_27 : memref<1x79x128xi32, #tpu.memory_space<hbm>> -> memref<79x128xi32, #tpu.memory_space<hbm>>
      %dma_start3A_29 = arith.constant 0 : i32
      %dma_start3A_30 = tpu.memref_slice %dma_start3A_28[%mul3A_7, %dma_start3A_29] : memref<79x128xi32, #tpu.memory_space<hbm>> -> memref<79x128xi32, #tpu.memory_space<hbm>>
      %dma_start3A_31 = arith.constant 0 : i32
      %dma_start3A_32 = arith.constant 0 : i32
      %dma_start3A_33 = tpu.memref_slice %arg3[%add3A, %dma_start3A_31, %dma_start3A_32] : memref<32x79x128xi32, #tpu.memory_space<hbm>> -> memref<1x79x128xi32, #tpu.memory_space<hbm>>
      %dma_start3A_34 = tpu.memref_squeeze %dma_start3A_33 : memref<1x79x128xi32, #tpu.memory_space<hbm>> -> memref<79x128xi32, #tpu.memory_space<hbm>>
      %dma_start3A_35 = arith.constant 0 : i32
      %dma_start3A_36 = tpu.memref_slice %dma_start3A_34[%mul3A_7, %dma_start3A_35] : memref<79x128xi32, #tpu.memory_space<hbm>> -> memref<79x128xi32, #tpu.memory_space<hbm>>
      tpu.enqueue_dma source(%dma_start3A_36 : memref<79x128xi32, #tpu.memory_space<hbm>>) target(%arg7 : memref<79x128xi32, #tpu.memory_space<vmem>>) target_semaphore(%run_scoped3A_25 : memref<!tpu.dma_semaphore, #tpu.memory_space<semaphore_mem>>)
      %dma_wait3A = arith.constant 0 : i32
      %dma_wait3A_37 = arith.constant 0 : i32
      %dma_wait3A_38 = tpu.memref_slice %arg3[%add3A, %dma_wait3A, %dma_wait3A_37] : memref<32x79x128xi32, #tpu.memory_space<hbm>> -> memref<1x79x128xi32, #tpu.memory_space<hbm>>
      %dma_wait3A_39 = tpu.memref_squeeze %dma_wait3A_38 : memref<1x79x128xi32, #tpu.memory_space<hbm>> -> memref<79x128xi32, #tpu.memory_space<hbm>>
      %dma_wait3A_40 = arith.constant 0 : i32
      %dma_wait3A_41 = tpu.memref_slice %dma_wait3A_39[%mul3A_7, %dma_wait3A_40] : memref<79x128xi32, #tpu.memory_space<hbm>> -> memref<79x128xi32, #tpu.memory_space<hbm>>
      %dma_wait3A_42 = arith.constant 0 : i32
      %dma_wait3A_43 = arith.constant 0 : i32
      %dma_wait3A_44 = tpu.memref_slice %arg3[%add3A, %dma_wait3A_42, %dma_wait3A_43] : memref<32x79x128xi32, #tpu.memory_space<hbm>> -> memref<1x79x128xi32, #tpu.memory_space<hbm>>
      %dma_wait3A_45 = tpu.memref_squeeze %dma_wait3A_44 : memref<1x79x128xi32, #tpu.memory_space<hbm>> -> memref<79x128xi32, #tpu.memory_space<hbm>>
      %dma_wait3A_46 = arith.constant 0 : i32
      %dma_wait3A_47 = tpu.memref_slice %dma_wait3A_45[%mul3A_7, %dma_wait3A_46] : memref<79x128xi32, #tpu.memory_space<hbm>> -> memref<79x128xi32, #tpu.memory_space<hbm>>
      tpu.wait_dma2 semaphore(%run_scoped3A_25 : memref<!tpu.dma_semaphore, #tpu.memory_space<semaphore_mem>>) src(%dma_wait3A_47 : memref<79x128xi32, #tpu.memory_space<hbm>>) dst(%arg7 : memref<79x128xi32, #tpu.memory_space<vmem>>)
      tpu.yield
    }) : () -> ()
    %mul3A_8 = arith.constant 79 : i32
    %mul3A_9 = arith.muli %scan3A_5, %mul3A_8 : i32
    "tpu.region"() ({
      %run_scoped3A_25 = tpu.sem_alloc : memref<!tpu.dma_semaphore, #tpu.memory_space<semaphore_mem>>
      %dma_start3A = arith.constant 0 : i32
      %dma_start3A_26 = arith.constant 0 : i32
      %dma_start3A_27 = tpu.memref_slice %arg4[%add3A, %dma_start3A, %dma_start3A_26] : memref<32x79x128xi32, #tpu.memory_space<hbm>> -> memref<1x79x128xi32, #tpu.memory_space<hbm>>
      %dma_start3A_28 = tpu.memref_squeeze %dma_start3A_27 : memref<1x79x128xi32, #tpu.memory_space<hbm>> -> memref<79x128xi32, #tpu.memory_space<hbm>>
      %dma_start3A_29 = arith.constant 0 : i32
      %dma_start3A_30 = tpu.memref_slice %dma_start3A_28[%mul3A_9, %dma_start3A_29] : memref<79x128xi32, #tpu.memory_space<hbm>> -> memref<79x128xi32, #tpu.memory_space<hbm>>
      %dma_start3A_31 = arith.constant 0 : i32
      %dma_start3A_32 = arith.constant 0 : i32
      %dma_start3A_33 = tpu.memref_slice %arg4[%add3A, %dma_start3A_31, %dma_start3A_32] : memref<32x79x128xi32, #tpu.memory_space<hbm>> -> memref<1x79x128xi32, #tpu.memory_space<hbm>>
      %dma_start3A_34 = tpu.memref_squeeze %dma_start3A_33 : memref<1x79x128xi32, #tpu.memory_space<hbm>> -> memref<79x128xi32, #tpu.memory_space<hbm>>
      %dma_start3A_35 = arith.constant 0 : i32
      %dma_start3A_36 = tpu.memref_slice %dma_start3A_34[%mul3A_9, %dma_start3A_35] : memref<79x128xi32, #tpu.memory_space<hbm>> -> memref<79x128xi32, #tpu.memory_space<hbm>>
      tpu.enqueue_dma source(%dma_start3A_36 : memref<79x128xi32, #tpu.memory_space<hbm>>) target(%arg8 : memref<79x128xi32, #tpu.memory_space<vmem>>) target_semaphore(%run_scoped3A_25 : memref<!tpu.dma_semaphore, #tpu.memory_space<semaphore_mem>>)
      %dma_wait3A = arith.constant 0 : i32
      %dma_wait3A_37 = arith.constant 0 : i32
      %dma_wait3A_38 = tpu.memref_slice %arg4[%add3A, %dma_wait3A, %dma_wait3A_37] : memref<32x79x128xi32, #tpu.memory_space<hbm>> -> memref<1x79x128xi32, #tpu.memory_space<hbm>>
      %dma_wait3A_39 = tpu.memref_squeeze %dma_wait3A_38 : memref<1x79x128xi32, #tpu.memory_space<hbm>> -> memref<79x128xi32, #tpu.memory_space<hbm>>
      %dma_wait3A_40 = arith.constant 0 : i32
      %dma_wait3A_41 = tpu.memref_slice %dma_wait3A_39[%mul3A_9, %dma_wait3A_40] : memref<79x128xi32, #tpu.memory_space<hbm>> -> memref<79x128xi32, #tpu.memory_space<hbm>>
      %dma_wait3A_42 = arith.constant 0 : i32
      %dma_wait3A_43 = arith.constant 0 : i32
      %dma_wait3A_44 = tpu.memref_slice %arg4[%add3A, %dma_wait3A_42, %dma_wait3A_43] : memref<32x79x128xi32, #tpu.memory_space<hbm>> -> memref<1x79x128xi32, #tpu.memory_space<hbm>>
      %dma_wait3A_45 = tpu.memref_squeeze %dma_wait3A_44 : memref<1x79x128xi32, #tpu.memory_space<hbm>> -> memref<79x128xi32, #tpu.memory_space<hbm>>
      %dma_wait3A_46 = arith.constant 0 : i32
      %dma_wait3A_47 = tpu.memref_slice %dma_wait3A_45[%mul3A_9, %dma_wait3A_46] : memref<79x128xi32, #tpu.memory_space<hbm>> -> memref<79x128xi32, #tpu.memory_space<hbm>>
      tpu.wait_dma2 semaphore(%run_scoped3A_25 : memref<!tpu.dma_semaphore, #tpu.memory_space<semaphore_mem>>) src(%dma_wait3A_47 : memref<79x128xi32, #tpu.memory_space<hbm>>) dst(%arg8 : memref<79x128xi32, #tpu.memory_space<vmem>>)
      tpu.yield
    }) : () -> ()
    %run_scoped3A = arith.constant 0 : i32
    %run_scoped3A_10 = arith.constant 0 : i32
    "tpu.region"() ({
      %run_scoped3A_25 = tpu.sem_alloc : memref<!tpu.dma_semaphore, #tpu.memory_space<semaphore_mem>>
      %dma_start3A = arith.constant 0 : i32
      %dma_start3A_26 = arith.constant 0 : i32
      %dma_start3A_27 = tpu.memref_slice %arg9[%run_scoped3A_10, %dma_start3A, %dma_start3A_26] : memref<2x128x64xf32, #tpu.memory_space<vmem>> -> memref<1x128x64xf32, #tpu.memory_space<vmem>>
      %dma_start3A_28 = tpu.memref_squeeze %dma_start3A_27 : memref<1x128x64xf32, #tpu.memory_space<vmem>> -> memref<128x64xf32, #tpu.memory_space<vmem>>
      %dma_start3A_29 = arith.constant 0 : i32
      %dma_start3A_30 = tpu.memref_slice %arg7[%run_scoped3A, %dma_start3A_29] : memref<79x128xi32, #tpu.memory_space<vmem>> -> memref<1x128xi32, #tpu.memory_space<vmem>>
      %dma_start3A_31 = tpu.memref_squeeze %dma_start3A_30 : memref<1x128xi32, #tpu.memory_space<vmem>> -> memref<128xi32, #tpu.memory_space<vmem>>
      %dma_start3A_32 = arith.constant 0 : i32
      %dma_start3A_33 = arith.constant 0 : i32
      %dma_start3A_34 = tpu.memref_slice %arg2[%dma_start3A_32, %dma_start3A_33] : memref<10000x64xf32, #tpu.memory_space<hbm>> -> memref<10000x64xf32, #tpu.memory_space<hbm>>
      tpu.enqueue_indirect_dma source(%dma_start3A_34 : memref<10000x64xf32, #tpu.memory_space<hbm>>) target(%dma_start3A_28 : memref<128x64xf32, #tpu.memory_space<vmem>>) offsets(%dma_start3A_31 : memref<128xi32, #tpu.memory_space<vmem>>) semaphore(%run_scoped3A_25 : memref<!tpu.dma_semaphore, #tpu.memory_space<semaphore_mem>>)
      %dma_wait3A = arith.constant 0 : i32
      %dma_wait3A_35 = arith.constant 0 : i32
      %dma_wait3A_36 = tpu.memref_slice %arg9[%run_scoped3A_10, %dma_wait3A, %dma_wait3A_35] : memref<2x128x64xf32, #tpu.memory_space<vmem>> -> memref<1x128x64xf32, #tpu.memory_space<vmem>>
      %dma_wait3A_37 = tpu.memref_squeeze %dma_wait3A_36 : memref<1x128x64xf32, #tpu.memory_space<vmem>> -> memref<128x64xf32, #tpu.memory_space<vmem>>
      %dma_wait3A_38 = arith.constant 0 : i32
      %dma_wait3A_39 = tpu.memref_slice %arg7[%run_scoped3A, %dma_wait3A_38] : memref<79x128xi32, #tpu.memory_space<vmem>> -> memref<1x128xi32, #tpu.memory_space<vmem>>
      %dma_wait3A_40 = tpu.memref_squeeze %dma_wait3A_39 : memref<1x128xi32, #tpu.memory_space<vmem>> -> memref<128xi32, #tpu.memory_space<vmem>>
      %dma_wait3A_41 = arith.constant 0 : i32
      %dma_wait3A_42 = arith.constant 0 : i32
      %dma_wait3A_43 = tpu.memref_slice %arg2[%dma_wait3A_41, %dma_wait3A_42] : memref<10000x64xf32, #tpu.memory_space<hbm>> -> memref<10000x64xf32, #tpu.memory_space<hbm>>
      tpu.wait_indirect_dma semaphore(%run_scoped3A_25 : memref<!tpu.dma_semaphore, #tpu.memory_space<semaphore_mem>>) src(%dma_wait3A_43 : memref<10000x64xf32, #tpu.memory_space<hbm>>) dst(%dma_wait3A_37 : memref<128x64xf32, #tpu.memory_space<vmem>>)
      tpu.yield
    }) : () -> ()
    %scan3A_11 = arith.constant 0 : i32
    %scan3A_12 = arith.constant 0 : i32
    %scan3A_13 = arith.constant 78 : i32
    %scan3A_14 = arith.addi %scan3A_12, %scan3A_13 : i32
    %scan3A_15 = arith.constant 1 : i32
    scf.for %scan3A_25 = %scan3A_12 to %scan3A_14 step %scan3A_15  : i32 {
      %rem3A = arith.constant 2 : i32
      %rem3A_26 = arith.remsi %scan3A_25, %rem3A : i32
      %add3A_27 = arith.constant 1 : i32
      %add3A_28 = arith.addi %scan3A_25, %add3A_27 : i32
      %sub3A = arith.constant 1 : i32
      %sub3A_29 = arith.subi %sub3A, %rem3A_26 : i32
      %sub3A_30 = arith.constant 1 : i32
      %sub3A_31 = arith.subi %sub3A_30, %rem3A_26 : i32
      %dma_start3A = arith.constant 0 : i32
      %dma_start3A_32 = arith.constant 0 : i32
      %dma_start3A_33 = tpu.memref_slice %arg9[%sub3A_29, %dma_start3A, %dma_start3A_32] : memref<2x128x64xf32, #tpu.memory_space<vmem>> -> memref<1x128x64xf32, #tpu.memory_space<vmem>>
      %dma_start3A_34 = tpu.memref_squeeze %dma_start3A_33 : memref<1x128x64xf32, #tpu.memory_space<vmem>> -> memref<128x64xf32, #tpu.memory_space<vmem>>
      %dma_start3A_35 = arith.constant 0 : i32
      %dma_start3A_36 = tpu.memref_slice %arg7[%add3A_28, %dma_start3A_35] : memref<79x128xi32, #tpu.memory_space<vmem>> -> memref<1x128xi32, #tpu.memory_space<vmem>>
      %dma_start3A_37 = tpu.memref_squeeze %dma_start3A_36 : memref<1x128xi32, #tpu.memory_space<vmem>> -> memref<128xi32, #tpu.memory_space<vmem>>
      %dma_start3A_38 = arith.constant 0 : i32
      %dma_start3A_39 = arith.constant 0 : i32
      %dma_start3A_40 = tpu.memref_slice %arg2[%dma_start3A_38, %dma_start3A_39] : memref<10000x64xf32, #tpu.memory_space<hbm>> -> memref<10000x64xf32, #tpu.memory_space<hbm>>
      %dma_start3A_41 = tpu.memref_slice %arg11[%sub3A_31] : memref<2x!tpu.dma_semaphore, #tpu.memory_space<semaphore_mem>> -> memref<1x!tpu.dma_semaphore, #tpu.memory_space<semaphore_mem>>
      %dma_start3A_42 = tpu.memref_squeeze %dma_start3A_41 : memref<1x!tpu.dma_semaphore, #tpu.memory_space<semaphore_mem>> -> memref<!tpu.dma_semaphore, #tpu.memory_space<semaphore_mem>>
      tpu.enqueue_indirect_dma source(%dma_start3A_40 : memref<10000x64xf32, #tpu.memory_space<hbm>>) target(%dma_start3A_34 : memref<128x64xf32, #tpu.memory_space<vmem>>) offsets(%dma_start3A_37 : memref<128xi32, #tpu.memory_space<vmem>>) semaphore(%dma_start3A_42 : memref<!tpu.dma_semaphore, #tpu.memory_space<semaphore_mem>>)
      "tpu.region"() ({
        %run_scoped3A_54 = tpu.sem_alloc : memref<!tpu.dma_semaphore, #tpu.memory_space<semaphore_mem>>
        %dma_start3A_55 = arith.constant 0 : i32
        %dma_start3A_56 = arith.constant 0 : i32
        %dma_start3A_57 = tpu.memref_slice %arg9[%rem3A_26, %dma_start3A_55, %dma_start3A_56] : memref<2x128x64xf32, #tpu.memory_space<vmem>> -> memref<1x128x64xf32, #tpu.memory_space<vmem>>
        %dma_start3A_58 = tpu.memref_squeeze %dma_start3A_57 : memref<1x128x64xf32, #tpu.memory_space<vmem>> -> memref<128x64xf32, #tpu.memory_space<vmem>>
        %dma_start3A_59 = arith.constant 0 : i32
        %dma_start3A_60 = tpu.memref_slice %arg8[%scan3A_25, %dma_start3A_59] : memref<79x128xi32, #tpu.memory_space<vmem>> -> memref<1x128xi32, #tpu.memory_space<vmem>>
        %dma_start3A_61 = tpu.memref_squeeze %dma_start3A_60 : memref<1x128xi32, #tpu.memory_space<vmem>> -> memref<128xi32, #tpu.memory_space<vmem>>
        %dma_start3A_62 = arith.constant 0 : i32
        %dma_start3A_63 = arith.constant 0 : i32
        %dma_start3A_64 = tpu.memref_slice %arg10[%dma_start3A_62, %dma_start3A_63] : memref<10112x64xf32, #tpu.memory_space<vmem_shared>> -> memref<10112x64xf32, #tpu.memory_space<vmem_shared>>
        tpu.enqueue_indirect_dma source(%dma_start3A_58 : memref<128x64xf32, #tpu.memory_space<vmem>>) target(%dma_start3A_64 : memref<10112x64xf32, #tpu.memory_space<vmem_shared>>) offsets(%dma_start3A_61 : memref<128xi32, #tpu.memory_space<vmem>>) semaphore(%run_scoped3A_54 : memref<!tpu.dma_semaphore, #tpu.memory_space<semaphore_mem>>) {add = true}
        %dma_wait3A_65 = arith.constant 0 : i32
        %dma_wait3A_66 = arith.constant 0 : i32
        %dma_wait3A_67 = tpu.memref_slice %arg9[%rem3A_26, %dma_wait3A_65, %dma_wait3A_66] : memref<2x128x64xf32, #tpu.memory_space<vmem>> -> memref<1x128x64xf32, #tpu.memory_space<vmem>>
        %dma_wait3A_68 = tpu.memref_squeeze %dma_wait3A_67 : memref<1x128x64xf32, #tpu.memory_space<vmem>> -> memref<128x64xf32, #tpu.memory_space<vmem>>
        %dma_wait3A_69 = arith.constant 0 : i32
        %dma_wait3A_70 = tpu.memref_slice %arg8[%scan3A_25, %dma_wait3A_69] : memref<79x128xi32, #tpu.memory_space<vmem>> -> memref<1x128xi32, #tpu.memory_space<vmem>>
        %dma_wait3A_71 = tpu.memref_squeeze %dma_wait3A_70 : memref<1x128xi32, #tpu.memory_space<vmem>> -> memref<128xi32, #tpu.memory_space<vmem>>
        %dma_wait3A_72 = arith.constant 0 : i32
        %dma_wait3A_73 = arith.constant 0 : i32
        %dma_wait3A_74 = tpu.memref_slice %arg10[%dma_wait3A_72, %dma_wait3A_73] : memref<10112x64xf32, #tpu.memory_space<vmem_shared>> -> memref<10112x64xf32, #tpu.memory_space<vmem_shared>>
        tpu.wait_indirect_dma semaphore(%run_scoped3A_54 : memref<!tpu.dma_semaphore, #tpu.memory_space<semaphore_mem>>) src(%dma_wait3A_68 : memref<128x64xf32, #tpu.memory_space<vmem>>) dst(%dma_wait3A_74 : memref<10112x64xf32, #tpu.memory_space<vmem_shared>>)
        tpu.yield
      }) : () -> ()
      %dma_wait3A = arith.constant 0 : i32
      %dma_wait3A_43 = arith.constant 0 : i32
      %dma_wait3A_44 = tpu.memref_slice %arg9[%sub3A_29, %dma_wait3A, %dma_wait3A_43] : memref<2x128x64xf32, #tpu.memory_space<vmem>> -> memref<1x128x64xf32, #tpu.memory_space<vmem>>
      %dma_wait3A_45 = tpu.memref_squeeze %dma_wait3A_44 : memref<1x128x64xf32, #tpu.memory_space<vmem>> -> memref<128x64xf32, #tpu.memory_space<vmem>>
      %dma_wait3A_46 = arith.constant 0 : i32
      %dma_wait3A_47 = tpu.memref_slice %arg7[%add3A_28, %dma_wait3A_46] : memref<79x128xi32, #tpu.memory_space<vmem>> -> memref<1x128xi32, #tpu.memory_space<vmem>>
      %dma_wait3A_48 = tpu.memref_squeeze %dma_wait3A_47 : memref<1x128xi32, #tpu.memory_space<vmem>> -> memref<128xi32, #tpu.memory_space<vmem>>
      %dma_wait3A_49 = arith.constant 0 : i32
      %dma_wait3A_50 = arith.constant 0 : i32
      %dma_wait3A_51 = tpu.memref_slice %arg2[%dma_wait3A_49, %dma_wait3A_50] : memref<10000x64xf32, #tpu.memory_space<hbm>> -> memref<10000x64xf32, #tpu.memory_space<hbm>>
      %dma_wait3A_52 = tpu.memref_slice %arg11[%sub3A_31] : memref<2x!tpu.dma_semaphore, #tpu.memory_space<semaphore_mem>> -> memref<1x!tpu.dma_semaphore, #tpu.memory_space<semaphore_mem>>
      %dma_wait3A_53 = tpu.memref_squeeze %dma_wait3A_52 : memref<1x!tpu.dma_semaphore, #tpu.memory_space<semaphore_mem>> -> memref<!tpu.dma_semaphore, #tpu.memory_space<semaphore_mem>>
      tpu.wait_indirect_dma semaphore(%dma_wait3A_53 : memref<!tpu.dma_semaphore, #tpu.memory_space<semaphore_mem>>) src(%dma_wait3A_51 : memref<10000x64xf32, #tpu.memory_space<hbm>>) dst(%dma_wait3A_45 : memref<128x64xf32, #tpu.memory_space<vmem>>)
    }
    %scan3A_16 = arith.constant 78 : i32
    %run_scoped3A_17 = arith.constant 0 : i32
    %run_scoped3A_18 = arith.constant 78 : i32
    "tpu.region"() ({
      %run_scoped3A_25 = tpu.sem_alloc : memref<!tpu.dma_semaphore, #tpu.memory_space<semaphore_mem>>
      %dma_start3A = arith.constant 0 : i32
      %dma_start3A_26 = arith.constant 0 : i32
      %dma_start3A_27 = tpu.memref_slice %arg9[%run_scoped3A_17, %dma_start3A, %dma_start3A_26] : memref<2x128x64xf32, #tpu.memory_space<vmem>> -> memref<1x128x64xf32, #tpu.memory_space<vmem>>
      %dma_start3A_28 = tpu.memref_squeeze %dma_start3A_27 : memref<1x128x64xf32, #tpu.memory_space<vmem>> -> memref<128x64xf32, #tpu.memory_space<vmem>>
      %dma_start3A_29 = arith.constant 0 : i32
      %dma_start3A_30 = tpu.memref_slice %arg8[%run_scoped3A_18, %dma_start3A_29] : memref<79x128xi32, #tpu.memory_space<vmem>> -> memref<1x128xi32, #tpu.memory_space<vmem>>
      %dma_start3A_31 = tpu.memref_squeeze %dma_start3A_30 : memref<1x128xi32, #tpu.memory_space<vmem>> -> memref<128xi32, #tpu.memory_space<vmem>>
      %dma_start3A_32 = arith.constant 0 : i32
      %dma_start3A_33 = arith.constant 0 : i32
      %dma_start3A_34 = tpu.memref_slice %arg10[%dma_start3A_32, %dma_start3A_33] : memref<10112x64xf32, #tpu.memory_space<vmem_shared>> -> memref<10112x64xf32, #tpu.memory_space<vmem_shared>>
      tpu.enqueue_indirect_dma source(%dma_start3A_28 : memref<128x64xf32, #tpu.memory_space<vmem>>) target(%dma_start3A_34 : memref<10112x64xf32, #tpu.memory_space<vmem_shared>>) offsets(%dma_start3A_31 : memref<128xi32, #tpu.memory_space<vmem>>) semaphore(%run_scoped3A_25 : memref<!tpu.dma_semaphore, #tpu.memory_space<semaphore_mem>>) {add = true}
      %dma_wait3A = arith.constant 0 : i32
      %dma_wait3A_35 = arith.constant 0 : i32
      %dma_wait3A_36 = tpu.memref_slice %arg9[%run_scoped3A_17, %dma_wait3A, %dma_wait3A_35] : memref<2x128x64xf32, #tpu.memory_space<vmem>> -> memref<1x128x64xf32, #tpu.memory_space<vmem>>
      %dma_wait3A_37 = tpu.memref_squeeze %dma_wait3A_36 : memref<1x128x64xf32, #tpu.memory_space<vmem>> -> memref<128x64xf32, #tpu.memory_space<vmem>>
      %dma_wait3A_38 = arith.constant 0 : i32
      %dma_wait3A_39 = tpu.memref_slice %arg8[%run_scoped3A_18, %dma_wait3A_38] : memref<79x128xi32, #tpu.memory_space<vmem>> -> memref<1x128xi32, #tpu.memory_space<vmem>>
      %dma_wait3A_40 = tpu.memref_squeeze %dma_wait3A_39 : memref<1x128xi32, #tpu.memory_space<vmem>> -> memref<128xi32, #tpu.memory_space<vmem>>
      %dma_wait3A_41 = arith.constant 0 : i32
      %dma_wait3A_42 = arith.constant 0 : i32
      %dma_wait3A_43 = tpu.memref_slice %arg10[%dma_wait3A_41, %dma_wait3A_42] : memref<10112x64xf32, #tpu.memory_space<vmem_shared>> -> memref<10112x64xf32, #tpu.memory_space<vmem_shared>>
      tpu.wait_indirect_dma semaphore(%run_scoped3A_25 : memref<!tpu.dma_semaphore, #tpu.memory_space<semaphore_mem>>) src(%dma_wait3A_37 : memref<128x64xf32, #tpu.memory_space<vmem>>) dst(%dma_wait3A_43 : memref<10112x64xf32, #tpu.memory_space<vmem_shared>>)
      tpu.yield
    }) : () -> ()
    %scan3A_19 = arith.constant 1 : i32
    %barrier3A_20 = arith.constant 0 : index
    tpu.barrier barrier_id(%barrier3A_20)
    %mul3A_21 = arith.constant 632 : i32
    %mul3A_22 = arith.muli %arg1, %mul3A_21 : i32
    %mul3A_23 = arith.constant 632 : i32
    %mul3A_24 = arith.muli %arg1, %mul3A_23 : i32
    "tpu.region"() ({
      %run_scoped3A_25 = tpu.sem_alloc : memref<!tpu.dma_semaphore, #tpu.memory_space<semaphore_mem>>
      %dma_start3A = arith.constant 0 : i32
      %dma_start3A_26 = arith.constant 0 : i32
      %dma_start3A_27 = tpu.memref_slice %arg6[%arg0, %dma_start3A, %dma_start3A_26] : memref<2x10112x64xf32, #tpu.memory_space<hbm>> -> memref<1x10112x64xf32, #tpu.memory_space<hbm>>
      %dma_start3A_28 = tpu.memref_squeeze %dma_start3A_27 : memref<1x10112x64xf32, #tpu.memory_space<hbm>> -> memref<10112x64xf32, #tpu.memory_space<hbm>>
      %dma_start3A_29 = arith.constant 0 : i32
      %dma_start3A_30 = tpu.memref_slice %dma_start3A_28[%mul3A_24, %dma_start3A_29] : memref<10112x64xf32, #tpu.memory_space<hbm>> -> memref<632x64xf32, #tpu.memory_space<hbm>>
      %dma_start3A_31 = arith.constant 0 : i32
      %dma_start3A_32 = tpu.memref_slice %arg10[%mul3A_22, %dma_start3A_31] : memref<10112x64xf32, #tpu.memory_space<vmem_shared>> -> memref<632x64xf32, #tpu.memory_space<vmem_shared>>
      tpu.enqueue_dma source(%dma_start3A_32 : memref<632x64xf32, #tpu.memory_space<vmem_shared>>) target(%dma_start3A_30 : memref<632x64xf32, #tpu.memory_space<hbm>>) target_semaphore(%run_scoped3A_25 : memref<!tpu.dma_semaphore, #tpu.memory_space<semaphore_mem>>)
      %dma_wait3A = arith.constant 0 : i32
      %dma_wait3A_33 = arith.constant 0 : i32
      %dma_wait3A_34 = tpu.memref_slice %arg6[%arg0, %dma_wait3A, %dma_wait3A_33] : memref<2x10112x64xf32, #tpu.memory_space<hbm>> -> memref<1x10112x64xf32, #tpu.memory_space<hbm>>
      %dma_wait3A_35 = tpu.memref_squeeze %dma_wait3A_34 : memref<1x10112x64xf32, #tpu.memory_space<hbm>> -> memref<10112x64xf32, #tpu.memory_space<hbm>>
      %dma_wait3A_36 = arith.constant 0 : i32
      %dma_wait3A_37 = tpu.memref_slice %dma_wait3A_35[%mul3A_24, %dma_wait3A_36] : memref<10112x64xf32, #tpu.memory_space<hbm>> -> memref<632x64xf32, #tpu.memory_space<hbm>>
      %dma_wait3A_38 = arith.constant 0 : i32
      %dma_wait3A_39 = tpu.memref_slice %arg10[%mul3A_22, %dma_wait3A_38] : memref<10112x64xf32, #tpu.memory_space<vmem_shared>> -> memref<632x64xf32, #tpu.memory_space<vmem_shared>>
      tpu.wait_dma2 semaphore(%run_scoped3A_25 : memref<!tpu.dma_semaphore, #tpu.memory_space<semaphore_mem>>) src(%dma_wait3A_39 : memref<632x64xf32, #tpu.memory_space<vmem_shared>>) dst(%dma_wait3A_37 : memref<632x64xf32, #tpu.memory_space<hbm>>)
      tpu.yield
    }) : () -> ()
    return
  }
}

#map = affine_map<(d0, d1) -> (0, 0)>
#map1 = affine_map<(d0, d1) -> (0, 0, 0)>
module attributes {stable_mosaic.version = 14 : i64} {
  func.func @seg_sum(%arg0: i32, %arg1: i32, %arg2: memref<10000x64xf32, #tpu.memory_space<hbm>>, %arg3: memref<32x79x128xi32, #tpu.memory_space<hbm>>, %arg4: memref<32x79x128xi32, #tpu.memory_space<hbm>>, %arg5: memref<10112x64xf32, #tpu.memory_space<hbm>>, %arg6: memref<2x10112x64xf32, #tpu.memory_space<hbm>>, %arg7: memref<79x128xi32, #tpu.memory_space<vmem>>, %arg8: memref<79x128xi32, #tpu.memory_space<vmem>>, %arg9: memref<2x128x64xf32, #tpu.memory_space<vmem>>, %arg10: memref<10112x64xf32, #tpu.memory_space<vmem_shared>>, %arg11: memref<2x!tpu.dma_semaphore, #tpu.memory_space<semaphore_mem>>) attributes {dimension_semantics = [#tpu.dimension_semantics<core_parallel>, #tpu.dimension_semantics<subcore_parallel>], iteration_bounds = array<i64: 2, 16>, scalar_prefetch = 0 : i64, scratch_operands = 5 : i64, tpu.core_type = #tpu.core_type<sc_vector_subcore>, window_params = [{transform_indices = #map}, {transform_indices = #map1}, {transform_indices = #map1}, {transform_indices = #map}, {transform_indices = #map1}]} {
    %mul3A = arith.constant 2 : i32
    %mul3A_0 = arith.muli %arg1, %mul3A : i32
    %add3A = arith.addi %mul3A_0, %arg0 : i32
    %mul3A_1 = arith.constant 632 : i32
    %mul3A_2 = arith.muli %arg1, %mul3A_1 : i32
    %mul3A_3 = arith.constant 632 : i32
    %mul3A_4 = arith.muli %arg1, %mul3A_3 : i32
    "tpu.region"() ({
      %run_scoped3A_25 = tpu.sem_alloc : memref<!tpu.dma_semaphore, #tpu.memory_space<semaphore_mem>>
      %dma_start3A = arith.constant 0 : i32
      %dma_start3A_26 = tpu.memref_slice %arg10[%mul3A_4, %dma_start3A] : memref<10112x64xf32, #tpu.memory_space<vmem_shared>> -> memref<632x64xf32, #tpu.memory_space<vmem_shared>>
      %dma_start3A_27 = arith.constant 0 : i32
      %dma_start3A_28 = tpu.memref_slice %arg5[%mul3A_2, %dma_start3A_27] : memref<10112x64xf32, #tpu.memory_space<hbm>> -> memref<632x64xf32, #tpu.memory_space<hbm>>
      tpu.enqueue_dma source(%dma_start3A_28 : memref<632x64xf32, #tpu.memory_space<hbm>>) target(%dma_start3A_26 : memref<632x64xf32, #tpu.memory_space<vmem_shared>>) target_semaphore(%run_scoped3A_25 : memref<!tpu.dma_semaphore, #tpu.memory_space<semaphore_mem>>)
      %dma_wait3A = arith.constant 0 : i32
      %dma_wait3A_29 = tpu.memref_slice %arg10[%mul3A_4, %dma_wait3A] : memref<10112x64xf32, #tpu.memory_space<vmem_shared>> -> memref<632x64xf32, #tpu.memory_space<vmem_shared>>
      %dma_wait3A_30 = arith.constant 0 : i32
      %dma_wait3A_31 = tpu.memref_slice %arg5[%mul3A_2, %dma_wait3A_30] : memref<10112x64xf32, #tpu.memory_space<hbm>> -> memref<632x64xf32, #tpu.memory_space<hbm>>
      tpu.wait_dma2 semaphore(%run_scoped3A_25 : memref<!tpu.dma_semaphore, #tpu.memory_space<semaphore_mem>>) src(%dma_wait3A_31 : memref<632x64xf32, #tpu.memory_space<hbm>>) dst(%dma_wait3A_29 : memref<632x64xf32, #tpu.memory_space<vmem_shared>>)
      tpu.yield
    }) : () -> ()
    %barrier3A = arith.constant 0 : index
    tpu.barrier barrier_id(%barrier3A)
    %scan3A = arith.constant 0 : i32
    %scan3A_5 = arith.constant 0 : i32
    %mul3A_6 = arith.constant 79 : i32
    %mul3A_7 = arith.muli %scan3A_5, %mul3A_6 : i32
    "tpu.region"() ({
      %run_scoped3A_25 = tpu.sem_alloc : memref<!tpu.dma_semaphore, #tpu.memory_space<semaphore_mem>>
      %dma_start3A = arith.constant 0 : i32
      %dma_start3A_26 = arith.constant 0 : i32
      %dma_start3A_27 = tpu.memref_slice %arg3[%add3A, %dma_start3A, %dma_start3A_26] : memref<32x79x128xi32, #tpu.memory_space<hbm>> -> memref<1x79x128xi32, #tpu.memory_space<hbm>>
      %dma_start3A_28 = tpu.memref_squeeze %dma_start3A_27 : memref<1x79x128xi32, #tpu.memory_space<hbm>> -> memref<79x128xi32, #tpu.memory_space<hbm>>
      %dma_start3A_29 = arith.constant 0 : i32
      %dma_start3A_30 = tpu.memref_slice %dma_start3A_28[%mul3A_7, %dma_start3A_29] : memref<79x128xi32, #tpu.memory_space<hbm>> -> memref<79x128xi32, #tpu.memory_space<hbm>>
      %dma_start3A_31 = arith.constant 0 : i32
      %dma_start3A_32 = arith.constant 0 : i32
      %dma_start3A_33 = tpu.memref_slice %arg3[%add3A, %dma_start3A_31, %dma_start3A_32] : memref<32x79x128xi32, #tpu.memory_space<hbm>> -> memref<1x79x128xi32, #tpu.memory_space<hbm>>
      %dma_start3A_34 = tpu.memref_squeeze %dma_start3A_33 : memref<1x79x128xi32, #tpu.memory_space<hbm>> -> memref<79x128xi32, #tpu.memory_space<hbm>>
      %dma_start3A_35 = arith.constant 0 : i32
      %dma_start3A_36 = tpu.memref_slice %dma_start3A_34[%mul3A_7, %dma_start3A_35] : memref<79x128xi32, #tpu.memory_space<hbm>> -> memref<79x128xi32, #tpu.memory_space<hbm>>
      tpu.enqueue_dma source(%dma_start3A_36 : memref<79x128xi32, #tpu.memory_space<hbm>>) target(%arg7 : memref<79x128xi32, #tpu.memory_space<vmem>>) target_semaphore(%run_scoped3A_25 : memref<!tpu.dma_semaphore, #tpu.memory_space<semaphore_mem>>)
      %dma_wait3A = arith.constant 0 : i32
      %dma_wait3A_37 = arith.constant 0 : i32
      %dma_wait3A_38 = tpu.memref_slice %arg3[%add3A, %dma_wait3A, %dma_wait3A_37] : memref<32x79x128xi32, #tpu.memory_space<hbm>> -> memref<1x79x128xi32, #tpu.memory_space<hbm>>
      %dma_wait3A_39 = tpu.memref_squeeze %dma_wait3A_38 : memref<1x79x128xi32, #tpu.memory_space<hbm>> -> memref<79x128xi32, #tpu.memory_space<hbm>>
      %dma_wait3A_40 = arith.constant 0 : i32
      %dma_wait3A_41 = tpu.memref_slice %dma_wait3A_39[%mul3A_7, %dma_wait3A_40] : memref<79x128xi32, #tpu.memory_space<hbm>> -> memref<79x128xi32, #tpu.memory_space<hbm>>
      %dma_wait3A_42 = arith.constant 0 : i32
      %dma_wait3A_43 = arith.constant 0 : i32
      %dma_wait3A_44 = tpu.memref_slice %arg3[%add3A, %dma_wait3A_42, %dma_wait3A_43] : memref<32x79x128xi32, #tpu.memory_space<hbm>> -> memref<1x79x128xi32, #tpu.memory_space<hbm>>
      %dma_wait3A_45 = tpu.memref_squeeze %dma_wait3A_44 : memref<1x79x128xi32, #tpu.memory_space<hbm>> -> memref<79x128xi32, #tpu.memory_space<hbm>>
      %dma_wait3A_46 = arith.constant 0 : i32
      %dma_wait3A_47 = tpu.memref_slice %dma_wait3A_45[%mul3A_7, %dma_wait3A_46] : memref<79x128xi32, #tpu.memory_space<hbm>> -> memref<79x128xi32, #tpu.memory_space<hbm>>
      tpu.wait_dma2 semaphore(%run_scoped3A_25 : memref<!tpu.dma_semaphore, #tpu.memory_space<semaphore_mem>>) src(%dma_wait3A_47 : memref<79x128xi32, #tpu.memory_space<hbm>>) dst(%arg7 : memref<79x128xi32, #tpu.memory_space<vmem>>)
      tpu.yield
    }) : () -> ()
    %mul3A_8 = arith.constant 79 : i32
    %mul3A_9 = arith.muli %scan3A_5, %mul3A_8 : i32
    "tpu.region"() ({
      %run_scoped3A_25 = tpu.sem_alloc : memref<!tpu.dma_semaphore, #tpu.memory_space<semaphore_mem>>
      %dma_start3A = arith.constant 0 : i32
      %dma_start3A_26 = arith.constant 0 : i32
      %dma_start3A_27 = tpu.memref_slice %arg4[%add3A, %dma_start3A, %dma_start3A_26] : memref<32x79x128xi32, #tpu.memory_space<hbm>> -> memref<1x79x128xi32, #tpu.memory_space<hbm>>
      %dma_start3A_28 = tpu.memref_squeeze %dma_start3A_27 : memref<1x79x128xi32, #tpu.memory_space<hbm>> -> memref<79x128xi32, #tpu.memory_space<hbm>>
      %dma_start3A_29 = arith.constant 0 : i32
      %dma_start3A_30 = tpu.memref_slice %dma_start3A_28[%mul3A_9, %dma_start3A_29] : memref<79x128xi32, #tpu.memory_space<hbm>> -> memref<79x128xi32, #tpu.memory_space<hbm>>
      %dma_start3A_31 = arith.constant 0 : i32
      %dma_start3A_32 = arith.constant 0 : i32
      %dma_start3A_33 = tpu.memref_slice %arg4[%add3A, %dma_start3A_31, %dma_start3A_32] : memref<32x79x128xi32, #tpu.memory_space<hbm>> -> memref<1x79x128xi32, #tpu.memory_space<hbm>>
      %dma_start3A_34 = tpu.memref_squeeze %dma_start3A_33 : memref<1x79x128xi32, #tpu.memory_space<hbm>> -> memref<79x128xi32, #tpu.memory_space<hbm>>
      %dma_start3A_35 = arith.constant 0 : i32
      %dma_start3A_36 = tpu.memref_slice %dma_start3A_34[%mul3A_9, %dma_start3A_35] : memref<79x128xi32, #tpu.memory_space<hbm>> -> memref<79x128xi32, #tpu.memory_space<hbm>>
      tpu.enqueue_dma source(%dma_start3A_36 : memref<79x128xi32, #tpu.memory_space<hbm>>) target(%arg8 : memref<79x128xi32, #tpu.memory_space<vmem>>) target_semaphore(%run_scoped3A_25 : memref<!tpu.dma_semaphore, #tpu.memory_space<semaphore_mem>>)
      %dma_wait3A = arith.constant 0 : i32
      %dma_wait3A_37 = arith.constant 0 : i32
      %dma_wait3A_38 = tpu.memref_slice %arg4[%add3A, %dma_wait3A, %dma_wait3A_37] : memref<32x79x128xi32, #tpu.memory_space<hbm>> -> memref<1x79x128xi32, #tpu.memory_space<hbm>>
      %dma_wait3A_39 = tpu.memref_squeeze %dma_wait3A_38 : memref<1x79x128xi32, #tpu.memory_space<hbm>> -> memref<79x128xi32, #tpu.memory_space<hbm>>
      %dma_wait3A_40 = arith.constant 0 : i32
      %dma_wait3A_41 = tpu.memref_slice %dma_wait3A_39[%mul3A_9, %dma_wait3A_40] : memref<79x128xi32, #tpu.memory_space<hbm>> -> memref<79x128xi32, #tpu.memory_space<hbm>>
      %dma_wait3A_42 = arith.constant 0 : i32
      %dma_wait3A_43 = arith.constant 0 : i32
      %dma_wait3A_44 = tpu.memref_slice %arg4[%add3A, %dma_wait3A_42, %dma_wait3A_43] : memref<32x79x128xi32, #tpu.memory_space<hbm>> -> memref<1x79x128xi32, #tpu.memory_space<hbm>>
      %dma_wait3A_45 = tpu.memref_squeeze %dma_wait3A_44 : memref<1x79x128xi32, #tpu.memory_space<hbm>> -> memref<79x128xi32, #tpu.memory_space<hbm>>
      %dma_wait3A_46 = arith.constant 0 : i32
      %dma_wait3A_47 = tpu.memref_slice %dma_wait3A_45[%mul3A_9, %dma_wait3A_46] : memref<79x128xi32, #tpu.memory_space<hbm>> -> memref<79x128xi32, #tpu.memory_space<hbm>>
      tpu.wait_dma2 semaphore(%run_scoped3A_25 : memref<!tpu.dma_semaphore, #tpu.memory_space<semaphore_mem>>) src(%dma_wait3A_47 : memref<79x128xi32, #tpu.memory_space<hbm>>) dst(%arg8 : memref<79x128xi32, #tpu.memory_space<vmem>>)
      tpu.yield
    }) : () -> ()
    %run_scoped3A = arith.constant 0 : i32
    %run_scoped3A_10 = arith.constant 0 : i32
    "tpu.region"() ({
      %run_scoped3A_25 = tpu.sem_alloc : memref<!tpu.dma_semaphore, #tpu.memory_space<semaphore_mem>>
      %dma_start3A = arith.constant 0 : i32
      %dma_start3A_26 = arith.constant 0 : i32
      %dma_start3A_27 = tpu.memref_slice %arg9[%run_scoped3A_10, %dma_start3A, %dma_start3A_26] : memref<2x128x64xf32, #tpu.memory_space<vmem>> -> memref<1x128x64xf32, #tpu.memory_space<vmem>>
      %dma_start3A_28 = tpu.memref_squeeze %dma_start3A_27 : memref<1x128x64xf32, #tpu.memory_space<vmem>> -> memref<128x64xf32, #tpu.memory_space<vmem>>
      %dma_start3A_29 = arith.constant 0 : i32
      %dma_start3A_30 = tpu.memref_slice %arg7[%run_scoped3A, %dma_start3A_29] : memref<79x128xi32, #tpu.memory_space<vmem>> -> memref<1x128xi32, #tpu.memory_space<vmem>>
      %dma_start3A_31 = tpu.memref_squeeze %dma_start3A_30 : memref<1x128xi32, #tpu.memory_space<vmem>> -> memref<128xi32, #tpu.memory_space<vmem>>
      %dma_start3A_32 = arith.constant 0 : i32
      %dma_start3A_33 = arith.constant 0 : i32
      %dma_start3A_34 = tpu.memref_slice %arg2[%dma_start3A_32, %dma_start3A_33] : memref<10000x64xf32, #tpu.memory_space<hbm>> -> memref<10000x64xf32, #tpu.memory_space<hbm>>
      tpu.enqueue_indirect_dma source(%dma_start3A_34 : memref<10000x64xf32, #tpu.memory_space<hbm>>) target(%dma_start3A_28 : memref<128x64xf32, #tpu.memory_space<vmem>>) offsets(%dma_start3A_31 : memref<128xi32, #tpu.memory_space<vmem>>) semaphore(%run_scoped3A_25 : memref<!tpu.dma_semaphore, #tpu.memory_space<semaphore_mem>>)
      %dma_wait3A = arith.constant 0 : i32
      %dma_wait3A_35 = arith.constant 0 : i32
      %dma_wait3A_36 = tpu.memref_slice %arg9[%run_scoped3A_10, %dma_wait3A, %dma_wait3A_35] : memref<2x128x64xf32, #tpu.memory_space<vmem>> -> memref<1x128x64xf32, #tpu.memory_space<vmem>>
      %dma_wait3A_37 = tpu.memref_squeeze %dma_wait3A_36 : memref<1x128x64xf32, #tpu.memory_space<vmem>> -> memref<128x64xf32, #tpu.memory_space<vmem>>
      %dma_wait3A_38 = arith.constant 0 : i32
      %dma_wait3A_39 = tpu.memref_slice %arg7[%run_scoped3A, %dma_wait3A_38] : memref<79x128xi32, #tpu.memory_space<vmem>> -> memref<1x128xi32, #tpu.memory_space<vmem>>
      %dma_wait3A_40 = tpu.memref_squeeze %dma_wait3A_39 : memref<1x128xi32, #tpu.memory_space<vmem>> -> memref<128xi32, #tpu.memory_space<vmem>>
      %dma_wait3A_41 = arith.constant 0 : i32
      %dma_wait3A_42 = arith.constant 0 : i32
      %dma_wait3A_43 = tpu.memref_slice %arg2[%dma_wait3A_41, %dma_wait3A_42] : memref<10000x64xf32, #tpu.memory_space<hbm>> -> memref<10000x64xf32, #tpu.memory_space<hbm>>
      tpu.wait_indirect_dma semaphore(%run_scoped3A_25 : memref<!tpu.dma_semaphore, #tpu.memory_space<semaphore_mem>>) src(%dma_wait3A_43 : memref<10000x64xf32, #tpu.memory_space<hbm>>) dst(%dma_wait3A_37 : memref<128x64xf32, #tpu.memory_space<vmem>>)
      tpu.yield
    }) : () -> ()
    %scan3A_11 = arith.constant 0 : i32
    %scan3A_12 = arith.constant 0 : i32
    %scan3A_13 = arith.constant 78 : i32
    %scan3A_14 = arith.addi %scan3A_12, %scan3A_13 : i32
    %scan3A_15 = arith.constant 1 : i32
    scf.for %scan3A_25 = %scan3A_12 to %scan3A_14 step %scan3A_15  : i32 {
      %rem3A = arith.constant 2 : i32
      %rem3A_26 = arith.remsi %scan3A_25, %rem3A : i32
      %add3A_27 = arith.constant 1 : i32
      %add3A_28 = arith.addi %scan3A_25, %add3A_27 : i32
      %sub3A = arith.constant 1 : i32
      %sub3A_29 = arith.subi %sub3A, %rem3A_26 : i32
      %sub3A_30 = arith.constant 1 : i32
      %sub3A_31 = arith.subi %sub3A_30, %rem3A_26 : i32
      %dma_start3A = arith.constant 0 : i32
      %dma_start3A_32 = arith.constant 0 : i32
      %dma_start3A_33 = tpu.memref_slice %arg9[%sub3A_29, %dma_start3A, %dma_start3A_32] : memref<2x128x64xf32, #tpu.memory_space<vmem>> -> memref<1x128x64xf32, #tpu.memory_space<vmem>>
      %dma_start3A_34 = tpu.memref_squeeze %dma_start3A_33 : memref<1x128x64xf32, #tpu.memory_space<vmem>> -> memref<128x64xf32, #tpu.memory_space<vmem>>
      %dma_start3A_35 = arith.constant 0 : i32
      %dma_start3A_36 = tpu.memref_slice %arg7[%add3A_28, %dma_start3A_35] : memref<79x128xi32, #tpu.memory_space<vmem>> -> memref<1x128xi32, #tpu.memory_space<vmem>>
      %dma_start3A_37 = tpu.memref_squeeze %dma_start3A_36 : memref<1x128xi32, #tpu.memory_space<vmem>> -> memref<128xi32, #tpu.memory_space<vmem>>
      %dma_start3A_38 = arith.constant 0 : i32
      %dma_start3A_39 = arith.constant 0 : i32
      %dma_start3A_40 = tpu.memref_slice %arg2[%dma_start3A_38, %dma_start3A_39] : memref<10000x64xf32, #tpu.memory_space<hbm>> -> memref<10000x64xf32, #tpu.memory_space<hbm>>
      %dma_start3A_41 = tpu.memref_slice %arg11[%sub3A_31] : memref<2x!tpu.dma_semaphore, #tpu.memory_space<semaphore_mem>> -> memref<1x!tpu.dma_semaphore, #tpu.memory_space<semaphore_mem>>
      %dma_start3A_42 = tpu.memref_squeeze %dma_start3A_41 : memref<1x!tpu.dma_semaphore, #tpu.memory_space<semaphore_mem>> -> memref<!tpu.dma_semaphore, #tpu.memory_space<semaphore_mem>>
      tpu.enqueue_indirect_dma source(%dma_start3A_40 : memref<10000x64xf32, #tpu.memory_space<hbm>>) target(%dma_start3A_34 : memref<128x64xf32, #tpu.memory_space<vmem>>) offsets(%dma_start3A_37 : memref<128xi32, #tpu.memory_space<vmem>>) semaphore(%dma_start3A_42 : memref<!tpu.dma_semaphore, #tpu.memory_space<semaphore_mem>>)
      "tpu.region"() ({
        %run_scoped3A_54 = tpu.sem_alloc : memref<!tpu.dma_semaphore, #tpu.memory_space<semaphore_mem>>
        %dma_start3A_55 = arith.constant 0 : i32
        %dma_start3A_56 = arith.constant 0 : i32
        %dma_start3A_57 = tpu.memref_slice %arg9[%rem3A_26, %dma_start3A_55, %dma_start3A_56] : memref<2x128x64xf32, #tpu.memory_space<vmem>> -> memref<1x128x64xf32, #tpu.memory_space<vmem>>
        %dma_start3A_58 = tpu.memref_squeeze %dma_start3A_57 : memref<1x128x64xf32, #tpu.memory_space<vmem>> -> memref<128x64xf32, #tpu.memory_space<vmem>>
        %dma_start3A_59 = arith.constant 0 : i32
        %dma_start3A_60 = tpu.memref_slice %arg8[%scan3A_25, %dma_start3A_59] : memref<79x128xi32, #tpu.memory_space<vmem>> -> memref<1x128xi32, #tpu.memory_space<vmem>>
        %dma_start3A_61 = tpu.memref_squeeze %dma_start3A_60 : memref<1x128xi32, #tpu.memory_space<vmem>> -> memref<128xi32, #tpu.memory_space<vmem>>
        %dma_start3A_62 = arith.constant 0 : i32
        %dma_start3A_63 = arith.constant 0 : i32
        %dma_start3A_64 = tpu.memref_slice %arg10[%dma_start3A_62, %dma_start3A_63] : memref<10112x64xf32, #tpu.memory_space<vmem_shared>> -> memref<10112x64xf32, #tpu.memory_space<vmem_shared>>
        tpu.enqueue_indirect_dma source(%dma_start3A_58 : memref<128x64xf32, #tpu.memory_space<vmem>>) target(%dma_start3A_64 : memref<10112x64xf32, #tpu.memory_space<vmem_shared>>) offsets(%dma_start3A_61 : memref<128xi32, #tpu.memory_space<vmem>>) semaphore(%run_scoped3A_54 : memref<!tpu.dma_semaphore, #tpu.memory_space<semaphore_mem>>) {add = true}
        %dma_wait3A_65 = arith.constant 0 : i32
        %dma_wait3A_66 = arith.constant 0 : i32
        %dma_wait3A_67 = tpu.memref_slice %arg9[%rem3A_26, %dma_wait3A_65, %dma_wait3A_66] : memref<2x128x64xf32, #tpu.memory_space<vmem>> -> memref<1x128x64xf32, #tpu.memory_space<vmem>>
        %dma_wait3A_68 = tpu.memref_squeeze %dma_wait3A_67 : memref<1x128x64xf32, #tpu.memory_space<vmem>> -> memref<128x64xf32, #tpu.memory_space<vmem>>
        %dma_wait3A_69 = arith.constant 0 : i32
        %dma_wait3A_70 = tpu.memref_slice %arg8[%scan3A_25, %dma_wait3A_69] : memref<79x128xi32, #tpu.memory_space<vmem>> -> memref<1x128xi32, #tpu.memory_space<vmem>>
        %dma_wait3A_71 = tpu.memref_squeeze %dma_wait3A_70 : memref<1x128xi32, #tpu.memory_space<vmem>> -> memref<128xi32, #tpu.memory_space<vmem>>
        %dma_wait3A_72 = arith.constant 0 : i32
        %dma_wait3A_73 = arith.constant 0 : i32
        %dma_wait3A_74 = tpu.memref_slice %arg10[%dma_wait3A_72, %dma_wait3A_73] : memref<10112x64xf32, #tpu.memory_space<vmem_shared>> -> memref<10112x64xf32, #tpu.memory_space<vmem_shared>>
        tpu.wait_indirect_dma semaphore(%run_scoped3A_54 : memref<!tpu.dma_semaphore, #tpu.memory_space<semaphore_mem>>) src(%dma_wait3A_68 : memref<128x64xf32, #tpu.memory_space<vmem>>) dst(%dma_wait3A_74 : memref<10112x64xf32, #tpu.memory_space<vmem_shared>>)
        tpu.yield
      }) : () -> ()
      %dma_wait3A = arith.constant 0 : i32
      %dma_wait3A_43 = arith.constant 0 : i32
      %dma_wait3A_44 = tpu.memref_slice %arg9[%sub3A_29, %dma_wait3A, %dma_wait3A_43] : memref<2x128x64xf32, #tpu.memory_space<vmem>> -> memref<1x128x64xf32, #tpu.memory_space<vmem>>
      %dma_wait3A_45 = tpu.memref_squeeze %dma_wait3A_44 : memref<1x128x64xf32, #tpu.memory_space<vmem>> -> memref<128x64xf32, #tpu.memory_space<vmem>>
      %dma_wait3A_46 = arith.constant 0 : i32
      %dma_wait3A_47 = tpu.memref_slice %arg7[%add3A_28, %dma_wait3A_46] : memref<79x128xi32, #tpu.memory_space<vmem>> -> memref<1x128xi32, #tpu.memory_space<vmem>>
      %dma_wait3A_48 = tpu.memref_squeeze %dma_wait3A_47 : memref<1x128xi32, #tpu.memory_space<vmem>> -> memref<128xi32, #tpu.memory_space<vmem>>
      %dma_wait3A_49 = arith.constant 0 : i32
      %dma_wait3A_50 = arith.constant 0 : i32
      %dma_wait3A_51 = tpu.memref_slice %arg2[%dma_wait3A_49, %dma_wait3A_50] : memref<10000x64xf32, #tpu.memory_space<hbm>> -> memref<10000x64xf32, #tpu.memory_space<hbm>>
      %dma_wait3A_52 = tpu.memref_slice %arg11[%sub3A_31] : memref<2x!tpu.dma_semaphore, #tpu.memory_space<semaphore_mem>> -> memref<1x!tpu.dma_semaphore, #tpu.memory_space<semaphore_mem>>
      %dma_wait3A_53 = tpu.memref_squeeze %dma_wait3A_52 : memref<1x!tpu.dma_semaphore, #tpu.memory_space<semaphore_mem>> -> memref<!tpu.dma_semaphore, #tpu.memory_space<semaphore_mem>>
      tpu.wait_indirect_dma semaphore(%dma_wait3A_53 : memref<!tpu.dma_semaphore, #tpu.memory_space<semaphore_mem>>) src(%dma_wait3A_51 : memref<10000x64xf32, #tpu.memory_space<hbm>>) dst(%dma_wait3A_45 : memref<128x64xf32, #tpu.memory_space<vmem>>)
    }
    %scan3A_16 = arith.constant 78 : i32
    %run_scoped3A_17 = arith.constant 0 : i32
    %run_scoped3A_18 = arith.constant 78 : i32
    "tpu.region"() ({
      %run_scoped3A_25 = tpu.sem_alloc : memref<!tpu.dma_semaphore, #tpu.memory_space<semaphore_mem>>
      %dma_start3A = arith.constant 0 : i32
      %dma_start3A_26 = arith.constant 0 : i32
      %dma_start3A_27 = tpu.memref_slice %arg9[%run_scoped3A_17, %dma_start3A, %dma_start3A_26] : memref<2x128x64xf32, #tpu.memory_space<vmem>> -> memref<1x128x64xf32, #tpu.memory_space<vmem>>
      %dma_start3A_28 = tpu.memref_squeeze %dma_start3A_27 : memref<1x128x64xf32, #tpu.memory_space<vmem>> -> memref<128x64xf32, #tpu.memory_space<vmem>>
      %dma_start3A_29 = arith.constant 0 : i32
      %dma_start3A_30 = tpu.memref_slice %arg8[%run_scoped3A_18, %dma_start3A_29] : memref<79x128xi32, #tpu.memory_space<vmem>> -> memref<1x128xi32, #tpu.memory_space<vmem>>
      %dma_start3A_31 = tpu.memref_squeeze %dma_start3A_30 : memref<1x128xi32, #tpu.memory_space<vmem>> -> memref<128xi32, #tpu.memory_space<vmem>>
      %dma_start3A_32 = arith.constant 0 : i32
      %dma_start3A_33 = arith.constant 0 : i32
      %dma_start3A_34 = tpu.memref_slice %arg10[%dma_start3A_32, %dma_start3A_33] : memref<10112x64xf32, #tpu.memory_space<vmem_shared>> -> memref<10112x64xf32, #tpu.memory_space<vmem_shared>>
      tpu.enqueue_indirect_dma source(%dma_start3A_28 : memref<128x64xf32, #tpu.memory_space<vmem>>) target(%dma_start3A_34 : memref<10112x64xf32, #tpu.memory_space<vmem_shared>>) offsets(%dma_start3A_31 : memref<128xi32, #tpu.memory_space<vmem>>) semaphore(%run_scoped3A_25 : memref<!tpu.dma_semaphore, #tpu.memory_space<semaphore_mem>>) {add = true}
      %dma_wait3A = arith.constant 0 : i32
      %dma_wait3A_35 = arith.constant 0 : i32
      %dma_wait3A_36 = tpu.memref_slice %arg9[%run_scoped3A_17, %dma_wait3A, %dma_wait3A_35] : memref<2x128x64xf32, #tpu.memory_space<vmem>> -> memref<1x128x64xf32, #tpu.memory_space<vmem>>
      %dma_wait3A_37 = tpu.memref_squeeze %dma_wait3A_36 : memref<1x128x64xf32, #tpu.memory_space<vmem>> -> memref<128x64xf32, #tpu.memory_space<vmem>>
      %dma_wait3A_38 = arith.constant 0 : i32
      %dma_wait3A_39 = tpu.memref_slice %arg8[%run_scoped3A_18, %dma_wait3A_38] : memref<79x128xi32, #tpu.memory_space<vmem>> -> memref<1x128xi32, #tpu.memory_space<vmem>>
      %dma_wait3A_40 = tpu.memref_squeeze %dma_wait3A_39 : memref<1x128xi32, #tpu.memory_space<vmem>> -> memref<128xi32, #tpu.memory_space<vmem>>
      %dma_wait3A_41 = arith.constant 0 : i32
      %dma_wait3A_42 = arith.constant 0 : i32
      %dma_wait3A_43 = tpu.memref_slice %arg10[%dma_wait3A_41, %dma_wait3A_42] : memref<10112x64xf32, #tpu.memory_space<vmem_shared>> -> memref<10112x64xf32, #tpu.memory_space<vmem_shared>>
      tpu.wait_indirect_dma semaphore(%run_scoped3A_25 : memref<!tpu.dma_semaphore, #tpu.memory_space<semaphore_mem>>) src(%dma_wait3A_37 : memref<128x64xf32, #tpu.memory_space<vmem>>) dst(%dma_wait3A_43 : memref<10112x64xf32, #tpu.memory_space<vmem_shared>>)
      tpu.yield
    }) : () -> ()
    %scan3A_19 = arith.constant 1 : i32
    %barrier3A_20 = arith.constant 0 : index
    tpu.barrier barrier_id(%barrier3A_20)
    %mul3A_21 = arith.constant 632 : i32
    %mul3A_22 = arith.muli %arg1, %mul3A_21 : i32
    %mul3A_23 = arith.constant 632 : i32
    %mul3A_24 = arith.muli %arg1, %mul3A_23 : i32
    "tpu.region"() ({
      %run_scoped3A_25 = tpu.sem_alloc : memref<!tpu.dma_semaphore, #tpu.memory_space<semaphore_mem>>
      %dma_start3A = arith.constant 0 : i32
      %dma_start3A_26 = arith.constant 0 : i32
      %dma_start3A_27 = tpu.memref_slice %arg6[%arg0, %dma_start3A, %dma_start3A_26] : memref<2x10112x64xf32, #tpu.memory_space<hbm>> -> memref<1x10112x64xf32, #tpu.memory_space<hbm>>
      %dma_start3A_28 = tpu.memref_squeeze %dma_start3A_27 : memref<1x10112x64xf32, #tpu.memory_space<hbm>> -> memref<10112x64xf32, #tpu.memory_space<hbm>>
      %dma_start3A_29 = arith.constant 0 : i32
      %dma_start3A_30 = tpu.memref_slice %dma_start3A_28[%mul3A_24, %dma_start3A_29] : memref<10112x64xf32, #tpu.memory_space<hbm>> -> memref<632x64xf32, #tpu.memory_space<hbm>>
      %dma_start3A_31 = arith.constant 0 : i32
      %dma_start3A_32 = tpu.memref_slice %arg10[%mul3A_22, %dma_start3A_31] : memref<10112x64xf32, #tpu.memory_space<vmem_shared>> -> memref<632x64xf32, #tpu.memory_space<vmem_shared>>
      tpu.enqueue_dma source(%dma_start3A_32 : memref<632x64xf32, #tpu.memory_space<vmem_shared>>) target(%dma_start3A_30 : memref<632x64xf32, #tpu.memory_space<hbm>>) target_semaphore(%run_scoped3A_25 : memref<!tpu.dma_semaphore, #tpu.memory_space<semaphore_mem>>)
      %dma_wait3A = arith.constant 0 : i32
      %dma_wait3A_33 = arith.constant 0 : i32
      %dma_wait3A_34 = tpu.memref_slice %arg6[%arg0, %dma_wait3A, %dma_wait3A_33] : memref<2x10112x64xf32, #tpu.memory_space<hbm>> -> memref<1x10112x64xf32, #tpu.memory_space<hbm>>
      %dma_wait3A_35 = tpu.memref_squeeze %dma_wait3A_34 : memref<1x10112x64xf32, #tpu.memory_space<hbm>> -> memref<10112x64xf32, #tpu.memory_space<hbm>>
      %dma_wait3A_36 = arith.constant 0 : i32
      %dma_wait3A_37 = tpu.memref_slice %dma_wait3A_35[%mul3A_24, %dma_wait3A_36] : memref<10112x64xf32, #tpu.memory_space<hbm>> -> memref<632x64xf32, #tpu.memory_space<hbm>>
      %dma_wait3A_38 = arith.constant 0 : i32
      %dma_wait3A_39 = tpu.memref_slice %arg10[%mul3A_22, %dma_wait3A_38] : memref<10112x64xf32, #tpu.memory_space<vmem_shared>> -> memref<632x64xf32, #tpu.memory_space<vmem_shared>>
      tpu.wait_dma2 semaphore(%run_scoped3A_25 : memref<!tpu.dma_semaphore, #tpu.memory_space<semaphore_mem>>) src(%dma_wait3A_39 : memref<632x64xf32, #tpu.memory_space<vmem_shared>>) dst(%dma_wait3A_37 : memref<632x64xf32, #tpu.memory_space<hbm>>)
      tpu.yield
    }) : () -> ()
    return
  }
}

#map = affine_map<(d0, d1) -> (0, 0)>
#map1 = affine_map<(d0, d1) -> (0, 0, 0)>
module attributes {stable_mosaic.version = 14 : i64} {
  func.func @seg_sum(%arg0: i32, %arg1: i32, %arg2: memref<10000x64xf32, #tpu.memory_space<hbm>>, %arg3: memref<32x79x128xi32, #tpu.memory_space<hbm>>, %arg4: memref<32x79x128xi32, #tpu.memory_space<hbm>>, %arg5: memref<10112x64xf32, #tpu.memory_space<hbm>>, %arg6: memref<2x10112x64xf32, #tpu.memory_space<hbm>>, %arg7: memref<79x128xi32, #tpu.memory_space<vmem>>, %arg8: memref<79x128xi32, #tpu.memory_space<vmem>>, %arg9: memref<2x128x64xf32, #tpu.memory_space<vmem>>, %arg10: memref<10112x64xf32, #tpu.memory_space<vmem_shared>>, %arg11: memref<2x!tpu.dma_semaphore, #tpu.memory_space<semaphore_mem>>) attributes {dimension_semantics = [#tpu.dimension_semantics<core_parallel>, #tpu.dimension_semantics<subcore_parallel>], iteration_bounds = array<i64: 2, 16>, scalar_prefetch = 0 : i64, scratch_operands = 5 : i64, tpu.core_type = #tpu.core_type<sc_vector_subcore>, window_params = [{transform_indices = #map}, {transform_indices = #map1}, {transform_indices = #map1}, {transform_indices = #map}, {transform_indices = #map1}]} {
    %mul3A = arith.constant 2 : i32
    %mul3A_0 = arith.muli %arg1, %mul3A : i32
    %add3A = arith.addi %mul3A_0, %arg0 : i32
    %mul3A_1 = arith.constant 632 : i32
    %mul3A_2 = arith.muli %arg1, %mul3A_1 : i32
    %mul3A_3 = arith.constant 632 : i32
    %mul3A_4 = arith.muli %arg1, %mul3A_3 : i32
    "tpu.region"() ({
      %run_scoped3A_25 = tpu.sem_alloc : memref<!tpu.dma_semaphore, #tpu.memory_space<semaphore_mem>>
      %dma_start3A = arith.constant 0 : i32
      %dma_start3A_26 = tpu.memref_slice %arg10[%mul3A_4, %dma_start3A] : memref<10112x64xf32, #tpu.memory_space<vmem_shared>> -> memref<632x64xf32, #tpu.memory_space<vmem_shared>>
      %dma_start3A_27 = arith.constant 0 : i32
      %dma_start3A_28 = tpu.memref_slice %arg5[%mul3A_2, %dma_start3A_27] : memref<10112x64xf32, #tpu.memory_space<hbm>> -> memref<632x64xf32, #tpu.memory_space<hbm>>
      tpu.enqueue_dma source(%dma_start3A_28 : memref<632x64xf32, #tpu.memory_space<hbm>>) target(%dma_start3A_26 : memref<632x64xf32, #tpu.memory_space<vmem_shared>>) target_semaphore(%run_scoped3A_25 : memref<!tpu.dma_semaphore, #tpu.memory_space<semaphore_mem>>)
      %dma_wait3A = arith.constant 0 : i32
      %dma_wait3A_29 = tpu.memref_slice %arg10[%mul3A_4, %dma_wait3A] : memref<10112x64xf32, #tpu.memory_space<vmem_shared>> -> memref<632x64xf32, #tpu.memory_space<vmem_shared>>
      %dma_wait3A_30 = arith.constant 0 : i32
      %dma_wait3A_31 = tpu.memref_slice %arg5[%mul3A_2, %dma_wait3A_30] : memref<10112x64xf32, #tpu.memory_space<hbm>> -> memref<632x64xf32, #tpu.memory_space<hbm>>
      tpu.wait_dma2 semaphore(%run_scoped3A_25 : memref<!tpu.dma_semaphore, #tpu.memory_space<semaphore_mem>>) src(%dma_wait3A_31 : memref<632x64xf32, #tpu.memory_space<hbm>>) dst(%dma_wait3A_29 : memref<632x64xf32, #tpu.memory_space<vmem_shared>>)
      tpu.yield
    }) : () -> ()
    %barrier3A = arith.constant 0 : index
    tpu.barrier barrier_id(%barrier3A)
    %scan3A = arith.constant 0 : i32
    %scan3A_5 = arith.constant 0 : i32
    %mul3A_6 = arith.constant 79 : i32
    %mul3A_7 = arith.muli %scan3A_5, %mul3A_6 : i32
    "tpu.region"() ({
      %run_scoped3A_25 = tpu.sem_alloc : memref<!tpu.dma_semaphore, #tpu.memory_space<semaphore_mem>>
      %dma_start3A = arith.constant 0 : i32
      %dma_start3A_26 = arith.constant 0 : i32
      %dma_start3A_27 = tpu.memref_slice %arg3[%add3A, %dma_start3A, %dma_start3A_26] : memref<32x79x128xi32, #tpu.memory_space<hbm>> -> memref<1x79x128xi32, #tpu.memory_space<hbm>>
      %dma_start3A_28 = tpu.memref_squeeze %dma_start3A_27 : memref<1x79x128xi32, #tpu.memory_space<hbm>> -> memref<79x128xi32, #tpu.memory_space<hbm>>
      %dma_start3A_29 = arith.constant 0 : i32
      %dma_start3A_30 = tpu.memref_slice %dma_start3A_28[%mul3A_7, %dma_start3A_29] : memref<79x128xi32, #tpu.memory_space<hbm>> -> memref<79x128xi32, #tpu.memory_space<hbm>>
      %dma_start3A_31 = arith.constant 0 : i32
      %dma_start3A_32 = arith.constant 0 : i32
      %dma_start3A_33 = tpu.memref_slice %arg3[%add3A, %dma_start3A_31, %dma_start3A_32] : memref<32x79x128xi32, #tpu.memory_space<hbm>> -> memref<1x79x128xi32, #tpu.memory_space<hbm>>
      %dma_start3A_34 = tpu.memref_squeeze %dma_start3A_33 : memref<1x79x128xi32, #tpu.memory_space<hbm>> -> memref<79x128xi32, #tpu.memory_space<hbm>>
      %dma_start3A_35 = arith.constant 0 : i32
      %dma_start3A_36 = tpu.memref_slice %dma_start3A_34[%mul3A_7, %dma_start3A_35] : memref<79x128xi32, #tpu.memory_space<hbm>> -> memref<79x128xi32, #tpu.memory_space<hbm>>
      tpu.enqueue_dma source(%dma_start3A_36 : memref<79x128xi32, #tpu.memory_space<hbm>>) target(%arg7 : memref<79x128xi32, #tpu.memory_space<vmem>>) target_semaphore(%run_scoped3A_25 : memref<!tpu.dma_semaphore, #tpu.memory_space<semaphore_mem>>)
      %dma_wait3A = arith.constant 0 : i32
      %dma_wait3A_37 = arith.constant 0 : i32
      %dma_wait3A_38 = tpu.memref_slice %arg3[%add3A, %dma_wait3A, %dma_wait3A_37] : memref<32x79x128xi32, #tpu.memory_space<hbm>> -> memref<1x79x128xi32, #tpu.memory_space<hbm>>
      %dma_wait3A_39 = tpu.memref_squeeze %dma_wait3A_38 : memref<1x79x128xi32, #tpu.memory_space<hbm>> -> memref<79x128xi32, #tpu.memory_space<hbm>>
      %dma_wait3A_40 = arith.constant 0 : i32
      %dma_wait3A_41 = tpu.memref_slice %dma_wait3A_39[%mul3A_7, %dma_wait3A_40] : memref<79x128xi32, #tpu.memory_space<hbm>> -> memref<79x128xi32, #tpu.memory_space<hbm>>
      %dma_wait3A_42 = arith.constant 0 : i32
      %dma_wait3A_43 = arith.constant 0 : i32
      %dma_wait3A_44 = tpu.memref_slice %arg3[%add3A, %dma_wait3A_42, %dma_wait3A_43] : memref<32x79x128xi32, #tpu.memory_space<hbm>> -> memref<1x79x128xi32, #tpu.memory_space<hbm>>
      %dma_wait3A_45 = tpu.memref_squeeze %dma_wait3A_44 : memref<1x79x128xi32, #tpu.memory_space<hbm>> -> memref<79x128xi32, #tpu.memory_space<hbm>>
      %dma_wait3A_46 = arith.constant 0 : i32
      %dma_wait3A_47 = tpu.memref_slice %dma_wait3A_45[%mul3A_7, %dma_wait3A_46] : memref<79x128xi32, #tpu.memory_space<hbm>> -> memref<79x128xi32, #tpu.memory_space<hbm>>
      tpu.wait_dma2 semaphore(%run_scoped3A_25 : memref<!tpu.dma_semaphore, #tpu.memory_space<semaphore_mem>>) src(%dma_wait3A_47 : memref<79x128xi32, #tpu.memory_space<hbm>>) dst(%arg7 : memref<79x128xi32, #tpu.memory_space<vmem>>)
      tpu.yield
    }) : () -> ()
    %mul3A_8 = arith.constant 79 : i32
    %mul3A_9 = arith.muli %scan3A_5, %mul3A_8 : i32
    "tpu.region"() ({
      %run_scoped3A_25 = tpu.sem_alloc : memref<!tpu.dma_semaphore, #tpu.memory_space<semaphore_mem>>
      %dma_start3A = arith.constant 0 : i32
      %dma_start3A_26 = arith.constant 0 : i32
      %dma_start3A_27 = tpu.memref_slice %arg4[%add3A, %dma_start3A, %dma_start3A_26] : memref<32x79x128xi32, #tpu.memory_space<hbm>> -> memref<1x79x128xi32, #tpu.memory_space<hbm>>
      %dma_start3A_28 = tpu.memref_squeeze %dma_start3A_27 : memref<1x79x128xi32, #tpu.memory_space<hbm>> -> memref<79x128xi32, #tpu.memory_space<hbm>>
      %dma_start3A_29 = arith.constant 0 : i32
      %dma_start3A_30 = tpu.memref_slice %dma_start3A_28[%mul3A_9, %dma_start3A_29] : memref<79x128xi32, #tpu.memory_space<hbm>> -> memref<79x128xi32, #tpu.memory_space<hbm>>
      %dma_start3A_31 = arith.constant 0 : i32
      %dma_start3A_32 = arith.constant 0 : i32
      %dma_start3A_33 = tpu.memref_slice %arg4[%add3A, %dma_start3A_31, %dma_start3A_32] : memref<32x79x128xi32, #tpu.memory_space<hbm>> -> memref<1x79x128xi32, #tpu.memory_space<hbm>>
      %dma_start3A_34 = tpu.memref_squeeze %dma_start3A_33 : memref<1x79x128xi32, #tpu.memory_space<hbm>> -> memref<79x128xi32, #tpu.memory_space<hbm>>
      %dma_start3A_35 = arith.constant 0 : i32
      %dma_start3A_36 = tpu.memref_slice %dma_start3A_34[%mul3A_9, %dma_start3A_35] : memref<79x128xi32, #tpu.memory_space<hbm>> -> memref<79x128xi32, #tpu.memory_space<hbm>>
      tpu.enqueue_dma source(%dma_start3A_36 : memref<79x128xi32, #tpu.memory_space<hbm>>) target(%arg8 : memref<79x128xi32, #tpu.memory_space<vmem>>) target_semaphore(%run_scoped3A_25 : memref<!tpu.dma_semaphore, #tpu.memory_space<semaphore_mem>>)
      %dma_wait3A = arith.constant 0 : i32
      %dma_wait3A_37 = arith.constant 0 : i32
      %dma_wait3A_38 = tpu.memref_slice %arg4[%add3A, %dma_wait3A, %dma_wait3A_37] : memref<32x79x128xi32, #tpu.memory_space<hbm>> -> memref<1x79x128xi32, #tpu.memory_space<hbm>>
      %dma_wait3A_39 = tpu.memref_squeeze %dma_wait3A_38 : memref<1x79x128xi32, #tpu.memory_space<hbm>> -> memref<79x128xi32, #tpu.memory_space<hbm>>
      %dma_wait3A_40 = arith.constant 0 : i32
      %dma_wait3A_41 = tpu.memref_slice %dma_wait3A_39[%mul3A_9, %dma_wait3A_40] : memref<79x128xi32, #tpu.memory_space<hbm>> -> memref<79x128xi32, #tpu.memory_space<hbm>>
      %dma_wait3A_42 = arith.constant 0 : i32
      %dma_wait3A_43 = arith.constant 0 : i32
      %dma_wait3A_44 = tpu.memref_slice %arg4[%add3A, %dma_wait3A_42, %dma_wait3A_43] : memref<32x79x128xi32, #tpu.memory_space<hbm>> -> memref<1x79x128xi32, #tpu.memory_space<hbm>>
      %dma_wait3A_45 = tpu.memref_squeeze %dma_wait3A_44 : memref<1x79x128xi32, #tpu.memory_space<hbm>> -> memref<79x128xi32, #tpu.memory_space<hbm>>
      %dma_wait3A_46 = arith.constant 0 : i32
      %dma_wait3A_47 = tpu.memref_slice %dma_wait3A_45[%mul3A_9, %dma_wait3A_46] : memref<79x128xi32, #tpu.memory_space<hbm>> -> memref<79x128xi32, #tpu.memory_space<hbm>>
      tpu.wait_dma2 semaphore(%run_scoped3A_25 : memref<!tpu.dma_semaphore, #tpu.memory_space<semaphore_mem>>) src(%dma_wait3A_47 : memref<79x128xi32, #tpu.memory_space<hbm>>) dst(%arg8 : memref<79x128xi32, #tpu.memory_space<vmem>>)
      tpu.yield
    }) : () -> ()
    %run_scoped3A = arith.constant 0 : i32
    %run_scoped3A_10 = arith.constant 0 : i32
    "tpu.region"() ({
      %run_scoped3A_25 = tpu.sem_alloc : memref<!tpu.dma_semaphore, #tpu.memory_space<semaphore_mem>>
      %dma_start3A = arith.constant 0 : i32
      %dma_start3A_26 = arith.constant 0 : i32
      %dma_start3A_27 = tpu.memref_slice %arg9[%run_scoped3A_10, %dma_start3A, %dma_start3A_26] : memref<2x128x64xf32, #tpu.memory_space<vmem>> -> memref<1x128x64xf32, #tpu.memory_space<vmem>>
      %dma_start3A_28 = tpu.memref_squeeze %dma_start3A_27 : memref<1x128x64xf32, #tpu.memory_space<vmem>> -> memref<128x64xf32, #tpu.memory_space<vmem>>
      %dma_start3A_29 = arith.constant 0 : i32
      %dma_start3A_30 = tpu.memref_slice %arg7[%run_scoped3A, %dma_start3A_29] : memref<79x128xi32, #tpu.memory_space<vmem>> -> memref<1x128xi32, #tpu.memory_space<vmem>>
      %dma_start3A_31 = tpu.memref_squeeze %dma_start3A_30 : memref<1x128xi32, #tpu.memory_space<vmem>> -> memref<128xi32, #tpu.memory_space<vmem>>
      %dma_start3A_32 = arith.constant 0 : i32
      %dma_start3A_33 = arith.constant 0 : i32
      %dma_start3A_34 = tpu.memref_slice %arg2[%dma_start3A_32, %dma_start3A_33] : memref<10000x64xf32, #tpu.memory_space<hbm>> -> memref<10000x64xf32, #tpu.memory_space<hbm>>
      tpu.enqueue_indirect_dma source(%dma_start3A_34 : memref<10000x64xf32, #tpu.memory_space<hbm>>) target(%dma_start3A_28 : memref<128x64xf32, #tpu.memory_space<vmem>>) offsets(%dma_start3A_31 : memref<128xi32, #tpu.memory_space<vmem>>) semaphore(%run_scoped3A_25 : memref<!tpu.dma_semaphore, #tpu.memory_space<semaphore_mem>>)
      %dma_wait3A = arith.constant 0 : i32
      %dma_wait3A_35 = arith.constant 0 : i32
      %dma_wait3A_36 = tpu.memref_slice %arg9[%run_scoped3A_10, %dma_wait3A, %dma_wait3A_35] : memref<2x128x64xf32, #tpu.memory_space<vmem>> -> memref<1x128x64xf32, #tpu.memory_space<vmem>>
      %dma_wait3A_37 = tpu.memref_squeeze %dma_wait3A_36 : memref<1x128x64xf32, #tpu.memory_space<vmem>> -> memref<128x64xf32, #tpu.memory_space<vmem>>
      %dma_wait3A_38 = arith.constant 0 : i32
      %dma_wait3A_39 = tpu.memref_slice %arg7[%run_scoped3A, %dma_wait3A_38] : memref<79x128xi32, #tpu.memory_space<vmem>> -> memref<1x128xi32, #tpu.memory_space<vmem>>
      %dma_wait3A_40 = tpu.memref_squeeze %dma_wait3A_39 : memref<1x128xi32, #tpu.memory_space<vmem>> -> memref<128xi32, #tpu.memory_space<vmem>>
      %dma_wait3A_41 = arith.constant 0 : i32
      %dma_wait3A_42 = arith.constant 0 : i32
      %dma_wait3A_43 = tpu.memref_slice %arg2[%dma_wait3A_41, %dma_wait3A_42] : memref<10000x64xf32, #tpu.memory_space<hbm>> -> memref<10000x64xf32, #tpu.memory_space<hbm>>
      tpu.wait_indirect_dma semaphore(%run_scoped3A_25 : memref<!tpu.dma_semaphore, #tpu.memory_space<semaphore_mem>>) src(%dma_wait3A_43 : memref<10000x64xf32, #tpu.memory_space<hbm>>) dst(%dma_wait3A_37 : memref<128x64xf32, #tpu.memory_space<vmem>>)
      tpu.yield
    }) : () -> ()
    %scan3A_11 = arith.constant 0 : i32
    %scan3A_12 = arith.constant 0 : i32
    %scan3A_13 = arith.constant 78 : i32
    %scan3A_14 = arith.addi %scan3A_12, %scan3A_13 : i32
    %scan3A_15 = arith.constant 1 : i32
    scf.for %scan3A_25 = %scan3A_12 to %scan3A_14 step %scan3A_15  : i32 {
      %rem3A = arith.constant 2 : i32
      %rem3A_26 = arith.remsi %scan3A_25, %rem3A : i32
      %add3A_27 = arith.constant 1 : i32
      %add3A_28 = arith.addi %scan3A_25, %add3A_27 : i32
      %sub3A = arith.constant 1 : i32
      %sub3A_29 = arith.subi %sub3A, %rem3A_26 : i32
      %sub3A_30 = arith.constant 1 : i32
      %sub3A_31 = arith.subi %sub3A_30, %rem3A_26 : i32
      %dma_start3A = arith.constant 0 : i32
      %dma_start3A_32 = arith.constant 0 : i32
      %dma_start3A_33 = tpu.memref_slice %arg9[%sub3A_29, %dma_start3A, %dma_start3A_32] : memref<2x128x64xf32, #tpu.memory_space<vmem>> -> memref<1x128x64xf32, #tpu.memory_space<vmem>>
      %dma_start3A_34 = tpu.memref_squeeze %dma_start3A_33 : memref<1x128x64xf32, #tpu.memory_space<vmem>> -> memref<128x64xf32, #tpu.memory_space<vmem>>
      %dma_start3A_35 = arith.constant 0 : i32
      %dma_start3A_36 = tpu.memref_slice %arg7[%add3A_28, %dma_start3A_35] : memref<79x128xi32, #tpu.memory_space<vmem>> -> memref<1x128xi32, #tpu.memory_space<vmem>>
      %dma_start3A_37 = tpu.memref_squeeze %dma_start3A_36 : memref<1x128xi32, #tpu.memory_space<vmem>> -> memref<128xi32, #tpu.memory_space<vmem>>
      %dma_start3A_38 = arith.constant 0 : i32
      %dma_start3A_39 = arith.constant 0 : i32
      %dma_start3A_40 = tpu.memref_slice %arg2[%dma_start3A_38, %dma_start3A_39] : memref<10000x64xf32, #tpu.memory_space<hbm>> -> memref<10000x64xf32, #tpu.memory_space<hbm>>
      %dma_start3A_41 = tpu.memref_slice %arg11[%sub3A_31] : memref<2x!tpu.dma_semaphore, #tpu.memory_space<semaphore_mem>> -> memref<1x!tpu.dma_semaphore, #tpu.memory_space<semaphore_mem>>
      %dma_start3A_42 = tpu.memref_squeeze %dma_start3A_41 : memref<1x!tpu.dma_semaphore, #tpu.memory_space<semaphore_mem>> -> memref<!tpu.dma_semaphore, #tpu.memory_space<semaphore_mem>>
      tpu.enqueue_indirect_dma source(%dma_start3A_40 : memref<10000x64xf32, #tpu.memory_space<hbm>>) target(%dma_start3A_34 : memref<128x64xf32, #tpu.memory_space<vmem>>) offsets(%dma_start3A_37 : memref<128xi32, #tpu.memory_space<vmem>>) semaphore(%dma_start3A_42 : memref<!tpu.dma_semaphore, #tpu.memory_space<semaphore_mem>>)
      "tpu.region"() ({
        %run_scoped3A_54 = tpu.sem_alloc : memref<!tpu.dma_semaphore, #tpu.memory_space<semaphore_mem>>
        %dma_start3A_55 = arith.constant 0 : i32
        %dma_start3A_56 = arith.constant 0 : i32
        %dma_start3A_57 = tpu.memref_slice %arg9[%rem3A_26, %dma_start3A_55, %dma_start3A_56] : memref<2x128x64xf32, #tpu.memory_space<vmem>> -> memref<1x128x64xf32, #tpu.memory_space<vmem>>
        %dma_start3A_58 = tpu.memref_squeeze %dma_start3A_57 : memref<1x128x64xf32, #tpu.memory_space<vmem>> -> memref<128x64xf32, #tpu.memory_space<vmem>>
        %dma_start3A_59 = arith.constant 0 : i32
        %dma_start3A_60 = tpu.memref_slice %arg8[%scan3A_25, %dma_start3A_59] : memref<79x128xi32, #tpu.memory_space<vmem>> -> memref<1x128xi32, #tpu.memory_space<vmem>>
        %dma_start3A_61 = tpu.memref_squeeze %dma_start3A_60 : memref<1x128xi32, #tpu.memory_space<vmem>> -> memref<128xi32, #tpu.memory_space<vmem>>
        %dma_start3A_62 = arith.constant 0 : i32
        %dma_start3A_63 = arith.constant 0 : i32
        %dma_start3A_64 = tpu.memref_slice %arg10[%dma_start3A_62, %dma_start3A_63] : memref<10112x64xf32, #tpu.memory_space<vmem_shared>> -> memref<10112x64xf32, #tpu.memory_space<vmem_shared>>
        tpu.enqueue_indirect_dma source(%dma_start3A_58 : memref<128x64xf32, #tpu.memory_space<vmem>>) target(%dma_start3A_64 : memref<10112x64xf32, #tpu.memory_space<vmem_shared>>) offsets(%dma_start3A_61 : memref<128xi32, #tpu.memory_space<vmem>>) semaphore(%run_scoped3A_54 : memref<!tpu.dma_semaphore, #tpu.memory_space<semaphore_mem>>) {add = true}
        %dma_wait3A_65 = arith.constant 0 : i32
        %dma_wait3A_66 = arith.constant 0 : i32
        %dma_wait3A_67 = tpu.memref_slice %arg9[%rem3A_26, %dma_wait3A_65, %dma_wait3A_66] : memref<2x128x64xf32, #tpu.memory_space<vmem>> -> memref<1x128x64xf32, #tpu.memory_space<vmem>>
        %dma_wait3A_68 = tpu.memref_squeeze %dma_wait3A_67 : memref<1x128x64xf32, #tpu.memory_space<vmem>> -> memref<128x64xf32, #tpu.memory_space<vmem>>
        %dma_wait3A_69 = arith.constant 0 : i32
        %dma_wait3A_70 = tpu.memref_slice %arg8[%scan3A_25, %dma_wait3A_69] : memref<79x128xi32, #tpu.memory_space<vmem>> -> memref<1x128xi32, #tpu.memory_space<vmem>>
        %dma_wait3A_71 = tpu.memref_squeeze %dma_wait3A_70 : memref<1x128xi32, #tpu.memory_space<vmem>> -> memref<128xi32, #tpu.memory_space<vmem>>
        %dma_wait3A_72 = arith.constant 0 : i32
        %dma_wait3A_73 = arith.constant 0 : i32
        %dma_wait3A_74 = tpu.memref_slice %arg10[%dma_wait3A_72, %dma_wait3A_73] : memref<10112x64xf32, #tpu.memory_space<vmem_shared>> -> memref<10112x64xf32, #tpu.memory_space<vmem_shared>>
        tpu.wait_indirect_dma semaphore(%run_scoped3A_54 : memref<!tpu.dma_semaphore, #tpu.memory_space<semaphore_mem>>) src(%dma_wait3A_68 : memref<128x64xf32, #tpu.memory_space<vmem>>) dst(%dma_wait3A_74 : memref<10112x64xf32, #tpu.memory_space<vmem_shared>>)
        tpu.yield
      }) : () -> ()
      %dma_wait3A = arith.constant 0 : i32
      %dma_wait3A_43 = arith.constant 0 : i32
      %dma_wait3A_44 = tpu.memref_slice %arg9[%sub3A_29, %dma_wait3A, %dma_wait3A_43] : memref<2x128x64xf32, #tpu.memory_space<vmem>> -> memref<1x128x64xf32, #tpu.memory_space<vmem>>
      %dma_wait3A_45 = tpu.memref_squeeze %dma_wait3A_44 : memref<1x128x64xf32, #tpu.memory_space<vmem>> -> memref<128x64xf32, #tpu.memory_space<vmem>>
      %dma_wait3A_46 = arith.constant 0 : i32
      %dma_wait3A_47 = tpu.memref_slice %arg7[%add3A_28, %dma_wait3A_46] : memref<79x128xi32, #tpu.memory_space<vmem>> -> memref<1x128xi32, #tpu.memory_space<vmem>>
      %dma_wait3A_48 = tpu.memref_squeeze %dma_wait3A_47 : memref<1x128xi32, #tpu.memory_space<vmem>> -> memref<128xi32, #tpu.memory_space<vmem>>
      %dma_wait3A_49 = arith.constant 0 : i32
      %dma_wait3A_50 = arith.constant 0 : i32
      %dma_wait3A_51 = tpu.memref_slice %arg2[%dma_wait3A_49, %dma_wait3A_50] : memref<10000x64xf32, #tpu.memory_space<hbm>> -> memref<10000x64xf32, #tpu.memory_space<hbm>>
      %dma_wait3A_52 = tpu.memref_slice %arg11[%sub3A_31] : memref<2x!tpu.dma_semaphore, #tpu.memory_space<semaphore_mem>> -> memref<1x!tpu.dma_semaphore, #tpu.memory_space<semaphore_mem>>
      %dma_wait3A_53 = tpu.memref_squeeze %dma_wait3A_52 : memref<1x!tpu.dma_semaphore, #tpu.memory_space<semaphore_mem>> -> memref<!tpu.dma_semaphore, #tpu.memory_space<semaphore_mem>>
      tpu.wait_indirect_dma semaphore(%dma_wait3A_53 : memref<!tpu.dma_semaphore, #tpu.memory_space<semaphore_mem>>) src(%dma_wait3A_51 : memref<10000x64xf32, #tpu.memory_space<hbm>>) dst(%dma_wait3A_45 : memref<128x64xf32, #tpu.memory_space<vmem>>)
    }
    %scan3A_16 = arith.constant 78 : i32
    %run_scoped3A_17 = arith.constant 0 : i32
    %run_scoped3A_18 = arith.constant 78 : i32
    "tpu.region"() ({
      %run_scoped3A_25 = tpu.sem_alloc : memref<!tpu.dma_semaphore, #tpu.memory_space<semaphore_mem>>
      %dma_start3A = arith.constant 0 : i32
      %dma_start3A_26 = arith.constant 0 : i32
      %dma_start3A_27 = tpu.memref_slice %arg9[%run_scoped3A_17, %dma_start3A, %dma_start3A_26] : memref<2x128x64xf32, #tpu.memory_space<vmem>> -> memref<1x128x64xf32, #tpu.memory_space<vmem>>
      %dma_start3A_28 = tpu.memref_squeeze %dma_start3A_27 : memref<1x128x64xf32, #tpu.memory_space<vmem>> -> memref<128x64xf32, #tpu.memory_space<vmem>>
      %dma_start3A_29 = arith.constant 0 : i32
      %dma_start3A_30 = tpu.memref_slice %arg8[%run_scoped3A_18, %dma_start3A_29] : memref<79x128xi32, #tpu.memory_space<vmem>> -> memref<1x128xi32, #tpu.memory_space<vmem>>
      %dma_start3A_31 = tpu.memref_squeeze %dma_start3A_30 : memref<1x128xi32, #tpu.memory_space<vmem>> -> memref<128xi32, #tpu.memory_space<vmem>>
      %dma_start3A_32 = arith.constant 0 : i32
      %dma_start3A_33 = arith.constant 0 : i32
      %dma_start3A_34 = tpu.memref_slice %arg10[%dma_start3A_32, %dma_start3A_33] : memref<10112x64xf32, #tpu.memory_space<vmem_shared>> -> memref<10112x64xf32, #tpu.memory_space<vmem_shared>>
      tpu.enqueue_indirect_dma source(%dma_start3A_28 : memref<128x64xf32, #tpu.memory_space<vmem>>) target(%dma_start3A_34 : memref<10112x64xf32, #tpu.memory_space<vmem_shared>>) offsets(%dma_start3A_31 : memref<128xi32, #tpu.memory_space<vmem>>) semaphore(%run_scoped3A_25 : memref<!tpu.dma_semaphore, #tpu.memory_space<semaphore_mem>>) {add = true}
      %dma_wait3A = arith.constant 0 : i32
      %dma_wait3A_35 = arith.constant 0 : i32
      %dma_wait3A_36 = tpu.memref_slice %arg9[%run_scoped3A_17, %dma_wait3A, %dma_wait3A_35] : memref<2x128x64xf32, #tpu.memory_space<vmem>> -> memref<1x128x64xf32, #tpu.memory_space<vmem>>
      %dma_wait3A_37 = tpu.memref_squeeze %dma_wait3A_36 : memref<1x128x64xf32, #tpu.memory_space<vmem>> -> memref<128x64xf32, #tpu.memory_space<vmem>>
      %dma_wait3A_38 = arith.constant 0 : i32
      %dma_wait3A_39 = tpu.memref_slice %arg8[%run_scoped3A_18, %dma_wait3A_38] : memref<79x128xi32, #tpu.memory_space<vmem>> -> memref<1x128xi32, #tpu.memory_space<vmem>>
      %dma_wait3A_40 = tpu.memref_squeeze %dma_wait3A_39 : memref<1x128xi32, #tpu.memory_space<vmem>> -> memref<128xi32, #tpu.memory_space<vmem>>
      %dma_wait3A_41 = arith.constant 0 : i32
      %dma_wait3A_42 = arith.constant 0 : i32
      %dma_wait3A_43 = tpu.memref_slice %arg10[%dma_wait3A_41, %dma_wait3A_42] : memref<10112x64xf32, #tpu.memory_space<vmem_shared>> -> memref<10112x64xf32, #tpu.memory_space<vmem_shared>>
      tpu.wait_indirect_dma semaphore(%run_scoped3A_25 : memref<!tpu.dma_semaphore, #tpu.memory_space<semaphore_mem>>) src(%dma_wait3A_37 : memref<128x64xf32, #tpu.memory_space<vmem>>) dst(%dma_wait3A_43 : memref<10112x64xf32, #tpu.memory_space<vmem_shared>>)
      tpu.yield
    }) : () -> ()
    %scan3A_19 = arith.constant 1 : i32
    %barrier3A_20 = arith.constant 0 : index
    tpu.barrier barrier_id(%barrier3A_20)
    %mul3A_21 = arith.constant 632 : i32
    %mul3A_22 = arith.muli %arg1, %mul3A_21 : i32
    %mul3A_23 = arith.constant 632 : i32
    %mul3A_24 = arith.muli %arg1, %mul3A_23 : i32
    "tpu.region"() ({
      %run_scoped3A_25 = tpu.sem_alloc : memref<!tpu.dma_semaphore, #tpu.memory_space<semaphore_mem>>
      %dma_start3A = arith.constant 0 : i32
      %dma_start3A_26 = arith.constant 0 : i32
      %dma_start3A_27 = tpu.memref_slice %arg6[%arg0, %dma_start3A, %dma_start3A_26] : memref<2x10112x64xf32, #tpu.memory_space<hbm>> -> memref<1x10112x64xf32, #tpu.memory_space<hbm>>
      %dma_start3A_28 = tpu.memref_squeeze %dma_start3A_27 : memref<1x10112x64xf32, #tpu.memory_space<hbm>> -> memref<10112x64xf32, #tpu.memory_space<hbm>>
      %dma_start3A_29 = arith.constant 0 : i32
      %dma_start3A_30 = tpu.memref_slice %dma_start3A_28[%mul3A_24, %dma_start3A_29] : memref<10112x64xf32, #tpu.memory_space<hbm>> -> memref<632x64xf32, #tpu.memory_space<hbm>>
      %dma_start3A_31 = arith.constant 0 : i32
      %dma_start3A_32 = tpu.memref_slice %arg10[%mul3A_22, %dma_start3A_31] : memref<10112x64xf32, #tpu.memory_space<vmem_shared>> -> memref<632x64xf32, #tpu.memory_space<vmem_shared>>
      tpu.enqueue_dma source(%dma_start3A_32 : memref<632x64xf32, #tpu.memory_space<vmem_shared>>) target(%dma_start3A_30 : memref<632x64xf32, #tpu.memory_space<hbm>>) target_semaphore(%run_scoped3A_25 : memref<!tpu.dma_semaphore, #tpu.memory_space<semaphore_mem>>)
      %dma_wait3A = arith.constant 0 : i32
      %dma_wait3A_33 = arith.constant 0 : i32
      %dma_wait3A_34 = tpu.memref_slice %arg6[%arg0, %dma_wait3A, %dma_wait3A_33] : memref<2x10112x64xf32, #tpu.memory_space<hbm>> -> memref<1x10112x64xf32, #tpu.memory_space<hbm>>
      %dma_wait3A_35 = tpu.memref_squeeze %dma_wait3A_34 : memref<1x10112x64xf32, #tpu.memory_space<hbm>> -> memref<10112x64xf32, #tpu.memory_space<hbm>>
      %dma_wait3A_36 = arith.constant 0 : i32
      %dma_wait3A_37 = tpu.memref_slice %dma_wait3A_35[%mul3A_24, %dma_wait3A_36] : memref<10112x64xf32, #tpu.memory_space<hbm>> -> memref<632x64xf32, #tpu.memory_space<hbm>>
      %dma_wait3A_38 = arith.constant 0 : i32
      %dma_wait3A_39 = tpu.memref_slice %arg10[%mul3A_22, %dma_wait3A_38] : memref<10112x64xf32, #tpu.memory_space<vmem_shared>> -> memref<632x64xf32, #tpu.memory_space<vmem_shared>>
      tpu.wait_dma2 semaphore(%run_scoped3A_25 : memref<!tpu.dma_semaphore, #tpu.memory_space<semaphore_mem>>) src(%dma_wait3A_39 : memref<632x64xf32, #tpu.memory_space<vmem_shared>>) dst(%dma_wait3A_37 : memref<632x64xf32, #tpu.memory_space<hbm>>)
      tpu.yield
    }) : () -> ()
    return
  }
}

#map = affine_map<(d0, d1) -> (0, 0)>
#map1 = affine_map<(d0, d1) -> (0, 0, 0)>
module attributes {stable_mosaic.version = 14 : i64} {
  func.func @seg_sum(%arg0: i32, %arg1: i32, %arg2: memref<10000x64xf32, #tpu.memory_space<hbm>>, %arg3: memref<32x79x128xi32, #tpu.memory_space<hbm>>, %arg4: memref<32x79x128xi32, #tpu.memory_space<hbm>>, %arg5: memref<10112x64xf32, #tpu.memory_space<hbm>>, %arg6: memref<2x10112x64xf32, #tpu.memory_space<hbm>>, %arg7: memref<79x128xi32, #tpu.memory_space<vmem>>, %arg8: memref<79x128xi32, #tpu.memory_space<vmem>>, %arg9: memref<2x128x64xf32, #tpu.memory_space<vmem>>, %arg10: memref<10112x64xf32, #tpu.memory_space<vmem_shared>>, %arg11: memref<2x!tpu.dma_semaphore, #tpu.memory_space<semaphore_mem>>) attributes {dimension_semantics = [#tpu.dimension_semantics<core_parallel>, #tpu.dimension_semantics<subcore_parallel>], iteration_bounds = array<i64: 2, 16>, scalar_prefetch = 0 : i64, scratch_operands = 5 : i64, tpu.core_type = #tpu.core_type<sc_vector_subcore>, window_params = [{transform_indices = #map}, {transform_indices = #map1}, {transform_indices = #map1}, {transform_indices = #map}, {transform_indices = #map1}]} {
    %mul3A = arith.constant 2 : i32
    %mul3A_0 = arith.muli %arg1, %mul3A : i32
    %add3A = arith.addi %mul3A_0, %arg0 : i32
    %mul3A_1 = arith.constant 632 : i32
    %mul3A_2 = arith.muli %arg1, %mul3A_1 : i32
    %mul3A_3 = arith.constant 632 : i32
    %mul3A_4 = arith.muli %arg1, %mul3A_3 : i32
    "tpu.region"() ({
      %run_scoped3A_25 = tpu.sem_alloc : memref<!tpu.dma_semaphore, #tpu.memory_space<semaphore_mem>>
      %dma_start3A = arith.constant 0 : i32
      %dma_start3A_26 = tpu.memref_slice %arg10[%mul3A_4, %dma_start3A] : memref<10112x64xf32, #tpu.memory_space<vmem_shared>> -> memref<632x64xf32, #tpu.memory_space<vmem_shared>>
      %dma_start3A_27 = arith.constant 0 : i32
      %dma_start3A_28 = tpu.memref_slice %arg5[%mul3A_2, %dma_start3A_27] : memref<10112x64xf32, #tpu.memory_space<hbm>> -> memref<632x64xf32, #tpu.memory_space<hbm>>
      tpu.enqueue_dma source(%dma_start3A_28 : memref<632x64xf32, #tpu.memory_space<hbm>>) target(%dma_start3A_26 : memref<632x64xf32, #tpu.memory_space<vmem_shared>>) target_semaphore(%run_scoped3A_25 : memref<!tpu.dma_semaphore, #tpu.memory_space<semaphore_mem>>)
      %dma_wait3A = arith.constant 0 : i32
      %dma_wait3A_29 = tpu.memref_slice %arg10[%mul3A_4, %dma_wait3A] : memref<10112x64xf32, #tpu.memory_space<vmem_shared>> -> memref<632x64xf32, #tpu.memory_space<vmem_shared>>
      %dma_wait3A_30 = arith.constant 0 : i32
      %dma_wait3A_31 = tpu.memref_slice %arg5[%mul3A_2, %dma_wait3A_30] : memref<10112x64xf32, #tpu.memory_space<hbm>> -> memref<632x64xf32, #tpu.memory_space<hbm>>
      tpu.wait_dma2 semaphore(%run_scoped3A_25 : memref<!tpu.dma_semaphore, #tpu.memory_space<semaphore_mem>>) src(%dma_wait3A_31 : memref<632x64xf32, #tpu.memory_space<hbm>>) dst(%dma_wait3A_29 : memref<632x64xf32, #tpu.memory_space<vmem_shared>>)
      tpu.yield
    }) : () -> ()
    %barrier3A = arith.constant 0 : index
    tpu.barrier barrier_id(%barrier3A)
    %scan3A = arith.constant 0 : i32
    %scan3A_5 = arith.constant 0 : i32
    %mul3A_6 = arith.constant 79 : i32
    %mul3A_7 = arith.muli %scan3A_5, %mul3A_6 : i32
    "tpu.region"() ({
      %run_scoped3A_25 = tpu.sem_alloc : memref<!tpu.dma_semaphore, #tpu.memory_space<semaphore_mem>>
      %dma_start3A = arith.constant 0 : i32
      %dma_start3A_26 = arith.constant 0 : i32
      %dma_start3A_27 = tpu.memref_slice %arg3[%add3A, %dma_start3A, %dma_start3A_26] : memref<32x79x128xi32, #tpu.memory_space<hbm>> -> memref<1x79x128xi32, #tpu.memory_space<hbm>>
      %dma_start3A_28 = tpu.memref_squeeze %dma_start3A_27 : memref<1x79x128xi32, #tpu.memory_space<hbm>> -> memref<79x128xi32, #tpu.memory_space<hbm>>
      %dma_start3A_29 = arith.constant 0 : i32
      %dma_start3A_30 = tpu.memref_slice %dma_start3A_28[%mul3A_7, %dma_start3A_29] : memref<79x128xi32, #tpu.memory_space<hbm>> -> memref<79x128xi32, #tpu.memory_space<hbm>>
      %dma_start3A_31 = arith.constant 0 : i32
      %dma_start3A_32 = arith.constant 0 : i32
      %dma_start3A_33 = tpu.memref_slice %arg3[%add3A, %dma_start3A_31, %dma_start3A_32] : memref<32x79x128xi32, #tpu.memory_space<hbm>> -> memref<1x79x128xi32, #tpu.memory_space<hbm>>
      %dma_start3A_34 = tpu.memref_squeeze %dma_start3A_33 : memref<1x79x128xi32, #tpu.memory_space<hbm>> -> memref<79x128xi32, #tpu.memory_space<hbm>>
      %dma_start3A_35 = arith.constant 0 : i32
      %dma_start3A_36 = tpu.memref_slice %dma_start3A_34[%mul3A_7, %dma_start3A_35] : memref<79x128xi32, #tpu.memory_space<hbm>> -> memref<79x128xi32, #tpu.memory_space<hbm>>
      tpu.enqueue_dma source(%dma_start3A_36 : memref<79x128xi32, #tpu.memory_space<hbm>>) target(%arg7 : memref<79x128xi32, #tpu.memory_space<vmem>>) target_semaphore(%run_scoped3A_25 : memref<!tpu.dma_semaphore, #tpu.memory_space<semaphore_mem>>)
      %dma_wait3A = arith.constant 0 : i32
      %dma_wait3A_37 = arith.constant 0 : i32
      %dma_wait3A_38 = tpu.memref_slice %arg3[%add3A, %dma_wait3A, %dma_wait3A_37] : memref<32x79x128xi32, #tpu.memory_space<hbm>> -> memref<1x79x128xi32, #tpu.memory_space<hbm>>
      %dma_wait3A_39 = tpu.memref_squeeze %dma_wait3A_38 : memref<1x79x128xi32, #tpu.memory_space<hbm>> -> memref<79x128xi32, #tpu.memory_space<hbm>>
      %dma_wait3A_40 = arith.constant 0 : i32
      %dma_wait3A_41 = tpu.memref_slice %dma_wait3A_39[%mul3A_7, %dma_wait3A_40] : memref<79x128xi32, #tpu.memory_space<hbm>> -> memref<79x128xi32, #tpu.memory_space<hbm>>
      %dma_wait3A_42 = arith.constant 0 : i32
      %dma_wait3A_43 = arith.constant 0 : i32
      %dma_wait3A_44 = tpu.memref_slice %arg3[%add3A, %dma_wait3A_42, %dma_wait3A_43] : memref<32x79x128xi32, #tpu.memory_space<hbm>> -> memref<1x79x128xi32, #tpu.memory_space<hbm>>
      %dma_wait3A_45 = tpu.memref_squeeze %dma_wait3A_44 : memref<1x79x128xi32, #tpu.memory_space<hbm>> -> memref<79x128xi32, #tpu.memory_space<hbm>>
      %dma_wait3A_46 = arith.constant 0 : i32
      %dma_wait3A_47 = tpu.memref_slice %dma_wait3A_45[%mul3A_7, %dma_wait3A_46] : memref<79x128xi32, #tpu.memory_space<hbm>> -> memref<79x128xi32, #tpu.memory_space<hbm>>
      tpu.wait_dma2 semaphore(%run_scoped3A_25 : memref<!tpu.dma_semaphore, #tpu.memory_space<semaphore_mem>>) src(%dma_wait3A_47 : memref<79x128xi32, #tpu.memory_space<hbm>>) dst(%arg7 : memref<79x128xi32, #tpu.memory_space<vmem>>)
      tpu.yield
    }) : () -> ()
    %mul3A_8 = arith.constant 79 : i32
    %mul3A_9 = arith.muli %scan3A_5, %mul3A_8 : i32
    "tpu.region"() ({
      %run_scoped3A_25 = tpu.sem_alloc : memref<!tpu.dma_semaphore, #tpu.memory_space<semaphore_mem>>
      %dma_start3A = arith.constant 0 : i32
      %dma_start3A_26 = arith.constant 0 : i32
      %dma_start3A_27 = tpu.memref_slice %arg4[%add3A, %dma_start3A, %dma_start3A_26] : memref<32x79x128xi32, #tpu.memory_space<hbm>> -> memref<1x79x128xi32, #tpu.memory_space<hbm>>
      %dma_start3A_28 = tpu.memref_squeeze %dma_start3A_27 : memref<1x79x128xi32, #tpu.memory_space<hbm>> -> memref<79x128xi32, #tpu.memory_space<hbm>>
      %dma_start3A_29 = arith.constant 0 : i32
      %dma_start3A_30 = tpu.memref_slice %dma_start3A_28[%mul3A_9, %dma_start3A_29] : memref<79x128xi32, #tpu.memory_space<hbm>> -> memref<79x128xi32, #tpu.memory_space<hbm>>
      %dma_start3A_31 = arith.constant 0 : i32
      %dma_start3A_32 = arith.constant 0 : i32
      %dma_start3A_33 = tpu.memref_slice %arg4[%add3A, %dma_start3A_31, %dma_start3A_32] : memref<32x79x128xi32, #tpu.memory_space<hbm>> -> memref<1x79x128xi32, #tpu.memory_space<hbm>>
      %dma_start3A_34 = tpu.memref_squeeze %dma_start3A_33 : memref<1x79x128xi32, #tpu.memory_space<hbm>> -> memref<79x128xi32, #tpu.memory_space<hbm>>
      %dma_start3A_35 = arith.constant 0 : i32
      %dma_start3A_36 = tpu.memref_slice %dma_start3A_34[%mul3A_9, %dma_start3A_35] : memref<79x128xi32, #tpu.memory_space<hbm>> -> memref<79x128xi32, #tpu.memory_space<hbm>>
      tpu.enqueue_dma source(%dma_start3A_36 : memref<79x128xi32, #tpu.memory_space<hbm>>) target(%arg8 : memref<79x128xi32, #tpu.memory_space<vmem>>) target_semaphore(%run_scoped3A_25 : memref<!tpu.dma_semaphore, #tpu.memory_space<semaphore_mem>>)
      %dma_wait3A = arith.constant 0 : i32
      %dma_wait3A_37 = arith.constant 0 : i32
      %dma_wait3A_38 = tpu.memref_slice %arg4[%add3A, %dma_wait3A, %dma_wait3A_37] : memref<32x79x128xi32, #tpu.memory_space<hbm>> -> memref<1x79x128xi32, #tpu.memory_space<hbm>>
      %dma_wait3A_39 = tpu.memref_squeeze %dma_wait3A_38 : memref<1x79x128xi32, #tpu.memory_space<hbm>> -> memref<79x128xi32, #tpu.memory_space<hbm>>
      %dma_wait3A_40 = arith.constant 0 : i32
      %dma_wait3A_41 = tpu.memref_slice %dma_wait3A_39[%mul3A_9, %dma_wait3A_40] : memref<79x128xi32, #tpu.memory_space<hbm>> -> memref<79x128xi32, #tpu.memory_space<hbm>>
      %dma_wait3A_42 = arith.constant 0 : i32
      %dma_wait3A_43 = arith.constant 0 : i32
      %dma_wait3A_44 = tpu.memref_slice %arg4[%add3A, %dma_wait3A_42, %dma_wait3A_43] : memref<32x79x128xi32, #tpu.memory_space<hbm>> -> memref<1x79x128xi32, #tpu.memory_space<hbm>>
      %dma_wait3A_45 = tpu.memref_squeeze %dma_wait3A_44 : memref<1x79x128xi32, #tpu.memory_space<hbm>> -> memref<79x128xi32, #tpu.memory_space<hbm>>
      %dma_wait3A_46 = arith.constant 0 : i32
      %dma_wait3A_47 = tpu.memref_slice %dma_wait3A_45[%mul3A_9, %dma_wait3A_46] : memref<79x128xi32, #tpu.memory_space<hbm>> -> memref<79x128xi32, #tpu.memory_space<hbm>>
      tpu.wait_dma2 semaphore(%run_scoped3A_25 : memref<!tpu.dma_semaphore, #tpu.memory_space<semaphore_mem>>) src(%dma_wait3A_47 : memref<79x128xi32, #tpu.memory_space<hbm>>) dst(%arg8 : memref<79x128xi32, #tpu.memory_space<vmem>>)
      tpu.yield
    }) : () -> ()
    %run_scoped3A = arith.constant 0 : i32
    %run_scoped3A_10 = arith.constant 0 : i32
    "tpu.region"() ({
      %run_scoped3A_25 = tpu.sem_alloc : memref<!tpu.dma_semaphore, #tpu.memory_space<semaphore_mem>>
      %dma_start3A = arith.constant 0 : i32
      %dma_start3A_26 = arith.constant 0 : i32
      %dma_start3A_27 = tpu.memref_slice %arg9[%run_scoped3A_10, %dma_start3A, %dma_start3A_26] : memref<2x128x64xf32, #tpu.memory_space<vmem>> -> memref<1x128x64xf32, #tpu.memory_space<vmem>>
      %dma_start3A_28 = tpu.memref_squeeze %dma_start3A_27 : memref<1x128x64xf32, #tpu.memory_space<vmem>> -> memref<128x64xf32, #tpu.memory_space<vmem>>
      %dma_start3A_29 = arith.constant 0 : i32
      %dma_start3A_30 = tpu.memref_slice %arg7[%run_scoped3A, %dma_start3A_29] : memref<79x128xi32, #tpu.memory_space<vmem>> -> memref<1x128xi32, #tpu.memory_space<vmem>>
      %dma_start3A_31 = tpu.memref_squeeze %dma_start3A_30 : memref<1x128xi32, #tpu.memory_space<vmem>> -> memref<128xi32, #tpu.memory_space<vmem>>
      %dma_start3A_32 = arith.constant 0 : i32
      %dma_start3A_33 = arith.constant 0 : i32
      %dma_start3A_34 = tpu.memref_slice %arg2[%dma_start3A_32, %dma_start3A_33] : memref<10000x64xf32, #tpu.memory_space<hbm>> -> memref<10000x64xf32, #tpu.memory_space<hbm>>
      tpu.enqueue_indirect_dma source(%dma_start3A_34 : memref<10000x64xf32, #tpu.memory_space<hbm>>) target(%dma_start3A_28 : memref<128x64xf32, #tpu.memory_space<vmem>>) offsets(%dma_start3A_31 : memref<128xi32, #tpu.memory_space<vmem>>) semaphore(%run_scoped3A_25 : memref<!tpu.dma_semaphore, #tpu.memory_space<semaphore_mem>>)
      %dma_wait3A = arith.constant 0 : i32
      %dma_wait3A_35 = arith.constant 0 : i32
      %dma_wait3A_36 = tpu.memref_slice %arg9[%run_scoped3A_10, %dma_wait3A, %dma_wait3A_35] : memref<2x128x64xf32, #tpu.memory_space<vmem>> -> memref<1x128x64xf32, #tpu.memory_space<vmem>>
      %dma_wait3A_37 = tpu.memref_squeeze %dma_wait3A_36 : memref<1x128x64xf32, #tpu.memory_space<vmem>> -> memref<128x64xf32, #tpu.memory_space<vmem>>
      %dma_wait3A_38 = arith.constant 0 : i32
      %dma_wait3A_39 = tpu.memref_slice %arg7[%run_scoped3A, %dma_wait3A_38] : memref<79x128xi32, #tpu.memory_space<vmem>> -> memref<1x128xi32, #tpu.memory_space<vmem>>
      %dma_wait3A_40 = tpu.memref_squeeze %dma_wait3A_39 : memref<1x128xi32, #tpu.memory_space<vmem>> -> memref<128xi32, #tpu.memory_space<vmem>>
      %dma_wait3A_41 = arith.constant 0 : i32
      %dma_wait3A_42 = arith.constant 0 : i32
      %dma_wait3A_43 = tpu.memref_slice %arg2[%dma_wait3A_41, %dma_wait3A_42] : memref<10000x64xf32, #tpu.memory_space<hbm>> -> memref<10000x64xf32, #tpu.memory_space<hbm>>
      tpu.wait_indirect_dma semaphore(%run_scoped3A_25 : memref<!tpu.dma_semaphore, #tpu.memory_space<semaphore_mem>>) src(%dma_wait3A_43 : memref<10000x64xf32, #tpu.memory_space<hbm>>) dst(%dma_wait3A_37 : memref<128x64xf32, #tpu.memory_space<vmem>>)
      tpu.yield
    }) : () -> ()
    %scan3A_11 = arith.constant 0 : i32
    %scan3A_12 = arith.constant 0 : i32
    %scan3A_13 = arith.constant 78 : i32
    %scan3A_14 = arith.addi %scan3A_12, %scan3A_13 : i32
    %scan3A_15 = arith.constant 1 : i32
    scf.for %scan3A_25 = %scan3A_12 to %scan3A_14 step %scan3A_15  : i32 {
      %rem3A = arith.constant 2 : i32
      %rem3A_26 = arith.remsi %scan3A_25, %rem3A : i32
      %add3A_27 = arith.constant 1 : i32
      %add3A_28 = arith.addi %scan3A_25, %add3A_27 : i32
      %sub3A = arith.constant 1 : i32
      %sub3A_29 = arith.subi %sub3A, %rem3A_26 : i32
      %sub3A_30 = arith.constant 1 : i32
      %sub3A_31 = arith.subi %sub3A_30, %rem3A_26 : i32
      %dma_start3A = arith.constant 0 : i32
      %dma_start3A_32 = arith.constant 0 : i32
      %dma_start3A_33 = tpu.memref_slice %arg9[%sub3A_29, %dma_start3A, %dma_start3A_32] : memref<2x128x64xf32, #tpu.memory_space<vmem>> -> memref<1x128x64xf32, #tpu.memory_space<vmem>>
      %dma_start3A_34 = tpu.memref_squeeze %dma_start3A_33 : memref<1x128x64xf32, #tpu.memory_space<vmem>> -> memref<128x64xf32, #tpu.memory_space<vmem>>
      %dma_start3A_35 = arith.constant 0 : i32
      %dma_start3A_36 = tpu.memref_slice %arg7[%add3A_28, %dma_start3A_35] : memref<79x128xi32, #tpu.memory_space<vmem>> -> memref<1x128xi32, #tpu.memory_space<vmem>>
      %dma_start3A_37 = tpu.memref_squeeze %dma_start3A_36 : memref<1x128xi32, #tpu.memory_space<vmem>> -> memref<128xi32, #tpu.memory_space<vmem>>
      %dma_start3A_38 = arith.constant 0 : i32
      %dma_start3A_39 = arith.constant 0 : i32
      %dma_start3A_40 = tpu.memref_slice %arg2[%dma_start3A_38, %dma_start3A_39] : memref<10000x64xf32, #tpu.memory_space<hbm>> -> memref<10000x64xf32, #tpu.memory_space<hbm>>
      %dma_start3A_41 = tpu.memref_slice %arg11[%sub3A_31] : memref<2x!tpu.dma_semaphore, #tpu.memory_space<semaphore_mem>> -> memref<1x!tpu.dma_semaphore, #tpu.memory_space<semaphore_mem>>
      %dma_start3A_42 = tpu.memref_squeeze %dma_start3A_41 : memref<1x!tpu.dma_semaphore, #tpu.memory_space<semaphore_mem>> -> memref<!tpu.dma_semaphore, #tpu.memory_space<semaphore_mem>>
      tpu.enqueue_indirect_dma source(%dma_start3A_40 : memref<10000x64xf32, #tpu.memory_space<hbm>>) target(%dma_start3A_34 : memref<128x64xf32, #tpu.memory_space<vmem>>) offsets(%dma_start3A_37 : memref<128xi32, #tpu.memory_space<vmem>>) semaphore(%dma_start3A_42 : memref<!tpu.dma_semaphore, #tpu.memory_space<semaphore_mem>>)
      "tpu.region"() ({
        %run_scoped3A_54 = tpu.sem_alloc : memref<!tpu.dma_semaphore, #tpu.memory_space<semaphore_mem>>
        %dma_start3A_55 = arith.constant 0 : i32
        %dma_start3A_56 = arith.constant 0 : i32
        %dma_start3A_57 = tpu.memref_slice %arg9[%rem3A_26, %dma_start3A_55, %dma_start3A_56] : memref<2x128x64xf32, #tpu.memory_space<vmem>> -> memref<1x128x64xf32, #tpu.memory_space<vmem>>
        %dma_start3A_58 = tpu.memref_squeeze %dma_start3A_57 : memref<1x128x64xf32, #tpu.memory_space<vmem>> -> memref<128x64xf32, #tpu.memory_space<vmem>>
        %dma_start3A_59 = arith.constant 0 : i32
        %dma_start3A_60 = tpu.memref_slice %arg8[%scan3A_25, %dma_start3A_59] : memref<79x128xi32, #tpu.memory_space<vmem>> -> memref<1x128xi32, #tpu.memory_space<vmem>>
        %dma_start3A_61 = tpu.memref_squeeze %dma_start3A_60 : memref<1x128xi32, #tpu.memory_space<vmem>> -> memref<128xi32, #tpu.memory_space<vmem>>
        %dma_start3A_62 = arith.constant 0 : i32
        %dma_start3A_63 = arith.constant 0 : i32
        %dma_start3A_64 = tpu.memref_slice %arg10[%dma_start3A_62, %dma_start3A_63] : memref<10112x64xf32, #tpu.memory_space<vmem_shared>> -> memref<10112x64xf32, #tpu.memory_space<vmem_shared>>
        tpu.enqueue_indirect_dma source(%dma_start3A_58 : memref<128x64xf32, #tpu.memory_space<vmem>>) target(%dma_start3A_64 : memref<10112x64xf32, #tpu.memory_space<vmem_shared>>) offsets(%dma_start3A_61 : memref<128xi32, #tpu.memory_space<vmem>>) semaphore(%run_scoped3A_54 : memref<!tpu.dma_semaphore, #tpu.memory_space<semaphore_mem>>) {add = true}
        %dma_wait3A_65 = arith.constant 0 : i32
        %dma_wait3A_66 = arith.constant 0 : i32
        %dma_wait3A_67 = tpu.memref_slice %arg9[%rem3A_26, %dma_wait3A_65, %dma_wait3A_66] : memref<2x128x64xf32, #tpu.memory_space<vmem>> -> memref<1x128x64xf32, #tpu.memory_space<vmem>>
        %dma_wait3A_68 = tpu.memref_squeeze %dma_wait3A_67 : memref<1x128x64xf32, #tpu.memory_space<vmem>> -> memref<128x64xf32, #tpu.memory_space<vmem>>
        %dma_wait3A_69 = arith.constant 0 : i32
        %dma_wait3A_70 = tpu.memref_slice %arg8[%scan3A_25, %dma_wait3A_69] : memref<79x128xi32, #tpu.memory_space<vmem>> -> memref<1x128xi32, #tpu.memory_space<vmem>>
        %dma_wait3A_71 = tpu.memref_squeeze %dma_wait3A_70 : memref<1x128xi32, #tpu.memory_space<vmem>> -> memref<128xi32, #tpu.memory_space<vmem>>
        %dma_wait3A_72 = arith.constant 0 : i32
        %dma_wait3A_73 = arith.constant 0 : i32
        %dma_wait3A_74 = tpu.memref_slice %arg10[%dma_wait3A_72, %dma_wait3A_73] : memref<10112x64xf32, #tpu.memory_space<vmem_shared>> -> memref<10112x64xf32, #tpu.memory_space<vmem_shared>>
        tpu.wait_indirect_dma semaphore(%run_scoped3A_54 : memref<!tpu.dma_semaphore, #tpu.memory_space<semaphore_mem>>) src(%dma_wait3A_68 : memref<128x64xf32, #tpu.memory_space<vmem>>) dst(%dma_wait3A_74 : memref<10112x64xf32, #tpu.memory_space<vmem_shared>>)
        tpu.yield
      }) : () -> ()
      %dma_wait3A = arith.constant 0 : i32
      %dma_wait3A_43 = arith.constant 0 : i32
      %dma_wait3A_44 = tpu.memref_slice %arg9[%sub3A_29, %dma_wait3A, %dma_wait3A_43] : memref<2x128x64xf32, #tpu.memory_space<vmem>> -> memref<1x128x64xf32, #tpu.memory_space<vmem>>
      %dma_wait3A_45 = tpu.memref_squeeze %dma_wait3A_44 : memref<1x128x64xf32, #tpu.memory_space<vmem>> -> memref<128x64xf32, #tpu.memory_space<vmem>>
      %dma_wait3A_46 = arith.constant 0 : i32
      %dma_wait3A_47 = tpu.memref_slice %arg7[%add3A_28, %dma_wait3A_46] : memref<79x128xi32, #tpu.memory_space<vmem>> -> memref<1x128xi32, #tpu.memory_space<vmem>>
      %dma_wait3A_48 = tpu.memref_squeeze %dma_wait3A_47 : memref<1x128xi32, #tpu.memory_space<vmem>> -> memref<128xi32, #tpu.memory_space<vmem>>
      %dma_wait3A_49 = arith.constant 0 : i32
      %dma_wait3A_50 = arith.constant 0 : i32
      %dma_wait3A_51 = tpu.memref_slice %arg2[%dma_wait3A_49, %dma_wait3A_50] : memref<10000x64xf32, #tpu.memory_space<hbm>> -> memref<10000x64xf32, #tpu.memory_space<hbm>>
      %dma_wait3A_52 = tpu.memref_slice %arg11[%sub3A_31] : memref<2x!tpu.dma_semaphore, #tpu.memory_space<semaphore_mem>> -> memref<1x!tpu.dma_semaphore, #tpu.memory_space<semaphore_mem>>
      %dma_wait3A_53 = tpu.memref_squeeze %dma_wait3A_52 : memref<1x!tpu.dma_semaphore, #tpu.memory_space<semaphore_mem>> -> memref<!tpu.dma_semaphore, #tpu.memory_space<semaphore_mem>>
      tpu.wait_indirect_dma semaphore(%dma_wait3A_53 : memref<!tpu.dma_semaphore, #tpu.memory_space<semaphore_mem>>) src(%dma_wait3A_51 : memref<10000x64xf32, #tpu.memory_space<hbm>>) dst(%dma_wait3A_45 : memref<128x64xf32, #tpu.memory_space<vmem>>)
    }
    %scan3A_16 = arith.constant 78 : i32
    %run_scoped3A_17 = arith.constant 0 : i32
    %run_scoped3A_18 = arith.constant 78 : i32
    "tpu.region"() ({
      %run_scoped3A_25 = tpu.sem_alloc : memref<!tpu.dma_semaphore, #tpu.memory_space<semaphore_mem>>
      %dma_start3A = arith.constant 0 : i32
      %dma_start3A_26 = arith.constant 0 : i32
      %dma_start3A_27 = tpu.memref_slice %arg9[%run_scoped3A_17, %dma_start3A, %dma_start3A_26] : memref<2x128x64xf32, #tpu.memory_space<vmem>> -> memref<1x128x64xf32, #tpu.memory_space<vmem>>
      %dma_start3A_28 = tpu.memref_squeeze %dma_start3A_27 : memref<1x128x64xf32, #tpu.memory_space<vmem>> -> memref<128x64xf32, #tpu.memory_space<vmem>>
      %dma_start3A_29 = arith.constant 0 : i32
      %dma_start3A_30 = tpu.memref_slice %arg8[%run_scoped3A_18, %dma_start3A_29] : memref<79x128xi32, #tpu.memory_space<vmem>> -> memref<1x128xi32, #tpu.memory_space<vmem>>
      %dma_start3A_31 = tpu.memref_squeeze %dma_start3A_30 : memref<1x128xi32, #tpu.memory_space<vmem>> -> memref<128xi32, #tpu.memory_space<vmem>>
      %dma_start3A_32 = arith.constant 0 : i32
      %dma_start3A_33 = arith.constant 0 : i32
      %dma_start3A_34 = tpu.memref_slice %arg10[%dma_start3A_32, %dma_start3A_33] : memref<10112x64xf32, #tpu.memory_space<vmem_shared>> -> memref<10112x64xf32, #tpu.memory_space<vmem_shared>>
      tpu.enqueue_indirect_dma source(%dma_start3A_28 : memref<128x64xf32, #tpu.memory_space<vmem>>) target(%dma_start3A_34 : memref<10112x64xf32, #tpu.memory_space<vmem_shared>>) offsets(%dma_start3A_31 : memref<128xi32, #tpu.memory_space<vmem>>) semaphore(%run_scoped3A_25 : memref<!tpu.dma_semaphore, #tpu.memory_space<semaphore_mem>>) {add = true}
      %dma_wait3A = arith.constant 0 : i32
      %dma_wait3A_35 = arith.constant 0 : i32
      %dma_wait3A_36 = tpu.memref_slice %arg9[%run_scoped3A_17, %dma_wait3A, %dma_wait3A_35] : memref<2x128x64xf32, #tpu.memory_space<vmem>> -> memref<1x128x64xf32, #tpu.memory_space<vmem>>
      %dma_wait3A_37 = tpu.memref_squeeze %dma_wait3A_36 : memref<1x128x64xf32, #tpu.memory_space<vmem>> -> memref<128x64xf32, #tpu.memory_space<vmem>>
      %dma_wait3A_38 = arith.constant 0 : i32
      %dma_wait3A_39 = tpu.memref_slice %arg8[%run_scoped3A_18, %dma_wait3A_38] : memref<79x128xi32, #tpu.memory_space<vmem>> -> memref<1x128xi32, #tpu.memory_space<vmem>>
      %dma_wait3A_40 = tpu.memref_squeeze %dma_wait3A_39 : memref<1x128xi32, #tpu.memory_space<vmem>> -> memref<128xi32, #tpu.memory_space<vmem>>
      %dma_wait3A_41 = arith.constant 0 : i32
      %dma_wait3A_42 = arith.constant 0 : i32
      %dma_wait3A_43 = tpu.memref_slice %arg10[%dma_wait3A_41, %dma_wait3A_42] : memref<10112x64xf32, #tpu.memory_space<vmem_shared>> -> memref<10112x64xf32, #tpu.memory_space<vmem_shared>>
      tpu.wait_indirect_dma semaphore(%run_scoped3A_25 : memref<!tpu.dma_semaphore, #tpu.memory_space<semaphore_mem>>) src(%dma_wait3A_37 : memref<128x64xf32, #tpu.memory_space<vmem>>) dst(%dma_wait3A_43 : memref<10112x64xf32, #tpu.memory_space<vmem_shared>>)
      tpu.yield
    }) : () -> ()
    %scan3A_19 = arith.constant 1 : i32
    %barrier3A_20 = arith.constant 0 : index
    tpu.barrier barrier_id(%barrier3A_20)
    %mul3A_21 = arith.constant 632 : i32
    %mul3A_22 = arith.muli %arg1, %mul3A_21 : i32
    %mul3A_23 = arith.constant 632 : i32
    %mul3A_24 = arith.muli %arg1, %mul3A_23 : i32
    "tpu.region"() ({
      %run_scoped3A_25 = tpu.sem_alloc : memref<!tpu.dma_semaphore, #tpu.memory_space<semaphore_mem>>
      %dma_start3A = arith.constant 0 : i32
      %dma_start3A_26 = arith.constant 0 : i32
      %dma_start3A_27 = tpu.memref_slice %arg6[%arg0, %dma_start3A, %dma_start3A_26] : memref<2x10112x64xf32, #tpu.memory_space<hbm>> -> memref<1x10112x64xf32, #tpu.memory_space<hbm>>
      %dma_start3A_28 = tpu.memref_squeeze %dma_start3A_27 : memref<1x10112x64xf32, #tpu.memory_space<hbm>> -> memref<10112x64xf32, #tpu.memory_space<hbm>>
      %dma_start3A_29 = arith.constant 0 : i32
      %dma_start3A_30 = tpu.memref_slice %dma_start3A_28[%mul3A_24, %dma_start3A_29] : memref<10112x64xf32, #tpu.memory_space<hbm>> -> memref<632x64xf32, #tpu.memory_space<hbm>>
      %dma_start3A_31 = arith.constant 0 : i32
      %dma_start3A_32 = tpu.memref_slice %arg10[%mul3A_22, %dma_start3A_31] : memref<10112x64xf32, #tpu.memory_space<vmem_shared>> -> memref<632x64xf32, #tpu.memory_space<vmem_shared>>
      tpu.enqueue_dma source(%dma_start3A_32 : memref<632x64xf32, #tpu.memory_space<vmem_shared>>) target(%dma_start3A_30 : memref<632x64xf32, #tpu.memory_space<hbm>>) target_semaphore(%run_scoped3A_25 : memref<!tpu.dma_semaphore, #tpu.memory_space<semaphore_mem>>)
      %dma_wait3A = arith.constant 0 : i32
      %dma_wait3A_33 = arith.constant 0 : i32
      %dma_wait3A_34 = tpu.memref_slice %arg6[%arg0, %dma_wait3A, %dma_wait3A_33] : memref<2x10112x64xf32, #tpu.memory_space<hbm>> -> memref<1x10112x64xf32, #tpu.memory_space<hbm>>
      %dma_wait3A_35 = tpu.memref_squeeze %dma_wait3A_34 : memref<1x10112x64xf32, #tpu.memory_space<hbm>> -> memref<10112x64xf32, #tpu.memory_space<hbm>>
      %dma_wait3A_36 = arith.constant 0 : i32
      %dma_wait3A_37 = tpu.memref_slice %dma_wait3A_35[%mul3A_24, %dma_wait3A_36] : memref<10112x64xf32, #tpu.memory_space<hbm>> -> memref<632x64xf32, #tpu.memory_space<hbm>>
      %dma_wait3A_38 = arith.constant 0 : i32
      %dma_wait3A_39 = tpu.memref_slice %arg10[%mul3A_22, %dma_wait3A_38] : memref<10112x64xf32, #tpu.memory_space<vmem_shared>> -> memref<632x64xf32, #tpu.memory_space<vmem_shared>>
      tpu.wait_dma2 semaphore(%run_scoped3A_25 : memref<!tpu.dma_semaphore, #tpu.memory_space<semaphore_mem>>) src(%dma_wait3A_39 : memref<632x64xf32, #tpu.memory_space<vmem_shared>>) dst(%dma_wait3A_37 : memref<632x64xf32, #tpu.memory_space<hbm>>)
      tpu.yield
    }) : () -> ()
    return
  }
}

#map = affine_map<(d0, d1) -> (0, 0)>
#map1 = affine_map<(d0, d1) -> (0, 0, 0)>
module attributes {stable_mosaic.version = 14 : i64} {
  func.func @seg_sum(%arg0: i32, %arg1: i32, %arg2: memref<10000x64xf32, #tpu.memory_space<hbm>>, %arg3: memref<32x79x128xi32, #tpu.memory_space<hbm>>, %arg4: memref<32x79x128xi32, #tpu.memory_space<hbm>>, %arg5: memref<10112x64xf32, #tpu.memory_space<hbm>>, %arg6: memref<2x10112x64xf32, #tpu.memory_space<hbm>>, %arg7: memref<79x128xi32, #tpu.memory_space<vmem>>, %arg8: memref<79x128xi32, #tpu.memory_space<vmem>>, %arg9: memref<2x128x64xf32, #tpu.memory_space<vmem>>, %arg10: memref<10112x64xf32, #tpu.memory_space<vmem_shared>>, %arg11: memref<2x!tpu.dma_semaphore, #tpu.memory_space<semaphore_mem>>) attributes {dimension_semantics = [#tpu.dimension_semantics<core_parallel>, #tpu.dimension_semantics<subcore_parallel>], iteration_bounds = array<i64: 2, 16>, scalar_prefetch = 0 : i64, scratch_operands = 5 : i64, tpu.core_type = #tpu.core_type<sc_vector_subcore>, window_params = [{transform_indices = #map}, {transform_indices = #map1}, {transform_indices = #map1}, {transform_indices = #map}, {transform_indices = #map1}]} {
    %mul3A = arith.constant 2 : i32
    %mul3A_0 = arith.muli %arg1, %mul3A : i32
    %add3A = arith.addi %mul3A_0, %arg0 : i32
    %mul3A_1 = arith.constant 632 : i32
    %mul3A_2 = arith.muli %arg1, %mul3A_1 : i32
    %mul3A_3 = arith.constant 632 : i32
    %mul3A_4 = arith.muli %arg1, %mul3A_3 : i32
    "tpu.region"() ({
      %run_scoped3A_25 = tpu.sem_alloc : memref<!tpu.dma_semaphore, #tpu.memory_space<semaphore_mem>>
      %dma_start3A = arith.constant 0 : i32
      %dma_start3A_26 = tpu.memref_slice %arg10[%mul3A_4, %dma_start3A] : memref<10112x64xf32, #tpu.memory_space<vmem_shared>> -> memref<632x64xf32, #tpu.memory_space<vmem_shared>>
      %dma_start3A_27 = arith.constant 0 : i32
      %dma_start3A_28 = tpu.memref_slice %arg5[%mul3A_2, %dma_start3A_27] : memref<10112x64xf32, #tpu.memory_space<hbm>> -> memref<632x64xf32, #tpu.memory_space<hbm>>
      tpu.enqueue_dma source(%dma_start3A_28 : memref<632x64xf32, #tpu.memory_space<hbm>>) target(%dma_start3A_26 : memref<632x64xf32, #tpu.memory_space<vmem_shared>>) target_semaphore(%run_scoped3A_25 : memref<!tpu.dma_semaphore, #tpu.memory_space<semaphore_mem>>)
      %dma_wait3A = arith.constant 0 : i32
      %dma_wait3A_29 = tpu.memref_slice %arg10[%mul3A_4, %dma_wait3A] : memref<10112x64xf32, #tpu.memory_space<vmem_shared>> -> memref<632x64xf32, #tpu.memory_space<vmem_shared>>
      %dma_wait3A_30 = arith.constant 0 : i32
      %dma_wait3A_31 = tpu.memref_slice %arg5[%mul3A_2, %dma_wait3A_30] : memref<10112x64xf32, #tpu.memory_space<hbm>> -> memref<632x64xf32, #tpu.memory_space<hbm>>
      tpu.wait_dma2 semaphore(%run_scoped3A_25 : memref<!tpu.dma_semaphore, #tpu.memory_space<semaphore_mem>>) src(%dma_wait3A_31 : memref<632x64xf32, #tpu.memory_space<hbm>>) dst(%dma_wait3A_29 : memref<632x64xf32, #tpu.memory_space<vmem_shared>>)
      tpu.yield
    }) : () -> ()
    %barrier3A = arith.constant 0 : index
    tpu.barrier barrier_id(%barrier3A)
    %scan3A = arith.constant 0 : i32
    %scan3A_5 = arith.constant 0 : i32
    %mul3A_6 = arith.constant 79 : i32
    %mul3A_7 = arith.muli %scan3A_5, %mul3A_6 : i32
    "tpu.region"() ({
      %run_scoped3A_25 = tpu.sem_alloc : memref<!tpu.dma_semaphore, #tpu.memory_space<semaphore_mem>>
      %dma_start3A = arith.constant 0 : i32
      %dma_start3A_26 = arith.constant 0 : i32
      %dma_start3A_27 = tpu.memref_slice %arg3[%add3A, %dma_start3A, %dma_start3A_26] : memref<32x79x128xi32, #tpu.memory_space<hbm>> -> memref<1x79x128xi32, #tpu.memory_space<hbm>>
      %dma_start3A_28 = tpu.memref_squeeze %dma_start3A_27 : memref<1x79x128xi32, #tpu.memory_space<hbm>> -> memref<79x128xi32, #tpu.memory_space<hbm>>
      %dma_start3A_29 = arith.constant 0 : i32
      %dma_start3A_30 = tpu.memref_slice %dma_start3A_28[%mul3A_7, %dma_start3A_29] : memref<79x128xi32, #tpu.memory_space<hbm>> -> memref<79x128xi32, #tpu.memory_space<hbm>>
      %dma_start3A_31 = arith.constant 0 : i32
      %dma_start3A_32 = arith.constant 0 : i32
      %dma_start3A_33 = tpu.memref_slice %arg3[%add3A, %dma_start3A_31, %dma_start3A_32] : memref<32x79x128xi32, #tpu.memory_space<hbm>> -> memref<1x79x128xi32, #tpu.memory_space<hbm>>
      %dma_start3A_34 = tpu.memref_squeeze %dma_start3A_33 : memref<1x79x128xi32, #tpu.memory_space<hbm>> -> memref<79x128xi32, #tpu.memory_space<hbm>>
      %dma_start3A_35 = arith.constant 0 : i32
      %dma_start3A_36 = tpu.memref_slice %dma_start3A_34[%mul3A_7, %dma_start3A_35] : memref<79x128xi32, #tpu.memory_space<hbm>> -> memref<79x128xi32, #tpu.memory_space<hbm>>
      tpu.enqueue_dma source(%dma_start3A_36 : memref<79x128xi32, #tpu.memory_space<hbm>>) target(%arg7 : memref<79x128xi32, #tpu.memory_space<vmem>>) target_semaphore(%run_scoped3A_25 : memref<!tpu.dma_semaphore, #tpu.memory_space<semaphore_mem>>)
      %dma_wait3A = arith.constant 0 : i32
      %dma_wait3A_37 = arith.constant 0 : i32
      %dma_wait3A_38 = tpu.memref_slice %arg3[%add3A, %dma_wait3A, %dma_wait3A_37] : memref<32x79x128xi32, #tpu.memory_space<hbm>> -> memref<1x79x128xi32, #tpu.memory_space<hbm>>
      %dma_wait3A_39 = tpu.memref_squeeze %dma_wait3A_38 : memref<1x79x128xi32, #tpu.memory_space<hbm>> -> memref<79x128xi32, #tpu.memory_space<hbm>>
      %dma_wait3A_40 = arith.constant 0 : i32
      %dma_wait3A_41 = tpu.memref_slice %dma_wait3A_39[%mul3A_7, %dma_wait3A_40] : memref<79x128xi32, #tpu.memory_space<hbm>> -> memref<79x128xi32, #tpu.memory_space<hbm>>
      %dma_wait3A_42 = arith.constant 0 : i32
      %dma_wait3A_43 = arith.constant 0 : i32
      %dma_wait3A_44 = tpu.memref_slice %arg3[%add3A, %dma_wait3A_42, %dma_wait3A_43] : memref<32x79x128xi32, #tpu.memory_space<hbm>> -> memref<1x79x128xi32, #tpu.memory_space<hbm>>
      %dma_wait3A_45 = tpu.memref_squeeze %dma_wait3A_44 : memref<1x79x128xi32, #tpu.memory_space<hbm>> -> memref<79x128xi32, #tpu.memory_space<hbm>>
      %dma_wait3A_46 = arith.constant 0 : i32
      %dma_wait3A_47 = tpu.memref_slice %dma_wait3A_45[%mul3A_7, %dma_wait3A_46] : memref<79x128xi32, #tpu.memory_space<hbm>> -> memref<79x128xi32, #tpu.memory_space<hbm>>
      tpu.wait_dma2 semaphore(%run_scoped3A_25 : memref<!tpu.dma_semaphore, #tpu.memory_space<semaphore_mem>>) src(%dma_wait3A_47 : memref<79x128xi32, #tpu.memory_space<hbm>>) dst(%arg7 : memref<79x128xi32, #tpu.memory_space<vmem>>)
      tpu.yield
    }) : () -> ()
    %mul3A_8 = arith.constant 79 : i32
    %mul3A_9 = arith.muli %scan3A_5, %mul3A_8 : i32
    "tpu.region"() ({
      %run_scoped3A_25 = tpu.sem_alloc : memref<!tpu.dma_semaphore, #tpu.memory_space<semaphore_mem>>
      %dma_start3A = arith.constant 0 : i32
      %dma_start3A_26 = arith.constant 0 : i32
      %dma_start3A_27 = tpu.memref_slice %arg4[%add3A, %dma_start3A, %dma_start3A_26] : memref<32x79x128xi32, #tpu.memory_space<hbm>> -> memref<1x79x128xi32, #tpu.memory_space<hbm>>
      %dma_start3A_28 = tpu.memref_squeeze %dma_start3A_27 : memref<1x79x128xi32, #tpu.memory_space<hbm>> -> memref<79x128xi32, #tpu.memory_space<hbm>>
      %dma_start3A_29 = arith.constant 0 : i32
      %dma_start3A_30 = tpu.memref_slice %dma_start3A_28[%mul3A_9, %dma_start3A_29] : memref<79x128xi32, #tpu.memory_space<hbm>> -> memref<79x128xi32, #tpu.memory_space<hbm>>
      %dma_start3A_31 = arith.constant 0 : i32
      %dma_start3A_32 = arith.constant 0 : i32
      %dma_start3A_33 = tpu.memref_slice %arg4[%add3A, %dma_start3A_31, %dma_start3A_32] : memref<32x79x128xi32, #tpu.memory_space<hbm>> -> memref<1x79x128xi32, #tpu.memory_space<hbm>>
      %dma_start3A_34 = tpu.memref_squeeze %dma_start3A_33 : memref<1x79x128xi32, #tpu.memory_space<hbm>> -> memref<79x128xi32, #tpu.memory_space<hbm>>
      %dma_start3A_35 = arith.constant 0 : i32
      %dma_start3A_36 = tpu.memref_slice %dma_start3A_34[%mul3A_9, %dma_start3A_35] : memref<79x128xi32, #tpu.memory_space<hbm>> -> memref<79x128xi32, #tpu.memory_space<hbm>>
      tpu.enqueue_dma source(%dma_start3A_36 : memref<79x128xi32, #tpu.memory_space<hbm>>) target(%arg8 : memref<79x128xi32, #tpu.memory_space<vmem>>) target_semaphore(%run_scoped3A_25 : memref<!tpu.dma_semaphore, #tpu.memory_space<semaphore_mem>>)
      %dma_wait3A = arith.constant 0 : i32
      %dma_wait3A_37 = arith.constant 0 : i32
      %dma_wait3A_38 = tpu.memref_slice %arg4[%add3A, %dma_wait3A, %dma_wait3A_37] : memref<32x79x128xi32, #tpu.memory_space<hbm>> -> memref<1x79x128xi32, #tpu.memory_space<hbm>>
      %dma_wait3A_39 = tpu.memref_squeeze %dma_wait3A_38 : memref<1x79x128xi32, #tpu.memory_space<hbm>> -> memref<79x128xi32, #tpu.memory_space<hbm>>
      %dma_wait3A_40 = arith.constant 0 : i32
      %dma_wait3A_41 = tpu.memref_slice %dma_wait3A_39[%mul3A_9, %dma_wait3A_40] : memref<79x128xi32, #tpu.memory_space<hbm>> -> memref<79x128xi32, #tpu.memory_space<hbm>>
      %dma_wait3A_42 = arith.constant 0 : i32
      %dma_wait3A_43 = arith.constant 0 : i32
      %dma_wait3A_44 = tpu.memref_slice %arg4[%add3A, %dma_wait3A_42, %dma_wait3A_43] : memref<32x79x128xi32, #tpu.memory_space<hbm>> -> memref<1x79x128xi32, #tpu.memory_space<hbm>>
      %dma_wait3A_45 = tpu.memref_squeeze %dma_wait3A_44 : memref<1x79x128xi32, #tpu.memory_space<hbm>> -> memref<79x128xi32, #tpu.memory_space<hbm>>
      %dma_wait3A_46 = arith.constant 0 : i32
      %dma_wait3A_47 = tpu.memref_slice %dma_wait3A_45[%mul3A_9, %dma_wait3A_46] : memref<79x128xi32, #tpu.memory_space<hbm>> -> memref<79x128xi32, #tpu.memory_space<hbm>>
      tpu.wait_dma2 semaphore(%run_scoped3A_25 : memref<!tpu.dma_semaphore, #tpu.memory_space<semaphore_mem>>) src(%dma_wait3A_47 : memref<79x128xi32, #tpu.memory_space<hbm>>) dst(%arg8 : memref<79x128xi32, #tpu.memory_space<vmem>>)
      tpu.yield
    }) : () -> ()
    %run_scoped3A = arith.constant 0 : i32
    %run_scoped3A_10 = arith.constant 0 : i32
    "tpu.region"() ({
      %run_scoped3A_25 = tpu.sem_alloc : memref<!tpu.dma_semaphore, #tpu.memory_space<semaphore_mem>>
      %dma_start3A = arith.constant 0 : i32
      %dma_start3A_26 = arith.constant 0 : i32
      %dma_start3A_27 = tpu.memref_slice %arg9[%run_scoped3A_10, %dma_start3A, %dma_start3A_26] : memref<2x128x64xf32, #tpu.memory_space<vmem>> -> memref<1x128x64xf32, #tpu.memory_space<vmem>>
      %dma_start3A_28 = tpu.memref_squeeze %dma_start3A_27 : memref<1x128x64xf32, #tpu.memory_space<vmem>> -> memref<128x64xf32, #tpu.memory_space<vmem>>
      %dma_start3A_29 = arith.constant 0 : i32
      %dma_start3A_30 = tpu.memref_slice %arg7[%run_scoped3A, %dma_start3A_29] : memref<79x128xi32, #tpu.memory_space<vmem>> -> memref<1x128xi32, #tpu.memory_space<vmem>>
      %dma_start3A_31 = tpu.memref_squeeze %dma_start3A_30 : memref<1x128xi32, #tpu.memory_space<vmem>> -> memref<128xi32, #tpu.memory_space<vmem>>
      %dma_start3A_32 = arith.constant 0 : i32
      %dma_start3A_33 = arith.constant 0 : i32
      %dma_start3A_34 = tpu.memref_slice %arg2[%dma_start3A_32, %dma_start3A_33] : memref<10000x64xf32, #tpu.memory_space<hbm>> -> memref<10000x64xf32, #tpu.memory_space<hbm>>
      tpu.enqueue_indirect_dma source(%dma_start3A_34 : memref<10000x64xf32, #tpu.memory_space<hbm>>) target(%dma_start3A_28 : memref<128x64xf32, #tpu.memory_space<vmem>>) offsets(%dma_start3A_31 : memref<128xi32, #tpu.memory_space<vmem>>) semaphore(%run_scoped3A_25 : memref<!tpu.dma_semaphore, #tpu.memory_space<semaphore_mem>>)
      %dma_wait3A = arith.constant 0 : i32
      %dma_wait3A_35 = arith.constant 0 : i32
      %dma_wait3A_36 = tpu.memref_slice %arg9[%run_scoped3A_10, %dma_wait3A, %dma_wait3A_35] : memref<2x128x64xf32, #tpu.memory_space<vmem>> -> memref<1x128x64xf32, #tpu.memory_space<vmem>>
      %dma_wait3A_37 = tpu.memref_squeeze %dma_wait3A_36 : memref<1x128x64xf32, #tpu.memory_space<vmem>> -> memref<128x64xf32, #tpu.memory_space<vmem>>
      %dma_wait3A_38 = arith.constant 0 : i32
      %dma_wait3A_39 = tpu.memref_slice %arg7[%run_scoped3A, %dma_wait3A_38] : memref<79x128xi32, #tpu.memory_space<vmem>> -> memref<1x128xi32, #tpu.memory_space<vmem>>
      %dma_wait3A_40 = tpu.memref_squeeze %dma_wait3A_39 : memref<1x128xi32, #tpu.memory_space<vmem>> -> memref<128xi32, #tpu.memory_space<vmem>>
      %dma_wait3A_41 = arith.constant 0 : i32
      %dma_wait3A_42 = arith.constant 0 : i32
      %dma_wait3A_43 = tpu.memref_slice %arg2[%dma_wait3A_41, %dma_wait3A_42] : memref<10000x64xf32, #tpu.memory_space<hbm>> -> memref<10000x64xf32, #tpu.memory_space<hbm>>
      tpu.wait_indirect_dma semaphore(%run_scoped3A_25 : memref<!tpu.dma_semaphore, #tpu.memory_space<semaphore_mem>>) src(%dma_wait3A_43 : memref<10000x64xf32, #tpu.memory_space<hbm>>) dst(%dma_wait3A_37 : memref<128x64xf32, #tpu.memory_space<vmem>>)
      tpu.yield
    }) : () -> ()
    %scan3A_11 = arith.constant 0 : i32
    %scan3A_12 = arith.constant 0 : i32
    %scan3A_13 = arith.constant 78 : i32
    %scan3A_14 = arith.addi %scan3A_12, %scan3A_13 : i32
    %scan3A_15 = arith.constant 1 : i32
    scf.for %scan3A_25 = %scan3A_12 to %scan3A_14 step %scan3A_15  : i32 {
      %rem3A = arith.constant 2 : i32
      %rem3A_26 = arith.remsi %scan3A_25, %rem3A : i32
      %add3A_27 = arith.constant 1 : i32
      %add3A_28 = arith.addi %scan3A_25, %add3A_27 : i32
      %sub3A = arith.constant 1 : i32
      %sub3A_29 = arith.subi %sub3A, %rem3A_26 : i32
      %sub3A_30 = arith.constant 1 : i32
      %sub3A_31 = arith.subi %sub3A_30, %rem3A_26 : i32
      %dma_start3A = arith.constant 0 : i32
      %dma_start3A_32 = arith.constant 0 : i32
      %dma_start3A_33 = tpu.memref_slice %arg9[%sub3A_29, %dma_start3A, %dma_start3A_32] : memref<2x128x64xf32, #tpu.memory_space<vmem>> -> memref<1x128x64xf32, #tpu.memory_space<vmem>>
      %dma_start3A_34 = tpu.memref_squeeze %dma_start3A_33 : memref<1x128x64xf32, #tpu.memory_space<vmem>> -> memref<128x64xf32, #tpu.memory_space<vmem>>
      %dma_start3A_35 = arith.constant 0 : i32
      %dma_start3A_36 = tpu.memref_slice %arg7[%add3A_28, %dma_start3A_35] : memref<79x128xi32, #tpu.memory_space<vmem>> -> memref<1x128xi32, #tpu.memory_space<vmem>>
      %dma_start3A_37 = tpu.memref_squeeze %dma_start3A_36 : memref<1x128xi32, #tpu.memory_space<vmem>> -> memref<128xi32, #tpu.memory_space<vmem>>
      %dma_start3A_38 = arith.constant 0 : i32
      %dma_start3A_39 = arith.constant 0 : i32
      %dma_start3A_40 = tpu.memref_slice %arg2[%dma_start3A_38, %dma_start3A_39] : memref<10000x64xf32, #tpu.memory_space<hbm>> -> memref<10000x64xf32, #tpu.memory_space<hbm>>
      %dma_start3A_41 = tpu.memref_slice %arg11[%sub3A_31] : memref<2x!tpu.dma_semaphore, #tpu.memory_space<semaphore_mem>> -> memref<1x!tpu.dma_semaphore, #tpu.memory_space<semaphore_mem>>
      %dma_start3A_42 = tpu.memref_squeeze %dma_start3A_41 : memref<1x!tpu.dma_semaphore, #tpu.memory_space<semaphore_mem>> -> memref<!tpu.dma_semaphore, #tpu.memory_space<semaphore_mem>>
      tpu.enqueue_indirect_dma source(%dma_start3A_40 : memref<10000x64xf32, #tpu.memory_space<hbm>>) target(%dma_start3A_34 : memref<128x64xf32, #tpu.memory_space<vmem>>) offsets(%dma_start3A_37 : memref<128xi32, #tpu.memory_space<vmem>>) semaphore(%dma_start3A_42 : memref<!tpu.dma_semaphore, #tpu.memory_space<semaphore_mem>>)
      "tpu.region"() ({
        %run_scoped3A_54 = tpu.sem_alloc : memref<!tpu.dma_semaphore, #tpu.memory_space<semaphore_mem>>
        %dma_start3A_55 = arith.constant 0 : i32
        %dma_start3A_56 = arith.constant 0 : i32
        %dma_start3A_57 = tpu.memref_slice %arg9[%rem3A_26, %dma_start3A_55, %dma_start3A_56] : memref<2x128x64xf32, #tpu.memory_space<vmem>> -> memref<1x128x64xf32, #tpu.memory_space<vmem>>
        %dma_start3A_58 = tpu.memref_squeeze %dma_start3A_57 : memref<1x128x64xf32, #tpu.memory_space<vmem>> -> memref<128x64xf32, #tpu.memory_space<vmem>>
        %dma_start3A_59 = arith.constant 0 : i32
        %dma_start3A_60 = tpu.memref_slice %arg8[%scan3A_25, %dma_start3A_59] : memref<79x128xi32, #tpu.memory_space<vmem>> -> memref<1x128xi32, #tpu.memory_space<vmem>>
        %dma_start3A_61 = tpu.memref_squeeze %dma_start3A_60 : memref<1x128xi32, #tpu.memory_space<vmem>> -> memref<128xi32, #tpu.memory_space<vmem>>
        %dma_start3A_62 = arith.constant 0 : i32
        %dma_start3A_63 = arith.constant 0 : i32
        %dma_start3A_64 = tpu.memref_slice %arg10[%dma_start3A_62, %dma_start3A_63] : memref<10112x64xf32, #tpu.memory_space<vmem_shared>> -> memref<10112x64xf32, #tpu.memory_space<vmem_shared>>
        tpu.enqueue_indirect_dma source(%dma_start3A_58 : memref<128x64xf32, #tpu.memory_space<vmem>>) target(%dma_start3A_64 : memref<10112x64xf32, #tpu.memory_space<vmem_shared>>) offsets(%dma_start3A_61 : memref<128xi32, #tpu.memory_space<vmem>>) semaphore(%run_scoped3A_54 : memref<!tpu.dma_semaphore, #tpu.memory_space<semaphore_mem>>) {add = true}
        %dma_wait3A_65 = arith.constant 0 : i32
        %dma_wait3A_66 = arith.constant 0 : i32
        %dma_wait3A_67 = tpu.memref_slice %arg9[%rem3A_26, %dma_wait3A_65, %dma_wait3A_66] : memref<2x128x64xf32, #tpu.memory_space<vmem>> -> memref<1x128x64xf32, #tpu.memory_space<vmem>>
        %dma_wait3A_68 = tpu.memref_squeeze %dma_wait3A_67 : memref<1x128x64xf32, #tpu.memory_space<vmem>> -> memref<128x64xf32, #tpu.memory_space<vmem>>
        %dma_wait3A_69 = arith.constant 0 : i32
        %dma_wait3A_70 = tpu.memref_slice %arg8[%scan3A_25, %dma_wait3A_69] : memref<79x128xi32, #tpu.memory_space<vmem>> -> memref<1x128xi32, #tpu.memory_space<vmem>>
        %dma_wait3A_71 = tpu.memref_squeeze %dma_wait3A_70 : memref<1x128xi32, #tpu.memory_space<vmem>> -> memref<128xi32, #tpu.memory_space<vmem>>
        %dma_wait3A_72 = arith.constant 0 : i32
        %dma_wait3A_73 = arith.constant 0 : i32
        %dma_wait3A_74 = tpu.memref_slice %arg10[%dma_wait3A_72, %dma_wait3A_73] : memref<10112x64xf32, #tpu.memory_space<vmem_shared>> -> memref<10112x64xf32, #tpu.memory_space<vmem_shared>>
        tpu.wait_indirect_dma semaphore(%run_scoped3A_54 : memref<!tpu.dma_semaphore, #tpu.memory_space<semaphore_mem>>) src(%dma_wait3A_68 : memref<128x64xf32, #tpu.memory_space<vmem>>) dst(%dma_wait3A_74 : memref<10112x64xf32, #tpu.memory_space<vmem_shared>>)
        tpu.yield
      }) : () -> ()
      %dma_wait3A = arith.constant 0 : i32
      %dma_wait3A_43 = arith.constant 0 : i32
      %dma_wait3A_44 = tpu.memref_slice %arg9[%sub3A_29, %dma_wait3A, %dma_wait3A_43] : memref<2x128x64xf32, #tpu.memory_space<vmem>> -> memref<1x128x64xf32, #tpu.memory_space<vmem>>
      %dma_wait3A_45 = tpu.memref_squeeze %dma_wait3A_44 : memref<1x128x64xf32, #tpu.memory_space<vmem>> -> memref<128x64xf32, #tpu.memory_space<vmem>>
      %dma_wait3A_46 = arith.constant 0 : i32
      %dma_wait3A_47 = tpu.memref_slice %arg7[%add3A_28, %dma_wait3A_46] : memref<79x128xi32, #tpu.memory_space<vmem>> -> memref<1x128xi32, #tpu.memory_space<vmem>>
      %dma_wait3A_48 = tpu.memref_squeeze %dma_wait3A_47 : memref<1x128xi32, #tpu.memory_space<vmem>> -> memref<128xi32, #tpu.memory_space<vmem>>
      %dma_wait3A_49 = arith.constant 0 : i32
      %dma_wait3A_50 = arith.constant 0 : i32
      %dma_wait3A_51 = tpu.memref_slice %arg2[%dma_wait3A_49, %dma_wait3A_50] : memref<10000x64xf32, #tpu.memory_space<hbm>> -> memref<10000x64xf32, #tpu.memory_space<hbm>>
      %dma_wait3A_52 = tpu.memref_slice %arg11[%sub3A_31] : memref<2x!tpu.dma_semaphore, #tpu.memory_space<semaphore_mem>> -> memref<1x!tpu.dma_semaphore, #tpu.memory_space<semaphore_mem>>
      %dma_wait3A_53 = tpu.memref_squeeze %dma_wait3A_52 : memref<1x!tpu.dma_semaphore, #tpu.memory_space<semaphore_mem>> -> memref<!tpu.dma_semaphore, #tpu.memory_space<semaphore_mem>>
      tpu.wait_indirect_dma semaphore(%dma_wait3A_53 : memref<!tpu.dma_semaphore, #tpu.memory_space<semaphore_mem>>) src(%dma_wait3A_51 : memref<10000x64xf32, #tpu.memory_space<hbm>>) dst(%dma_wait3A_45 : memref<128x64xf32, #tpu.memory_space<vmem>>)
    }
    %scan3A_16 = arith.constant 78 : i32
    %run_scoped3A_17 = arith.constant 0 : i32
    %run_scoped3A_18 = arith.constant 78 : i32
    "tpu.region"() ({
      %run_scoped3A_25 = tpu.sem_alloc : memref<!tpu.dma_semaphore, #tpu.memory_space<semaphore_mem>>
      %dma_start3A = arith.constant 0 : i32
      %dma_start3A_26 = arith.constant 0 : i32
      %dma_start3A_27 = tpu.memref_slice %arg9[%run_scoped3A_17, %dma_start3A, %dma_start3A_26] : memref<2x128x64xf32, #tpu.memory_space<vmem>> -> memref<1x128x64xf32, #tpu.memory_space<vmem>>
      %dma_start3A_28 = tpu.memref_squeeze %dma_start3A_27 : memref<1x128x64xf32, #tpu.memory_space<vmem>> -> memref<128x64xf32, #tpu.memory_space<vmem>>
      %dma_start3A_29 = arith.constant 0 : i32
      %dma_start3A_30 = tpu.memref_slice %arg8[%run_scoped3A_18, %dma_start3A_29] : memref<79x128xi32, #tpu.memory_space<vmem>> -> memref<1x128xi32, #tpu.memory_space<vmem>>
      %dma_start3A_31 = tpu.memref_squeeze %dma_start3A_30 : memref<1x128xi32, #tpu.memory_space<vmem>> -> memref<128xi32, #tpu.memory_space<vmem>>
      %dma_start3A_32 = arith.constant 0 : i32
      %dma_start3A_33 = arith.constant 0 : i32
      %dma_start3A_34 = tpu.memref_slice %arg10[%dma_start3A_32, %dma_start3A_33] : memref<10112x64xf32, #tpu.memory_space<vmem_shared>> -> memref<10112x64xf32, #tpu.memory_space<vmem_shared>>
      tpu.enqueue_indirect_dma source(%dma_start3A_28 : memref<128x64xf32, #tpu.memory_space<vmem>>) target(%dma_start3A_34 : memref<10112x64xf32, #tpu.memory_space<vmem_shared>>) offsets(%dma_start3A_31 : memref<128xi32, #tpu.memory_space<vmem>>) semaphore(%run_scoped3A_25 : memref<!tpu.dma_semaphore, #tpu.memory_space<semaphore_mem>>) {add = true}
      %dma_wait3A = arith.constant 0 : i32
      %dma_wait3A_35 = arith.constant 0 : i32
      %dma_wait3A_36 = tpu.memref_slice %arg9[%run_scoped3A_17, %dma_wait3A, %dma_wait3A_35] : memref<2x128x64xf32, #tpu.memory_space<vmem>> -> memref<1x128x64xf32, #tpu.memory_space<vmem>>
      %dma_wait3A_37 = tpu.memref_squeeze %dma_wait3A_36 : memref<1x128x64xf32, #tpu.memory_space<vmem>> -> memref<128x64xf32, #tpu.memory_space<vmem>>
      %dma_wait3A_38 = arith.constant 0 : i32
      %dma_wait3A_39 = tpu.memref_slice %arg8[%run_scoped3A_18, %dma_wait3A_38] : memref<79x128xi32, #tpu.memory_space<vmem>> -> memref<1x128xi32, #tpu.memory_space<vmem>>
      %dma_wait3A_40 = tpu.memref_squeeze %dma_wait3A_39 : memref<1x128xi32, #tpu.memory_space<vmem>> -> memref<128xi32, #tpu.memory_space<vmem>>
      %dma_wait3A_41 = arith.constant 0 : i32
      %dma_wait3A_42 = arith.constant 0 : i32
      %dma_wait3A_43 = tpu.memref_slice %arg10[%dma_wait3A_41, %dma_wait3A_42] : memref<10112x64xf32, #tpu.memory_space<vmem_shared>> -> memref<10112x64xf32, #tpu.memory_space<vmem_shared>>
      tpu.wait_indirect_dma semaphore(%run_scoped3A_25 : memref<!tpu.dma_semaphore, #tpu.memory_space<semaphore_mem>>) src(%dma_wait3A_37 : memref<128x64xf32, #tpu.memory_space<vmem>>) dst(%dma_wait3A_43 : memref<10112x64xf32, #tpu.memory_space<vmem_shared>>)
      tpu.yield
    }) : () -> ()
    %scan3A_19 = arith.constant 1 : i32
    %barrier3A_20 = arith.constant 0 : index
    tpu.barrier barrier_id(%barrier3A_20)
    %mul3A_21 = arith.constant 632 : i32
    %mul3A_22 = arith.muli %arg1, %mul3A_21 : i32
    %mul3A_23 = arith.constant 632 : i32
    %mul3A_24 = arith.muli %arg1, %mul3A_23 : i32
    "tpu.region"() ({
      %run_scoped3A_25 = tpu.sem_alloc : memref<!tpu.dma_semaphore, #tpu.memory_space<semaphore_mem>>
      %dma_start3A = arith.constant 0 : i32
      %dma_start3A_26 = arith.constant 0 : i32
      %dma_start3A_27 = tpu.memref_slice %arg6[%arg0, %dma_start3A, %dma_start3A_26] : memref<2x10112x64xf32, #tpu.memory_space<hbm>> -> memref<1x10112x64xf32, #tpu.memory_space<hbm>>
      %dma_start3A_28 = tpu.memref_squeeze %dma_start3A_27 : memref<1x10112x64xf32, #tpu.memory_space<hbm>> -> memref<10112x64xf32, #tpu.memory_space<hbm>>
      %dma_start3A_29 = arith.constant 0 : i32
      %dma_start3A_30 = tpu.memref_slice %dma_start3A_28[%mul3A_24, %dma_start3A_29] : memref<10112x64xf32, #tpu.memory_space<hbm>> -> memref<632x64xf32, #tpu.memory_space<hbm>>
      %dma_start3A_31 = arith.constant 0 : i32
      %dma_start3A_32 = tpu.memref_slice %arg10[%mul3A_22, %dma_start3A_31] : memref<10112x64xf32, #tpu.memory_space<vmem_shared>> -> memref<632x64xf32, #tpu.memory_space<vmem_shared>>
      tpu.enqueue_dma source(%dma_start3A_32 : memref<632x64xf32, #tpu.memory_space<vmem_shared>>) target(%dma_start3A_30 : memref<632x64xf32, #tpu.memory_space<hbm>>) target_semaphore(%run_scoped3A_25 : memref<!tpu.dma_semaphore, #tpu.memory_space<semaphore_mem>>)
      %dma_wait3A = arith.constant 0 : i32
      %dma_wait3A_33 = arith.constant 0 : i32
      %dma_wait3A_34 = tpu.memref_slice %arg6[%arg0, %dma_wait3A, %dma_wait3A_33] : memref<2x10112x64xf32, #tpu.memory_space<hbm>> -> memref<1x10112x64xf32, #tpu.memory_space<hbm>>
      %dma_wait3A_35 = tpu.memref_squeeze %dma_wait3A_34 : memref<1x10112x64xf32, #tpu.memory_space<hbm>> -> memref<10112x64xf32, #tpu.memory_space<hbm>>
      %dma_wait3A_36 = arith.constant 0 : i32
      %dma_wait3A_37 = tpu.memref_slice %dma_wait3A_35[%mul3A_24, %dma_wait3A_36] : memref<10112x64xf32, #tpu.memory_space<hbm>> -> memref<632x64xf32, #tpu.memory_space<hbm>>
      %dma_wait3A_38 = arith.constant 0 : i32
      %dma_wait3A_39 = tpu.memref_slice %arg10[%mul3A_22, %dma_wait3A_38] : memref<10112x64xf32, #tpu.memory_space<vmem_shared>> -> memref<632x64xf32, #tpu.memory_space<vmem_shared>>
      tpu.wait_dma2 semaphore(%run_scoped3A_25 : memref<!tpu.dma_semaphore, #tpu.memory_space<semaphore_mem>>) src(%dma_wait3A_39 : memref<632x64xf32, #tpu.memory_space<vmem_shared>>) dst(%dma_wait3A_37 : memref<632x64xf32, #tpu.memory_space<hbm>>)
      tpu.yield
    }) : () -> ()
    return
  }
}

#map = affine_map<(d0, d1) -> (0, 0)>
#map1 = affine_map<(d0, d1) -> (0, 0, 0)>
module attributes {stable_mosaic.version = 14 : i64} {
  func.func @seg_sum(%arg0: i32, %arg1: i32, %arg2: memref<10000x80xf32, #tpu.memory_space<hbm>>, %arg3: memref<32x3x128xi32, #tpu.memory_space<hbm>>, %arg4: memref<32x3x128xi32, #tpu.memory_space<hbm>>, %arg5: memref<128x80xf32, #tpu.memory_space<hbm>>, %arg6: memref<2x128x80xf32, #tpu.memory_space<hbm>>, %arg7: memref<3x128xi32, #tpu.memory_space<vmem>>, %arg8: memref<3x128xi32, #tpu.memory_space<vmem>>, %arg9: memref<2x128x80xf32, #tpu.memory_space<vmem>>, %arg10: memref<128x80xf32, #tpu.memory_space<vmem_shared>>, %arg11: memref<2x!tpu.dma_semaphore, #tpu.memory_space<semaphore_mem>>) attributes {dimension_semantics = [#tpu.dimension_semantics<core_parallel>, #tpu.dimension_semantics<subcore_parallel>], iteration_bounds = array<i64: 2, 16>, scalar_prefetch = 0 : i64, scratch_operands = 5 : i64, tpu.core_type = #tpu.core_type<sc_vector_subcore>, window_params = [{transform_indices = #map}, {transform_indices = #map1}, {transform_indices = #map1}, {transform_indices = #map}, {transform_indices = #map1}]} {
    %mul3A = arith.constant 2 : i32
    %mul3A_0 = arith.muli %arg1, %mul3A : i32
    %add3A = arith.addi %mul3A_0, %arg0 : i32
    %mul3A_1 = arith.constant 8 : i32
    %mul3A_2 = arith.muli %arg1, %mul3A_1 : i32
    %mul3A_3 = arith.constant 8 : i32
    %mul3A_4 = arith.muli %arg1, %mul3A_3 : i32
    "tpu.region"() ({
      %run_scoped3A_25 = tpu.sem_alloc : memref<!tpu.dma_semaphore, #tpu.memory_space<semaphore_mem>>
      %dma_start3A = arith.constant 0 : i32
      %dma_start3A_26 = tpu.memref_slice %arg10[%mul3A_4, %dma_start3A] : memref<128x80xf32, #tpu.memory_space<vmem_shared>> -> memref<8x80xf32, #tpu.memory_space<vmem_shared>>
      %dma_start3A_27 = arith.constant 0 : i32
      %dma_start3A_28 = tpu.memref_slice %arg5[%mul3A_2, %dma_start3A_27] : memref<128x80xf32, #tpu.memory_space<hbm>> -> memref<8x80xf32, #tpu.memory_space<hbm>>
      tpu.enqueue_dma source(%dma_start3A_28 : memref<8x80xf32, #tpu.memory_space<hbm>>) target(%dma_start3A_26 : memref<8x80xf32, #tpu.memory_space<vmem_shared>>) target_semaphore(%run_scoped3A_25 : memref<!tpu.dma_semaphore, #tpu.memory_space<semaphore_mem>>)
      %dma_wait3A = arith.constant 0 : i32
      %dma_wait3A_29 = tpu.memref_slice %arg10[%mul3A_4, %dma_wait3A] : memref<128x80xf32, #tpu.memory_space<vmem_shared>> -> memref<8x80xf32, #tpu.memory_space<vmem_shared>>
      %dma_wait3A_30 = arith.constant 0 : i32
      %dma_wait3A_31 = tpu.memref_slice %arg5[%mul3A_2, %dma_wait3A_30] : memref<128x80xf32, #tpu.memory_space<hbm>> -> memref<8x80xf32, #tpu.memory_space<hbm>>
      tpu.wait_dma2 semaphore(%run_scoped3A_25 : memref<!tpu.dma_semaphore, #tpu.memory_space<semaphore_mem>>) src(%dma_wait3A_31 : memref<8x80xf32, #tpu.memory_space<hbm>>) dst(%dma_wait3A_29 : memref<8x80xf32, #tpu.memory_space<vmem_shared>>)
      tpu.yield
    }) : () -> ()
    %barrier3A = arith.constant 0 : index
    tpu.barrier barrier_id(%barrier3A)
    %scan3A = arith.constant 0 : i32
    %scan3A_5 = arith.constant 0 : i32
    %mul3A_6 = arith.constant 3 : i32
    %mul3A_7 = arith.muli %scan3A_5, %mul3A_6 : i32
    "tpu.region"() ({
      %run_scoped3A_25 = tpu.sem_alloc : memref<!tpu.dma_semaphore, #tpu.memory_space<semaphore_mem>>
      %dma_start3A = arith.constant 0 : i32
      %dma_start3A_26 = arith.constant 0 : i32
      %dma_start3A_27 = tpu.memref_slice %arg3[%add3A, %dma_start3A, %dma_start3A_26] : memref<32x3x128xi32, #tpu.memory_space<hbm>> -> memref<1x3x128xi32, #tpu.memory_space<hbm>>
      %dma_start3A_28 = tpu.memref_squeeze %dma_start3A_27 : memref<1x3x128xi32, #tpu.memory_space<hbm>> -> memref<3x128xi32, #tpu.memory_space<hbm>>
      %dma_start3A_29 = arith.constant 0 : i32
      %dma_start3A_30 = tpu.memref_slice %dma_start3A_28[%mul3A_7, %dma_start3A_29] : memref<3x128xi32, #tpu.memory_space<hbm>> -> memref<3x128xi32, #tpu.memory_space<hbm>>
      %dma_start3A_31 = arith.constant 0 : i32
      %dma_start3A_32 = arith.constant 0 : i32
      %dma_start3A_33 = tpu.memref_slice %arg3[%add3A, %dma_start3A_31, %dma_start3A_32] : memref<32x3x128xi32, #tpu.memory_space<hbm>> -> memref<1x3x128xi32, #tpu.memory_space<hbm>>
      %dma_start3A_34 = tpu.memref_squeeze %dma_start3A_33 : memref<1x3x128xi32, #tpu.memory_space<hbm>> -> memref<3x128xi32, #tpu.memory_space<hbm>>
      %dma_start3A_35 = arith.constant 0 : i32
      %dma_start3A_36 = tpu.memref_slice %dma_start3A_34[%mul3A_7, %dma_start3A_35] : memref<3x128xi32, #tpu.memory_space<hbm>> -> memref<3x128xi32, #tpu.memory_space<hbm>>
      tpu.enqueue_dma source(%dma_start3A_36 : memref<3x128xi32, #tpu.memory_space<hbm>>) target(%arg7 : memref<3x128xi32, #tpu.memory_space<vmem>>) target_semaphore(%run_scoped3A_25 : memref<!tpu.dma_semaphore, #tpu.memory_space<semaphore_mem>>)
      %dma_wait3A = arith.constant 0 : i32
      %dma_wait3A_37 = arith.constant 0 : i32
      %dma_wait3A_38 = tpu.memref_slice %arg3[%add3A, %dma_wait3A, %dma_wait3A_37] : memref<32x3x128xi32, #tpu.memory_space<hbm>> -> memref<1x3x128xi32, #tpu.memory_space<hbm>>
      %dma_wait3A_39 = tpu.memref_squeeze %dma_wait3A_38 : memref<1x3x128xi32, #tpu.memory_space<hbm>> -> memref<3x128xi32, #tpu.memory_space<hbm>>
      %dma_wait3A_40 = arith.constant 0 : i32
      %dma_wait3A_41 = tpu.memref_slice %dma_wait3A_39[%mul3A_7, %dma_wait3A_40] : memref<3x128xi32, #tpu.memory_space<hbm>> -> memref<3x128xi32, #tpu.memory_space<hbm>>
      %dma_wait3A_42 = arith.constant 0 : i32
      %dma_wait3A_43 = arith.constant 0 : i32
      %dma_wait3A_44 = tpu.memref_slice %arg3[%add3A, %dma_wait3A_42, %dma_wait3A_43] : memref<32x3x128xi32, #tpu.memory_space<hbm>> -> memref<1x3x128xi32, #tpu.memory_space<hbm>>
      %dma_wait3A_45 = tpu.memref_squeeze %dma_wait3A_44 : memref<1x3x128xi32, #tpu.memory_space<hbm>> -> memref<3x128xi32, #tpu.memory_space<hbm>>
      %dma_wait3A_46 = arith.constant 0 : i32
      %dma_wait3A_47 = tpu.memref_slice %dma_wait3A_45[%mul3A_7, %dma_wait3A_46] : memref<3x128xi32, #tpu.memory_space<hbm>> -> memref<3x128xi32, #tpu.memory_space<hbm>>
      tpu.wait_dma2 semaphore(%run_scoped3A_25 : memref<!tpu.dma_semaphore, #tpu.memory_space<semaphore_mem>>) src(%dma_wait3A_47 : memref<3x128xi32, #tpu.memory_space<hbm>>) dst(%arg7 : memref<3x128xi32, #tpu.memory_space<vmem>>)
      tpu.yield
    }) : () -> ()
    %mul3A_8 = arith.constant 3 : i32
    %mul3A_9 = arith.muli %scan3A_5, %mul3A_8 : i32
    "tpu.region"() ({
      %run_scoped3A_25 = tpu.sem_alloc : memref<!tpu.dma_semaphore, #tpu.memory_space<semaphore_mem>>
      %dma_start3A = arith.constant 0 : i32
      %dma_start3A_26 = arith.constant 0 : i32
      %dma_start3A_27 = tpu.memref_slice %arg4[%add3A, %dma_start3A, %dma_start3A_26] : memref<32x3x128xi32, #tpu.memory_space<hbm>> -> memref<1x3x128xi32, #tpu.memory_space<hbm>>
      %dma_start3A_28 = tpu.memref_squeeze %dma_start3A_27 : memref<1x3x128xi32, #tpu.memory_space<hbm>> -> memref<3x128xi32, #tpu.memory_space<hbm>>
      %dma_start3A_29 = arith.constant 0 : i32
      %dma_start3A_30 = tpu.memref_slice %dma_start3A_28[%mul3A_9, %dma_start3A_29] : memref<3x128xi32, #tpu.memory_space<hbm>> -> memref<3x128xi32, #tpu.memory_space<hbm>>
      %dma_start3A_31 = arith.constant 0 : i32
      %dma_start3A_32 = arith.constant 0 : i32
      %dma_start3A_33 = tpu.memref_slice %arg4[%add3A, %dma_start3A_31, %dma_start3A_32] : memref<32x3x128xi32, #tpu.memory_space<hbm>> -> memref<1x3x128xi32, #tpu.memory_space<hbm>>
      %dma_start3A_34 = tpu.memref_squeeze %dma_start3A_33 : memref<1x3x128xi32, #tpu.memory_space<hbm>> -> memref<3x128xi32, #tpu.memory_space<hbm>>
      %dma_start3A_35 = arith.constant 0 : i32
      %dma_start3A_36 = tpu.memref_slice %dma_start3A_34[%mul3A_9, %dma_start3A_35] : memref<3x128xi32, #tpu.memory_space<hbm>> -> memref<3x128xi32, #tpu.memory_space<hbm>>
      tpu.enqueue_dma source(%dma_start3A_36 : memref<3x128xi32, #tpu.memory_space<hbm>>) target(%arg8 : memref<3x128xi32, #tpu.memory_space<vmem>>) target_semaphore(%run_scoped3A_25 : memref<!tpu.dma_semaphore, #tpu.memory_space<semaphore_mem>>)
      %dma_wait3A = arith.constant 0 : i32
      %dma_wait3A_37 = arith.constant 0 : i32
      %dma_wait3A_38 = tpu.memref_slice %arg4[%add3A, %dma_wait3A, %dma_wait3A_37] : memref<32x3x128xi32, #tpu.memory_space<hbm>> -> memref<1x3x128xi32, #tpu.memory_space<hbm>>
      %dma_wait3A_39 = tpu.memref_squeeze %dma_wait3A_38 : memref<1x3x128xi32, #tpu.memory_space<hbm>> -> memref<3x128xi32, #tpu.memory_space<hbm>>
      %dma_wait3A_40 = arith.constant 0 : i32
      %dma_wait3A_41 = tpu.memref_slice %dma_wait3A_39[%mul3A_9, %dma_wait3A_40] : memref<3x128xi32, #tpu.memory_space<hbm>> -> memref<3x128xi32, #tpu.memory_space<hbm>>
      %dma_wait3A_42 = arith.constant 0 : i32
      %dma_wait3A_43 = arith.constant 0 : i32
      %dma_wait3A_44 = tpu.memref_slice %arg4[%add3A, %dma_wait3A_42, %dma_wait3A_43] : memref<32x3x128xi32, #tpu.memory_space<hbm>> -> memref<1x3x128xi32, #tpu.memory_space<hbm>>
      %dma_wait3A_45 = tpu.memref_squeeze %dma_wait3A_44 : memref<1x3x128xi32, #tpu.memory_space<hbm>> -> memref<3x128xi32, #tpu.memory_space<hbm>>
      %dma_wait3A_46 = arith.constant 0 : i32
      %dma_wait3A_47 = tpu.memref_slice %dma_wait3A_45[%mul3A_9, %dma_wait3A_46] : memref<3x128xi32, #tpu.memory_space<hbm>> -> memref<3x128xi32, #tpu.memory_space<hbm>>
      tpu.wait_dma2 semaphore(%run_scoped3A_25 : memref<!tpu.dma_semaphore, #tpu.memory_space<semaphore_mem>>) src(%dma_wait3A_47 : memref<3x128xi32, #tpu.memory_space<hbm>>) dst(%arg8 : memref<3x128xi32, #tpu.memory_space<vmem>>)
      tpu.yield
    }) : () -> ()
    %run_scoped3A = arith.constant 0 : i32
    %run_scoped3A_10 = arith.constant 0 : i32
    "tpu.region"() ({
      %run_scoped3A_25 = tpu.sem_alloc : memref<!tpu.dma_semaphore, #tpu.memory_space<semaphore_mem>>
      %dma_start3A = arith.constant 0 : i32
      %dma_start3A_26 = arith.constant 0 : i32
      %dma_start3A_27 = tpu.memref_slice %arg9[%run_scoped3A_10, %dma_start3A, %dma_start3A_26] : memref<2x128x80xf32, #tpu.memory_space<vmem>> -> memref<1x128x80xf32, #tpu.memory_space<vmem>>
      %dma_start3A_28 = tpu.memref_squeeze %dma_start3A_27 : memref<1x128x80xf32, #tpu.memory_space<vmem>> -> memref<128x80xf32, #tpu.memory_space<vmem>>
      %dma_start3A_29 = arith.constant 0 : i32
      %dma_start3A_30 = tpu.memref_slice %arg7[%run_scoped3A, %dma_start3A_29] : memref<3x128xi32, #tpu.memory_space<vmem>> -> memref<1x128xi32, #tpu.memory_space<vmem>>
      %dma_start3A_31 = tpu.memref_squeeze %dma_start3A_30 : memref<1x128xi32, #tpu.memory_space<vmem>> -> memref<128xi32, #tpu.memory_space<vmem>>
      %dma_start3A_32 = arith.constant 0 : i32
      %dma_start3A_33 = arith.constant 0 : i32
      %dma_start3A_34 = tpu.memref_slice %arg2[%dma_start3A_32, %dma_start3A_33] : memref<10000x80xf32, #tpu.memory_space<hbm>> -> memref<10000x80xf32, #tpu.memory_space<hbm>>
      tpu.enqueue_indirect_dma source(%dma_start3A_34 : memref<10000x80xf32, #tpu.memory_space<hbm>>) target(%dma_start3A_28 : memref<128x80xf32, #tpu.memory_space<vmem>>) offsets(%dma_start3A_31 : memref<128xi32, #tpu.memory_space<vmem>>) semaphore(%run_scoped3A_25 : memref<!tpu.dma_semaphore, #tpu.memory_space<semaphore_mem>>)
      %dma_wait3A = arith.constant 0 : i32
      %dma_wait3A_35 = arith.constant 0 : i32
      %dma_wait3A_36 = tpu.memref_slice %arg9[%run_scoped3A_10, %dma_wait3A, %dma_wait3A_35] : memref<2x128x80xf32, #tpu.memory_space<vmem>> -> memref<1x128x80xf32, #tpu.memory_space<vmem>>
      %dma_wait3A_37 = tpu.memref_squeeze %dma_wait3A_36 : memref<1x128x80xf32, #tpu.memory_space<vmem>> -> memref<128x80xf32, #tpu.memory_space<vmem>>
      %dma_wait3A_38 = arith.constant 0 : i32
      %dma_wait3A_39 = tpu.memref_slice %arg7[%run_scoped3A, %dma_wait3A_38] : memref<3x128xi32, #tpu.memory_space<vmem>> -> memref<1x128xi32, #tpu.memory_space<vmem>>
      %dma_wait3A_40 = tpu.memref_squeeze %dma_wait3A_39 : memref<1x128xi32, #tpu.memory_space<vmem>> -> memref<128xi32, #tpu.memory_space<vmem>>
      %dma_wait3A_41 = arith.constant 0 : i32
      %dma_wait3A_42 = arith.constant 0 : i32
      %dma_wait3A_43 = tpu.memref_slice %arg2[%dma_wait3A_41, %dma_wait3A_42] : memref<10000x80xf32, #tpu.memory_space<hbm>> -> memref<10000x80xf32, #tpu.memory_space<hbm>>
      tpu.wait_indirect_dma semaphore(%run_scoped3A_25 : memref<!tpu.dma_semaphore, #tpu.memory_space<semaphore_mem>>) src(%dma_wait3A_43 : memref<10000x80xf32, #tpu.memory_space<hbm>>) dst(%dma_wait3A_37 : memref<128x80xf32, #tpu.memory_space<vmem>>)
      tpu.yield
    }) : () -> ()
    %scan3A_11 = arith.constant 0 : i32
    %scan3A_12 = arith.constant 0 : i32
    %scan3A_13 = arith.constant 2 : i32
    %scan3A_14 = arith.addi %scan3A_12, %scan3A_13 : i32
    %scan3A_15 = arith.constant 1 : i32
    scf.for %scan3A_25 = %scan3A_12 to %scan3A_14 step %scan3A_15  : i32 {
      %rem3A = arith.constant 2 : i32
      %rem3A_26 = arith.remsi %scan3A_25, %rem3A : i32
      %add3A_27 = arith.constant 1 : i32
      %add3A_28 = arith.addi %scan3A_25, %add3A_27 : i32
      %sub3A = arith.constant 1 : i32
      %sub3A_29 = arith.subi %sub3A, %rem3A_26 : i32
      %sub3A_30 = arith.constant 1 : i32
      %sub3A_31 = arith.subi %sub3A_30, %rem3A_26 : i32
      %dma_start3A = arith.constant 0 : i32
      %dma_start3A_32 = arith.constant 0 : i32
      %dma_start3A_33 = tpu.memref_slice %arg9[%sub3A_29, %dma_start3A, %dma_start3A_32] : memref<2x128x80xf32, #tpu.memory_space<vmem>> -> memref<1x128x80xf32, #tpu.memory_space<vmem>>
      %dma_start3A_34 = tpu.memref_squeeze %dma_start3A_33 : memref<1x128x80xf32, #tpu.memory_space<vmem>> -> memref<128x80xf32, #tpu.memory_space<vmem>>
      %dma_start3A_35 = arith.constant 0 : i32
      %dma_start3A_36 = tpu.memref_slice %arg7[%add3A_28, %dma_start3A_35] : memref<3x128xi32, #tpu.memory_space<vmem>> -> memref<1x128xi32, #tpu.memory_space<vmem>>
      %dma_start3A_37 = tpu.memref_squeeze %dma_start3A_36 : memref<1x128xi32, #tpu.memory_space<vmem>> -> memref<128xi32, #tpu.memory_space<vmem>>
      %dma_start3A_38 = arith.constant 0 : i32
      %dma_start3A_39 = arith.constant 0 : i32
      %dma_start3A_40 = tpu.memref_slice %arg2[%dma_start3A_38, %dma_start3A_39] : memref<10000x80xf32, #tpu.memory_space<hbm>> -> memref<10000x80xf32, #tpu.memory_space<hbm>>
      %dma_start3A_41 = tpu.memref_slice %arg11[%sub3A_31] : memref<2x!tpu.dma_semaphore, #tpu.memory_space<semaphore_mem>> -> memref<1x!tpu.dma_semaphore, #tpu.memory_space<semaphore_mem>>
      %dma_start3A_42 = tpu.memref_squeeze %dma_start3A_41 : memref<1x!tpu.dma_semaphore, #tpu.memory_space<semaphore_mem>> -> memref<!tpu.dma_semaphore, #tpu.memory_space<semaphore_mem>>
      tpu.enqueue_indirect_dma source(%dma_start3A_40 : memref<10000x80xf32, #tpu.memory_space<hbm>>) target(%dma_start3A_34 : memref<128x80xf32, #tpu.memory_space<vmem>>) offsets(%dma_start3A_37 : memref<128xi32, #tpu.memory_space<vmem>>) semaphore(%dma_start3A_42 : memref<!tpu.dma_semaphore, #tpu.memory_space<semaphore_mem>>)
      "tpu.region"() ({
        %run_scoped3A_54 = tpu.sem_alloc : memref<!tpu.dma_semaphore, #tpu.memory_space<semaphore_mem>>
        %dma_start3A_55 = arith.constant 0 : i32
        %dma_start3A_56 = arith.constant 0 : i32
        %dma_start3A_57 = tpu.memref_slice %arg9[%rem3A_26, %dma_start3A_55, %dma_start3A_56] : memref<2x128x80xf32, #tpu.memory_space<vmem>> -> memref<1x128x80xf32, #tpu.memory_space<vmem>>
        %dma_start3A_58 = tpu.memref_squeeze %dma_start3A_57 : memref<1x128x80xf32, #tpu.memory_space<vmem>> -> memref<128x80xf32, #tpu.memory_space<vmem>>
        %dma_start3A_59 = arith.constant 0 : i32
        %dma_start3A_60 = tpu.memref_slice %arg8[%scan3A_25, %dma_start3A_59] : memref<3x128xi32, #tpu.memory_space<vmem>> -> memref<1x128xi32, #tpu.memory_space<vmem>>
        %dma_start3A_61 = tpu.memref_squeeze %dma_start3A_60 : memref<1x128xi32, #tpu.memory_space<vmem>> -> memref<128xi32, #tpu.memory_space<vmem>>
        %dma_start3A_62 = arith.constant 0 : i32
        %dma_start3A_63 = arith.constant 0 : i32
        %dma_start3A_64 = tpu.memref_slice %arg10[%dma_start3A_62, %dma_start3A_63] : memref<128x80xf32, #tpu.memory_space<vmem_shared>> -> memref<128x80xf32, #tpu.memory_space<vmem_shared>>
        tpu.enqueue_indirect_dma source(%dma_start3A_58 : memref<128x80xf32, #tpu.memory_space<vmem>>) target(%dma_start3A_64 : memref<128x80xf32, #tpu.memory_space<vmem_shared>>) offsets(%dma_start3A_61 : memref<128xi32, #tpu.memory_space<vmem>>) semaphore(%run_scoped3A_54 : memref<!tpu.dma_semaphore, #tpu.memory_space<semaphore_mem>>) {add = true}
        %dma_wait3A_65 = arith.constant 0 : i32
        %dma_wait3A_66 = arith.constant 0 : i32
        %dma_wait3A_67 = tpu.memref_slice %arg9[%rem3A_26, %dma_wait3A_65, %dma_wait3A_66] : memref<2x128x80xf32, #tpu.memory_space<vmem>> -> memref<1x128x80xf32, #tpu.memory_space<vmem>>
        %dma_wait3A_68 = tpu.memref_squeeze %dma_wait3A_67 : memref<1x128x80xf32, #tpu.memory_space<vmem>> -> memref<128x80xf32, #tpu.memory_space<vmem>>
        %dma_wait3A_69 = arith.constant 0 : i32
        %dma_wait3A_70 = tpu.memref_slice %arg8[%scan3A_25, %dma_wait3A_69] : memref<3x128xi32, #tpu.memory_space<vmem>> -> memref<1x128xi32, #tpu.memory_space<vmem>>
        %dma_wait3A_71 = tpu.memref_squeeze %dma_wait3A_70 : memref<1x128xi32, #tpu.memory_space<vmem>> -> memref<128xi32, #tpu.memory_space<vmem>>
        %dma_wait3A_72 = arith.constant 0 : i32
        %dma_wait3A_73 = arith.constant 0 : i32
        %dma_wait3A_74 = tpu.memref_slice %arg10[%dma_wait3A_72, %dma_wait3A_73] : memref<128x80xf32, #tpu.memory_space<vmem_shared>> -> memref<128x80xf32, #tpu.memory_space<vmem_shared>>
        tpu.wait_indirect_dma semaphore(%run_scoped3A_54 : memref<!tpu.dma_semaphore, #tpu.memory_space<semaphore_mem>>) src(%dma_wait3A_68 : memref<128x80xf32, #tpu.memory_space<vmem>>) dst(%dma_wait3A_74 : memref<128x80xf32, #tpu.memory_space<vmem_shared>>)
        tpu.yield
      }) : () -> ()
      %dma_wait3A = arith.constant 0 : i32
      %dma_wait3A_43 = arith.constant 0 : i32
      %dma_wait3A_44 = tpu.memref_slice %arg9[%sub3A_29, %dma_wait3A, %dma_wait3A_43] : memref<2x128x80xf32, #tpu.memory_space<vmem>> -> memref<1x128x80xf32, #tpu.memory_space<vmem>>
      %dma_wait3A_45 = tpu.memref_squeeze %dma_wait3A_44 : memref<1x128x80xf32, #tpu.memory_space<vmem>> -> memref<128x80xf32, #tpu.memory_space<vmem>>
      %dma_wait3A_46 = arith.constant 0 : i32
      %dma_wait3A_47 = tpu.memref_slice %arg7[%add3A_28, %dma_wait3A_46] : memref<3x128xi32, #tpu.memory_space<vmem>> -> memref<1x128xi32, #tpu.memory_space<vmem>>
      %dma_wait3A_48 = tpu.memref_squeeze %dma_wait3A_47 : memref<1x128xi32, #tpu.memory_space<vmem>> -> memref<128xi32, #tpu.memory_space<vmem>>
      %dma_wait3A_49 = arith.constant 0 : i32
      %dma_wait3A_50 = arith.constant 0 : i32
      %dma_wait3A_51 = tpu.memref_slice %arg2[%dma_wait3A_49, %dma_wait3A_50] : memref<10000x80xf32, #tpu.memory_space<hbm>> -> memref<10000x80xf32, #tpu.memory_space<hbm>>
      %dma_wait3A_52 = tpu.memref_slice %arg11[%sub3A_31] : memref<2x!tpu.dma_semaphore, #tpu.memory_space<semaphore_mem>> -> memref<1x!tpu.dma_semaphore, #tpu.memory_space<semaphore_mem>>
      %dma_wait3A_53 = tpu.memref_squeeze %dma_wait3A_52 : memref<1x!tpu.dma_semaphore, #tpu.memory_space<semaphore_mem>> -> memref<!tpu.dma_semaphore, #tpu.memory_space<semaphore_mem>>
      tpu.wait_indirect_dma semaphore(%dma_wait3A_53 : memref<!tpu.dma_semaphore, #tpu.memory_space<semaphore_mem>>) src(%dma_wait3A_51 : memref<10000x80xf32, #tpu.memory_space<hbm>>) dst(%dma_wait3A_45 : memref<128x80xf32, #tpu.memory_space<vmem>>)
    }
    %scan3A_16 = arith.constant 2 : i32
    %run_scoped3A_17 = arith.constant 0 : i32
    %run_scoped3A_18 = arith.constant 2 : i32
    "tpu.region"() ({
      %run_scoped3A_25 = tpu.sem_alloc : memref<!tpu.dma_semaphore, #tpu.memory_space<semaphore_mem>>
      %dma_start3A = arith.constant 0 : i32
      %dma_start3A_26 = arith.constant 0 : i32
      %dma_start3A_27 = tpu.memref_slice %arg9[%run_scoped3A_17, %dma_start3A, %dma_start3A_26] : memref<2x128x80xf32, #tpu.memory_space<vmem>> -> memref<1x128x80xf32, #tpu.memory_space<vmem>>
      %dma_start3A_28 = tpu.memref_squeeze %dma_start3A_27 : memref<1x128x80xf32, #tpu.memory_space<vmem>> -> memref<128x80xf32, #tpu.memory_space<vmem>>
      %dma_start3A_29 = arith.constant 0 : i32
      %dma_start3A_30 = tpu.memref_slice %arg8[%run_scoped3A_18, %dma_start3A_29] : memref<3x128xi32, #tpu.memory_space<vmem>> -> memref<1x128xi32, #tpu.memory_space<vmem>>
      %dma_start3A_31 = tpu.memref_squeeze %dma_start3A_30 : memref<1x128xi32, #tpu.memory_space<vmem>> -> memref<128xi32, #tpu.memory_space<vmem>>
      %dma_start3A_32 = arith.constant 0 : i32
      %dma_start3A_33 = arith.constant 0 : i32
      %dma_start3A_34 = tpu.memref_slice %arg10[%dma_start3A_32, %dma_start3A_33] : memref<128x80xf32, #tpu.memory_space<vmem_shared>> -> memref<128x80xf32, #tpu.memory_space<vmem_shared>>
      tpu.enqueue_indirect_dma source(%dma_start3A_28 : memref<128x80xf32, #tpu.memory_space<vmem>>) target(%dma_start3A_34 : memref<128x80xf32, #tpu.memory_space<vmem_shared>>) offsets(%dma_start3A_31 : memref<128xi32, #tpu.memory_space<vmem>>) semaphore(%run_scoped3A_25 : memref<!tpu.dma_semaphore, #tpu.memory_space<semaphore_mem>>) {add = true}
      %dma_wait3A = arith.constant 0 : i32
      %dma_wait3A_35 = arith.constant 0 : i32
      %dma_wait3A_36 = tpu.memref_slice %arg9[%run_scoped3A_17, %dma_wait3A, %dma_wait3A_35] : memref<2x128x80xf32, #tpu.memory_space<vmem>> -> memref<1x128x80xf32, #tpu.memory_space<vmem>>
      %dma_wait3A_37 = tpu.memref_squeeze %dma_wait3A_36 : memref<1x128x80xf32, #tpu.memory_space<vmem>> -> memref<128x80xf32, #tpu.memory_space<vmem>>
      %dma_wait3A_38 = arith.constant 0 : i32
      %dma_wait3A_39 = tpu.memref_slice %arg8[%run_scoped3A_18, %dma_wait3A_38] : memref<3x128xi32, #tpu.memory_space<vmem>> -> memref<1x128xi32, #tpu.memory_space<vmem>>
      %dma_wait3A_40 = tpu.memref_squeeze %dma_wait3A_39 : memref<1x128xi32, #tpu.memory_space<vmem>> -> memref<128xi32, #tpu.memory_space<vmem>>
      %dma_wait3A_41 = arith.constant 0 : i32
      %dma_wait3A_42 = arith.constant 0 : i32
      %dma_wait3A_43 = tpu.memref_slice %arg10[%dma_wait3A_41, %dma_wait3A_42] : memref<128x80xf32, #tpu.memory_space<vmem_shared>> -> memref<128x80xf32, #tpu.memory_space<vmem_shared>>
      tpu.wait_indirect_dma semaphore(%run_scoped3A_25 : memref<!tpu.dma_semaphore, #tpu.memory_space<semaphore_mem>>) src(%dma_wait3A_37 : memref<128x80xf32, #tpu.memory_space<vmem>>) dst(%dma_wait3A_43 : memref<128x80xf32, #tpu.memory_space<vmem_shared>>)
      tpu.yield
    }) : () -> ()
    %scan3A_19 = arith.constant 1 : i32
    %barrier3A_20 = arith.constant 0 : index
    tpu.barrier barrier_id(%barrier3A_20)
    %mul3A_21 = arith.constant 8 : i32
    %mul3A_22 = arith.muli %arg1, %mul3A_21 : i32
    %mul3A_23 = arith.constant 8 : i32
    %mul3A_24 = arith.muli %arg1, %mul3A_23 : i32
    "tpu.region"() ({
      %run_scoped3A_25 = tpu.sem_alloc : memref<!tpu.dma_semaphore, #tpu.memory_space<semaphore_mem>>
      %dma_start3A = arith.constant 0 : i32
      %dma_start3A_26 = arith.constant 0 : i32
      %dma_start3A_27 = tpu.memref_slice %arg6[%arg0, %dma_start3A, %dma_start3A_26] : memref<2x128x80xf32, #tpu.memory_space<hbm>> -> memref<1x128x80xf32, #tpu.memory_space<hbm>>
      %dma_start3A_28 = tpu.memref_squeeze %dma_start3A_27 : memref<1x128x80xf32, #tpu.memory_space<hbm>> -> memref<128x80xf32, #tpu.memory_space<hbm>>
      %dma_start3A_29 = arith.constant 0 : i32
      %dma_start3A_30 = tpu.memref_slice %dma_start3A_28[%mul3A_24, %dma_start3A_29] : memref<128x80xf32, #tpu.memory_space<hbm>> -> memref<8x80xf32, #tpu.memory_space<hbm>>
      %dma_start3A_31 = arith.constant 0 : i32
      %dma_start3A_32 = tpu.memref_slice %arg10[%mul3A_22, %dma_start3A_31] : memref<128x80xf32, #tpu.memory_space<vmem_shared>> -> memref<8x80xf32, #tpu.memory_space<vmem_shared>>
      tpu.enqueue_dma source(%dma_start3A_32 : memref<8x80xf32, #tpu.memory_space<vmem_shared>>) target(%dma_start3A_30 : memref<8x80xf32, #tpu.memory_space<hbm>>) target_semaphore(%run_scoped3A_25 : memref<!tpu.dma_semaphore, #tpu.memory_space<semaphore_mem>>)
      %dma_wait3A = arith.constant 0 : i32
      %dma_wait3A_33 = arith.constant 0 : i32
      %dma_wait3A_34 = tpu.memref_slice %arg6[%arg0, %dma_wait3A, %dma_wait3A_33] : memref<2x128x80xf32, #tpu.memory_space<hbm>> -> memref<1x128x80xf32, #tpu.memory_space<hbm>>
      %dma_wait3A_35 = tpu.memref_squeeze %dma_wait3A_34 : memref<1x128x80xf32, #tpu.memory_space<hbm>> -> memref<128x80xf32, #tpu.memory_space<hbm>>
      %dma_wait3A_36 = arith.constant 0 : i32
      %dma_wait3A_37 = tpu.memref_slice %dma_wait3A_35[%mul3A_24, %dma_wait3A_36] : memref<128x80xf32, #tpu.memory_space<hbm>> -> memref<8x80xf32, #tpu.memory_space<hbm>>
      %dma_wait3A_38 = arith.constant 0 : i32
      %dma_wait3A_39 = tpu.memref_slice %arg10[%mul3A_22, %dma_wait3A_38] : memref<128x80xf32, #tpu.memory_space<vmem_shared>> -> memref<8x80xf32, #tpu.memory_space<vmem_shared>>
      tpu.wait_dma2 semaphore(%run_scoped3A_25 : memref<!tpu.dma_semaphore, #tpu.memory_space<semaphore_mem>>) src(%dma_wait3A_39 : memref<8x80xf32, #tpu.memory_space<vmem_shared>>) dst(%dma_wait3A_37 : memref<8x80xf32, #tpu.memory_space<hbm>>)
      tpu.yield
    }) : () -> ()
    return
  }
}

#map = affine_map<(d0, d1) -> (0, 0)>
#map1 = affine_map<(d0, d1) -> (0, 0, 0)>
module attributes {stable_mosaic.version = 14 : i64} {
  func.func @seg_sum(%arg0: i32, %arg1: i32, %arg2: memref<10000x80xf32, #tpu.memory_space<hbm>>, %arg3: memref<32x3x128xi32, #tpu.memory_space<hbm>>, %arg4: memref<32x3x128xi32, #tpu.memory_space<hbm>>, %arg5: memref<128x80xf32, #tpu.memory_space<hbm>>, %arg6: memref<2x128x80xf32, #tpu.memory_space<hbm>>, %arg7: memref<3x128xi32, #tpu.memory_space<vmem>>, %arg8: memref<3x128xi32, #tpu.memory_space<vmem>>, %arg9: memref<2x128x80xf32, #tpu.memory_space<vmem>>, %arg10: memref<128x80xf32, #tpu.memory_space<vmem_shared>>, %arg11: memref<2x!tpu.dma_semaphore, #tpu.memory_space<semaphore_mem>>) attributes {dimension_semantics = [#tpu.dimension_semantics<core_parallel>, #tpu.dimension_semantics<subcore_parallel>], iteration_bounds = array<i64: 2, 16>, scalar_prefetch = 0 : i64, scratch_operands = 5 : i64, tpu.core_type = #tpu.core_type<sc_vector_subcore>, window_params = [{transform_indices = #map}, {transform_indices = #map1}, {transform_indices = #map1}, {transform_indices = #map}, {transform_indices = #map1}]} {
    %mul3A = arith.constant 2 : i32
    %mul3A_0 = arith.muli %arg1, %mul3A : i32
    %add3A = arith.addi %mul3A_0, %arg0 : i32
    %mul3A_1 = arith.constant 8 : i32
    %mul3A_2 = arith.muli %arg1, %mul3A_1 : i32
    %mul3A_3 = arith.constant 8 : i32
    %mul3A_4 = arith.muli %arg1, %mul3A_3 : i32
    "tpu.region"() ({
      %run_scoped3A_25 = tpu.sem_alloc : memref<!tpu.dma_semaphore, #tpu.memory_space<semaphore_mem>>
      %dma_start3A = arith.constant 0 : i32
      %dma_start3A_26 = tpu.memref_slice %arg10[%mul3A_4, %dma_start3A] : memref<128x80xf32, #tpu.memory_space<vmem_shared>> -> memref<8x80xf32, #tpu.memory_space<vmem_shared>>
      %dma_start3A_27 = arith.constant 0 : i32
      %dma_start3A_28 = tpu.memref_slice %arg5[%mul3A_2, %dma_start3A_27] : memref<128x80xf32, #tpu.memory_space<hbm>> -> memref<8x80xf32, #tpu.memory_space<hbm>>
      tpu.enqueue_dma source(%dma_start3A_28 : memref<8x80xf32, #tpu.memory_space<hbm>>) target(%dma_start3A_26 : memref<8x80xf32, #tpu.memory_space<vmem_shared>>) target_semaphore(%run_scoped3A_25 : memref<!tpu.dma_semaphore, #tpu.memory_space<semaphore_mem>>)
      %dma_wait3A = arith.constant 0 : i32
      %dma_wait3A_29 = tpu.memref_slice %arg10[%mul3A_4, %dma_wait3A] : memref<128x80xf32, #tpu.memory_space<vmem_shared>> -> memref<8x80xf32, #tpu.memory_space<vmem_shared>>
      %dma_wait3A_30 = arith.constant 0 : i32
      %dma_wait3A_31 = tpu.memref_slice %arg5[%mul3A_2, %dma_wait3A_30] : memref<128x80xf32, #tpu.memory_space<hbm>> -> memref<8x80xf32, #tpu.memory_space<hbm>>
      tpu.wait_dma2 semaphore(%run_scoped3A_25 : memref<!tpu.dma_semaphore, #tpu.memory_space<semaphore_mem>>) src(%dma_wait3A_31 : memref<8x80xf32, #tpu.memory_space<hbm>>) dst(%dma_wait3A_29 : memref<8x80xf32, #tpu.memory_space<vmem_shared>>)
      tpu.yield
    }) : () -> ()
    %barrier3A = arith.constant 0 : index
    tpu.barrier barrier_id(%barrier3A)
    %scan3A = arith.constant 0 : i32
    %scan3A_5 = arith.constant 0 : i32
    %mul3A_6 = arith.constant 3 : i32
    %mul3A_7 = arith.muli %scan3A_5, %mul3A_6 : i32
    "tpu.region"() ({
      %run_scoped3A_25 = tpu.sem_alloc : memref<!tpu.dma_semaphore, #tpu.memory_space<semaphore_mem>>
      %dma_start3A = arith.constant 0 : i32
      %dma_start3A_26 = arith.constant 0 : i32
      %dma_start3A_27 = tpu.memref_slice %arg3[%add3A, %dma_start3A, %dma_start3A_26] : memref<32x3x128xi32, #tpu.memory_space<hbm>> -> memref<1x3x128xi32, #tpu.memory_space<hbm>>
      %dma_start3A_28 = tpu.memref_squeeze %dma_start3A_27 : memref<1x3x128xi32, #tpu.memory_space<hbm>> -> memref<3x128xi32, #tpu.memory_space<hbm>>
      %dma_start3A_29 = arith.constant 0 : i32
      %dma_start3A_30 = tpu.memref_slice %dma_start3A_28[%mul3A_7, %dma_start3A_29] : memref<3x128xi32, #tpu.memory_space<hbm>> -> memref<3x128xi32, #tpu.memory_space<hbm>>
      %dma_start3A_31 = arith.constant 0 : i32
      %dma_start3A_32 = arith.constant 0 : i32
      %dma_start3A_33 = tpu.memref_slice %arg3[%add3A, %dma_start3A_31, %dma_start3A_32] : memref<32x3x128xi32, #tpu.memory_space<hbm>> -> memref<1x3x128xi32, #tpu.memory_space<hbm>>
      %dma_start3A_34 = tpu.memref_squeeze %dma_start3A_33 : memref<1x3x128xi32, #tpu.memory_space<hbm>> -> memref<3x128xi32, #tpu.memory_space<hbm>>
      %dma_start3A_35 = arith.constant 0 : i32
      %dma_start3A_36 = tpu.memref_slice %dma_start3A_34[%mul3A_7, %dma_start3A_35] : memref<3x128xi32, #tpu.memory_space<hbm>> -> memref<3x128xi32, #tpu.memory_space<hbm>>
      tpu.enqueue_dma source(%dma_start3A_36 : memref<3x128xi32, #tpu.memory_space<hbm>>) target(%arg7 : memref<3x128xi32, #tpu.memory_space<vmem>>) target_semaphore(%run_scoped3A_25 : memref<!tpu.dma_semaphore, #tpu.memory_space<semaphore_mem>>)
      %dma_wait3A = arith.constant 0 : i32
      %dma_wait3A_37 = arith.constant 0 : i32
      %dma_wait3A_38 = tpu.memref_slice %arg3[%add3A, %dma_wait3A, %dma_wait3A_37] : memref<32x3x128xi32, #tpu.memory_space<hbm>> -> memref<1x3x128xi32, #tpu.memory_space<hbm>>
      %dma_wait3A_39 = tpu.memref_squeeze %dma_wait3A_38 : memref<1x3x128xi32, #tpu.memory_space<hbm>> -> memref<3x128xi32, #tpu.memory_space<hbm>>
      %dma_wait3A_40 = arith.constant 0 : i32
      %dma_wait3A_41 = tpu.memref_slice %dma_wait3A_39[%mul3A_7, %dma_wait3A_40] : memref<3x128xi32, #tpu.memory_space<hbm>> -> memref<3x128xi32, #tpu.memory_space<hbm>>
      %dma_wait3A_42 = arith.constant 0 : i32
      %dma_wait3A_43 = arith.constant 0 : i32
      %dma_wait3A_44 = tpu.memref_slice %arg3[%add3A, %dma_wait3A_42, %dma_wait3A_43] : memref<32x3x128xi32, #tpu.memory_space<hbm>> -> memref<1x3x128xi32, #tpu.memory_space<hbm>>
      %dma_wait3A_45 = tpu.memref_squeeze %dma_wait3A_44 : memref<1x3x128xi32, #tpu.memory_space<hbm>> -> memref<3x128xi32, #tpu.memory_space<hbm>>
      %dma_wait3A_46 = arith.constant 0 : i32
      %dma_wait3A_47 = tpu.memref_slice %dma_wait3A_45[%mul3A_7, %dma_wait3A_46] : memref<3x128xi32, #tpu.memory_space<hbm>> -> memref<3x128xi32, #tpu.memory_space<hbm>>
      tpu.wait_dma2 semaphore(%run_scoped3A_25 : memref<!tpu.dma_semaphore, #tpu.memory_space<semaphore_mem>>) src(%dma_wait3A_47 : memref<3x128xi32, #tpu.memory_space<hbm>>) dst(%arg7 : memref<3x128xi32, #tpu.memory_space<vmem>>)
      tpu.yield
    }) : () -> ()
    %mul3A_8 = arith.constant 3 : i32
    %mul3A_9 = arith.muli %scan3A_5, %mul3A_8 : i32
    "tpu.region"() ({
      %run_scoped3A_25 = tpu.sem_alloc : memref<!tpu.dma_semaphore, #tpu.memory_space<semaphore_mem>>
      %dma_start3A = arith.constant 0 : i32
      %dma_start3A_26 = arith.constant 0 : i32
      %dma_start3A_27 = tpu.memref_slice %arg4[%add3A, %dma_start3A, %dma_start3A_26] : memref<32x3x128xi32, #tpu.memory_space<hbm>> -> memref<1x3x128xi32, #tpu.memory_space<hbm>>
      %dma_start3A_28 = tpu.memref_squeeze %dma_start3A_27 : memref<1x3x128xi32, #tpu.memory_space<hbm>> -> memref<3x128xi32, #tpu.memory_space<hbm>>
      %dma_start3A_29 = arith.constant 0 : i32
      %dma_start3A_30 = tpu.memref_slice %dma_start3A_28[%mul3A_9, %dma_start3A_29] : memref<3x128xi32, #tpu.memory_space<hbm>> -> memref<3x128xi32, #tpu.memory_space<hbm>>
      %dma_start3A_31 = arith.constant 0 : i32
      %dma_start3A_32 = arith.constant 0 : i32
      %dma_start3A_33 = tpu.memref_slice %arg4[%add3A, %dma_start3A_31, %dma_start3A_32] : memref<32x3x128xi32, #tpu.memory_space<hbm>> -> memref<1x3x128xi32, #tpu.memory_space<hbm>>
      %dma_start3A_34 = tpu.memref_squeeze %dma_start3A_33 : memref<1x3x128xi32, #tpu.memory_space<hbm>> -> memref<3x128xi32, #tpu.memory_space<hbm>>
      %dma_start3A_35 = arith.constant 0 : i32
      %dma_start3A_36 = tpu.memref_slice %dma_start3A_34[%mul3A_9, %dma_start3A_35] : memref<3x128xi32, #tpu.memory_space<hbm>> -> memref<3x128xi32, #tpu.memory_space<hbm>>
      tpu.enqueue_dma source(%dma_start3A_36 : memref<3x128xi32, #tpu.memory_space<hbm>>) target(%arg8 : memref<3x128xi32, #tpu.memory_space<vmem>>) target_semaphore(%run_scoped3A_25 : memref<!tpu.dma_semaphore, #tpu.memory_space<semaphore_mem>>)
      %dma_wait3A = arith.constant 0 : i32
      %dma_wait3A_37 = arith.constant 0 : i32
      %dma_wait3A_38 = tpu.memref_slice %arg4[%add3A, %dma_wait3A, %dma_wait3A_37] : memref<32x3x128xi32, #tpu.memory_space<hbm>> -> memref<1x3x128xi32, #tpu.memory_space<hbm>>
      %dma_wait3A_39 = tpu.memref_squeeze %dma_wait3A_38 : memref<1x3x128xi32, #tpu.memory_space<hbm>> -> memref<3x128xi32, #tpu.memory_space<hbm>>
      %dma_wait3A_40 = arith.constant 0 : i32
      %dma_wait3A_41 = tpu.memref_slice %dma_wait3A_39[%mul3A_9, %dma_wait3A_40] : memref<3x128xi32, #tpu.memory_space<hbm>> -> memref<3x128xi32, #tpu.memory_space<hbm>>
      %dma_wait3A_42 = arith.constant 0 : i32
      %dma_wait3A_43 = arith.constant 0 : i32
      %dma_wait3A_44 = tpu.memref_slice %arg4[%add3A, %dma_wait3A_42, %dma_wait3A_43] : memref<32x3x128xi32, #tpu.memory_space<hbm>> -> memref<1x3x128xi32, #tpu.memory_space<hbm>>
      %dma_wait3A_45 = tpu.memref_squeeze %dma_wait3A_44 : memref<1x3x128xi32, #tpu.memory_space<hbm>> -> memref<3x128xi32, #tpu.memory_space<hbm>>
      %dma_wait3A_46 = arith.constant 0 : i32
      %dma_wait3A_47 = tpu.memref_slice %dma_wait3A_45[%mul3A_9, %dma_wait3A_46] : memref<3x128xi32, #tpu.memory_space<hbm>> -> memref<3x128xi32, #tpu.memory_space<hbm>>
      tpu.wait_dma2 semaphore(%run_scoped3A_25 : memref<!tpu.dma_semaphore, #tpu.memory_space<semaphore_mem>>) src(%dma_wait3A_47 : memref<3x128xi32, #tpu.memory_space<hbm>>) dst(%arg8 : memref<3x128xi32, #tpu.memory_space<vmem>>)
      tpu.yield
    }) : () -> ()
    %run_scoped3A = arith.constant 0 : i32
    %run_scoped3A_10 = arith.constant 0 : i32
    "tpu.region"() ({
      %run_scoped3A_25 = tpu.sem_alloc : memref<!tpu.dma_semaphore, #tpu.memory_space<semaphore_mem>>
      %dma_start3A = arith.constant 0 : i32
      %dma_start3A_26 = arith.constant 0 : i32
      %dma_start3A_27 = tpu.memref_slice %arg9[%run_scoped3A_10, %dma_start3A, %dma_start3A_26] : memref<2x128x80xf32, #tpu.memory_space<vmem>> -> memref<1x128x80xf32, #tpu.memory_space<vmem>>
      %dma_start3A_28 = tpu.memref_squeeze %dma_start3A_27 : memref<1x128x80xf32, #tpu.memory_space<vmem>> -> memref<128x80xf32, #tpu.memory_space<vmem>>
      %dma_start3A_29 = arith.constant 0 : i32
      %dma_start3A_30 = tpu.memref_slice %arg7[%run_scoped3A, %dma_start3A_29] : memref<3x128xi32, #tpu.memory_space<vmem>> -> memref<1x128xi32, #tpu.memory_space<vmem>>
      %dma_start3A_31 = tpu.memref_squeeze %dma_start3A_30 : memref<1x128xi32, #tpu.memory_space<vmem>> -> memref<128xi32, #tpu.memory_space<vmem>>
      %dma_start3A_32 = arith.constant 0 : i32
      %dma_start3A_33 = arith.constant 0 : i32
      %dma_start3A_34 = tpu.memref_slice %arg2[%dma_start3A_32, %dma_start3A_33] : memref<10000x80xf32, #tpu.memory_space<hbm>> -> memref<10000x80xf32, #tpu.memory_space<hbm>>
      tpu.enqueue_indirect_dma source(%dma_start3A_34 : memref<10000x80xf32, #tpu.memory_space<hbm>>) target(%dma_start3A_28 : memref<128x80xf32, #tpu.memory_space<vmem>>) offsets(%dma_start3A_31 : memref<128xi32, #tpu.memory_space<vmem>>) semaphore(%run_scoped3A_25 : memref<!tpu.dma_semaphore, #tpu.memory_space<semaphore_mem>>)
      %dma_wait3A = arith.constant 0 : i32
      %dma_wait3A_35 = arith.constant 0 : i32
      %dma_wait3A_36 = tpu.memref_slice %arg9[%run_scoped3A_10, %dma_wait3A, %dma_wait3A_35] : memref<2x128x80xf32, #tpu.memory_space<vmem>> -> memref<1x128x80xf32, #tpu.memory_space<vmem>>
      %dma_wait3A_37 = tpu.memref_squeeze %dma_wait3A_36 : memref<1x128x80xf32, #tpu.memory_space<vmem>> -> memref<128x80xf32, #tpu.memory_space<vmem>>
      %dma_wait3A_38 = arith.constant 0 : i32
      %dma_wait3A_39 = tpu.memref_slice %arg7[%run_scoped3A, %dma_wait3A_38] : memref<3x128xi32, #tpu.memory_space<vmem>> -> memref<1x128xi32, #tpu.memory_space<vmem>>
      %dma_wait3A_40 = tpu.memref_squeeze %dma_wait3A_39 : memref<1x128xi32, #tpu.memory_space<vmem>> -> memref<128xi32, #tpu.memory_space<vmem>>
      %dma_wait3A_41 = arith.constant 0 : i32
      %dma_wait3A_42 = arith.constant 0 : i32
      %dma_wait3A_43 = tpu.memref_slice %arg2[%dma_wait3A_41, %dma_wait3A_42] : memref<10000x80xf32, #tpu.memory_space<hbm>> -> memref<10000x80xf32, #tpu.memory_space<hbm>>
      tpu.wait_indirect_dma semaphore(%run_scoped3A_25 : memref<!tpu.dma_semaphore, #tpu.memory_space<semaphore_mem>>) src(%dma_wait3A_43 : memref<10000x80xf32, #tpu.memory_space<hbm>>) dst(%dma_wait3A_37 : memref<128x80xf32, #tpu.memory_space<vmem>>)
      tpu.yield
    }) : () -> ()
    %scan3A_11 = arith.constant 0 : i32
    %scan3A_12 = arith.constant 0 : i32
    %scan3A_13 = arith.constant 2 : i32
    %scan3A_14 = arith.addi %scan3A_12, %scan3A_13 : i32
    %scan3A_15 = arith.constant 1 : i32
    scf.for %scan3A_25 = %scan3A_12 to %scan3A_14 step %scan3A_15  : i32 {
      %rem3A = arith.constant 2 : i32
      %rem3A_26 = arith.remsi %scan3A_25, %rem3A : i32
      %add3A_27 = arith.constant 1 : i32
      %add3A_28 = arith.addi %scan3A_25, %add3A_27 : i32
      %sub3A = arith.constant 1 : i32
      %sub3A_29 = arith.subi %sub3A, %rem3A_26 : i32
      %sub3A_30 = arith.constant 1 : i32
      %sub3A_31 = arith.subi %sub3A_30, %rem3A_26 : i32
      %dma_start3A = arith.constant 0 : i32
      %dma_start3A_32 = arith.constant 0 : i32
      %dma_start3A_33 = tpu.memref_slice %arg9[%sub3A_29, %dma_start3A, %dma_start3A_32] : memref<2x128x80xf32, #tpu.memory_space<vmem>> -> memref<1x128x80xf32, #tpu.memory_space<vmem>>
      %dma_start3A_34 = tpu.memref_squeeze %dma_start3A_33 : memref<1x128x80xf32, #tpu.memory_space<vmem>> -> memref<128x80xf32, #tpu.memory_space<vmem>>
      %dma_start3A_35 = arith.constant 0 : i32
      %dma_start3A_36 = tpu.memref_slice %arg7[%add3A_28, %dma_start3A_35] : memref<3x128xi32, #tpu.memory_space<vmem>> -> memref<1x128xi32, #tpu.memory_space<vmem>>
      %dma_start3A_37 = tpu.memref_squeeze %dma_start3A_36 : memref<1x128xi32, #tpu.memory_space<vmem>> -> memref<128xi32, #tpu.memory_space<vmem>>
      %dma_start3A_38 = arith.constant 0 : i32
      %dma_start3A_39 = arith.constant 0 : i32
      %dma_start3A_40 = tpu.memref_slice %arg2[%dma_start3A_38, %dma_start3A_39] : memref<10000x80xf32, #tpu.memory_space<hbm>> -> memref<10000x80xf32, #tpu.memory_space<hbm>>
      %dma_start3A_41 = tpu.memref_slice %arg11[%sub3A_31] : memref<2x!tpu.dma_semaphore, #tpu.memory_space<semaphore_mem>> -> memref<1x!tpu.dma_semaphore, #tpu.memory_space<semaphore_mem>>
      %dma_start3A_42 = tpu.memref_squeeze %dma_start3A_41 : memref<1x!tpu.dma_semaphore, #tpu.memory_space<semaphore_mem>> -> memref<!tpu.dma_semaphore, #tpu.memory_space<semaphore_mem>>
      tpu.enqueue_indirect_dma source(%dma_start3A_40 : memref<10000x80xf32, #tpu.memory_space<hbm>>) target(%dma_start3A_34 : memref<128x80xf32, #tpu.memory_space<vmem>>) offsets(%dma_start3A_37 : memref<128xi32, #tpu.memory_space<vmem>>) semaphore(%dma_start3A_42 : memref<!tpu.dma_semaphore, #tpu.memory_space<semaphore_mem>>)
      "tpu.region"() ({
        %run_scoped3A_54 = tpu.sem_alloc : memref<!tpu.dma_semaphore, #tpu.memory_space<semaphore_mem>>
        %dma_start3A_55 = arith.constant 0 : i32
        %dma_start3A_56 = arith.constant 0 : i32
        %dma_start3A_57 = tpu.memref_slice %arg9[%rem3A_26, %dma_start3A_55, %dma_start3A_56] : memref<2x128x80xf32, #tpu.memory_space<vmem>> -> memref<1x128x80xf32, #tpu.memory_space<vmem>>
        %dma_start3A_58 = tpu.memref_squeeze %dma_start3A_57 : memref<1x128x80xf32, #tpu.memory_space<vmem>> -> memref<128x80xf32, #tpu.memory_space<vmem>>
        %dma_start3A_59 = arith.constant 0 : i32
        %dma_start3A_60 = tpu.memref_slice %arg8[%scan3A_25, %dma_start3A_59] : memref<3x128xi32, #tpu.memory_space<vmem>> -> memref<1x128xi32, #tpu.memory_space<vmem>>
        %dma_start3A_61 = tpu.memref_squeeze %dma_start3A_60 : memref<1x128xi32, #tpu.memory_space<vmem>> -> memref<128xi32, #tpu.memory_space<vmem>>
        %dma_start3A_62 = arith.constant 0 : i32
        %dma_start3A_63 = arith.constant 0 : i32
        %dma_start3A_64 = tpu.memref_slice %arg10[%dma_start3A_62, %dma_start3A_63] : memref<128x80xf32, #tpu.memory_space<vmem_shared>> -> memref<128x80xf32, #tpu.memory_space<vmem_shared>>
        tpu.enqueue_indirect_dma source(%dma_start3A_58 : memref<128x80xf32, #tpu.memory_space<vmem>>) target(%dma_start3A_64 : memref<128x80xf32, #tpu.memory_space<vmem_shared>>) offsets(%dma_start3A_61 : memref<128xi32, #tpu.memory_space<vmem>>) semaphore(%run_scoped3A_54 : memref<!tpu.dma_semaphore, #tpu.memory_space<semaphore_mem>>) {add = true}
        %dma_wait3A_65 = arith.constant 0 : i32
        %dma_wait3A_66 = arith.constant 0 : i32
        %dma_wait3A_67 = tpu.memref_slice %arg9[%rem3A_26, %dma_wait3A_65, %dma_wait3A_66] : memref<2x128x80xf32, #tpu.memory_space<vmem>> -> memref<1x128x80xf32, #tpu.memory_space<vmem>>
        %dma_wait3A_68 = tpu.memref_squeeze %dma_wait3A_67 : memref<1x128x80xf32, #tpu.memory_space<vmem>> -> memref<128x80xf32, #tpu.memory_space<vmem>>
        %dma_wait3A_69 = arith.constant 0 : i32
        %dma_wait3A_70 = tpu.memref_slice %arg8[%scan3A_25, %dma_wait3A_69] : memref<3x128xi32, #tpu.memory_space<vmem>> -> memref<1x128xi32, #tpu.memory_space<vmem>>
        %dma_wait3A_71 = tpu.memref_squeeze %dma_wait3A_70 : memref<1x128xi32, #tpu.memory_space<vmem>> -> memref<128xi32, #tpu.memory_space<vmem>>
        %dma_wait3A_72 = arith.constant 0 : i32
        %dma_wait3A_73 = arith.constant 0 : i32
        %dma_wait3A_74 = tpu.memref_slice %arg10[%dma_wait3A_72, %dma_wait3A_73] : memref<128x80xf32, #tpu.memory_space<vmem_shared>> -> memref<128x80xf32, #tpu.memory_space<vmem_shared>>
        tpu.wait_indirect_dma semaphore(%run_scoped3A_54 : memref<!tpu.dma_semaphore, #tpu.memory_space<semaphore_mem>>) src(%dma_wait3A_68 : memref<128x80xf32, #tpu.memory_space<vmem>>) dst(%dma_wait3A_74 : memref<128x80xf32, #tpu.memory_space<vmem_shared>>)
        tpu.yield
      }) : () -> ()
      %dma_wait3A = arith.constant 0 : i32
      %dma_wait3A_43 = arith.constant 0 : i32
      %dma_wait3A_44 = tpu.memref_slice %arg9[%sub3A_29, %dma_wait3A, %dma_wait3A_43] : memref<2x128x80xf32, #tpu.memory_space<vmem>> -> memref<1x128x80xf32, #tpu.memory_space<vmem>>
      %dma_wait3A_45 = tpu.memref_squeeze %dma_wait3A_44 : memref<1x128x80xf32, #tpu.memory_space<vmem>> -> memref<128x80xf32, #tpu.memory_space<vmem>>
      %dma_wait3A_46 = arith.constant 0 : i32
      %dma_wait3A_47 = tpu.memref_slice %arg7[%add3A_28, %dma_wait3A_46] : memref<3x128xi32, #tpu.memory_space<vmem>> -> memref<1x128xi32, #tpu.memory_space<vmem>>
      %dma_wait3A_48 = tpu.memref_squeeze %dma_wait3A_47 : memref<1x128xi32, #tpu.memory_space<vmem>> -> memref<128xi32, #tpu.memory_space<vmem>>
      %dma_wait3A_49 = arith.constant 0 : i32
      %dma_wait3A_50 = arith.constant 0 : i32
      %dma_wait3A_51 = tpu.memref_slice %arg2[%dma_wait3A_49, %dma_wait3A_50] : memref<10000x80xf32, #tpu.memory_space<hbm>> -> memref<10000x80xf32, #tpu.memory_space<hbm>>
      %dma_wait3A_52 = tpu.memref_slice %arg11[%sub3A_31] : memref<2x!tpu.dma_semaphore, #tpu.memory_space<semaphore_mem>> -> memref<1x!tpu.dma_semaphore, #tpu.memory_space<semaphore_mem>>
      %dma_wait3A_53 = tpu.memref_squeeze %dma_wait3A_52 : memref<1x!tpu.dma_semaphore, #tpu.memory_space<semaphore_mem>> -> memref<!tpu.dma_semaphore, #tpu.memory_space<semaphore_mem>>
      tpu.wait_indirect_dma semaphore(%dma_wait3A_53 : memref<!tpu.dma_semaphore, #tpu.memory_space<semaphore_mem>>) src(%dma_wait3A_51 : memref<10000x80xf32, #tpu.memory_space<hbm>>) dst(%dma_wait3A_45 : memref<128x80xf32, #tpu.memory_space<vmem>>)
    }
    %scan3A_16 = arith.constant 2 : i32
    %run_scoped3A_17 = arith.constant 0 : i32
    %run_scoped3A_18 = arith.constant 2 : i32
    "tpu.region"() ({
      %run_scoped3A_25 = tpu.sem_alloc : memref<!tpu.dma_semaphore, #tpu.memory_space<semaphore_mem>>
      %dma_start3A = arith.constant 0 : i32
      %dma_start3A_26 = arith.constant 0 : i32
      %dma_start3A_27 = tpu.memref_slice %arg9[%run_scoped3A_17, %dma_start3A, %dma_start3A_26] : memref<2x128x80xf32, #tpu.memory_space<vmem>> -> memref<1x128x80xf32, #tpu.memory_space<vmem>>
      %dma_start3A_28 = tpu.memref_squeeze %dma_start3A_27 : memref<1x128x80xf32, #tpu.memory_space<vmem>> -> memref<128x80xf32, #tpu.memory_space<vmem>>
      %dma_start3A_29 = arith.constant 0 : i32
      %dma_start3A_30 = tpu.memref_slice %arg8[%run_scoped3A_18, %dma_start3A_29] : memref<3x128xi32, #tpu.memory_space<vmem>> -> memref<1x128xi32, #tpu.memory_space<vmem>>
      %dma_start3A_31 = tpu.memref_squeeze %dma_start3A_30 : memref<1x128xi32, #tpu.memory_space<vmem>> -> memref<128xi32, #tpu.memory_space<vmem>>
      %dma_start3A_32 = arith.constant 0 : i32
      %dma_start3A_33 = arith.constant 0 : i32
      %dma_start3A_34 = tpu.memref_slice %arg10[%dma_start3A_32, %dma_start3A_33] : memref<128x80xf32, #tpu.memory_space<vmem_shared>> -> memref<128x80xf32, #tpu.memory_space<vmem_shared>>
      tpu.enqueue_indirect_dma source(%dma_start3A_28 : memref<128x80xf32, #tpu.memory_space<vmem>>) target(%dma_start3A_34 : memref<128x80xf32, #tpu.memory_space<vmem_shared>>) offsets(%dma_start3A_31 : memref<128xi32, #tpu.memory_space<vmem>>) semaphore(%run_scoped3A_25 : memref<!tpu.dma_semaphore, #tpu.memory_space<semaphore_mem>>) {add = true}
      %dma_wait3A = arith.constant 0 : i32
      %dma_wait3A_35 = arith.constant 0 : i32
      %dma_wait3A_36 = tpu.memref_slice %arg9[%run_scoped3A_17, %dma_wait3A, %dma_wait3A_35] : memref<2x128x80xf32, #tpu.memory_space<vmem>> -> memref<1x128x80xf32, #tpu.memory_space<vmem>>
      %dma_wait3A_37 = tpu.memref_squeeze %dma_wait3A_36 : memref<1x128x80xf32, #tpu.memory_space<vmem>> -> memref<128x80xf32, #tpu.memory_space<vmem>>
      %dma_wait3A_38 = arith.constant 0 : i32
      %dma_wait3A_39 = tpu.memref_slice %arg8[%run_scoped3A_18, %dma_wait3A_38] : memref<3x128xi32, #tpu.memory_space<vmem>> -> memref<1x128xi32, #tpu.memory_space<vmem>>
      %dma_wait3A_40 = tpu.memref_squeeze %dma_wait3A_39 : memref<1x128xi32, #tpu.memory_space<vmem>> -> memref<128xi32, #tpu.memory_space<vmem>>
      %dma_wait3A_41 = arith.constant 0 : i32
      %dma_wait3A_42 = arith.constant 0 : i32
      %dma_wait3A_43 = tpu.memref_slice %arg10[%dma_wait3A_41, %dma_wait3A_42] : memref<128x80xf32, #tpu.memory_space<vmem_shared>> -> memref<128x80xf32, #tpu.memory_space<vmem_shared>>
      tpu.wait_indirect_dma semaphore(%run_scoped3A_25 : memref<!tpu.dma_semaphore, #tpu.memory_space<semaphore_mem>>) src(%dma_wait3A_37 : memref<128x80xf32, #tpu.memory_space<vmem>>) dst(%dma_wait3A_43 : memref<128x80xf32, #tpu.memory_space<vmem_shared>>)
      tpu.yield
    }) : () -> ()
    %scan3A_19 = arith.constant 1 : i32
    %barrier3A_20 = arith.constant 0 : index
    tpu.barrier barrier_id(%barrier3A_20)
    %mul3A_21 = arith.constant 8 : i32
    %mul3A_22 = arith.muli %arg1, %mul3A_21 : i32
    %mul3A_23 = arith.constant 8 : i32
    %mul3A_24 = arith.muli %arg1, %mul3A_23 : i32
    "tpu.region"() ({
      %run_scoped3A_25 = tpu.sem_alloc : memref<!tpu.dma_semaphore, #tpu.memory_space<semaphore_mem>>
      %dma_start3A = arith.constant 0 : i32
      %dma_start3A_26 = arith.constant 0 : i32
      %dma_start3A_27 = tpu.memref_slice %arg6[%arg0, %dma_start3A, %dma_start3A_26] : memref<2x128x80xf32, #tpu.memory_space<hbm>> -> memref<1x128x80xf32, #tpu.memory_space<hbm>>
      %dma_start3A_28 = tpu.memref_squeeze %dma_start3A_27 : memref<1x128x80xf32, #tpu.memory_space<hbm>> -> memref<128x80xf32, #tpu.memory_space<hbm>>
      %dma_start3A_29 = arith.constant 0 : i32
      %dma_start3A_30 = tpu.memref_slice %dma_start3A_28[%mul3A_24, %dma_start3A_29] : memref<128x80xf32, #tpu.memory_space<hbm>> -> memref<8x80xf32, #tpu.memory_space<hbm>>
      %dma_start3A_31 = arith.constant 0 : i32
      %dma_start3A_32 = tpu.memref_slice %arg10[%mul3A_22, %dma_start3A_31] : memref<128x80xf32, #tpu.memory_space<vmem_shared>> -> memref<8x80xf32, #tpu.memory_space<vmem_shared>>
      tpu.enqueue_dma source(%dma_start3A_32 : memref<8x80xf32, #tpu.memory_space<vmem_shared>>) target(%dma_start3A_30 : memref<8x80xf32, #tpu.memory_space<hbm>>) target_semaphore(%run_scoped3A_25 : memref<!tpu.dma_semaphore, #tpu.memory_space<semaphore_mem>>)
      %dma_wait3A = arith.constant 0 : i32
      %dma_wait3A_33 = arith.constant 0 : i32
      %dma_wait3A_34 = tpu.memref_slice %arg6[%arg0, %dma_wait3A, %dma_wait3A_33] : memref<2x128x80xf32, #tpu.memory_space<hbm>> -> memref<1x128x80xf32, #tpu.memory_space<hbm>>
      %dma_wait3A_35 = tpu.memref_squeeze %dma_wait3A_34 : memref<1x128x80xf32, #tpu.memory_space<hbm>> -> memref<128x80xf32, #tpu.memory_space<hbm>>
      %dma_wait3A_36 = arith.constant 0 : i32
      %dma_wait3A_37 = tpu.memref_slice %dma_wait3A_35[%mul3A_24, %dma_wait3A_36] : memref<128x80xf32, #tpu.memory_space<hbm>> -> memref<8x80xf32, #tpu.memory_space<hbm>>
      %dma_wait3A_38 = arith.constant 0 : i32
      %dma_wait3A_39 = tpu.memref_slice %arg10[%mul3A_22, %dma_wait3A_38] : memref<128x80xf32, #tpu.memory_space<vmem_shared>> -> memref<8x80xf32, #tpu.memory_space<vmem_shared>>
      tpu.wait_dma2 semaphore(%run_scoped3A_25 : memref<!tpu.dma_semaphore, #tpu.memory_space<semaphore_mem>>) src(%dma_wait3A_39 : memref<8x80xf32, #tpu.memory_space<vmem_shared>>) dst(%dma_wait3A_37 : memref<8x80xf32, #tpu.memory_space<hbm>>)
      tpu.yield
    }) : () -> ()
    return
  }
}

module attributes {stable_mosaic.version = 14 : i64} {
  func.func @_entry_body(%arg0: i32, %arg1: memref<1000x128xf32, #tpu.memory_space<vmem>>, %arg2: memref<128x64xf32, #tpu.memory_space<vmem>>, %arg3: memref<128x64xf32, #tpu.memory_space<vmem>>, %arg4: memref<1x64xf32, #tpu.memory_space<vmem>>, %arg5: memref<1000x64xf32, #tpu.memory_space<vmem>>, %arg6: memref<1000x64xf32, #tpu.memory_space<vmem>>) attributes {dimension_semantics = [#tpu.dimension_semantics<arbitrary>], iteration_bounds = array<i64: 10>, scalar_prefetch = 0 : i64, scratch_operands = 0 : i64, tpu.core_type = #tpu.core_type<tc>, window_params = [{transform_indices = @transform_0, window_bounds = array<i64: 1000, 128>}, {pipeline_mode = #tpu.pipeline_mode<synchronous>, transform_indices = @transform_1, window_bounds = array<i64: 128, 64>}, {pipeline_mode = #tpu.pipeline_mode<synchronous>, transform_indices = @transform_2, window_bounds = array<i64: 128, 64>}, {pipeline_mode = #tpu.pipeline_mode<synchronous>, transform_indices = @transform_3, window_bounds = array<i64: 1, 64>}, {transform_indices = @transform_4, window_bounds = array<i64: 1000, 64>}, {transform_indices = @transform_5, window_bounds = array<i64: 1000, 64>}]} {
    %get3A = arith.constant 0 : index
    %get3A_0 = arith.constant 0 : index
    %get3A_1 = vector.load %arg1[%get3A, %get3A_0] : memref<1000x128xf32, #tpu.memory_space<vmem>>, vector<1000x128xf32>
    %get3A_2 = arith.constant 0 : index
    %get3A_3 = arith.constant 0 : index
    %get3A_4 = vector.load %arg2[%get3A_2, %get3A_3] : memref<128x64xf32, #tpu.memory_space<vmem>>, vector<128x64xf32>
    %dot_general3A = arith.constant dense<0.000000e+00> : vector<1000x64xf32>
    %dot_general3A_5 = tpu.matmul %get3A_1, %get3A_4, %dot_general3A {dimension_numbers = #tpu.dot_dimension_numbers<[1], [0], [0], [1], [0, 0, 1, 1], [], []>, transpose_lhs_hint = false} : vector<1000x128xf32>, vector<128x64xf32>, vector<1000x64xf32> -> vector<1000x64xf32>
    %swap3A = arith.constant 0 : index
    %swap3A_6 = arith.constant 0 : index
    %swap3A_7 = vector.load %arg5[%swap3A, %swap3A_6] : memref<1000x64xf32, #tpu.memory_space<vmem>>, vector<1000x64xf32>
    tpu.vector_store %arg5[%swap3A, %swap3A_6], %dot_general3A_5 {strides = array<i32>} : memref<1000x64xf32, #tpu.memory_space<vmem>>, vector<1000x64xf32>,
    %get3A_8 = arith.constant 0 : index
    %get3A_9 = arith.constant 0 : index
    %get3A_10 = vector.load %arg3[%get3A_8, %get3A_9] : memref<128x64xf32, #tpu.memory_space<vmem>>, vector<128x64xf32>
    %dot_general3A_11 = arith.constant dense<0.000000e+00> : vector<1000x64xf32>
    %dot_general3A_12 = tpu.matmul %get3A_1, %get3A_10, %dot_general3A_11 {dimension_numbers = #tpu.dot_dimension_numbers<[1], [0], [0], [1], [0, 0, 1, 1], [], []>, transpose_lhs_hint = false} : vector<1000x128xf32>, vector<128x64xf32>, vector<1000x64xf32> -> vector<1000x64xf32>
    %get3A_13 = arith.constant 0 : index
    %get3A_14 = arith.constant 0 : index
    %get3A_15 = vector.load %arg4[%get3A_13, %get3A_14] : memref<1x64xf32, #tpu.memory_space<vmem>>, vector<1x64xf32>
    %add3A = vector.broadcast %get3A_15 : vector<1x64xf32> to vector<1000x64xf32>
    %add3A_16 = arith.addf %dot_general3A_12, %add3A : vector<1000x64xf32>
    %swap3A_17 = arith.constant 0 : index
    %swap3A_18 = arith.constant 0 : index
    %swap3A_19 = vector.load %arg6[%swap3A_17, %swap3A_18] : memref<1000x64xf32, #tpu.memory_space<vmem>>, vector<1000x64xf32>
    tpu.vector_store %arg6[%swap3A_17, %swap3A_18], %add3A_16 {strides = array<i32>} : memref<1000x64xf32, #tpu.memory_space<vmem>>, vector<1000x64xf32>,
    return
  }
  func.func @transform_0(%arg0: i32) -> (i32, i32) {
    %c0_i32 = arith.constant 0 : i32
    %c0_i32_0 = arith.constant 0 : i32
    return %arg0, %c0_i32 : i32, i32
  }
  func.func @transform_1(%arg0: i32) -> (i32, i32) {
    %c0_i32 = arith.constant 0 : i32
    %c0_i32_0 = arith.constant 0 : i32
    %c0_i32_1 = arith.constant 0 : i32
    return %c0_i32, %c0_i32_0 : i32, i32
  }
  func.func @transform_2(%arg0: i32) -> (i32, i32) {
    %c0_i32 = arith.constant 0 : i32
    %c0_i32_0 = arith.constant 0 : i32
    %c0_i32_1 = arith.constant 0 : i32
    return %c0_i32, %c0_i32_0 : i32, i32
  }
  func.func @transform_3(%arg0: i32) -> (i32, i32) {
    %c0_i32 = arith.constant 0 : i32
    %c0_i32_0 = arith.constant 0 : i32
    %c0_i32_1 = arith.constant 0 : i32
    return %c0_i32, %c0_i32_0 : i32, i32
  }
  func.func @transform_4(%arg0: i32) -> (i32, i32) {
    %c0_i32 = arith.constant 0 : i32
    %c0_i32_0 = arith.constant 0 : i32
    return %arg0, %c0_i32 : i32, i32
  }
  func.func @transform_5(%arg0: i32) -> (i32, i32) {
    %c0_i32 = arith.constant 0 : i32
    %c0_i32_0 = arith.constant 0 : i32
    return %arg0, %c0_i32 : i32, i32
  }
}

module attributes {stable_mosaic.version = 14 : i64} {
  func.func @_mid_body(%arg0: i32, %arg1: memref<2x1000x64xf32, #tpu.memory_space<vmem>>, %arg2: memref<1000x64xf32, #tpu.memory_space<vmem>>, %arg3: memref<64x64xf32, #tpu.memory_space<vmem>>, %arg4: memref<64x64xf32, #tpu.memory_space<vmem>>, %arg5: memref<1x64xf32, #tpu.memory_space<vmem>>, %arg6: memref<1000x64xf32, #tpu.memory_space<vmem>>, %arg7: memref<1000x64xf32, #tpu.memory_space<vmem>>) attributes {dimension_semantics = [#tpu.dimension_semantics<arbitrary>], iteration_bounds = array<i64: 10>, scalar_prefetch = 0 : i64, scratch_operands = 0 : i64, tpu.core_type = #tpu.core_type<tc>, window_params = [{transform_indices = @transform_0, window_bounds = array<i64: 2, 1000, 64>}, {transform_indices = @transform_1, window_bounds = array<i64: 1000, 64>}, {pipeline_mode = #tpu.pipeline_mode<synchronous>, transform_indices = @transform_2, window_bounds = array<i64: 64, 64>}, {pipeline_mode = #tpu.pipeline_mode<synchronous>, transform_indices = @transform_3, window_bounds = array<i64: 64, 64>}, {pipeline_mode = #tpu.pipeline_mode<synchronous>, transform_indices = @transform_4, window_bounds = array<i64: 1, 64>}, {transform_indices = @transform_5, window_bounds = array<i64: 1000, 64>}, {transform_indices = @transform_6, window_bounds = array<i64: 1000, 64>}]} {
    %get3A = arith.constant 0 : index
    %get3A_0 = arith.constant 0 : index
    %get3A_1 = arith.constant 0 : index
    %get3A_2 = vector.load %arg1[%get3A, %get3A_0, %get3A_1] : memref<2x1000x64xf32, #tpu.memory_space<vmem>>, vector<2x1000x64xf32>
    %slice3A = vector.extract_strided_slice %get3A_2 {offsets = [0, 0, 0], sizes = [1, 1000, 64], strides = [1, 1, 1]} : vector<2x1000x64xf32> to vector<1x1000x64xf32>
    %squeeze3A = vector.shape_cast %slice3A : vector<1x1000x64xf32> to vector<1000x64xf32>
    %slice3A_3 = vector.extract_strided_slice %get3A_2 {offsets = [1, 0, 0], sizes = [1, 1000, 64], strides = [1, 1, 1]} : vector<2x1000x64xf32> to vector<1x1000x64xf32>
    %squeeze3A_4 = vector.shape_cast %slice3A_3 : vector<1x1000x64xf32> to vector<1000x64xf32>
    %add3A = arith.addf %squeeze3A, %squeeze3A_4 : vector<1000x64xf32>
    %get3A_5 = arith.constant 0 : index
    %get3A_6 = arith.constant 0 : index
    %get3A_7 = vector.load %arg2[%get3A_5, %get3A_6] : memref<1000x64xf32, #tpu.memory_space<vmem>>, vector<1000x64xf32>
    %add3A_8 = arith.addf %add3A, %get3A_7 : vector<1000x64xf32>
    %gt3A = arith.constant 0.000000e+00 : f32
    %gt3A_9 = vector.broadcast %gt3A : f32 to vector<1000x64xf32>
    %gt3A_10 = arith.cmpf ogt, %add3A_8, %gt3A_9 : vector<1000x64xf32>
    %min3A = arith.constant 0.000000e+00 : f32
    %min3A_11 = vector.broadcast %min3A : f32 to vector<1000x64xf32>
    %min3A_12 = arith.minimumf %add3A_8, %min3A_11 : vector<1000x64xf32>
    %exp3A = math.exp %min3A_12 : vector<1000x64xf32>
    %sub3A = arith.constant 1.000000e+00 : f32
    %sub3A_13 = vector.broadcast %sub3A : f32 to vector<1000x64xf32>
    %sub3A_14 = arith.subf %exp3A, %sub3A_13 : vector<1000x64xf32>
    %select_n3A = arith.select %gt3A_10, %add3A_8, %sub3A_14 : vector<1000x64xi1>, vector<1000x64xf32>
    %get3A_15 = arith.constant 0 : index
    %get3A_16 = arith.constant 0 : index
    %get3A_17 = vector.load %arg3[%get3A_15, %get3A_16] : memref<64x64xf32, #tpu.memory_space<vmem>>, vector<64x64xf32>
    %dot_general3A = arith.constant dense<0.000000e+00> : vector<1000x64xf32>
    %dot_general3A_18 = tpu.matmul %select_n3A, %get3A_17, %dot_general3A {dimension_numbers = #tpu.dot_dimension_numbers<[1], [0], [0], [1], [0, 0, 1, 1], [], []>, transpose_lhs_hint = false} : vector<1000x64xf32>, vector<64x64xf32>, vector<1000x64xf32> -> vector<1000x64xf32>
    %swap3A = arith.constant 0 : index
    %swap3A_19 = arith.constant 0 : index
    %swap3A_20 = vector.load %arg6[%swap3A, %swap3A_19] : memref<1000x64xf32, #tpu.memory_space<vmem>>, vector<1000x64xf32>
    tpu.vector_store %arg6[%swap3A, %swap3A_19], %dot_general3A_18 {strides = array<i32>} : memref<1000x64xf32, #tpu.memory_space<vmem>>, vector<1000x64xf32>,
    %get3A_21 = arith.constant 0 : index
    %get3A_22 = arith.constant 0 : index
    %get3A_23 = vector.load %arg4[%get3A_21, %get3A_22] : memref<64x64xf32, #tpu.memory_space<vmem>>, vector<64x64xf32>
    %dot_general3A_24 = arith.constant dense<0.000000e+00> : vector<1000x64xf32>
    %dot_general3A_25 = tpu.matmul %select_n3A, %get3A_23, %dot_general3A_24 {dimension_numbers = #tpu.dot_dimension_numbers<[1], [0], [0], [1], [0, 0, 1, 1], [], []>, transpose_lhs_hint = false} : vector<1000x64xf32>, vector<64x64xf32>, vector<1000x64xf32> -> vector<1000x64xf32>
    %get3A_26 = arith.constant 0 : index
    %get3A_27 = arith.constant 0 : index
    %get3A_28 = vector.load %arg5[%get3A_26, %get3A_27] : memref<1x64xf32, #tpu.memory_space<vmem>>, vector<1x64xf32>
    %add3A_29 = vector.broadcast %get3A_28 : vector<1x64xf32> to vector<1000x64xf32>
    %add3A_30 = arith.addf %dot_general3A_25, %add3A_29 : vector<1000x64xf32>
    %swap3A_31 = arith.constant 0 : index
    %swap3A_32 = arith.constant 0 : index
    %swap3A_33 = vector.load %arg7[%swap3A_31, %swap3A_32] : memref<1000x64xf32, #tpu.memory_space<vmem>>, vector<1000x64xf32>
    tpu.vector_store %arg7[%swap3A_31, %swap3A_32], %add3A_30 {strides = array<i32>} : memref<1000x64xf32, #tpu.memory_space<vmem>>, vector<1000x64xf32>,
    return
  }
  func.func @transform_0(%arg0: i32) -> (i32, i32, i32) {
    %c0_i32 = arith.constant 0 : i32
    %c0_i32_0 = arith.constant 0 : i32
    %c0_i32_1 = arith.constant 0 : i32
    return %c0_i32, %arg0, %c0_i32_0 : i32, i32, i32
  }
  func.func @transform_1(%arg0: i32) -> (i32, i32) {
    %c0_i32 = arith.constant 0 : i32
    %c0_i32_0 = arith.constant 0 : i32
    return %arg0, %c0_i32 : i32, i32
  }
  func.func @transform_2(%arg0: i32) -> (i32, i32) {
    %c0_i32 = arith.constant 0 : i32
    %c0_i32_0 = arith.constant 0 : i32
    %c0_i32_1 = arith.constant 0 : i32
    return %c0_i32, %c0_i32_0 : i32, i32
  }
  func.func @transform_3(%arg0: i32) -> (i32, i32) {
    %c0_i32 = arith.constant 0 : i32
    %c0_i32_0 = arith.constant 0 : i32
    %c0_i32_1 = arith.constant 0 : i32
    return %c0_i32, %c0_i32_0 : i32, i32
  }
  func.func @transform_4(%arg0: i32) -> (i32, i32) {
    %c0_i32 = arith.constant 0 : i32
    %c0_i32_0 = arith.constant 0 : i32
    %c0_i32_1 = arith.constant 0 : i32
    return %c0_i32, %c0_i32_0 : i32, i32
  }
  func.func @transform_5(%arg0: i32) -> (i32, i32) {
    %c0_i32 = arith.constant 0 : i32
    %c0_i32_0 = arith.constant 0 : i32
    return %arg0, %c0_i32 : i32, i32
  }
  func.func @transform_6(%arg0: i32) -> (i32, i32) {
    %c0_i32 = arith.constant 0 : i32
    %c0_i32_0 = arith.constant 0 : i32
    return %arg0, %c0_i32 : i32, i32
  }
}

module attributes {stable_mosaic.version = 14 : i64} {
  func.func @_aug_body(%arg0: i32, %arg1: memref<2x1000x64xf32, #tpu.memory_space<vmem>>, %arg2: memref<1000x64xf32, #tpu.memory_space<vmem>>, %arg3: memref<1000x80xf32, #tpu.memory_space<vmem>>) attributes {dimension_semantics = [#tpu.dimension_semantics<arbitrary>], iteration_bounds = array<i64: 10>, scalar_prefetch = 0 : i64, scratch_operands = 0 : i64, tpu.core_type = #tpu.core_type<tc>, window_params = [{transform_indices = @transform_0, window_bounds = array<i64: 2, 1000, 64>}, {transform_indices = @transform_1, window_bounds = array<i64: 1000, 64>}, {transform_indices = @transform_2, window_bounds = array<i64: 1000, 80>}]} {
    %get3A = arith.constant 0 : index
    %get3A_0 = arith.constant 0 : index
    %get3A_1 = arith.constant 0 : index
    %get3A_2 = vector.load %arg1[%get3A, %get3A_0, %get3A_1] : memref<2x1000x64xf32, #tpu.memory_space<vmem>>, vector<2x1000x64xf32>
    %slice3A = vector.extract_strided_slice %get3A_2 {offsets = [0, 0, 0], sizes = [1, 1000, 64], strides = [1, 1, 1]} : vector<2x1000x64xf32> to vector<1x1000x64xf32>
    %squeeze3A = vector.shape_cast %slice3A : vector<1x1000x64xf32> to vector<1000x64xf32>
    %slice3A_3 = vector.extract_strided_slice %get3A_2 {offsets = [1, 0, 0], sizes = [1, 1000, 64], strides = [1, 1, 1]} : vector<2x1000x64xf32> to vector<1x1000x64xf32>
    %squeeze3A_4 = vector.shape_cast %slice3A_3 : vector<1x1000x64xf32> to vector<1000x64xf32>
    %add3A = arith.addf %squeeze3A, %squeeze3A_4 : vector<1000x64xf32>
    %get3A_5 = arith.constant 0 : index
    %get3A_6 = arith.constant 0 : index
    %get3A_7 = vector.load %arg2[%get3A_5, %get3A_6] : memref<1000x64xf32, #tpu.memory_space<vmem>>, vector<1000x64xf32>
    %add3A_8 = arith.addf %add3A, %get3A_7 : vector<1000x64xf32>
    %gt3A = arith.constant 0.000000e+00 : f32
    %gt3A_9 = vector.broadcast %gt3A : f32 to vector<1000x64xf32>
    %gt3A_10 = arith.cmpf ogt, %add3A_8, %gt3A_9 : vector<1000x64xf32>
    %min3A = arith.constant 0.000000e+00 : f32
    %min3A_11 = vector.broadcast %min3A : f32 to vector<1000x64xf32>
    %min3A_12 = arith.minimumf %add3A_8, %min3A_11 : vector<1000x64xf32>
    %exp3A = math.exp %min3A_12 : vector<1000x64xf32>
    %sub3A = arith.constant 1.000000e+00 : f32
    %sub3A_13 = vector.broadcast %sub3A : f32 to vector<1000x64xf32>
    %sub3A_14 = arith.subf %exp3A, %sub3A_13 : vector<1000x64xf32>
    %select_n3A = arith.select %gt3A_10, %add3A_8, %sub3A_14 : vector<1000x64xi1>, vector<1000x64xf32>
    %broadcast_in_dim3A = arith.constant 1.000000e+00 : f32
    %broadcast_in_dim3A_15 = vector.broadcast %broadcast_in_dim3A : f32 to vector<1000x1xf32>
    %broadcast_in_dim3A_16 = arith.constant 0.000000e+00 : f32
    %broadcast_in_dim3A_17 = vector.broadcast %broadcast_in_dim3A_16 : f32 to vector<1000x15xf32>
    %concatenate3A = tpu.concatenate %select_n3A, %broadcast_in_dim3A_15, %broadcast_in_dim3A_17 in 1 : vector<1000x64xf32>, vector<1000x1xf32>, vector<1000x15xf32> -> vector<1000x80xf32>
    %swap3A = arith.constant 0 : index
    %swap3A_18 = arith.constant 0 : index
    %swap3A_19 = vector.load %arg3[%swap3A, %swap3A_18] : memref<1000x80xf32, #tpu.memory_space<vmem>>, vector<1000x80xf32>
    tpu.vector_store %arg3[%swap3A, %swap3A_18], %concatenate3A {strides = array<i32>} : memref<1000x80xf32, #tpu.memory_space<vmem>>, vector<1000x80xf32>,
    return
  }
  func.func @transform_0(%arg0: i32) -> (i32, i32, i32) {
    %c0_i32 = arith.constant 0 : i32
    %c0_i32_0 = arith.constant 0 : i32
    %c0_i32_1 = arith.constant 0 : i32
    return %c0_i32, %arg0, %c0_i32_0 : i32, i32, i32
  }
  func.func @transform_1(%arg0: i32) -> (i32, i32) {
    %c0_i32 = arith.constant 0 : i32
    %c0_i32_0 = arith.constant 0 : i32
    return %arg0, %c0_i32 : i32, i32
  }
  func.func @transform_2(%arg0: i32) -> (i32, i32) {
    %c0_i32 = arith.constant 0 : i32
    %c0_i32_0 = arith.constant 0 : i32
    return %arg0, %c0_i32 : i32, i32
  }
}

module attributes {stable_mosaic.version = 14 : i64} {
  func.func @_lvl_entry_body(%arg0: i32, %arg1: memref<2x1000x80xf32, #tpu.memory_space<vmem>>, %arg2: memref<1000x32xf32, #tpu.memory_space<vmem>>, %arg3: memref<64x64xf32, #tpu.memory_space<vmem>>, %arg4: memref<32x64xf32, #tpu.memory_space<vmem>>, %arg5: memref<64x64xf32, #tpu.memory_space<vmem>>, %arg6: memref<32x64xf32, #tpu.memory_space<vmem>>, %arg7: memref<1x64xf32, #tpu.memory_space<vmem>>, %arg8: memref<1000x64xf32, #tpu.memory_space<vmem>>, %arg9: memref<1000x64xf32, #tpu.memory_space<vmem>>) attributes {dimension_semantics = [#tpu.dimension_semantics<arbitrary>], iteration_bounds = array<i64: 10>, scalar_prefetch = 0 : i64, scratch_operands = 0 : i64, tpu.core_type = #tpu.core_type<tc>, window_params = [{transform_indices = @transform_0, window_bounds = array<i64: 2, 1000, 80>}, {transform_indices = @transform_1, window_bounds = array<i64: 1000, 32>}, {pipeline_mode = #tpu.pipeline_mode<synchronous>, transform_indices = @transform_2, window_bounds = array<i64: 64, 64>}, {pipeline_mode = #tpu.pipeline_mode<synchronous>, transform_indices = @transform_3, window_bounds = array<i64: 32, 64>}, {pipeline_mode = #tpu.pipeline_mode<synchronous>, transform_indices = @transform_4, window_bounds = array<i64: 64, 64>}, {pipeline_mode = #tpu.pipeline_mode<synchronous>, transform_indices = @transform_5, window_bounds = array<i64: 32, 64>}, {pipeline_mode = #tpu.pipeline_mode<synchronous>, transform_indices = @transform_6, window_bounds = array<i64: 1, 64>}, {transform_indices = @transform_7, window_bounds = array<i64: 1000, 64>}, {transform_indices = @transform_8, window_bounds = array<i64: 1000, 64>}]} {
    %get3A = arith.constant 0 : index
    %get3A_0 = arith.constant 0 : index
    %get3A_1 = arith.constant 0 : index
    %get3A_2 = vector.load %arg1[%get3A, %get3A_0, %get3A_1] : memref<2x1000x80xf32, #tpu.memory_space<vmem>>, vector<2x1000x80xf32>
    %slice3A = vector.extract_strided_slice %get3A_2 {offsets = [0, 0, 0], sizes = [1, 1000, 80], strides = [1, 1, 1]} : vector<2x1000x80xf32> to vector<1x1000x80xf32>
    %squeeze3A = vector.shape_cast %slice3A : vector<1x1000x80xf32> to vector<1000x80xf32>
    %slice3A_3 = vector.extract_strided_slice %get3A_2 {offsets = [1, 0, 0], sizes = [1, 1000, 80], strides = [1, 1, 1]} : vector<2x1000x80xf32> to vector<1x1000x80xf32>
    %squeeze3A_4 = vector.shape_cast %slice3A_3 : vector<1x1000x80xf32> to vector<1000x80xf32>
    %add3A = arith.addf %squeeze3A, %squeeze3A_4 : vector<1000x80xf32>
    %slice3A_5 = vector.extract_strided_slice %add3A {offsets = [0, 0], sizes = [1000, 64], strides = [1, 1]} : vector<1000x80xf32> to vector<1000x64xf32>
    %slice3A_6 = vector.extract_strided_slice %add3A {offsets = [0, 64], sizes = [1000, 1], strides = [1, 1]} : vector<1000x80xf32> to vector<1000x1xf32>
    %max3A = arith.constant 1.000000e+00 : f32
    %max3A_7 = vector.broadcast %max3A : f32 to vector<1000x1xf32>
    %max3A_8 = arith.maximumf %slice3A_6, %max3A_7 : vector<1000x1xf32>
    %div3A = vector.broadcast %max3A_8 : vector<1000x1xf32> to vector<1000x64xf32>
    %div3A_9 = arith.divf %slice3A_5, %div3A : vector<1000x64xf32>
    %get3A_10 = arith.constant 0 : index
    %get3A_11 = arith.constant 0 : index
    %get3A_12 = vector.load %arg2[%get3A_10, %get3A_11] : memref<1000x32xf32, #tpu.memory_space<vmem>>, vector<1000x32xf32>
    %get3A_13 = arith.constant 0 : index
    %get3A_14 = arith.constant 0 : index
    %get3A_15 = vector.load %arg3[%get3A_13, %get3A_14] : memref<64x64xf32, #tpu.memory_space<vmem>>, vector<64x64xf32>
    %dot_general3A = arith.constant dense<0.000000e+00> : vector<1000x64xf32>
    %dot_general3A_16 = tpu.matmul %div3A_9, %get3A_15, %dot_general3A {dimension_numbers = #tpu.dot_dimension_numbers<[1], [0], [0], [1], [0, 0, 1, 1], [], []>, transpose_lhs_hint = false} : vector<1000x64xf32>, vector<64x64xf32>, vector<1000x64xf32> -> vector<1000x64xf32>
    %get3A_17 = arith.constant 0 : index
    %get3A_18 = arith.constant 0 : index
    %get3A_19 = vector.load %arg4[%get3A_17, %get3A_18] : memref<32x64xf32, #tpu.memory_space<vmem>>, vector<32x64xf32>
    %dot_general3A_20 = arith.constant dense<0.000000e+00> : vector<1000x64xf32>
    %dot_general3A_21 = tpu.matmul %get3A_12, %get3A_19, %dot_general3A_20 {dimension_numbers = #tpu.dot_dimension_numbers<[1], [0], [0], [1], [0, 0, 1, 1], [], []>, transpose_lhs_hint = false} : vector<1000x32xf32>, vector<32x64xf32>, vector<1000x64xf32> -> vector<1000x64xf32>
    %add3A_22 = arith.addf %dot_general3A_16, %dot_general3A_21 : vector<1000x64xf32>
    %swap3A = arith.constant 0 : index
    %swap3A_23 = arith.constant 0 : index
    %swap3A_24 = vector.load %arg8[%swap3A, %swap3A_23] : memref<1000x64xf32, #tpu.memory_space<vmem>>, vector<1000x64xf32>
    tpu.vector_store %arg8[%swap3A, %swap3A_23], %add3A_22 {strides = array<i32>} : memref<1000x64xf32, #tpu.memory_space<vmem>>, vector<1000x64xf32>,
    %get3A_25 = arith.constant 0 : index
    %get3A_26 = arith.constant 0 : index
    %get3A_27 = vector.load %arg5[%get3A_25, %get3A_26] : memref<64x64xf32, #tpu.memory_space<vmem>>, vector<64x64xf32>
    %dot_general3A_28 = arith.constant dense<0.000000e+00> : vector<1000x64xf32>
    %dot_general3A_29 = tpu.matmul %div3A_9, %get3A_27, %dot_general3A_28 {dimension_numbers = #tpu.dot_dimension_numbers<[1], [0], [0], [1], [0, 0, 1, 1], [], []>, transpose_lhs_hint = false} : vector<1000x64xf32>, vector<64x64xf32>, vector<1000x64xf32> -> vector<1000x64xf32>
    %get3A_30 = arith.constant 0 : index
    %get3A_31 = arith.constant 0 : index
    %get3A_32 = vector.load %arg6[%get3A_30, %get3A_31] : memref<32x64xf32, #tpu.memory_space<vmem>>, vector<32x64xf32>
    %dot_general3A_33 = arith.constant dense<0.000000e+00> : vector<1000x64xf32>
    %dot_general3A_34 = tpu.matmul %get3A_12, %get3A_32, %dot_general3A_33 {dimension_numbers = #tpu.dot_dimension_numbers<[1], [0], [0], [1], [0, 0, 1, 1], [], []>, transpose_lhs_hint = false} : vector<1000x32xf32>, vector<32x64xf32>, vector<1000x64xf32> -> vector<1000x64xf32>
    %add3A_35 = arith.addf %dot_general3A_29, %dot_general3A_34 : vector<1000x64xf32>
    %get3A_36 = arith.constant 0 : index
    %get3A_37 = arith.constant 0 : index
    %get3A_38 = vector.load %arg7[%get3A_36, %get3A_37] : memref<1x64xf32, #tpu.memory_space<vmem>>, vector<1x64xf32>
    %add3A_39 = vector.broadcast %get3A_38 : vector<1x64xf32> to vector<1000x64xf32>
    %add3A_40 = arith.addf %add3A_35, %add3A_39 : vector<1000x64xf32>
    %swap3A_41 = arith.constant 0 : index
    %swap3A_42 = arith.constant 0 : index
    %swap3A_43 = vector.load %arg9[%swap3A_41, %swap3A_42] : memref<1000x64xf32, #tpu.memory_space<vmem>>, vector<1000x64xf32>
    tpu.vector_store %arg9[%swap3A_41, %swap3A_42], %add3A_40 {strides = array<i32>} : memref<1000x64xf32, #tpu.memory_space<vmem>>, vector<1000x64xf32>,
    return
  }
  func.func @transform_0(%arg0: i32) -> (i32, i32, i32) {
    %c0_i32 = arith.constant 0 : i32
    %c0_i32_0 = arith.constant 0 : i32
    %c0_i32_1 = arith.constant 0 : i32
    return %c0_i32, %arg0, %c0_i32_0 : i32, i32, i32
  }
  func.func @transform_1(%arg0: i32) -> (i32, i32) {
    %c0_i32 = arith.constant 0 : i32
    %c0_i32_0 = arith.constant 0 : i32
    return %arg0, %c0_i32 : i32, i32
  }
  func.func @transform_2(%arg0: i32) -> (i32, i32) {
    %c0_i32 = arith.constant 0 : i32
    %c0_i32_0 = arith.constant 0 : i32
    %c0_i32_1 = arith.constant 0 : i32
    return %c0_i32, %c0_i32_0 : i32, i32
  }
  func.func @transform_3(%arg0: i32) -> (i32, i32) {
    %c0_i32 = arith.constant 0 : i32
    %c0_i32_0 = arith.constant 0 : i32
    %c0_i32_1 = arith.constant 0 : i32
    return %c0_i32, %c0_i32_0 : i32, i32
  }
  func.func @transform_4(%arg0: i32) -> (i32, i32) {
    %c0_i32 = arith.constant 0 : i32
    %c0_i32_0 = arith.constant 0 : i32
    %c0_i32_1 = arith.constant 0 : i32
    return %c0_i32, %c0_i32_0 : i32, i32
  }
  func.func @transform_5(%arg0: i32) -> (i32, i32) {
    %c0_i32 = arith.constant 0 : i32
    %c0_i32_0 = arith.constant 0 : i32
    %c0_i32_1 = arith.constant 0 : i32
    return %c0_i32, %c0_i32_0 : i32, i32
  }
  func.func @transform_6(%arg0: i32) -> (i32, i32) {
    %c0_i32 = arith.constant 0 : i32
    %c0_i32_0 = arith.constant 0 : i32
    %c0_i32_1 = arith.constant 0 : i32
    return %c0_i32, %c0_i32_0 : i32, i32
  }
  func.func @transform_7(%arg0: i32) -> (i32, i32) {
    %c0_i32 = arith.constant 0 : i32
    %c0_i32_0 = arith.constant 0 : i32
    return %arg0, %c0_i32 : i32, i32
  }
  func.func @transform_8(%arg0: i32) -> (i32, i32) {
    %c0_i32 = arith.constant 0 : i32
    %c0_i32_0 = arith.constant 0 : i32
    return %arg0, %c0_i32 : i32, i32
  }
}

module attributes {stable_mosaic.version = 14 : i64} {
  func.func @_lvl_entry_body(%arg0: i32, %arg1: memref<2x1000x80xf32, #tpu.memory_space<vmem>>, %arg2: memref<1000x64xf32, #tpu.memory_space<vmem>>, %arg3: memref<64x64xf32, #tpu.memory_space<vmem>>, %arg4: memref<64x64xf32, #tpu.memory_space<vmem>>, %arg5: memref<64x64xf32, #tpu.memory_space<vmem>>, %arg6: memref<64x64xf32, #tpu.memory_space<vmem>>, %arg7: memref<1x64xf32, #tpu.memory_space<vmem>>, %arg8: memref<1000x64xf32, #tpu.memory_space<vmem>>, %arg9: memref<1000x64xf32, #tpu.memory_space<vmem>>) attributes {dimension_semantics = [#tpu.dimension_semantics<arbitrary>], iteration_bounds = array<i64: 10>, scalar_prefetch = 0 : i64, scratch_operands = 0 : i64, tpu.core_type = #tpu.core_type<tc>, window_params = [{transform_indices = @transform_0, window_bounds = array<i64: 2, 1000, 80>}, {transform_indices = @transform_1, window_bounds = array<i64: 1000, 64>}, {pipeline_mode = #tpu.pipeline_mode<synchronous>, transform_indices = @transform_2, window_bounds = array<i64: 64, 64>}, {pipeline_mode = #tpu.pipeline_mode<synchronous>, transform_indices = @transform_3, window_bounds = array<i64: 64, 64>}, {pipeline_mode = #tpu.pipeline_mode<synchronous>, transform_indices = @transform_4, window_bounds = array<i64: 64, 64>}, {pipeline_mode = #tpu.pipeline_mode<synchronous>, transform_indices = @transform_5, window_bounds = array<i64: 64, 64>}, {pipeline_mode = #tpu.pipeline_mode<synchronous>, transform_indices = @transform_6, window_bounds = array<i64: 1, 64>}, {transform_indices = @transform_7, window_bounds = array<i64: 1000, 64>}, {transform_indices = @transform_8, window_bounds = array<i64: 1000, 64>}]} {
    %get3A = arith.constant 0 : index
    %get3A_0 = arith.constant 0 : index
    %get3A_1 = arith.constant 0 : index
    %get3A_2 = vector.load %arg1[%get3A, %get3A_0, %get3A_1] : memref<2x1000x80xf32, #tpu.memory_space<vmem>>, vector<2x1000x80xf32>
    %slice3A = vector.extract_strided_slice %get3A_2 {offsets = [0, 0, 0], sizes = [1, 1000, 80], strides = [1, 1, 1]} : vector<2x1000x80xf32> to vector<1x1000x80xf32>
    %squeeze3A = vector.shape_cast %slice3A : vector<1x1000x80xf32> to vector<1000x80xf32>
    %slice3A_3 = vector.extract_strided_slice %get3A_2 {offsets = [1, 0, 0], sizes = [1, 1000, 80], strides = [1, 1, 1]} : vector<2x1000x80xf32> to vector<1x1000x80xf32>
    %squeeze3A_4 = vector.shape_cast %slice3A_3 : vector<1x1000x80xf32> to vector<1000x80xf32>
    %add3A = arith.addf %squeeze3A, %squeeze3A_4 : vector<1000x80xf32>
    %slice3A_5 = vector.extract_strided_slice %add3A {offsets = [0, 0], sizes = [1000, 64], strides = [1, 1]} : vector<1000x80xf32> to vector<1000x64xf32>
    %slice3A_6 = vector.extract_strided_slice %add3A {offsets = [0, 64], sizes = [1000, 1], strides = [1, 1]} : vector<1000x80xf32> to vector<1000x1xf32>
    %max3A = arith.constant 1.000000e+00 : f32
    %max3A_7 = vector.broadcast %max3A : f32 to vector<1000x1xf32>
    %max3A_8 = arith.maximumf %slice3A_6, %max3A_7 : vector<1000x1xf32>
    %div3A = vector.broadcast %max3A_8 : vector<1000x1xf32> to vector<1000x64xf32>
    %div3A_9 = arith.divf %slice3A_5, %div3A : vector<1000x64xf32>
    %get3A_10 = arith.constant 0 : index
    %get3A_11 = arith.constant 0 : index
    %get3A_12 = vector.load %arg2[%get3A_10, %get3A_11] : memref<1000x64xf32, #tpu.memory_space<vmem>>, vector<1000x64xf32>
    %get3A_13 = arith.constant 0 : index
    %get3A_14 = arith.constant 0 : index
    %get3A_15 = vector.load %arg3[%get3A_13, %get3A_14] : memref<64x64xf32, #tpu.memory_space<vmem>>, vector<64x64xf32>
    %dot_general3A = arith.constant dense<0.000000e+00> : vector<1000x64xf32>
    %dot_general3A_16 = tpu.matmul %div3A_9, %get3A_15, %dot_general3A {dimension_numbers = #tpu.dot_dimension_numbers<[1], [0], [0], [1], [0, 0, 1, 1], [], []>, transpose_lhs_hint = false} : vector<1000x64xf32>, vector<64x64xf32>, vector<1000x64xf32> -> vector<1000x64xf32>
    %get3A_17 = arith.constant 0 : index
    %get3A_18 = arith.constant 0 : index
    %get3A_19 = vector.load %arg4[%get3A_17, %get3A_18] : memref<64x64xf32, #tpu.memory_space<vmem>>, vector<64x64xf32>
    %dot_general3A_20 = arith.constant dense<0.000000e+00> : vector<1000x64xf32>
    %dot_general3A_21 = tpu.matmul %get3A_12, %get3A_19, %dot_general3A_20 {dimension_numbers = #tpu.dot_dimension_numbers<[1], [0], [0], [1], [0, 0, 1, 1], [], []>, transpose_lhs_hint = false} : vector<1000x64xf32>, vector<64x64xf32>, vector<1000x64xf32> -> vector<1000x64xf32>
    %add3A_22 = arith.addf %dot_general3A_16, %dot_general3A_21 : vector<1000x64xf32>
    %swap3A = arith.constant 0 : index
    %swap3A_23 = arith.constant 0 : index
    %swap3A_24 = vector.load %arg8[%swap3A, %swap3A_23] : memref<1000x64xf32, #tpu.memory_space<vmem>>, vector<1000x64xf32>
    tpu.vector_store %arg8[%swap3A, %swap3A_23], %add3A_22 {strides = array<i32>} : memref<1000x64xf32, #tpu.memory_space<vmem>>, vector<1000x64xf32>,
    %get3A_25 = arith.constant 0 : index
    %get3A_26 = arith.constant 0 : index
    %get3A_27 = vector.load %arg5[%get3A_25, %get3A_26] : memref<64x64xf32, #tpu.memory_space<vmem>>, vector<64x64xf32>
    %dot_general3A_28 = arith.constant dense<0.000000e+00> : vector<1000x64xf32>
    %dot_general3A_29 = tpu.matmul %div3A_9, %get3A_27, %dot_general3A_28 {dimension_numbers = #tpu.dot_dimension_numbers<[1], [0], [0], [1], [0, 0, 1, 1], [], []>, transpose_lhs_hint = false} : vector<1000x64xf32>, vector<64x64xf32>, vector<1000x64xf32> -> vector<1000x64xf32>
    %get3A_30 = arith.constant 0 : index
    %get3A_31 = arith.constant 0 : index
    %get3A_32 = vector.load %arg6[%get3A_30, %get3A_31] : memref<64x64xf32, #tpu.memory_space<vmem>>, vector<64x64xf32>
    %dot_general3A_33 = arith.constant dense<0.000000e+00> : vector<1000x64xf32>
    %dot_general3A_34 = tpu.matmul %get3A_12, %get3A_32, %dot_general3A_33 {dimension_numbers = #tpu.dot_dimension_numbers<[1], [0], [0], [1], [0, 0, 1, 1], [], []>, transpose_lhs_hint = false} : vector<1000x64xf32>, vector<64x64xf32>, vector<1000x64xf32> -> vector<1000x64xf32>
    %add3A_35 = arith.addf %dot_general3A_29, %dot_general3A_34 : vector<1000x64xf32>
    %get3A_36 = arith.constant 0 : index
    %get3A_37 = arith.constant 0 : index
    %get3A_38 = vector.load %arg7[%get3A_36, %get3A_37] : memref<1x64xf32, #tpu.memory_space<vmem>>, vector<1x64xf32>
    %add3A_39 = vector.broadcast %get3A_38 : vector<1x64xf32> to vector<1000x64xf32>
    %add3A_40 = arith.addf %add3A_35, %add3A_39 : vector<1000x64xf32>
    %swap3A_41 = arith.constant 0 : index
    %swap3A_42 = arith.constant 0 : index
    %swap3A_43 = vector.load %arg9[%swap3A_41, %swap3A_42] : memref<1000x64xf32, #tpu.memory_space<vmem>>, vector<1000x64xf32>
    tpu.vector_store %arg9[%swap3A_41, %swap3A_42], %add3A_40 {strides = array<i32>} : memref<1000x64xf32, #tpu.memory_space<vmem>>, vector<1000x64xf32>,
    return
  }
  func.func @transform_0(%arg0: i32) -> (i32, i32, i32) {
    %c0_i32 = arith.constant 0 : i32
    %c0_i32_0 = arith.constant 0 : i32
    %c0_i32_1 = arith.constant 0 : i32
    return %c0_i32, %arg0, %c0_i32_0 : i32, i32, i32
  }
  func.func @transform_1(%arg0: i32) -> (i32, i32) {
    %c0_i32 = arith.constant 0 : i32
    %c0_i32_0 = arith.constant 0 : i32
    return %arg0, %c0_i32 : i32, i32
  }
  func.func @transform_2(%arg0: i32) -> (i32, i32) {
    %c0_i32 = arith.constant 0 : i32
    %c0_i32_0 = arith.constant 0 : i32
    %c0_i32_1 = arith.constant 0 : i32
    return %c0_i32, %c0_i32_0 : i32, i32
  }
  func.func @transform_3(%arg0: i32) -> (i32, i32) {
    %c0_i32 = arith.constant 0 : i32
    %c0_i32_0 = arith.constant 0 : i32
    %c0_i32_1 = arith.constant 0 : i32
    return %c0_i32, %c0_i32_0 : i32, i32
  }
  func.func @transform_4(%arg0: i32) -> (i32, i32) {
    %c0_i32 = arith.constant 0 : i32
    %c0_i32_0 = arith.constant 0 : i32
    %c0_i32_1 = arith.constant 0 : i32
    return %c0_i32, %c0_i32_0 : i32, i32
  }
  func.func @transform_5(%arg0: i32) -> (i32, i32) {
    %c0_i32 = arith.constant 0 : i32
    %c0_i32_0 = arith.constant 0 : i32
    %c0_i32_1 = arith.constant 0 : i32
    return %c0_i32, %c0_i32_0 : i32, i32
  }
  func.func @transform_6(%arg0: i32) -> (i32, i32) {
    %c0_i32 = arith.constant 0 : i32
    %c0_i32_0 = arith.constant 0 : i32
    %c0_i32_1 = arith.constant 0 : i32
    return %c0_i32, %c0_i32_0 : i32, i32
  }
  func.func @transform_7(%arg0: i32) -> (i32, i32) {
    %c0_i32 = arith.constant 0 : i32
    %c0_i32_0 = arith.constant 0 : i32
    return %arg0, %c0_i32 : i32, i32
  }
  func.func @transform_8(%arg0: i32) -> (i32, i32) {
    %c0_i32 = arith.constant 0 : i32
    %c0_i32_0 = arith.constant 0 : i32
    return %arg0, %c0_i32 : i32, i32
  }
}

module attributes {stable_mosaic.version = 14 : i64} {
  func.func @_head_body(%arg0: memref<2x64x80xf32, #tpu.memory_space<vmem>>, %arg1: memref<2x64x80xf32, #tpu.memory_space<vmem>>, %arg2: memref<2x64x80xf32, #tpu.memory_space<vmem>>, %arg3: memref<64x64xf32, #tpu.memory_space<vmem>>, %arg4: memref<64x64xf32, #tpu.memory_space<vmem>>, %arg5: memref<64x64xf32, #tpu.memory_space<vmem>>, %arg6: memref<1x64xf32, #tpu.memory_space<vmem>>, %arg7: memref<64x32xf32, #tpu.memory_space<vmem>>, %arg8: memref<1x32xf32, #tpu.memory_space<vmem>>, %arg9: memref<32x10xf32, #tpu.memory_space<vmem>>, %arg10: memref<1x10xf32, #tpu.memory_space<vmem>>, %arg11: memref<64x10xf32, #tpu.memory_space<vmem>>) attributes {dimension_semantics = [], scalar_prefetch = 0 : i64, scratch_operands = 0 : i64, tpu.core_type = #tpu.core_type<tc>} {
    %get3A = arith.constant 0 : index
    %get3A_0 = arith.constant 0 : index
    %get3A_1 = arith.constant 0 : index
    %get3A_2 = vector.load %arg0[%get3A, %get3A_0, %get3A_1] : memref<2x64x80xf32, #tpu.memory_space<vmem>>, vector<2x64x80xf32>
    %slice3A = vector.extract_strided_slice %get3A_2 {offsets = [0, 0, 0], sizes = [1, 64, 80], strides = [1, 1, 1]} : vector<2x64x80xf32> to vector<1x64x80xf32>
    %squeeze3A = vector.shape_cast %slice3A : vector<1x64x80xf32> to vector<64x80xf32>
    %slice3A_3 = vector.extract_strided_slice %get3A_2 {offsets = [1, 0, 0], sizes = [1, 64, 80], strides = [1, 1, 1]} : vector<2x64x80xf32> to vector<1x64x80xf32>
    %squeeze3A_4 = vector.shape_cast %slice3A_3 : vector<1x64x80xf32> to vector<64x80xf32>
    %add3A = arith.addf %squeeze3A, %squeeze3A_4 : vector<64x80xf32>
    %slice3A_5 = vector.extract_strided_slice %add3A {offsets = [0, 0], sizes = [64, 64], strides = [1, 1]} : vector<64x80xf32> to vector<64x64xf32>
    %get3A_6 = arith.constant 0 : index
    %get3A_7 = arith.constant 0 : index
    %get3A_8 = arith.constant 0 : index
    %get3A_9 = vector.load %arg1[%get3A_6, %get3A_7, %get3A_8] : memref<2x64x80xf32, #tpu.memory_space<vmem>>, vector<2x64x80xf32>
    %slice3A_10 = vector.extract_strided_slice %get3A_9 {offsets = [0, 0, 0], sizes = [1, 64, 80], strides = [1, 1, 1]} : vector<2x64x80xf32> to vector<1x64x80xf32>
    %squeeze3A_11 = vector.shape_cast %slice3A_10 : vector<1x64x80xf32> to vector<64x80xf32>
    %slice3A_12 = vector.extract_strided_slice %get3A_9 {offsets = [1, 0, 0], sizes = [1, 64, 80], strides = [1, 1, 1]} : vector<2x64x80xf32> to vector<1x64x80xf32>
    %squeeze3A_13 = vector.shape_cast %slice3A_12 : vector<1x64x80xf32> to vector<64x80xf32>
    %add3A_14 = arith.addf %squeeze3A_11, %squeeze3A_13 : vector<64x80xf32>
    %slice3A_15 = vector.extract_strided_slice %add3A_14 {offsets = [0, 0], sizes = [64, 64], strides = [1, 1]} : vector<64x80xf32> to vector<64x64xf32>
    %slice3A_16 = vector.extract_strided_slice %add3A_14 {offsets = [0, 64], sizes = [64, 1], strides = [1, 1]} : vector<64x80xf32> to vector<64x1xf32>
    %max3A = arith.constant 1.000000e+00 : f32
    %max3A_17 = vector.broadcast %max3A : f32 to vector<64x1xf32>
    %max3A_18 = arith.maximumf %slice3A_16, %max3A_17 : vector<64x1xf32>
    %div3A = vector.broadcast %max3A_18 : vector<64x1xf32> to vector<64x64xf32>
    %div3A_19 = arith.divf %slice3A_15, %div3A : vector<64x64xf32>
    %get3A_20 = arith.constant 0 : index
    %get3A_21 = arith.constant 0 : index
    %get3A_22 = arith.constant 0 : index
    %get3A_23 = vector.load %arg2[%get3A_20, %get3A_21, %get3A_22] : memref<2x64x80xf32, #tpu.memory_space<vmem>>, vector<2x64x80xf32>
    %slice3A_24 = vector.extract_strided_slice %get3A_23 {offsets = [0, 0, 0], sizes = [1, 64, 80], strides = [1, 1, 1]} : vector<2x64x80xf32> to vector<1x64x80xf32>
    %squeeze3A_25 = vector.shape_cast %slice3A_24 : vector<1x64x80xf32> to vector<64x80xf32>
    %slice3A_26 = vector.extract_strided_slice %get3A_23 {offsets = [1, 0, 0], sizes = [1, 64, 80], strides = [1, 1, 1]} : vector<2x64x80xf32> to vector<1x64x80xf32>
    %squeeze3A_27 = vector.shape_cast %slice3A_26 : vector<1x64x80xf32> to vector<64x80xf32>
    %add3A_28 = arith.addf %squeeze3A_25, %squeeze3A_27 : vector<64x80xf32>
    %slice3A_29 = vector.extract_strided_slice %add3A_28 {offsets = [0, 0], sizes = [64, 64], strides = [1, 1]} : vector<64x80xf32> to vector<64x64xf32>
    %slice3A_30 = vector.extract_strided_slice %add3A_28 {offsets = [0, 64], sizes = [64, 1], strides = [1, 1]} : vector<64x80xf32> to vector<64x1xf32>
    %max3A_31 = arith.constant 1.000000e+00 : f32
    %max3A_32 = vector.broadcast %max3A_31 : f32 to vector<64x1xf32>
    %max3A_33 = arith.maximumf %slice3A_30, %max3A_32 : vector<64x1xf32>
    %div3A_34 = vector.broadcast %max3A_33 : vector<64x1xf32> to vector<64x64xf32>
    %div3A_35 = arith.divf %slice3A_29, %div3A_34 : vector<64x64xf32>
    %get3A_36 = arith.constant 0 : index
    %get3A_37 = arith.constant 0 : index
    %get3A_38 = vector.load %arg3[%get3A_36, %get3A_37] : memref<64x64xf32, #tpu.memory_space<vmem>>, vector<64x64xf32>
    %dot_general3A = arith.constant dense<0.000000e+00> : vector<64x64xf32>
    %dot_general3A_39 = tpu.matmul %slice3A_5, %get3A_38, %dot_general3A {dimension_numbers = #tpu.dot_dimension_numbers<[1], [0], [0], [1], [0, 0, 1, 1], [], []>, transpose_lhs_hint = false} : vector<64x64xf32>, vector<64x64xf32>, vector<64x64xf32> -> vector<64x64xf32>
    %get3A_40 = arith.constant 0 : index
    %get3A_41 = arith.constant 0 : index
    %get3A_42 = vector.load %arg4[%get3A_40, %get3A_41] : memref<64x64xf32, #tpu.memory_space<vmem>>, vector<64x64xf32>
    %dot_general3A_43 = arith.constant dense<0.000000e+00> : vector<64x64xf32>
    %dot_general3A_44 = tpu.matmul %div3A_19, %get3A_42, %dot_general3A_43 {dimension_numbers = #tpu.dot_dimension_numbers<[1], [0], [0], [1], [0, 0, 1, 1], [], []>, transpose_lhs_hint = false} : vector<64x64xf32>, vector<64x64xf32>, vector<64x64xf32> -> vector<64x64xf32>
    %add3A_45 = arith.addf %dot_general3A_39, %dot_general3A_44 : vector<64x64xf32>
    %get3A_46 = arith.constant 0 : index
    %get3A_47 = arith.constant 0 : index
    %get3A_48 = vector.load %arg5[%get3A_46, %get3A_47] : memref<64x64xf32, #tpu.memory_space<vmem>>, vector<64x64xf32>
    %dot_general3A_49 = arith.constant dense<0.000000e+00> : vector<64x64xf32>
    %dot_general3A_50 = tpu.matmul %div3A_35, %get3A_48, %dot_general3A_49 {dimension_numbers = #tpu.dot_dimension_numbers<[1], [0], [0], [1], [0, 0, 1, 1], [], []>, transpose_lhs_hint = false} : vector<64x64xf32>, vector<64x64xf32>, vector<64x64xf32> -> vector<64x64xf32>
    %add3A_51 = arith.addf %add3A_45, %dot_general3A_50 : vector<64x64xf32>
    %get3A_52 = arith.constant 0 : index
    %get3A_53 = arith.constant 0 : index
    %get3A_54 = vector.load %arg6[%get3A_52, %get3A_53] : memref<1x64xf32, #tpu.memory_space<vmem>>, vector<1x64xf32>
    %add3A_55 = vector.broadcast %get3A_54 : vector<1x64xf32> to vector<64x64xf32>
    %add3A_56 = arith.addf %add3A_51, %add3A_55 : vector<64x64xf32>
    %gt3A = arith.constant 0.000000e+00 : f32
    %gt3A_57 = vector.broadcast %gt3A : f32 to vector<64x64xf32>
    %gt3A_58 = arith.cmpf ogt, %add3A_56, %gt3A_57 : vector<64x64xf32>
    %min3A = arith.constant 0.000000e+00 : f32
    %min3A_59 = vector.broadcast %min3A : f32 to vector<64x64xf32>
    %min3A_60 = arith.minimumf %add3A_56, %min3A_59 : vector<64x64xf32>
    %exp3A = math.exp %min3A_60 : vector<64x64xf32>
    %sub3A = arith.constant 1.000000e+00 : f32
    %sub3A_61 = vector.broadcast %sub3A : f32 to vector<64x64xf32>
    %sub3A_62 = arith.subf %exp3A, %sub3A_61 : vector<64x64xf32>
    %select_n3A = arith.select %gt3A_58, %add3A_56, %sub3A_62 : vector<64x64xi1>, vector<64x64xf32>
    %get3A_63 = arith.constant 0 : index
    %get3A_64 = arith.constant 0 : index
    %get3A_65 = vector.load %arg7[%get3A_63, %get3A_64] : memref<64x32xf32, #tpu.memory_space<vmem>>, vector<64x32xf32>
    %dot_general3A_66 = arith.constant dense<0.000000e+00> : vector<64x32xf32>
    %dot_general3A_67 = tpu.matmul %select_n3A, %get3A_65, %dot_general3A_66 {dimension_numbers = #tpu.dot_dimension_numbers<[1], [0], [0], [1], [0, 0, 1, 1], [], []>, transpose_lhs_hint = false} : vector<64x64xf32>, vector<64x32xf32>, vector<64x32xf32> -> vector<64x32xf32>
    %get3A_68 = arith.constant 0 : index
    %get3A_69 = arith.constant 0 : index
    %get3A_70 = vector.load %arg8[%get3A_68, %get3A_69] : memref<1x32xf32, #tpu.memory_space<vmem>>, vector<1x32xf32>
    %add3A_71 = vector.broadcast %get3A_70 : vector<1x32xf32> to vector<64x32xf32>
    %add3A_72 = arith.addf %dot_general3A_67, %add3A_71 : vector<64x32xf32>
    %gt3A_73 = arith.constant 0.000000e+00 : f32
    %gt3A_74 = vector.broadcast %gt3A_73 : f32 to vector<64x32xf32>
    %gt3A_75 = arith.cmpf ogt, %add3A_72, %gt3A_74 : vector<64x32xf32>
    %min3A_76 = arith.constant 0.000000e+00 : f32
    %min3A_77 = vector.broadcast %min3A_76 : f32 to vector<64x32xf32>
    %min3A_78 = arith.minimumf %add3A_72, %min3A_77 : vector<64x32xf32>
    %exp3A_79 = math.exp %min3A_78 : vector<64x32xf32>
    %sub3A_80 = arith.constant 1.000000e+00 : f32
    %sub3A_81 = vector.broadcast %sub3A_80 : f32 to vector<64x32xf32>
    %sub3A_82 = arith.subf %exp3A_79, %sub3A_81 : vector<64x32xf32>
    %select_n3A_83 = arith.select %gt3A_75, %add3A_72, %sub3A_82 : vector<64x32xi1>, vector<64x32xf32>
    %get3A_84 = arith.constant 0 : index
    %get3A_85 = arith.constant 0 : index
    %get3A_86 = vector.load %arg9[%get3A_84, %get3A_85] : memref<32x10xf32, #tpu.memory_space<vmem>>, vector<32x10xf32>
    %dot_general3A_87 = arith.constant dense<0.000000e+00> : vector<64x10xf32>
    %dot_general3A_88 = tpu.matmul %select_n3A_83, %get3A_86, %dot_general3A_87 {dimension_numbers = #tpu.dot_dimension_numbers<[1], [0], [0], [1], [0, 0, 1, 1], [], []>, transpose_lhs_hint = false} : vector<64x32xf32>, vector<32x10xf32>, vector<64x10xf32> -> vector<64x10xf32>
    %get3A_89 = arith.constant 0 : index
    %get3A_90 = arith.constant 0 : index
    %get3A_91 = vector.load %arg10[%get3A_89, %get3A_90] : memref<1x10xf32, #tpu.memory_space<vmem>>, vector<1x10xf32>
    %add3A_92 = vector.broadcast %get3A_91 : vector<1x10xf32> to vector<64x10xf32>
    %add3A_93 = arith.addf %dot_general3A_88, %add3A_92 : vector<64x10xf32>
    %reduce_max3A = arith.constant dense<0xFF800000> : vector<64xf32>
    %reduce_max3A_94 = vector.multi_reduction <maximumf>, %add3A_93, %reduce_max3A [1] : vector<64x10xf32> to vector<64xf32>
    %broadcast_in_dim3A = vector.shape_cast %reduce_max3A_94 : vector<64xf32> to vector<64x1xf32>
    %sub3A_95 = vector.broadcast %broadcast_in_dim3A : vector<64x1xf32> to vector<64x10xf32>
    %sub3A_96 = arith.subf %add3A_93, %sub3A_95 : vector<64x10xf32>
    %exp3A_97 = math.exp %sub3A_96 : vector<64x10xf32>
    %reduce_sum3A = arith.constant dense<0.000000e+00> : vector<64xf32>
    %reduce_sum3A_98 = vector.multi_reduction <add>, %exp3A_97, %reduce_sum3A [1] : vector<64x10xf32> to vector<64xf32>
    %broadcast_in_dim3A_99 = vector.shape_cast %reduce_sum3A_98 : vector<64xf32> to vector<64x1xf32>
    %log3A = math.log %broadcast_in_dim3A_99 : vector<64x1xf32>
    %add3A_100 = arith.addf %log3A, %broadcast_in_dim3A : vector<64x1xf32>
    %sub3A_101 = vector.broadcast %add3A_100 : vector<64x1xf32> to vector<64x10xf32>
    %sub3A_102 = arith.subf %add3A_93, %sub3A_101 : vector<64x10xf32>
    %swap3A = arith.constant 0 : index
    %swap3A_103 = arith.constant 0 : index
    %swap3A_104 = vector.load %arg11[%swap3A, %swap3A_103] : memref<64x10xf32, #tpu.memory_space<vmem>>, vector<64x10xf32>
    tpu.vector_store %arg11[%swap3A, %swap3A_103], %sub3A_102 {strides = array<i32>} : memref<64x10xf32, #tpu.memory_space<vmem>>, vector<64x10xf32>,
    return
  }
}

</mosaic_0001>

<sc_bundles>
// kernel: kernel.23.cloned.1.call-start
scs
__scs_entry_jumppad:
0x0: {  	(pc) =	sbr.rel $0x88, $3  }
0x1: {  	(tag) =	ssettag $0x0;
	lr =	simm.s32 $0x1  }
0x2: {  	[smem:$0x3F7B] =	sst lr;
	_ =	strace $0xD0000000  }
0x3: {  	_ = 	snop  }
0x4: {  	_ = 	snop  }
0x5: {  	_ = 	snop  }
0x6: {  	_ = 	snop  }
0x7: {  	_ = 	snop  }
__scs_overlays_trampoline_lowered:
0x8: {  	[smem:$0x3F8A] =	sst s0  }
0x9: {  	[smem:$0x3F8B] =	sst s1  }
0xa: {  	[smem:$0x3F8C] =	sst s2  }
0xb: {  	[smem:$0x3F8D] =	sst s3  }
0xc: {  	[smem:$0x3F8E] =	sst s4  }
0xd: {  	[smem:$0x3F8F] =	sst s5  }
0xe: {  	[smem:$0x3F90] =	sst s6  }
0xf: {  	[smem:$0x3F91] =	sst s7  }
0x10: {  	[smem:$0x3F92] =	sst s8  }
0x11: {  	[smem:$0x3F93] =	sst s9;
	s0 =	simm.s32 @!p0 $0x0  }
0x12: {  	s1 =	sld [smem:$0x3F79];
	s0 =	simm.s32 @p0 $0x1  }
0x13: {  	[smem:$0x3F94] =	sst s0;
	s0 =	simm.s32 @!p1 $0x0  }
0x14: {  	s2 =	sld [smem:$0x3F78];
	s0 =	simm.s32 @p1 $0x1  }
0x15: {  	[smem:$0x3F95] =	sst s0;
	s0 =	simm.s32 @!p2 $0x0  }
0x16: {  	s3 =	sld [smem:$0x3FDB];
	s0 =	simm.s32 @p2 $0x1  }
0x17: {  	s4 =	simm.s32 $0x1BF5;
	[smem:$0x3F97] =	sst s0  }
0x18: {  	s0 =	sld [smem:$0x3F7A];
	_ =	swait.ge [sflag:s4], $0x0  }
0x19: {  	s7 =	sld [smem:$0x3F7B]  }
0x1a: {  	s8 =	sadd.s32 $0xFFFFE003, lr  }
0x1b: {  	s9 =	sadd.s32 $0xFFFFFEF7, lr;
	s5 =	simm.s32 $0xFFFFFFFF;
	p2 =	slt.u32 s8, $0xFFFFF086  }
0x1c: {  	p1 =	slt.u32 s9, $0xF7A;
	s5 =	simm.s32 @!p2 $0x0  }
0x1d: {  	s5 =	simm.s32 @p1 $0x1;
	p0 =	seq.s32 s7, s2  }
0x1e: {  	s7 =	smul.u32 @!p0 $0xF7A, s2;
	p2 =	seq.s32 @!p0 s5, $0x0  }
0x1f: {  	s9 =	smul.u32 $0xF7A, s1;
	s8 =	simm.s32 @!p0 $0x1BF5;
	p2 =	por !p2, p0  }
0x20: {  	[sflag:s8] =	ssyncset.s32 @!p0 $0xFFFFF086;
	s6 =	sadd.s32 @!p0 s3, s7;
	s7 =	simm.s32 @!p0 $0x108  }
0x21: {  	s3 =	sadd.s32 s3, s9;
	s6 =	sadd.s32 @!p0 $0x88, s6;
	s7 =	simm.s32 @p2 $0x1082  }
0x22: {  	[simem:s7], [sflag:s8] =	dma.local @!p0 [hbm:s6], $0xF7A  }
0x23: {  	s9 =	sor.u32 $0xD0000000, s2;
	s6 =	simm.s32 $0x108;
	_ =	swait.ge @!p0 [sflag:s8], $0x0  }
0x24: {  	s3 =	sadd.s32 $0x88, s3;
	s6 =	simm.s32 @!p1 $0x1082;
	[sflag:s4] =	ssyncset.s32 $0xFFFFF086  }
0x25: {  	[simem:s6], [sflag:s4] =	dma.local [hbm:s3], $0xF7A  }
0x26: {  	[smem:$0x3F7B] =	sst s1;
	(tag) =	ssettag s2;
	_ =	strace s9  }
0x27: {  	s1 =	sld [smem:$0x3F8B]  }
0x28: {  	s2 =	sld [smem:$0x3F8C]  }
0x29: {  	s4 =	sld [smem:$0x3F8E]  }
0x2a: {  	p0 =	seq.s32 s5, $0x0;
	s5 =	sld [smem:$0x3F8F]  }
0x2b: {  	s6 =	sld [smem:$0x3F90]  }
0x2c: {  	s7 =	sld [smem:$0x3F91]  }
0x2d: {  	s3 =	simm.s32 $0x108;
	s8 =	sld [smem:$0x3F92]  }
0x2e: {  	s3 =	simm.s32 @!p0 $0x1082;
	s9 =	sld [smem:$0x3F93]  }
0x2f: {  	lr =	sadd.s32 s0, s3;
	s0 =	sld [smem:$0x3F8A]  }
0x30: {  	s3 =	sld [smem:$0x3F8D]  }
0x31: {  	[smem:$0x3F96] =	sst s10  }
0x32: {  	s10 =	sld [smem:$0x3F94];
	_ =	sdelay $0x3  }
0x33: {  	p0 =	seq.s32 s10, $0x1;
	s10 =	sld [smem:$0x3F96];
	_ =	sdelay $0x3  }
0x34: {  	[smem:$0x3F96] =	sst s10  }
0x35: {  	s10 =	sld [smem:$0x3F95];
	_ =	sdelay $0x3  }
0x36: {  	p1 =	seq.s32 s10, $0x1;
	s10 =	sld [smem:$0x3F96];
	_ =	sdelay $0x3  }
0x37: {  	[smem:$0x3F96] =	sst s10  }
0x38: {  	s10 =	sld [smem:$0x3F97]  }
0x39: {  	_ = 	snop;
	(pc) =	sbr.ind lr, $3  }
0x3a: {  	_ = 	snop  }
0x3b: {  	_ = 	snop  }
0x3c: {  	p2 =	seq.s32 s10, $0x1;
	s10 =	sld [smem:$0x3F96]  }
0x3d: {  	_ =	shalt  }
0x3e: {  	_ =	shalt  }
0x3f: {  	_ =	shalt  }
0x40: {  	_ =	shalt  }
0x41: {  	_ =	shalt  }
0x42: {  	_ =	shalt  }
0x43: {  	_ =	shalt  }
0x44: {  	_ =	shalt  }
0x45: {  	_ =	shalt  }
0x46: {  	_ =	shalt  }
0x47: {  	_ =	shalt  }
0x48: {  	_ =	shalt  }
0x49: {  	_ =	shalt  }
0x4a: {  	_ =	shalt  }
0x4b: {  	_ =	shalt  }
0x4c: {  	_ =	shalt  }
0x4d: {  	_ =	shalt  }
0x4e: {  	_ =	shalt  }
0x4f: {  	_ =	shalt  }
0x50: {  	_ =	shalt  }
0x51: {  	_ =	shalt  }
0x52: {  	_ =	shalt  }
0x53: {  	_ =	shalt  }
0x54: {  	_ =	shalt  }
0x55: {  	_ =	shalt  }
0x56: {  	_ =	shalt  }
0x57: {  	_ =	shalt  }
0x58: {  	_ =	shalt  }
0x59: {  	_ =	shalt  }
0x5a: {  	_ =	shalt  }
0x5b: {  	_ =	shalt  }
0x5c: {  	_ =	shalt  }
0x5d: {  	_ =	shalt  }
0x5e: {  	_ =	shalt  }
0x5f: {  	_ =	shalt  }
0x60: {  	_ =	shalt  }
0x61: {  	_ =	shalt  }
0x62: {  	_ =	shalt  }
0x63: {  	_ =	shalt  }
0x64: {  	_ =	shalt  }
0x65: {  	_ =	shalt  }
0x66: {  	_ =	shalt  }
0x67: {  	_ =	shalt  }
0x68: {  	_ =	shalt  }
0x69: {  	_ =	shalt  }
0x6a: {  	_ =	shalt  }
0x6b: {  	_ =	shalt  }
0x6c: {  	_ =	shalt  }
0x6d: {  	_ =	shalt  }
0x6e: {  	_ =	shalt  }
0x6f: {  	_ =	shalt  }
0x70: {  	_ =	shalt  }
0x71: {  	_ =	shalt  }
0x72: {  	_ =	shalt  }
0x73: {  	_ =	shalt  }
0x74: {  	_ =	shalt  }
0x75: {  	_ =	shalt  }
0x76: {  	_ =	shalt  }
0x77: {  	_ =	shalt  }
0x78: {  	_ =	shalt  }
0x79: {  	_ =	shalt  }
0x7a: {  	_ =	shalt  }
0x7b: {  	_ =	shalt  }
0x7c: {  	_ =	shalt  }
0x7d: {  	_ =	shalt  }
0x7e: {  	_ =	shalt  }
0x7f: {  	_ =	shalt  }
0x80: {  	_ =	shalt  }
0x81: {  	_ =	shalt  }
0x82: {  	_ =	shalt  }
0x83: {  	_ =	shalt  }
0x84: {  	_ =	shalt  }
0x85: {  	_ =	shalt  }
0x86: {  	_ =	shalt  }
0x87: {  	_ =	shalt  }
.Lfunc_end0:
.L_simem_size_0:
called_computation_lowered:
.L_overlay_start_0:
0x88: {  	s2 =	sld [smem:$0x3FD9]  }
0x89: {  	s3 =	sld [smem:$0x3FFE];
	_ =	sdelay $0x1  }
0x8a: {  	s1 =	srdreg.scid  }
0x8b: {  	s0 =	sand.u32 $0x1, s1  }
0x8c: {  	s16 =	sshll.u32 s0, $0xA;
	s2 =	sadd.s32 s3, s2  }
0x8d: {  	s2 =	sadd.s32 s2, s16  }
0x8e: {  	[smem:$0x3FA2] =	sst s2  }
0x8f: {  	_ = 	snop  }
0x90: {  	(tm) =	ssettm $0x1  }
0x91: {  	s17 =	sld [smem:$0x3FFB];
	_ =	sdelay $0x3  }
0x92: {  	_ =	strace s17  }
0x93: {  	s2 =	sld [smem:$0x3FFC];
	_ =	sdelay $0x3  }
0x94: {  	_ =	strace s2  }
0x95: {  	s2 =	sld [smem:$0x3FFD];
	_ =	sdelay $0x3  }
0x96: {  	_ =	strace s2  }
0x97: {  	_ =	strace $0x8FFFFFFF  }
0x98: {  	s18 =	sld [smem:$0x3FDB];
	_ =	sdelay $0x1  }
0x99: {  	s19 =	simm.s32 $_scs_section_size  }
0x9a: {  	s4 =	simm.s32 $_size__tile_overlayer_lowered;
	s5 =	simm.s32 $_tile_overlayer_lowered  }
0x9b: {  	s22 =	simm.s32 $0x1BFF;
	s21 =	sshll.u32 s5, $0x1;
	s2 =	sadd.s32 s19, s18  }
0x9c: {  	s6 =	simm.s32 $0x0;
	s20 =	sshll.u32 s4, $0x1;
	s4 =	sadd.s32 s21, s2  }
0x9d: {  	[timem:s6], [sflag:s22] =	dma.local [hbm:s4], s20  }
0x9e: {  	_ =	swait.ge [sflag:s22], s20  }
0x9f: {  	s3 =	ssub.s32 $0x0, s20;
	[sflag:s22] =	ssyncset.done $0x0  }
0xa0: {  	[sflag:s22] =	ssyncadd.s32 s3;
	_ =	sdelay $0x1  }
0xa1: {  	s23 =	simm.s32 $0x1B8B  }
0xa2: {  	_ =	swait.ge [sflag:s23], $0x1  }
0xa3: {  	[sflag:s23] =	ssyncset.done $0x0  }
0xa4: {  	s25 =	simm.s32 $0x1B8E;
	s24 =	sld [smem:$0x3FFE];
	[sflag:s23] =	ssyncadd.s32 $0xFFFFFFFF  }
0xa5: {  	s26 =	simm.s32 $execute0_lowered;
	[smem:$0x3FD2] =	sst s25  }
0xa6: {  	s4 =	sshll.u32 s26, $0x1;
	_ =	strace $0x80000046;
	[dreg:$0x1] =	wrdreg $0xFFFFFFFF  }
0xa7: {  	s28 =	simm.s32 $_size_execute0_lowered;
	s2 =	sadd.s32 s2, s4;
	[dreg:$0x0] =	wrdreg $0x0  }
0xa8: {  	s4 =	sshll.u32 s28, $0x1;
	[dreg:$0x2] =	wrdreg s2  }
0xa9: {  	[dreg:$0x3] =	wrdreg s4  }
0xaa: {  	[dreg:$0x4] =	wrdreg $0xC0  }
0xab: {  	_ =	task [dreg:s6], $0x5FFFF  }
0xac: {  	[dreg:$0x1] =	wrdreg $0xFFFFFFFF  }
0xad: {  	[dreg:$0x0] =	wrdreg $0x60  }
0xae: {  	[dreg:$0x2] =	wrdreg s24  }
0xaf: {  	[dreg:$0x3] =	wrdreg $0x8F000  }
0xb0: {  	[dreg:$0x4] =	wrdreg $0x9  }
0xb1: {  	_ =	task.clear_ibuf [dreg:s6], $0x5FFFF;
	_ =	strace $0x90000046  }
0xb2: {  	s29 =	simm.s32 $0x9;
	_ =	strace $0x80000048  }
0xb3: {  	_ =	swait.ge [sflag:s29], $0x1  }
0xb4: {  	[sflag:s29] =	ssyncadd.s32 $0xFFFFFFFF  }
0xb5: {  	_ =	strace $0x90000048  }
0xb6: {  	_ =	sfence  }
0xb7: {  	s30 =	sld [smem:$0x0];
	_ =	sdelay $0x2  }
0xb8: {  	s31 =	sshll.u32 s1, $0xD;
	s1 =	sshrl.u32 s1, $0x2  }
0xb9: {  	s3 =	sand.u32 $0x4000, s31;
	s1 =	sadd.s32 s1, s30  }
0xba: {  	s0 =	sor.u32 s3, s0;
	s1 =	sshll.u32 s1, $0x11  }
0xbb: {  	s0 =	sor.u32 s1, s0  }
0xbc: {  	s0 =	sadd.s32 $0x8F2B, s0  }
0xbd: {  	[sflag:s0] =	ssyncadd.remote.s32 $0x1  }
0xbe: {  	_ =	sfence.sel $0xFFFF  }
0xbf: {  	[dreg:$0x0] =	wrdreg $0xFFFFFFFF;
	(pc) =	sbr.abs _section_cstart, $3  }
0xc0: {  	[dreg:$0x1] =	wrdreg $0xFFFFFFFF  }
0xc1: {  	_ =	task.clear_ibuf [dreg:s6], $0x2FFFF;
	_ =	strace $0x9FFFFFFF  }
0xc2: {  	(tm) =	ssettm $0x7FFFFFFF  }
0xc3: {  	_ =	shalt  }
tec
execute0_lowered:
.L_overlay_start_1:
0x0: {  	(tag) =	ssettag $0x1  }
0x1: {  	s5 =	rddreg [dreg:$0x0];
	s1 =	srdreg.scid  }
0x2: {  	s0 =	stileid.u32;
	s2 =	rddreg [dreg:$0x1]  }
0x3: {  	s3 =	simm.s32 $0x0;
	s6 =	sand.u32 $0x1, s1;
	s1 =	rddreg [dreg:$0x2]  }
0x4: {  	s14 =	simm.s32 $0x4E80;
	s4 =	sshll.u32 s0, $0x1;
	[smem:$0x7FF] =	sst s3  }
0x5: {  	s8 =	smul.u32 $0x9E00, s0;
	s31 =	sshll.u32 s0, $0x6;
	s4 =	sor.u32 s6, s4  }
0x6: {  	_ =	strace $0x80000047;
	s9 =	smul.u32 $0x13C00, s6;
	s6 =	ssub.s32 $0x2, s6  }
0x7: {  	s7 =	smul.u32 $0x4F0, s4;
	s4 =	sadd.s32 $0x7200, s5;
	s15 =	sshrl.u32 s8, $0x3  }
0x8: {  	s30 =	sshrl.u32 s6, $0x1;
	s13 =	sadd.s32 s8, s2;
	s11 =	sadd.s32 s15, s5  }
0x9: {  	s9 =	sadd.s32 s9, s5;
	s12 =	ssub.s32 s6, s30;
	s6 =	sor.u32 $0x1C03, s31  }
0xa: {  	s10 =	sadd.s32 s7, s5;
	s5 =	sadd.s32 $0x4C200, s11;
	s16 =	sadd.s32 $0x5FE00, s9  }
0xb: {  	s9 =	smax.u32 s12, $0x1;
	s11 =	simm.s32 $0x3;
	s12 =	simm.s32 $0x4F00  }
0xc: {  	s7 =	sadd.s32 $0x1AC00, s10;
	s8 =	sadd.s32 $0x2E800, s10;
	s10 =	sshrl.u32 s13, $0x3  }
0xd: {  	s13 =	simm.s32 $0x80;
	s15 =	sadd.s32 s15, s16;
	s16 =	simm.s32 $0x0  }
.LBB2_1:
0xe: {  	[spmem:s10], [sflag:s6] =	dma.local [hbm:s5], $0x13C0  }
0xf: {  	_ =	swait.ge [sflag:s11], $0x13C0  }
0x10: {  	[sflag:s11] =	ssyncset.done $0x0  }
0x11: {  	[sflag:s11] =	ssyncadd.s32 $0xFFFFEC40  }
0x12: {  	[bflag:$0x0] =	sbarrier.arrive $0xFFFF  }
0x13: {  	[tilespmem:s3], [sflag:$0x3] =	stream.linear.gather [hbm4b:s7+s3], $0x2780, $0x38;
	[tilespmem:$0x12D00] =	vst v63  }
0x14: {  	_ =	swait.ge [sflag:s11], $0x2780  }
0x15: {  	[sflag:s11] =	ssyncset.done $0x0  }
0x16: {  	s18 =	simm.s32 $0x2780;
	[sflag:s11] =	ssyncadd.s32 $0xFFFFD880  }
0x17: {  	[tilespmem:s18], [sflag:$0x3] =	stream.linear.gather [hbm4b:s8+s3], $0x2780, $0x38;
	[tilespmem:$0x12D00] =	vst v63  }
0x18: {  	_ =	swait.ge [sflag:s11], $0x2780  }
0x19: {  	[sflag:s11] =	ssyncset.done $0x0  }
0x1a: {  	s17 =	sand.u32 $0x1, s3;
	[sflag:s11] =	ssyncadd.s32 $0xFFFFD880  }
0x1b: {  	[tilespmem:s12], [sflag:$0x3] =	stream.indirect.gather [hbm4b:s4+s13], $0x40, s3, s13, $0xb8;
	[tilespmem:$0x12D00] =	vst v63  }
0x1c: {  	s19 =	sxor.u32 $0x1, s17;
	_ =	swait.ge [sflag:s11], $0x2000  }
0x1d: {  	s21 =	sshll.u32 s17, $0xD;
	s20 =	sshll.u32 s19, $0xD;
	[sflag:s11] =	ssyncset.done $0x0  }
0x1e: {  	s17 =	sadd.s32 $0x1, s19;
	s28 =	sor.u32 $0x4F00, s20;
	[sflag:s11] =	ssyncadd.s32 $0xFFFFE000  }
0x1f: {  	[tilespmem:s28], [sflag:s17] =	stream.indirect.gather [hbm4b:s4+s13], $0x40, s13, s13, $0xb8;
	[tilespmem:$0x12D00] =	vst v63  }
0x20: {  	s29 =	sor.u32 $0x4F00, s21  }
0x21: {  	[spmem:s2] =	stream.indirect.scatter.add.f32 [tilespmem:s29], [sflag:$0x3], $0x40, s18, s13, $0xb8;
	[tilespmem:$0x12D00] =	vst v63  }
0x22: {  	s30 =	simm.s32 $0x1;
	_ =	swait.ge [sflag:s11], $0x2000  }
0x23: {  	s31 =	sand.u32 $0x1, s30;
	s21 =	simm.s32 $0x2;
	[sflag:s11] =	ssyncset.done $0x0  }
0x24: {  	s19 =	simm.s32 $0x2800;
	s22 =	sxor.u32 $0x1, s31;
	[sflag:s11] =	ssyncadd.s32 $0xFFFFE000  }
0x25: {  	s20 =	sshll.u32 s31, $0xD;
	s23 =	sshll.u32 s22, $0xD;
	_ =	swait.ge [sflag:s17], $0x2000  }
0x26: {  	s22 =	sadd.s32 $0x1, s22;
	s18 =	simm.s32 $0x100;
	[sflag:s17] =	ssyncset.done $0x0  }
.LBB2_2:
0x27: {  	s23 =	sor.u32 $0x4F00, s23;
	[sflag:s17] =	ssyncadd.s32 $0xFFFFE000  }
0x28: {  	s24 =	smov.u32 s21;
	s25 =	sadd.s32 $0x1, s21;
	s17 =	smov.u32 s22  }
0x29: {  	[tilespmem:s23], [sflag:s17] =	stream.indirect.gather [hbm4b:s4+s13], $0x40, s18, s13, $0xb8;
	[tilespmem:$0x12D00] =	vst v63  }
0x2a: {  	p0 =	sne.s32 s21, $0x4D;
	s20 =	sor.u32 $0x4F00, s20  }
0x2b: {  	[spmem:s2] =	stream.indirect.scatter.add.f32 [tilespmem:s20], [sflag:$0x3], $0x40, s19, s13, $0xb8;
	[tilespmem:$0x12D00] =	vst v63  }
.Ltmp0:
0x2c: {  	_ =	swait.ge [sflag:s11], $0x2000;
	(pc) =	sbr.rel @p0 .LBB2_2-.Ltmp0, $4  }
0x2d: {  	s18 =	sadd.s32 $0x80, s18;
	s20 =	sand.u32 $0x1, s24;
	[sflag:s11] =	ssyncset.done $0x0  }
0x2e: {  	s19 =	sadd.s32 $0x80, s19;
	s21 =	sxor.u32 $0x1, s20;
	[sflag:s11] =	ssyncadd.s32 $0xFFFFE000  }
0x2f: {  	s20 =	sshll.u32 s20, $0xD;
	s23 =	sshll.u32 s21, $0xD;
	_ =	swait.ge [sflag:s17], $0x2000  }
0x30: {  	s22 =	sadd.s32 $0x1, s21;
	s21 =	smov.u32 s25;
	[sflag:s17] =	ssyncset.done $0x0  }
0x31: {  	s21 =	sor.u32 $0x4F00, s23;
	[sflag:s17] =	ssyncadd.s32 $0xFFFFE000  }
0x32: {  	[tilespmem:s21], [sflag:s22] =	stream.indirect.gather [hbm4b:s4+s13], $0x40, s18, s13, $0xb8;
	[tilespmem:$0x12D00] =	vst v63  }
0x33: {  	s31 =	sor.u32 $0x4F00, s20  }
0x34: {  	[spmem:s2] =	stream.indirect.scatter.add.f32 [tilespmem:s31], [sflag:$0x3], $0x40, s19, s13, $0xb8;
	[tilespmem:$0x12D00] =	vst v63  }
0x35: {  	_ =	swait.ge [sflag:s11], $0x2000  }
0x36: {  	[sflag:s11] =	ssyncset.done $0x0  }
0x37: {  	[sflag:s11] =	ssyncadd.s32 $0xFFFFE000  }
0x38: {  	_ =	swait.ge [sflag:s22], $0x2000  }
0x39: {  	[sflag:s22] =	ssyncset.done $0x0  }
0x3a: {  	[sflag:s22] =	ssyncadd.s32 $0xFFFFE000  }
0x3b: {  	[spmem:s2] =	stream.indirect.scatter.add.f32 [tilespmem:s12], [sflag:$0x3], $0x40, s14, s13, $0xb8;
	[tilespmem:$0x12D00] =	vst v63  }
0x3c: {  	_ =	swait.ge [sflag:s11], $0x2000  }
0x3d: {  	s16 =	sadd.s32 $0x1, s16;
	[sflag:s11] =	ssyncset.done $0x0  }
0x3e: {  	p0 =	sne.s32 s16, s9;
	[sflag:s11] =	ssyncadd.s32 $0xFFFFE000  }
.Ltmp1:
0x3f: {  	[bflag:$0x0] =	sbarrier.arrive $0xFFFF;
	(pc) =	sbr.rel @p0 .LBB2_1-.Ltmp1, $4  }
0x40: {  	[hbm:s15], [sflag:s6] =	dma.local [spmem:s10], $0x13C0  }
0x41: {  	_ =	swait.ge [sflag:s11], $0x13C0  }
0x42: {  	[sflag:s11] =	ssyncset.done $0x0  }
0x43: {  	[sflag:s11] =	ssyncadd.s32 $0xFFFFEC40  }
0x44: {  	_ =	sfence.sel $0x180000  }
0x45: {  	[bflag:$0x0] =	sbarrier.arrive $0xFFFF  }
0x46: {  	p0 =	sne.s32 s0, $0x0;
	_ =	strace $0x90000047  }
0x47: {  	s0 =	sadd.s32 @!p0 $0x100000, s1;
	[bflag:$0x2] =	sbarrier.arrive $0xFFFF  }
0x48: {  	[sflag:s0] =	ssyncadd.tile.s32 @!p0 $0x1;
	_ =	shalt  }
.Lfunc_end2:
_tile_overlayer_lowered:
.L_overlay_start_2:
0x49: {  	(tag) =	ssettag $0x2  }
0x4a: {  	s0 =	rddreg [dreg:$0x0];
	s2 =	stileid.u32  }
0x4b: {  	s1 =	rddreg [dreg:$0x1];
	p0 =	sne.s32 s2, $0x0  }
0x4c: {  	s3 =	rddreg [dreg:$0x2];
	[bflag:$0x3] =	sbarrier.arrive $0xFFFF;
	s2 =	simm.s32 @!p0 $0x1C03  }
0x4d: {  	[timem:s3], [sflag:s2] =	dma.local @!p0 [hbm:s0], s1  }
0x4e: {  	s0 =	simm.s32 @!p0 $0x3  }
0x4f: {  	_ =	swait.ge @!p0 [sflag:s0], s1  }
0x50: {  	s1 =	ssub.s32 @!p0 $0x0, s1;
	[sflag:s0] =	ssyncset.done @!p0 $0x0  }
0x51: {  	[sflag:s0] =	ssyncadd.s32 @!p0 s1  }
0x52: {  	[bflag:$0x3] =	sbarrier.arrive $0xFFFF  }
0x53: {  	_ =	shalt  }

// kernel: kernel.26.cloned.1.call-start
scs
__scs_entry_jumppad:
0x0: {  	(pc) =	sbr.rel $0x88, $3  }
0x1: {  	(tag) =	ssettag $0x0;
	lr =	simm.s32 $0x1  }
0x2: {  	[smem:$0x3F7B] =	sst lr;
	_ =	strace $0xD0000000  }
0x3: {  	_ = 	snop  }
0x4: {  	_ = 	snop  }
0x5: {  	_ = 	snop  }
0x6: {  	_ = 	snop  }
0x7: {  	_ = 	snop  }
__scs_overlays_trampoline_lowered:
0x8: {  	[smem:$0x3F8A] =	sst s0  }
0x9: {  	[smem:$0x3F8B] =	sst s1  }
0xa: {  	[smem:$0x3F8C] =	sst s2  }
0xb: {  	[smem:$0x3F8D] =	sst s3  }
0xc: {  	[smem:$0x3F8E] =	sst s4  }
0xd: {  	[smem:$0x3F8F] =	sst s5  }
0xe: {  	[smem:$0x3F90] =	sst s6  }
0xf: {  	[smem:$0x3F91] =	sst s7  }
0x10: {  	[smem:$0x3F92] =	sst s8  }
0x11: {  	[smem:$0x3F93] =	sst s9;
	s0 =	simm.s32 @!p0 $0x0  }
0x12: {  	s1 =	sld [smem:$0x3F79];
	s0 =	simm.s32 @p0 $0x1  }
0x13: {  	[smem:$0x3F94] =	sst s0;
	s0 =	simm.s32 @!p1 $0x0  }
0x14: {  	s2 =	sld [smem:$0x3F78];
	s0 =	simm.s32 @p1 $0x1  }
0x15: {  	[smem:$0x3F95] =	sst s0;
	s0 =	simm.s32 @!p2 $0x0  }
0x16: {  	s3 =	sld [smem:$0x3FDB];
	s0 =	simm.s32 @p2 $0x1  }
0x17: {  	s4 =	simm.s32 $0x1BF5;
	[smem:$0x3F97] =	sst s0  }
0x18: {  	s0 =	sld [smem:$0x3F7A];
	_ =	swait.ge [sflag:s4], $0x0  }
0x19: {  	s7 =	sld [smem:$0x3F7B]  }
0x1a: {  	s8 =	sadd.s32 $0xFFFFE003, lr  }
0x1b: {  	s9 =	sadd.s32 $0xFFFFFEF7, lr;
	s5 =	simm.s32 $0xFFFFFFFF;
	p2 =	slt.u32 s8, $0xFFFFF086  }
0x1c: {  	p1 =	slt.u32 s9, $0xF7A;
	s5 =	simm.s32 @!p2 $0x0  }
0x1d: {  	s5 =	simm.s32 @p1 $0x1;
	p0 =	seq.s32 s7, s2  }
0x1e: {  	s7 =	smul.u32 @!p0 $0xF7A, s2;
	p2 =	seq.s32 @!p0 s5, $0x0  }
0x1f: {  	s9 =	smul.u32 $0xF7A, s1;
	s8 =	simm.s32 @!p0 $0x1BF5;
	p2 =	por !p2, p0  }
0x20: {  	[sflag:s8] =	ssyncset.s32 @!p0 $0xFFFFF086;
	s6 =	sadd.s32 @!p0 s3, s7;
	s7 =	simm.s32 @!p0 $0x108  }
0x21: {  	s3 =	sadd.s32 s3, s9;
	s6 =	sadd.s32 @!p0 $0x88, s6;
	s7 =	simm.s32 @p2 $0x1082  }
0x22: {  	[simem:s7], [sflag:s8] =	dma.local @!p0 [hbm:s6], $0xF7A  }
0x23: {  	s9 =	sor.u32 $0xD0000000, s2;
	s6 =	simm.s32 $0x108;
	_ =	swait.ge @!p0 [sflag:s8], $0x0  }
0x24: {  	s3 =	sadd.s32 $0x88, s3;
	s6 =	simm.s32 @!p1 $0x1082;
	[sflag:s4] =	ssyncset.s32 $0xFFFFF086  }
0x25: {  	[simem:s6], [sflag:s4] =	dma.local [hbm:s3], $0xF7A  }
0x26: {  	[smem:$0x3F7B] =	sst s1;
	(tag) =	ssettag s2;
	_ =	strace s9  }
0x27: {  	s1 =	sld [smem:$0x3F8B]  }
0x28: {  	s2 =	sld [smem:$0x3F8C]  }
0x29: {  	s4 =	sld [smem:$0x3F8E]  }
0x2a: {  	p0 =	seq.s32 s5, $0x0;
	s5 =	sld [smem:$0x3F8F]  }
0x2b: {  	s6 =	sld [smem:$0x3F90]  }
0x2c: {  	s7 =	sld [smem:$0x3F91]  }
0x2d: {  	s3 =	simm.s32 $0x108;
	s8 =	sld [smem:$0x3F92]  }
0x2e: {  	s3 =	simm.s32 @!p0 $0x1082;
	s9 =	sld [smem:$0x3F93]  }
0x2f: {  	lr =	sadd.s32 s0, s3;
	s0 =	sld [smem:$0x3F8A]  }
0x30: {  	s3 =	sld [smem:$0x3F8D]  }
0x31: {  	[smem:$0x3F96] =	sst s10  }
0x32: {  	s10 =	sld [smem:$0x3F94];
	_ =	sdelay $0x3  }
0x33: {  	p0 =	seq.s32 s10, $0x1;
	s10 =	sld [smem:$0x3F96];
	_ =	sdelay $0x3  }
0x34: {  	[smem:$0x3F96] =	sst s10  }
0x35: {  	s10 =	sld [smem:$0x3F95];
	_ =	sdelay $0x3  }
0x36: {  	p1 =	seq.s32 s10, $0x1;
	s10 =	sld [smem:$0x3F96];
	_ =	sdelay $0x3  }
0x37: {  	[smem:$0x3F96] =	sst s10  }
0x38: {  	s10 =	sld [smem:$0x3F97]  }
0x39: {  	_ = 	snop;
	(pc) =	sbr.ind lr, $3  }
0x3a: {  	_ = 	snop  }
0x3b: {  	_ = 	snop  }
0x3c: {  	p2 =	seq.s32 s10, $0x1;
	s10 =	sld [smem:$0x3F96]  }
0x3d: {  	_ =	shalt  }
0x3e: {  	_ =	shalt  }
0x3f: {  	_ =	shalt  }
0x40: {  	_ =	shalt  }
0x41: {  	_ =	shalt  }
0x42: {  	_ =	shalt  }
0x43: {  	_ =	shalt  }
0x44: {  	_ =	shalt  }
0x45: {  	_ =	shalt  }
0x46: {  	_ =	shalt  }
0x47: {  	_ =	shalt  }
0x48: {  	_ =	shalt  }
0x49: {  	_ =	shalt  }
0x4a: {  	_ =	shalt  }
0x4b: {  	_ =	shalt  }
0x4c: {  	_ =	shalt  }
0x4d: {  	_ =	shalt  }
0x4e: {  	_ =	shalt  }
0x4f: {  	_ =	shalt  }
0x50: {  	_ =	shalt  }
0x51: {  	_ =	shalt  }
0x52: {  	_ =	shalt  }
0x53: {  	_ =	shalt  }
0x54: {  	_ =	shalt  }
0x55: {  	_ =	shalt  }
0x56: {  	_ =	shalt  }
0x57: {  	_ =	shalt  }
0x58: {  	_ =	shalt  }
0x59: {  	_ =	shalt  }
0x5a: {  	_ =	shalt  }
0x5b: {  	_ =	shalt  }
0x5c: {  	_ =	shalt  }
0x5d: {  	_ =	shalt  }
0x5e: {  	_ =	shalt  }
0x5f: {  	_ =	shalt  }
0x60: {  	_ =	shalt  }
0x61: {  	_ =	shalt  }
0x62: {  	_ =	shalt  }
0x63: {  	_ =	shalt  }
0x64: {  	_ =	shalt  }
0x65: {  	_ =	shalt  }
0x66: {  	_ =	shalt  }
0x67: {  	_ =	shalt  }
0x68: {  	_ =	shalt  }
0x69: {  	_ =	shalt  }
0x6a: {  	_ =	shalt  }
0x6b: {  	_ =	shalt  }
0x6c: {  	_ =	shalt  }
0x6d: {  	_ =	shalt  }
0x6e: {  	_ =	shalt  }
0x6f: {  	_ =	shalt  }
0x70: {  	_ =	shalt  }
0x71: {  	_ =	shalt  }
0x72: {  	_ =	shalt  }
0x73: {  	_ =	shalt  }
0x74: {  	_ =	shalt  }
0x75: {  	_ =	shalt  }
0x76: {  	_ =	shalt  }
0x77: {  	_ =	shalt  }
0x78: {  	_ =	shalt  }
0x79: {  	_ =	shalt  }
0x7a: {  	_ =	shalt  }
0x7b: {  	_ =	shalt  }
0x7c: {  	_ =	shalt  }
0x7d: {  	_ =	shalt  }
0x7e: {  	_ =	shalt  }
0x7f: {  	_ =	shalt  }
0x80: {  	_ =	shalt  }
0x81: {  	_ =	shalt  }
0x82: {  	_ =	shalt  }
0x83: {  	_ =	shalt  }
0x84: {  	_ =	shalt  }
0x85: {  	_ =	shalt  }
0x86: {  	_ =	shalt  }
0x87: {  	_ =	shalt  }
.Lfunc_end0:
.L_simem_size_0:
called_computation.1_lowered:
.L_overlay_start_0:
0x88: {  	s2 =	sld [smem:$0x3FD9]  }
0x89: {  	s3 =	sld [smem:$0x3FFE];
	_ =	sdelay $0x1  }
0x8a: {  	s1 =	srdreg.scid  }
0x8b: {  	s0 =	sand.u32 $0x1, s1  }
0x8c: {  	s16 =	sshll.u32 s0, $0xA;
	s2 =	sadd.s32 s3, s2  }
0x8d: {  	s2 =	sadd.s32 s2, s16  }
0x8e: {  	[smem:$0x3FA2] =	sst s2  }
0x8f: {  	_ = 	snop  }
0x90: {  	(tm) =	ssettm $0x1  }
0x91: {  	s17 =	sld [smem:$0x3FFB];
	_ =	sdelay $0x3  }
0x92: {  	_ =	strace s17  }
0x93: {  	s2 =	sld [smem:$0x3FFC];
	_ =	sdelay $0x3  }
0x94: {  	_ =	strace s2  }
0x95: {  	s2 =	sld [smem:$0x3FFD];
	_ =	sdelay $0x3  }
0x96: {  	_ =	strace s2  }
0x97: {  	_ =	strace $0x8FFFFFFF  }
0x98: {  	s18 =	sld [smem:$0x3FDB];
	_ =	sdelay $0x1  }
0x99: {  	s19 =	simm.s32 $_scs_section_size  }
0x9a: {  	s4 =	simm.s32 $_size__tile_overlayer_lowered;
	s5 =	simm.s32 $_tile_overlayer_lowered  }
0x9b: {  	s22 =	simm.s32 $0x1BFF;
	s21 =	sshll.u32 s5, $0x1;
	s2 =	sadd.s32 s19, s18  }
0x9c: {  	s6 =	simm.s32 $0x0;
	s20 =	sshll.u32 s4, $0x1;
	s4 =	sadd.s32 s21, s2  }
0x9d: {  	[timem:s6], [sflag:s22] =	dma.local [hbm:s4], s20  }
0x9e: {  	_ =	swait.ge [sflag:s22], s20  }
0x9f: {  	s3 =	ssub.s32 $0x0, s20;
	[sflag:s22] =	ssyncset.done $0x0  }
0xa0: {  	[sflag:s22] =	ssyncadd.s32 s3;
	_ =	sdelay $0x1  }
0xa1: {  	s23 =	simm.s32 $0x1B8B  }
0xa2: {  	_ =	swait.ge [sflag:s23], $0x1  }
0xa3: {  	[sflag:s23] =	ssyncset.done $0x0  }
0xa4: {  	s25 =	simm.s32 $0x1B8E;
	s24 =	sld [smem:$0x3FFE];
	[sflag:s23] =	ssyncadd.s32 $0xFFFFFFFF  }
0xa5: {  	s26 =	simm.s32 $execute0_lowered;
	[smem:$0x3FD2] =	sst s25  }
0xa6: {  	s4 =	sshll.u32 s26, $0x1;
	_ =	strace $0x80000049;
	[dreg:$0x1] =	wrdreg $0xFFFFFFFF  }
0xa7: {  	s28 =	simm.s32 $_size_execute0_lowered;
	s2 =	sadd.s32 s2, s4;
	[dreg:$0x0] =	wrdreg $0x0  }
0xa8: {  	s4 =	sshll.u32 s28, $0x1;
	[dreg:$0x2] =	wrdreg s2  }
0xa9: {  	[dreg:$0x3] =	wrdreg s4  }
0xaa: {  	[dreg:$0x4] =	wrdreg $0xC0  }
0xab: {  	_ =	task [dreg:s6], $0x5FFFF  }
0xac: {  	[dreg:$0x1] =	wrdreg $0xFFFFFFFF  }
0xad: {  	[dreg:$0x0] =	wrdreg $0x60  }
0xae: {  	[dreg:$0x2] =	wrdreg s24  }
0xaf: {  	[dreg:$0x3] =	wrdreg $0x8F000  }
0xb0: {  	[dreg:$0x4] =	wrdreg $0x9  }
0xb1: {  	_ =	task.clear_ibuf [dreg:s6], $0x5FFFF;
	_ =	strace $0x90000049  }
0xb2: {  	s29 =	simm.s32 $0x9;
	_ =	strace $0x8000004B  }
0xb3: {  	_ =	swait.ge [sflag:s29], $0x1  }
0xb4: {  	[sflag:s29] =	ssyncadd.s32 $0xFFFFFFFF  }
0xb5: {  	_ =	strace $0x9000004B  }
0xb6: {  	_ =	sfence  }
0xb7: {  	s30 =	sld [smem:$0x0];
	_ =	sdelay $0x2  }
0xb8: {  	s31 =	sshll.u32 s1, $0xD;
	s1 =	sshrl.u32 s1, $0x2  }
0xb9: {  	s3 =	sand.u32 $0x4000, s31;
	s1 =	sadd.s32 s1, s30  }
0xba: {  	s0 =	sor.u32 s3, s0;
	s1 =	sshll.u32 s1, $0x11  }
0xbb: {  	s0 =	sor.u32 s1, s0  }
0xbc: {  	s0 =	sadd.s32 $0x8F2B, s0  }
0xbd: {  	[sflag:s0] =	ssyncadd.remote.s32 $0x1  }
0xbe: {  	_ =	sfence.sel $0xFFFF  }
0xbf: {  	[dreg:$0x0] =	wrdreg $0xFFFFFFFF;
	(pc) =	sbr.abs _section_cstart, $3  }
0xc0: {  	[dreg:$0x1] =	wrdreg $0xFFFFFFFF  }
0xc1: {  	_ =	task.clear_ibuf [dreg:s6], $0x2FFFF;
	_ =	strace $0x9FFFFFFF  }
0xc2: {  	(tm) =	ssettm $0x7FFFFFFF  }
0xc3: {  	_ =	shalt  }
tec
execute0_lowered:
.L_overlay_start_1:
0x0: {  	(tag) =	ssettag $0x1  }
0x1: {  	s5 =	rddreg [dreg:$0x0];
	s1 =	srdreg.scid  }
0x2: {  	s0 =	stileid.u32;
	s2 =	rddreg [dreg:$0x1]  }
0x3: {  	s3 =	simm.s32 $0x0;
	s6 =	sand.u32 $0x1, s1;
	s1 =	rddreg [dreg:$0x2]  }
0x4: {  	s14 =	simm.s32 $0x4E80;
	s4 =	sshll.u32 s0, $0x1;
	[smem:$0x7FF] =	sst s3  }
0x5: {  	s8 =	smul.u32 $0x9E00, s0;
	s31 =	sshll.u32 s0, $0x6;
	s4 =	sor.u32 s6, s4  }
0x6: {  	_ =	strace $0x8000004A;
	s9 =	smul.u32 $0x13C00, s6;
	s6 =	ssub.s32 $0x2, s6  }
0x7: {  	s7 =	smul.u32 $0x4F0, s4;
	s4 =	sadd.s32 $0x7200, s5;
	s15 =	sshrl.u32 s8, $0x3  }
0x8: {  	s30 =	sshrl.u32 s6, $0x1;
	s13 =	sadd.s32 s8, s2;
	s11 =	sadd.s32 s15, s5  }
0x9: {  	s9 =	sadd.s32 s9, s5;
	s12 =	ssub.s32 s6, s30;
	s6 =	sor.u32 $0x1C03, s31  }
0xa: {  	s10 =	sadd.s32 s7, s5;
	s5 =	sadd.s32 $0x4C200, s11;
	s16 =	sadd.s32 $0x5FE00, s9  }
0xb: {  	s9 =	smax.u32 s12, $0x1;
	s11 =	simm.s32 $0x3;
	s12 =	simm.s32 $0x4F00  }
0xc: {  	s7 =	sadd.s32 $0x1AC00, s10;
	s8 =	sadd.s32 $0x2E800, s10;
	s10 =	sshrl.u32 s13, $0x3  }
0xd: {  	s13 =	simm.s32 $0x80;
	s15 =	sadd.s32 s15, s16;
	s16 =	simm.s32 $0x0  }
.LBB2_1:
0xe: {  	[spmem:s10], [sflag:s6] =	dma.local [hbm:s5], $0x13C0  }
0xf: {  	_ =	swait.ge [sflag:s11], $0x13C0  }
0x10: {  	[sflag:s11] =	ssyncset.done $0x0  }
0x11: {  	[sflag:s11] =	ssyncadd.s32 $0xFFFFEC40  }
0x12: {  	[bflag:$0x0] =	sbarrier.arrive $0xFFFF  }
0x13: {  	[tilespmem:s3], [sflag:$0x3] =	stream.linear.gather [hbm4b:s7+s3], $0x2780, $0x38;
	[tilespmem:$0x12D00] =	vst v63  }
0x14: {  	_ =	swait.ge [sflag:s11], $0x2780  }
0x15: {  	[sflag:s11] =	ssyncset.done $0x0  }
0x16: {  	s18 =	simm.s32 $0x2780;
	[sflag:s11] =	ssyncadd.s32 $0xFFFFD880  }
0x17: {  	[tilespmem:s18], [sflag:$0x3] =	stream.linear.gather [hbm4b:s8+s3], $0x2780, $0x38;
	[tilespmem:$0x12D00] =	vst v63  }
0x18: {  	_ =	swait.ge [sflag:s11], $0x2780  }
0x19: {  	[sflag:s11] =	ssyncset.done $0x0  }
0x1a: {  	s17 =	sand.u32 $0x1, s3;
	[sflag:s11] =	ssyncadd.s32 $0xFFFFD880  }
0x1b: {  	[tilespmem:s12], [sflag:$0x3] =	stream.indirect.gather [hbm4b:s4+s13], $0x40, s3, s13, $0xb8;
	[tilespmem:$0x12D00] =	vst v63  }
0x1c: {  	s19 =	sxor.u32 $0x1, s17;
	_ =	swait.ge [sflag:s11], $0x2000  }
0x1d: {  	s21 =	sshll.u32 s17, $0xD;
	s20 =	sshll.u32 s19, $0xD;
	[sflag:s11] =	ssyncset.done $0x0  }
0x1e: {  	s17 =	sadd.s32 $0x1, s19;
	s28 =	sor.u32 $0x4F00, s20;
	[sflag:s11] =	ssyncadd.s32 $0xFFFFE000  }
0x1f: {  	[tilespmem:s28], [sflag:s17] =	stream.indirect.gather [hbm4b:s4+s13], $0x40, s13, s13, $0xb8;
	[tilespmem:$0x12D00] =	vst v63  }
0x20: {  	s29 =	sor.u32 $0x4F00, s21  }
0x21: {  	[spmem:s2] =	stream.indirect.scatter.add.f32 [tilespmem:s29], [sflag:$0x3], $0x40, s18, s13, $0xb8;
	[tilespmem:$0x12D00] =	vst v63  }
0x22: {  	s30 =	simm.s32 $0x1;
	_ =	swait.ge [sflag:s11], $0x2000  }
0x23: {  	s31 =	sand.u32 $0x1, s30;
	s21 =	simm.s32 $0x2;
	[sflag:s11] =	ssyncset.done $0x0  }
0x24: {  	s19 =	simm.s32 $0x2800;
	s22 =	sxor.u32 $0x1, s31;
	[sflag:s11] =	ssyncadd.s32 $0xFFFFE000  }
0x25: {  	s20 =	sshll.u32 s31, $0xD;
	s23 =	sshll.u32 s22, $0xD;
	_ =	swait.ge [sflag:s17], $0x2000  }
0x26: {  	s22 =	sadd.s32 $0x1, s22;
	s18 =	simm.s32 $0x100;
	[sflag:s17] =	ssyncset.done $0x0  }
.LBB2_2:
0x27: {  	s23 =	sor.u32 $0x4F00, s23;
	[sflag:s17] =	ssyncadd.s32 $0xFFFFE000  }
0x28: {  	s24 =	smov.u32 s21;
	s25 =	sadd.s32 $0x1, s21;
	s17 =	smov.u32 s22  }
0x29: {  	[tilespmem:s23], [sflag:s17] =	stream.indirect.gather [hbm4b:s4+s13], $0x40, s18, s13, $0xb8;
	[tilespmem:$0x12D00] =	vst v63  }
0x2a: {  	p0 =	sne.s32 s21, $0x4D;
	s20 =	sor.u32 $0x4F00, s20  }
0x2b: {  	[spmem:s2] =	stream.indirect.scatter.add.f32 [tilespmem:s20], [sflag:$0x3], $0x40, s19, s13, $0xb8;
	[tilespmem:$0x12D00] =	vst v63  }
.Ltmp0:
0x2c: {  	_ =	swait.ge [sflag:s11], $0x2000;
	(pc) =	sbr.rel @p0 .LBB2_2-.Ltmp0, $4  }
0x2d: {  	s18 =	sadd.s32 $0x80, s18;
	s20 =	sand.u32 $0x1, s24;
	[sflag:s11] =	ssyncset.done $0x0  }
0x2e: {  	s19 =	sadd.s32 $0x80, s19;
	s21 =	sxor.u32 $0x1, s20;
	[sflag:s11] =	ssyncadd.s32 $0xFFFFE000  }
0x2f: {  	s20 =	sshll.u32 s20, $0xD;
	s23 =	sshll.u32 s21, $0xD;
	_ =	swait.ge [sflag:s17], $0x2000  }
0x30: {  	s22 =	sadd.s32 $0x1, s21;
	s21 =	smov.u32 s25;
	[sflag:s17] =	ssyncset.done $0x0  }
0x31: {  	s21 =	sor.u32 $0x4F00, s23;
	[sflag:s17] =	ssyncadd.s32 $0xFFFFE000  }
0x32: {  	[tilespmem:s21], [sflag:s22] =	stream.indirect.gather [hbm4b:s4+s13], $0x40, s18, s13, $0xb8;
	[tilespmem:$0x12D00] =	vst v63  }
0x33: {  	s31 =	sor.u32 $0x4F00, s20  }
0x34: {  	[spmem:s2] =	stream.indirect.scatter.add.f32 [tilespmem:s31], [sflag:$0x3], $0x40, s19, s13, $0xb8;
	[tilespmem:$0x12D00] =	vst v63  }
0x35: {  	_ =	swait.ge [sflag:s11], $0x2000  }
0x36: {  	[sflag:s11] =	ssyncset.done $0x0  }
0x37: {  	[sflag:s11] =	ssyncadd.s32 $0xFFFFE000  }
0x38: {  	_ =	swait.ge [sflag:s22], $0x2000  }
0x39: {  	[sflag:s22] =	ssyncset.done $0x0  }
0x3a: {  	[sflag:s22] =	ssyncadd.s32 $0xFFFFE000  }
0x3b: {  	[spmem:s2] =	stream.indirect.scatter.add.f32 [tilespmem:s12], [sflag:$0x3], $0x40, s14, s13, $0xb8;
	[tilespmem:$0x12D00] =	vst v63  }
0x3c: {  	_ =	swait.ge [sflag:s11], $0x2000  }
0x3d: {  	s16 =	sadd.s32 $0x1, s16;
	[sflag:s11] =	ssyncset.done $0x0  }
0x3e: {  	p0 =	sne.s32 s16, s9;
	[sflag:s11] =	ssyncadd.s32 $0xFFFFE000  }
.Ltmp1:
0x3f: {  	[bflag:$0x0] =	sbarrier.arrive $0xFFFF;
	(pc) =	sbr.rel @p0 .LBB2_1-.Ltmp1, $4  }
0x40: {  	[hbm:s15], [sflag:s6] =	dma.local [spmem:s10], $0x13C0  }
0x41: {  	_ =	swait.ge [sflag:s11], $0x13C0  }
0x42: {  	[sflag:s11] =	ssyncset.done $0x0  }
0x43: {  	[sflag:s11] =	ssyncadd.s32 $0xFFFFEC40  }
0x44: {  	_ =	sfence.sel $0x180000  }
0x45: {  	[bflag:$0x0] =	sbarrier.arrive $0xFFFF  }
0x46: {  	p0 =	sne.s32 s0, $0x0;
	_ =	strace $0x9000004A  }
0x47: {  	s0 =	sadd.s32 @!p0 $0x100000, s1;
	[bflag:$0x2] =	sbarrier.arrive $0xFFFF  }
0x48: {  	[sflag:s0] =	ssyncadd.tile.s32 @!p0 $0x1;
	_ =	shalt  }
.Lfunc_end2:
_tile_overlayer_lowered:
.L_overlay_start_2:
0x49: {  	(tag) =	ssettag $0x2  }
0x4a: {  	s0 =	rddreg [dreg:$0x0];
	s2 =	stileid.u32  }
0x4b: {  	s1 =	rddreg [dreg:$0x1];
	p0 =	sne.s32 s2, $0x0  }
0x4c: {  	s3 =	rddreg [dreg:$0x2];
	[bflag:$0x3] =	sbarrier.arrive $0xFFFF;
	s2 =	simm.s32 @!p0 $0x1C03  }
0x4d: {  	[timem:s3], [sflag:s2] =	dma.local @!p0 [hbm:s0], s1  }
0x4e: {  	s0 =	simm.s32 @!p0 $0x3  }
0x4f: {  	_ =	swait.ge @!p0 [sflag:s0], s1  }
0x50: {  	s1 =	ssub.s32 @!p0 $0x0, s1;
	[sflag:s0] =	ssyncset.done @!p0 $0x0  }
0x51: {  	[sflag:s0] =	ssyncadd.s32 @!p0 s1  }
0x52: {  	[bflag:$0x3] =	sbarrier.arrive $0xFFFF  }
0x53: {  	_ =	shalt  }

// kernel: kernel.29.cloned.1.call-start
scs
__scs_entry_jumppad:
0x0: {  	(pc) =	sbr.rel $0x88, $3  }
0x1: {  	(tag) =	ssettag $0x0;
	lr =	simm.s32 $0x1  }
0x2: {  	[smem:$0x3F7B] =	sst lr;
	_ =	strace $0xD0000000  }
0x3: {  	_ = 	snop  }
0x4: {  	_ = 	snop  }
0x5: {  	_ = 	snop  }
0x6: {  	_ = 	snop  }
0x7: {  	_ = 	snop  }
__scs_overlays_trampoline_lowered:
0x8: {  	[smem:$0x3F8A] =	sst s0  }
0x9: {  	[smem:$0x3F8B] =	sst s1  }
0xa: {  	[smem:$0x3F8C] =	sst s2  }
0xb: {  	[smem:$0x3F8D] =	sst s3  }
0xc: {  	[smem:$0x3F8E] =	sst s4  }
0xd: {  	[smem:$0x3F8F] =	sst s5  }
0xe: {  	[smem:$0x3F90] =	sst s6  }
0xf: {  	[smem:$0x3F91] =	sst s7  }
0x10: {  	[smem:$0x3F92] =	sst s8  }
0x11: {  	[smem:$0x3F93] =	sst s9;
	s0 =	simm.s32 @!p0 $0x0  }
0x12: {  	s1 =	sld [smem:$0x3F79];
	s0 =	simm.s32 @p0 $0x1  }
0x13: {  	[smem:$0x3F94] =	sst s0;
	s0 =	simm.s32 @!p1 $0x0  }
0x14: {  	s2 =	sld [smem:$0x3F78];
	s0 =	simm.s32 @p1 $0x1  }
0x15: {  	[smem:$0x3F95] =	sst s0;
	s0 =	simm.s32 @!p2 $0x0  }
0x16: {  	s3 =	sld [smem:$0x3FDB];
	s0 =	simm.s32 @p2 $0x1  }
0x17: {  	s4 =	simm.s32 $0x1BF5;
	[smem:$0x3F97] =	sst s0  }
0x18: {  	s0 =	sld [smem:$0x3F7A];
	_ =	swait.ge [sflag:s4], $0x0  }
0x19: {  	s7 =	sld [smem:$0x3F7B]  }
0x1a: {  	s8 =	sadd.s32 $0xFFFFE003, lr  }
0x1b: {  	s9 =	sadd.s32 $0xFFFFFEF7, lr;
	s5 =	simm.s32 $0xFFFFFFFF;
	p2 =	slt.u32 s8, $0xFFFFF086  }
0x1c: {  	p1 =	slt.u32 s9, $0xF7A;
	s5 =	simm.s32 @!p2 $0x0  }
0x1d: {  	s5 =	simm.s32 @p1 $0x1;
	p0 =	seq.s32 s7, s2  }
0x1e: {  	s7 =	smul.u32 @!p0 $0xF7A, s2;
	p2 =	seq.s32 @!p0 s5, $0x0  }
0x1f: {  	s9 =	smul.u32 $0xF7A, s1;
	s8 =	simm.s32 @!p0 $0x1BF5;
	p2 =	por !p2, p0  }
0x20: {  	[sflag:s8] =	ssyncset.s32 @!p0 $0xFFFFF086;
	s6 =	sadd.s32 @!p0 s3, s7;
	s7 =	simm.s32 @!p0 $0x108  }
0x21: {  	s3 =	sadd.s32 s3, s9;
	s6 =	sadd.s32 @!p0 $0x88, s6;
	s7 =	simm.s32 @p2 $0x1082  }
0x22: {  	[simem:s7], [sflag:s8] =	dma.local @!p0 [hbm:s6], $0xF7A  }
0x23: {  	s9 =	sor.u32 $0xD0000000, s2;
	s6 =	simm.s32 $0x108;
	_ =	swait.ge @!p0 [sflag:s8], $0x0  }
0x24: {  	s3 =	sadd.s32 $0x88, s3;
	s6 =	simm.s32 @!p1 $0x1082;
	[sflag:s4] =	ssyncset.s32 $0xFFFFF086  }
0x25: {  	[simem:s6], [sflag:s4] =	dma.local [hbm:s3], $0xF7A  }
0x26: {  	[smem:$0x3F7B] =	sst s1;
	(tag) =	ssettag s2;
	_ =	strace s9  }
0x27: {  	s1 =	sld [smem:$0x3F8B]  }
0x28: {  	s2 =	sld [smem:$0x3F8C]  }
0x29: {  	s4 =	sld [smem:$0x3F8E]  }
0x2a: {  	p0 =	seq.s32 s5, $0x0;
	s5 =	sld [smem:$0x3F8F]  }
0x2b: {  	s6 =	sld [smem:$0x3F90]  }
0x2c: {  	s7 =	sld [smem:$0x3F91]  }
0x2d: {  	s3 =	simm.s32 $0x108;
	s8 =	sld [smem:$0x3F92]  }
0x2e: {  	s3 =	simm.s32 @!p0 $0x1082;
	s9 =	sld [smem:$0x3F93]  }
0x2f: {  	lr =	sadd.s32 s0, s3;
	s0 =	sld [smem:$0x3F8A]  }
0x30: {  	s3 =	sld [smem:$0x3F8D]  }
0x31: {  	[smem:$0x3F96] =	sst s10  }
0x32: {  	s10 =	sld [smem:$0x3F94];
	_ =	sdelay $0x3  }
0x33: {  	p0 =	seq.s32 s10, $0x1;
	s10 =	sld [smem:$0x3F96];
	_ =	sdelay $0x3  }
0x34: {  	[smem:$0x3F96] =	sst s10  }
0x35: {  	s10 =	sld [smem:$0x3F95];
	_ =	sdelay $0x3  }
0x36: {  	p1 =	seq.s32 s10, $0x1;
	s10 =	sld [smem:$0x3F96];
	_ =	sdelay $0x3  }
0x37: {  	[smem:$0x3F96] =	sst s10  }
0x38: {  	s10 =	sld [smem:$0x3F97]  }
0x39: {  	_ = 	snop;
	(pc) =	sbr.ind lr, $3  }
0x3a: {  	_ = 	snop  }
0x3b: {  	_ = 	snop  }
0x3c: {  	p2 =	seq.s32 s10, $0x1;
	s10 =	sld [smem:$0x3F96]  }
0x3d: {  	_ =	shalt  }
0x3e: {  	_ =	shalt  }
0x3f: {  	_ =	shalt  }
0x40: {  	_ =	shalt  }
0x41: {  	_ =	shalt  }
0x42: {  	_ =	shalt  }
0x43: {  	_ =	shalt  }
0x44: {  	_ =	shalt  }
0x45: {  	_ =	shalt  }
0x46: {  	_ =	shalt  }
0x47: {  	_ =	shalt  }
0x48: {  	_ =	shalt  }
0x49: {  	_ =	shalt  }
0x4a: {  	_ =	shalt  }
0x4b: {  	_ =	shalt  }
0x4c: {  	_ =	shalt  }
0x4d: {  	_ =	shalt  }
0x4e: {  	_ =	shalt  }
0x4f: {  	_ =	shalt  }
0x50: {  	_ =	shalt  }
0x51: {  	_ =	shalt  }
0x52: {  	_ =	shalt  }
0x53: {  	_ =	shalt  }
0x54: {  	_ =	shalt  }
0x55: {  	_ =	shalt  }
0x56: {  	_ =	shalt  }
0x57: {  	_ =	shalt  }
0x58: {  	_ =	shalt  }
0x59: {  	_ =	shalt  }
0x5a: {  	_ =	shalt  }
0x5b: {  	_ =	shalt  }
0x5c: {  	_ =	shalt  }
0x5d: {  	_ =	shalt  }
0x5e: {  	_ =	shalt  }
0x5f: {  	_ =	shalt  }
0x60: {  	_ =	shalt  }
0x61: {  	_ =	shalt  }
0x62: {  	_ =	shalt  }
0x63: {  	_ =	shalt  }
0x64: {  	_ =	shalt  }
0x65: {  	_ =	shalt  }
0x66: {  	_ =	shalt  }
0x67: {  	_ =	shalt  }
0x68: {  	_ =	shalt  }
0x69: {  	_ =	shalt  }
0x6a: {  	_ =	shalt  }
0x6b: {  	_ =	shalt  }
0x6c: {  	_ =	shalt  }
0x6d: {  	_ =	shalt  }
0x6e: {  	_ =	shalt  }
0x6f: {  	_ =	shalt  }
0x70: {  	_ =	shalt  }
0x71: {  	_ =	shalt  }
0x72: {  	_ =	shalt  }
0x73: {  	_ =	shalt  }
0x74: {  	_ =	shalt  }
0x75: {  	_ =	shalt  }
0x76: {  	_ =	shalt  }
0x77: {  	_ =	shalt  }
0x78: {  	_ =	shalt  }
0x79: {  	_ =	shalt  }
0x7a: {  	_ =	shalt  }
0x7b: {  	_ =	shalt  }
0x7c: {  	_ =	shalt  }
0x7d: {  	_ =	shalt  }
0x7e: {  	_ =	shalt  }
0x7f: {  	_ =	shalt  }
0x80: {  	_ =	shalt  }
0x81: {  	_ =	shalt  }
0x82: {  	_ =	shalt  }
0x83: {  	_ =	shalt  }
0x84: {  	_ =	shalt  }
0x85: {  	_ =	shalt  }
0x86: {  	_ =	shalt  }
0x87: {  	_ =	shalt  }
.Lfunc_end0:
.L_simem_size_0:
called_computation.2_lowered:
.L_overlay_start_0:
0x88: {  	s2 =	sld [smem:$0x3FD9]  }
0x89: {  	s3 =	sld [smem:$0x3FFE];
	_ =	sdelay $0x1  }
0x8a: {  	s1 =	srdreg.scid  }
0x8b: {  	s0 =	sand.u32 $0x1, s1  }
0x8c: {  	s16 =	sshll.u32 s0, $0xA;
	s2 =	sadd.s32 s3, s2  }
0x8d: {  	s2 =	sadd.s32 s2, s16  }
0x8e: {  	[smem:$0x3FA2] =	sst s2  }
0x8f: {  	_ = 	snop  }
0x90: {  	(tm) =	ssettm $0x1  }
0x91: {  	s17 =	sld [smem:$0x3FFB];
	_ =	sdelay $0x3  }
0x92: {  	_ =	strace s17  }
0x93: {  	s2 =	sld [smem:$0x3FFC];
	_ =	sdelay $0x3  }
0x94: {  	_ =	strace s2  }
0x95: {  	s2 =	sld [smem:$0x3FFD];
	_ =	sdelay $0x3  }
0x96: {  	_ =	strace s2  }
0x97: {  	_ =	strace $0x8FFFFFFF  }
0x98: {  	s18 =	sld [smem:$0x3FDB];
	_ =	sdelay $0x1  }
0x99: {  	s19 =	simm.s32 $_scs_section_size  }
0x9a: {  	s4 =	simm.s32 $_size__tile_overlayer_lowered;
	s5 =	simm.s32 $_tile_overlayer_lowered  }
0x9b: {  	s22 =	simm.s32 $0x1BFF;
	s21 =	sshll.u32 s5, $0x1;
	s2 =	sadd.s32 s19, s18  }
0x9c: {  	s6 =	simm.s32 $0x0;
	s20 =	sshll.u32 s4, $0x1;
	s4 =	sadd.s32 s21, s2  }
0x9d: {  	[timem:s6], [sflag:s22] =	dma.local [hbm:s4], s20  }
0x9e: {  	_ =	swait.ge [sflag:s22], s20  }
0x9f: {  	s3 =	ssub.s32 $0x0, s20;
	[sflag:s22] =	ssyncset.done $0x0  }
0xa0: {  	[sflag:s22] =	ssyncadd.s32 s3;
	_ =	sdelay $0x1  }
0xa1: {  	s23 =	simm.s32 $0x1B8B  }
0xa2: {  	_ =	swait.ge [sflag:s23], $0x1  }
0xa3: {  	[sflag:s23] =	ssyncset.done $0x0  }
0xa4: {  	s25 =	simm.s32 $0x1B8E;
	s24 =	sld [smem:$0x3FFE];
	[sflag:s23] =	ssyncadd.s32 $0xFFFFFFFF  }
0xa5: {  	s26 =	simm.s32 $execute0_lowered;
	[smem:$0x3FD2] =	sst s25  }
0xa6: {  	s4 =	sshll.u32 s26, $0x1;
	_ =	strace $0x8000004C;
	[dreg:$0x1] =	wrdreg $0xFFFFFFFF  }
0xa7: {  	s28 =	simm.s32 $_size_execute0_lowered;
	s2 =	sadd.s32 s2, s4;
	[dreg:$0x0] =	wrdreg $0x0  }
0xa8: {  	s4 =	sshll.u32 s28, $0x1;
	[dreg:$0x2] =	wrdreg s2  }
0xa9: {  	[dreg:$0x3] =	wrdreg s4  }
0xaa: {  	[dreg:$0x4] =	wrdreg $0xC0  }
0xab: {  	_ =	task [dreg:s6], $0x5FFFF  }
0xac: {  	[dreg:$0x1] =	wrdreg $0xFFFFFFFF  }
0xad: {  	[dreg:$0x0] =	wrdreg $0x60  }
0xae: {  	[dreg:$0x2] =	wrdreg s24  }
0xaf: {  	[dreg:$0x3] =	wrdreg $0x8F000  }
0xb0: {  	[dreg:$0x4] =	wrdreg $0x9  }
0xb1: {  	_ =	task.clear_ibuf [dreg:s6], $0x5FFFF;
	_ =	strace $0x9000004C  }
0xb2: {  	s29 =	simm.s32 $0x9;
	_ =	strace $0x8000004E  }
0xb3: {  	_ =	swait.ge [sflag:s29], $0x1  }
0xb4: {  	[sflag:s29] =	ssyncadd.s32 $0xFFFFFFFF  }
0xb5: {  	_ =	strace $0x9000004E  }
0xb6: {  	_ =	sfence  }
0xb7: {  	s30 =	sld [smem:$0x0];
	_ =	sdelay $0x2  }
0xb8: {  	s31 =	sshll.u32 s1, $0xD;
	s1 =	sshrl.u32 s1, $0x2  }
0xb9: {  	s3 =	sand.u32 $0x4000, s31;
	s1 =	sadd.s32 s1, s30  }
0xba: {  	s0 =	sor.u32 s3, s0;
	s1 =	sshll.u32 s1, $0x11  }
0xbb: {  	s0 =	sor.u32 s1, s0  }
0xbc: {  	s0 =	sadd.s32 $0x8F2B, s0  }
0xbd: {  	[sflag:s0] =	ssyncadd.remote.s32 $0x1  }
0xbe: {  	_ =	sfence.sel $0xFFFF  }
0xbf: {  	[dreg:$0x0] =	wrdreg $0xFFFFFFFF;
	(pc) =	sbr.abs _section_cstart, $3  }
0xc0: {  	[dreg:$0x1] =	wrdreg $0xFFFFFFFF  }
0xc1: {  	_ =	task.clear_ibuf [dreg:s6], $0x2FFFF;
	_ =	strace $0x9FFFFFFF  }
0xc2: {  	(tm) =	ssettm $0x7FFFFFFF  }
0xc3: {  	_ =	shalt  }
tec
execute0_lowered:
.L_overlay_start_1:
0x0: {  	(tag) =	ssettag $0x1  }
0x1: {  	s5 =	rddreg [dreg:$0x0];
	s1 =	srdreg.scid  }
0x2: {  	s0 =	stileid.u32;
	s2 =	rddreg [dreg:$0x1]  }
0x3: {  	s3 =	simm.s32 $0x0;
	s6 =	sand.u32 $0x1, s1;
	s1 =	rddreg [dreg:$0x2]  }
0x4: {  	s14 =	simm.s32 $0x4E80;
	s4 =	sshll.u32 s0, $0x1;
	[smem:$0x7FF] =	sst s3  }
0x5: {  	s8 =	smul.u32 $0x9E00, s0;
	s31 =	sshll.u32 s0, $0x6;
	s4 =	sor.u32 s6, s4  }
0x6: {  	_ =	strace $0x8000004D;
	s9 =	smul.u32 $0x13C00, s6;
	s6 =	ssub.s32 $0x2, s6  }
0x7: {  	s7 =	smul.u32 $0x4F0, s4;
	s4 =	sadd.s32 $0x7200, s5;
	s15 =	sshrl.u32 s8, $0x3  }
0x8: {  	s30 =	sshrl.u32 s6, $0x1;
	s13 =	sadd.s32 s8, s2;
	s11 =	sadd.s32 s15, s5  }
0x9: {  	s9 =	sadd.s32 s9, s5;
	s12 =	ssub.s32 s6, s30;
	s6 =	sor.u32 $0x1C03, s31  }
0xa: {  	s10 =	sadd.s32 s7, s5;
	s5 =	sadd.s32 $0x4C200, s11;
	s16 =	sadd.s32 $0x5FE00, s9  }
0xb: {  	s9 =	smax.u32 s12, $0x1;
	s11 =	simm.s32 $0x3;
	s12 =	simm.s32 $0x4F00  }
0xc: {  	s7 =	sadd.s32 $0x1AC00, s10;
	s8 =	sadd.s32 $0x2E800, s10;
	s10 =	sshrl.u32 s13, $0x3  }
0xd: {  	s13 =	simm.s32 $0x80;
	s15 =	sadd.s32 s15, s16;
	s16 =	simm.s32 $0x0  }
.LBB2_1:
0xe: {  	[spmem:s10], [sflag:s6] =	dma.local [hbm:s5], $0x13C0  }
0xf: {  	_ =	swait.ge [sflag:s11], $0x13C0  }
0x10: {  	[sflag:s11] =	ssyncset.done $0x0  }
0x11: {  	[sflag:s11] =	ssyncadd.s32 $0xFFFFEC40  }
0x12: {  	[bflag:$0x0] =	sbarrier.arrive $0xFFFF  }
0x13: {  	[tilespmem:s3], [sflag:$0x3] =	stream.linear.gather [hbm4b:s7+s3], $0x2780, $0x38;
	[tilespmem:$0x12D00] =	vst v63  }
0x14: {  	_ =	swait.ge [sflag:s11], $0x2780  }
0x15: {  	[sflag:s11] =	ssyncset.done $0x0  }
0x16: {  	s18 =	simm.s32 $0x2780;
	[sflag:s11] =	ssyncadd.s32 $0xFFFFD880  }
0x17: {  	[tilespmem:s18], [sflag:$0x3] =	stream.linear.gather [hbm4b:s8+s3], $0x2780, $0x38;
	[tilespmem:$0x12D00] =	vst v63  }
0x18: {  	_ =	swait.ge [sflag:s11], $0x2780  }
0x19: {  	[sflag:s11] =	ssyncset.done $0x0  }
0x1a: {  	s17 =	sand.u32 $0x1, s3;
	[sflag:s11] =	ssyncadd.s32 $0xFFFFD880  }
0x1b: {  	[tilespmem:s12], [sflag:$0x3] =	stream.indirect.gather [hbm4b:s4+s13], $0x40, s3, s13, $0xb8;
	[tilespmem:$0x12D00] =	vst v63  }
0x1c: {  	s19 =	sxor.u32 $0x1, s17;
	_ =	swait.ge [sflag:s11], $0x2000  }
0x1d: {  	s21 =	sshll.u32 s17, $0xD;
	s20 =	sshll.u32 s19, $0xD;
	[sflag:s11] =	ssyncset.done $0x0  }
0x1e: {  	s17 =	sadd.s32 $0x1, s19;
	s28 =	sor.u32 $0x4F00, s20;
	[sflag:s11] =	ssyncadd.s32 $0xFFFFE000  }
0x1f: {  	[tilespmem:s28], [sflag:s17] =	stream.indirect.gather [hbm4b:s4+s13], $0x40, s13, s13, $0xb8;
	[tilespmem:$0x12D00] =	vst v63  }
0x20: {  	s29 =	sor.u32 $0x4F00, s21  }
0x21: {  	[spmem:s2] =	stream.indirect.scatter.add.f32 [tilespmem:s29], [sflag:$0x3], $0x40, s18, s13, $0xb8;
	[tilespmem:$0x12D00] =	vst v63  }
0x22: {  	s30 =	simm.s32 $0x1;
	_ =	swait.ge [sflag:s11], $0x2000  }
0x23: {  	s31 =	sand.u32 $0x1, s30;
	s21 =	simm.s32 $0x2;
	[sflag:s11] =	ssyncset.done $0x0  }
0x24: {  	s19 =	simm.s32 $0x2800;
	s22 =	sxor.u32 $0x1, s31;
	[sflag:s11] =	ssyncadd.s32 $0xFFFFE000  }
0x25: {  	s20 =	sshll.u32 s31, $0xD;
	s23 =	sshll.u32 s22, $0xD;
	_ =	swait.ge [sflag:s17], $0x2000  }
0x26: {  	s22 =	sadd.s32 $0x1, s22;
	s18 =	simm.s32 $0x100;
	[sflag:s17] =	ssyncset.done $0x0  }
.LBB2_2:
0x27: {  	s23 =	sor.u32 $0x4F00, s23;
	[sflag:s17] =	ssyncadd.s32 $0xFFFFE000  }
0x28: {  	s24 =	smov.u32 s21;
	s25 =	sadd.s32 $0x1, s21;
	s17 =	smov.u32 s22  }
0x29: {  	[tilespmem:s23], [sflag:s17] =	stream.indirect.gather [hbm4b:s4+s13], $0x40, s18, s13, $0xb8;
	[tilespmem:$0x12D00] =	vst v63  }
0x2a: {  	p0 =	sne.s32 s21, $0x4D;
	s20 =	sor.u32 $0x4F00, s20  }
0x2b: {  	[spmem:s2] =	stream.indirect.scatter.add.f32 [tilespmem:s20], [sflag:$0x3], $0x40, s19, s13, $0xb8;
	[tilespmem:$0x12D00] =	vst v63  }
.Ltmp0:
0x2c: {  	_ =	swait.ge [sflag:s11], $0x2000;
	(pc) =	sbr.rel @p0 .LBB2_2-.Ltmp0, $4  }
0x2d: {  	s18 =	sadd.s32 $0x80, s18;
	s20 =	sand.u32 $0x1, s24;
	[sflag:s11] =	ssyncset.done $0x0  }
0x2e: {  	s19 =	sadd.s32 $0x80, s19;
	s21 =	sxor.u32 $0x1, s20;
	[sflag:s11] =	ssyncadd.s32 $0xFFFFE000  }
0x2f: {  	s20 =	sshll.u32 s20, $0xD;
	s23 =	sshll.u32 s21, $0xD;
	_ =	swait.ge [sflag:s17], $0x2000  }
0x30: {  	s22 =	sadd.s32 $0x1, s21;
	s21 =	smov.u32 s25;
	[sflag:s17] =	ssyncset.done $0x0  }
0x31: {  	s21 =	sor.u32 $0x4F00, s23;
	[sflag:s17] =	ssyncadd.s32 $0xFFFFE000  }
0x32: {  	[tilespmem:s21], [sflag:s22] =	stream.indirect.gather [hbm4b:s4+s13], $0x40, s18, s13, $0xb8;
	[tilespmem:$0x12D00] =	vst v63  }
0x33: {  	s31 =	sor.u32 $0x4F00, s20  }
0x34: {  	[spmem:s2] =	stream.indirect.scatter.add.f32 [tilespmem:s31], [sflag:$0x3], $0x40, s19, s13, $0xb8;
	[tilespmem:$0x12D00] =	vst v63  }
0x35: {  	_ =	swait.ge [sflag:s11], $0x2000  }
0x36: {  	[sflag:s11] =	ssyncset.done $0x0  }
0x37: {  	[sflag:s11] =	ssyncadd.s32 $0xFFFFE000  }
0x38: {  	_ =	swait.ge [sflag:s22], $0x2000  }
0x39: {  	[sflag:s22] =	ssyncset.done $0x0  }
0x3a: {  	[sflag:s22] =	ssyncadd.s32 $0xFFFFE000  }
0x3b: {  	[spmem:s2] =	stream.indirect.scatter.add.f32 [tilespmem:s12], [sflag:$0x3], $0x40, s14, s13, $0xb8;
	[tilespmem:$0x12D00] =	vst v63  }
0x3c: {  	_ =	swait.ge [sflag:s11], $0x2000  }
0x3d: {  	s16 =	sadd.s32 $0x1, s16;
	[sflag:s11] =	ssyncset.done $0x0  }
0x3e: {  	p0 =	sne.s32 s16, s9;
	[sflag:s11] =	ssyncadd.s32 $0xFFFFE000  }
.Ltmp1:
0x3f: {  	[bflag:$0x0] =	sbarrier.arrive $0xFFFF;
	(pc) =	sbr.rel @p0 .LBB2_1-.Ltmp1, $4  }
0x40: {  	[hbm:s15], [sflag:s6] =	dma.local [spmem:s10], $0x13C0  }
0x41: {  	_ =	swait.ge [sflag:s11], $0x13C0  }
0x42: {  	[sflag:s11] =	ssyncset.done $0x0  }
0x43: {  	[sflag:s11] =	ssyncadd.s32 $0xFFFFEC40  }
0x44: {  	_ =	sfence.sel $0x180000  }
0x45: {  	[bflag:$0x0] =	sbarrier.arrive $0xFFFF  }
0x46: {  	p0 =	sne.s32 s0, $0x0;
	_ =	strace $0x9000004D  }
0x47: {  	s0 =	sadd.s32 @!p0 $0x100000, s1;
	[bflag:$0x2] =	sbarrier.arrive $0xFFFF  }
0x48: {  	[sflag:s0] =	ssyncadd.tile.s32 @!p0 $0x1;
	_ =	shalt  }
.Lfunc_end2:
_tile_overlayer_lowered:
.L_overlay_start_2:
0x49: {  	(tag) =	ssettag $0x2  }
0x4a: {  	s0 =	rddreg [dreg:$0x0];
	s2 =	stileid.u32  }
0x4b: {  	s1 =	rddreg [dreg:$0x1];
	p0 =	sne.s32 s2, $0x0  }
0x4c: {  	s3 =	rddreg [dreg:$0x2];
	[bflag:$0x3] =	sbarrier.arrive $0xFFFF;
	s2 =	simm.s32 @!p0 $0x1C03  }
0x4d: {  	[timem:s3], [sflag:s2] =	dma.local @!p0 [hbm:s0], s1  }
0x4e: {  	s0 =	simm.s32 @!p0 $0x3  }
0x4f: {  	_ =	swait.ge @!p0 [sflag:s0], s1  }
0x50: {  	s1 =	ssub.s32 @!p0 $0x0, s1;
	[sflag:s0] =	ssyncset.done @!p0 $0x0  }
0x51: {  	[sflag:s0] =	ssyncadd.s32 @!p0 s1  }
0x52: {  	[bflag:$0x3] =	sbarrier.arrive $0xFFFF  }
0x53: {  	_ =	shalt  }

// kernel: kernel.32.cloned.1.call-start
scs
__scs_entry_jumppad:
0x0: {  	(pc) =	sbr.rel $0x88, $3  }
0x1: {  	(tag) =	ssettag $0x0;
	lr =	simm.s32 $0x1  }
0x2: {  	[smem:$0x3F7B] =	sst lr;
	_ =	strace $0xD0000000  }
0x3: {  	_ = 	snop  }
0x4: {  	_ = 	snop  }
0x5: {  	_ = 	snop  }
0x6: {  	_ = 	snop  }
0x7: {  	_ = 	snop  }
__scs_overlays_trampoline_lowered:
0x8: {  	[smem:$0x3F8A] =	sst s0  }
0x9: {  	[smem:$0x3F8B] =	sst s1  }
0xa: {  	[smem:$0x3F8C] =	sst s2  }
0xb: {  	[smem:$0x3F8D] =	sst s3  }
0xc: {  	[smem:$0x3F8E] =	sst s4  }
0xd: {  	[smem:$0x3F8F] =	sst s5  }
0xe: {  	[smem:$0x3F90] =	sst s6  }
0xf: {  	[smem:$0x3F91] =	sst s7  }
0x10: {  	[smem:$0x3F92] =	sst s8  }
0x11: {  	[smem:$0x3F93] =	sst s9;
	s0 =	simm.s32 @!p0 $0x0  }
0x12: {  	s1 =	sld [smem:$0x3F79];
	s0 =	simm.s32 @p0 $0x1  }
0x13: {  	[smem:$0x3F94] =	sst s0;
	s0 =	simm.s32 @!p1 $0x0  }
0x14: {  	s2 =	sld [smem:$0x3F78];
	s0 =	simm.s32 @p1 $0x1  }
0x15: {  	[smem:$0x3F95] =	sst s0;
	s0 =	simm.s32 @!p2 $0x0  }
0x16: {  	s3 =	sld [smem:$0x3FDB];
	s0 =	simm.s32 @p2 $0x1  }
0x17: {  	s4 =	simm.s32 $0x1BF5;
	[smem:$0x3F97] =	sst s0  }
0x18: {  	s0 =	sld [smem:$0x3F7A];
	_ =	swait.ge [sflag:s4], $0x0  }
0x19: {  	s7 =	sld [smem:$0x3F7B]  }
0x1a: {  	s8 =	sadd.s32 $0xFFFFE003, lr  }
0x1b: {  	s9 =	sadd.s32 $0xFFFFFEF7, lr;
	s5 =	simm.s32 $0xFFFFFFFF;
	p2 =	slt.u32 s8, $0xFFFFF086  }
0x1c: {  	p1 =	slt.u32 s9, $0xF7A;
	s5 =	simm.s32 @!p2 $0x0  }
0x1d: {  	s5 =	simm.s32 @p1 $0x1;
	p0 =	seq.s32 s7, s2  }
0x1e: {  	s7 =	smul.u32 @!p0 $0xF7A, s2;
	p2 =	seq.s32 @!p0 s5, $0x0  }
0x1f: {  	s9 =	smul.u32 $0xF7A, s1;
	s8 =	simm.s32 @!p0 $0x1BF5;
	p2 =	por !p2, p0  }
0x20: {  	[sflag:s8] =	ssyncset.s32 @!p0 $0xFFFFF086;
	s6 =	sadd.s32 @!p0 s3, s7;
	s7 =	simm.s32 @!p0 $0x108  }
0x21: {  	s3 =	sadd.s32 s3, s9;
	s6 =	sadd.s32 @!p0 $0x88, s6;
	s7 =	simm.s32 @p2 $0x1082  }
0x22: {  	[simem:s7], [sflag:s8] =	dma.local @!p0 [hbm:s6], $0xF7A  }
0x23: {  	s9 =	sor.u32 $0xD0000000, s2;
	s6 =	simm.s32 $0x108;
	_ =	swait.ge @!p0 [sflag:s8], $0x0  }
0x24: {  	s3 =	sadd.s32 $0x88, s3;
	s6 =	simm.s32 @!p1 $0x1082;
	[sflag:s4] =	ssyncset.s32 $0xFFFFF086  }
0x25: {  	[simem:s6], [sflag:s4] =	dma.local [hbm:s3], $0xF7A  }
0x26: {  	[smem:$0x3F7B] =	sst s1;
	(tag) =	ssettag s2;
	_ =	strace s9  }
0x27: {  	s1 =	sld [smem:$0x3F8B]  }
0x28: {  	s2 =	sld [smem:$0x3F8C]  }
0x29: {  	s4 =	sld [smem:$0x3F8E]  }
0x2a: {  	p0 =	seq.s32 s5, $0x0;
	s5 =	sld [smem:$0x3F8F]  }
0x2b: {  	s6 =	sld [smem:$0x3F90]  }
0x2c: {  	s7 =	sld [smem:$0x3F91]  }
0x2d: {  	s3 =	simm.s32 $0x108;
	s8 =	sld [smem:$0x3F92]  }
0x2e: {  	s3 =	simm.s32 @!p0 $0x1082;
	s9 =	sld [smem:$0x3F93]  }
0x2f: {  	lr =	sadd.s32 s0, s3;
	s0 =	sld [smem:$0x3F8A]  }
0x30: {  	s3 =	sld [smem:$0x3F8D]  }
0x31: {  	[smem:$0x3F96] =	sst s10  }
0x32: {  	s10 =	sld [smem:$0x3F94];
	_ =	sdelay $0x3  }
0x33: {  	p0 =	seq.s32 s10, $0x1;
	s10 =	sld [smem:$0x3F96];
	_ =	sdelay $0x3  }
0x34: {  	[smem:$0x3F96] =	sst s10  }
0x35: {  	s10 =	sld [smem:$0x3F95];
	_ =	sdelay $0x3  }
0x36: {  	p1 =	seq.s32 s10, $0x1;
	s10 =	sld [smem:$0x3F96];
	_ =	sdelay $0x3  }
0x37: {  	[smem:$0x3F96] =	sst s10  }
0x38: {  	s10 =	sld [smem:$0x3F97]  }
0x39: {  	_ = 	snop;
	(pc) =	sbr.ind lr, $3  }
0x3a: {  	_ = 	snop  }
0x3b: {  	_ = 	snop  }
0x3c: {  	p2 =	seq.s32 s10, $0x1;
	s10 =	sld [smem:$0x3F96]  }
0x3d: {  	_ =	shalt  }
0x3e: {  	_ =	shalt  }
0x3f: {  	_ =	shalt  }
0x40: {  	_ =	shalt  }
0x41: {  	_ =	shalt  }
0x42: {  	_ =	shalt  }
0x43: {  	_ =	shalt  }
0x44: {  	_ =	shalt  }
0x45: {  	_ =	shalt  }
0x46: {  	_ =	shalt  }
0x47: {  	_ =	shalt  }
0x48: {  	_ =	shalt  }
0x49: {  	_ =	shalt  }
0x4a: {  	_ =	shalt  }
0x4b: {  	_ =	shalt  }
0x4c: {  	_ =	shalt  }
0x4d: {  	_ =	shalt  }
0x4e: {  	_ =	shalt  }
0x4f: {  	_ =	shalt  }
0x50: {  	_ =	shalt  }
0x51: {  	_ =	shalt  }
0x52: {  	_ =	shalt  }
0x53: {  	_ =	shalt  }
0x54: {  	_ =	shalt  }
0x55: {  	_ =	shalt  }
0x56: {  	_ =	shalt  }
0x57: {  	_ =	shalt  }
0x58: {  	_ =	shalt  }
0x59: {  	_ =	shalt  }
0x5a: {  	_ =	shalt  }
0x5b: {  	_ =	shalt  }
0x5c: {  	_ =	shalt  }
0x5d: {  	_ =	shalt  }
0x5e: {  	_ =	shalt  }
0x5f: {  	_ =	shalt  }
0x60: {  	_ =	shalt  }
0x61: {  	_ =	shalt  }
0x62: {  	_ =	shalt  }
0x63: {  	_ =	shalt  }
0x64: {  	_ =	shalt  }
0x65: {  	_ =	shalt  }
0x66: {  	_ =	shalt  }
0x67: {  	_ =	shalt  }
0x68: {  	_ =	shalt  }
0x69: {  	_ =	shalt  }
0x6a: {  	_ =	shalt  }
0x6b: {  	_ =	shalt  }
0x6c: {  	_ =	shalt  }
0x6d: {  	_ =	shalt  }
0x6e: {  	_ =	shalt  }
0x6f: {  	_ =	shalt  }
0x70: {  	_ =	shalt  }
0x71: {  	_ =	shalt  }
0x72: {  	_ =	shalt  }
0x73: {  	_ =	shalt  }
0x74: {  	_ =	shalt  }
0x75: {  	_ =	shalt  }
0x76: {  	_ =	shalt  }
0x77: {  	_ =	shalt  }
0x78: {  	_ =	shalt  }
0x79: {  	_ =	shalt  }
0x7a: {  	_ =	shalt  }
0x7b: {  	_ =	shalt  }
0x7c: {  	_ =	shalt  }
0x7d: {  	_ =	shalt  }
0x7e: {  	_ =	shalt  }
0x7f: {  	_ =	shalt  }
0x80: {  	_ =	shalt  }
0x81: {  	_ =	shalt  }
0x82: {  	_ =	shalt  }
0x83: {  	_ =	shalt  }
0x84: {  	_ =	shalt  }
0x85: {  	_ =	shalt  }
0x86: {  	_ =	shalt  }
0x87: {  	_ =	shalt  }
.Lfunc_end0:
.L_simem_size_0:
called_computation.3_lowered:
.L_overlay_start_0:
0x88: {  	s2 =	sld [smem:$0x3FD9]  }
0x89: {  	s3 =	sld [smem:$0x3FFE];
	_ =	sdelay $0x1  }
0x8a: {  	s1 =	srdreg.scid  }
0x8b: {  	s0 =	sand.u32 $0x1, s1  }
0x8c: {  	s16 =	sshll.u32 s0, $0xA;
	s2 =	sadd.s32 s3, s2  }
0x8d: {  	s2 =	sadd.s32 s2, s16  }
0x8e: {  	[smem:$0x3FA2] =	sst s2  }
0x8f: {  	_ = 	snop  }
0x90: {  	(tm) =	ssettm $0x1  }
0x91: {  	s17 =	sld [smem:$0x3FFB];
	_ =	sdelay $0x3  }
0x92: {  	_ =	strace s17  }
0x93: {  	s2 =	sld [smem:$0x3FFC];
	_ =	sdelay $0x3  }
0x94: {  	_ =	strace s2  }
0x95: {  	s2 =	sld [smem:$0x3FFD];
	_ =	sdelay $0x3  }
0x96: {  	_ =	strace s2  }
0x97: {  	_ =	strace $0x8FFFFFFF  }
0x98: {  	s18 =	sld [smem:$0x3FDB];
	_ =	sdelay $0x1  }
0x99: {  	s19 =	simm.s32 $_scs_section_size  }
0x9a: {  	s4 =	simm.s32 $_size__tile_overlayer_lowered;
	s5 =	simm.s32 $_tile_overlayer_lowered  }
0x9b: {  	s22 =	simm.s32 $0x1BFF;
	s21 =	sshll.u32 s5, $0x1;
	s2 =	sadd.s32 s19, s18  }
0x9c: {  	s6 =	simm.s32 $0x0;
	s20 =	sshll.u32 s4, $0x1;
	s4 =	sadd.s32 s21, s2  }
0x9d: {  	[timem:s6], [sflag:s22] =	dma.local [hbm:s4], s20  }
0x9e: {  	_ =	swait.ge [sflag:s22], s20  }
0x9f: {  	s3 =	ssub.s32 $0x0, s20;
	[sflag:s22] =	ssyncset.done $0x0  }
0xa0: {  	[sflag:s22] =	ssyncadd.s32 s3;
	_ =	sdelay $0x1  }
0xa1: {  	s23 =	simm.s32 $0x1B8B  }
0xa2: {  	_ =	swait.ge [sflag:s23], $0x1  }
0xa3: {  	[sflag:s23] =	ssyncset.done $0x0  }
0xa4: {  	s25 =	simm.s32 $0x1B8E;
	s24 =	sld [smem:$0x3FFE];
	[sflag:s23] =	ssyncadd.s32 $0xFFFFFFFF  }
0xa5: {  	s26 =	simm.s32 $execute0_lowered;
	[smem:$0x3FD2] =	sst s25  }
0xa6: {  	s4 =	sshll.u32 s26, $0x1;
	_ =	strace $0x8000004F;
	[dreg:$0x1] =	wrdreg $0xFFFFFFFF  }
0xa7: {  	s28 =	simm.s32 $_size_execute0_lowered;
	s2 =	sadd.s32 s2, s4;
	[dreg:$0x0] =	wrdreg $0x0  }
0xa8: {  	s4 =	sshll.u32 s28, $0x1;
	[dreg:$0x2] =	wrdreg s2  }
0xa9: {  	[dreg:$0x3] =	wrdreg s4  }
0xaa: {  	[dreg:$0x4] =	wrdreg $0xC0  }
0xab: {  	_ =	task [dreg:s6], $0x5FFFF  }
0xac: {  	[dreg:$0x1] =	wrdreg $0xFFFFFFFF  }
0xad: {  	[dreg:$0x0] =	wrdreg $0x60  }
0xae: {  	[dreg:$0x2] =	wrdreg s24  }
0xaf: {  	[dreg:$0x3] =	wrdreg $0x5F000  }
0xb0: {  	[dreg:$0x4] =	wrdreg $0x9  }
0xb1: {  	_ =	task.clear_ibuf [dreg:s6], $0x5FFFF;
	_ =	strace $0x9000004F  }
0xb2: {  	s29 =	simm.s32 $0x9;
	_ =	strace $0x80000051  }
0xb3: {  	_ =	swait.ge [sflag:s29], $0x1  }
0xb4: {  	[sflag:s29] =	ssyncadd.s32 $0xFFFFFFFF  }
0xb5: {  	_ =	strace $0x90000051  }
0xb6: {  	_ =	sfence  }
0xb7: {  	s30 =	sld [smem:$0x0];
	_ =	sdelay $0x2  }
0xb8: {  	s31 =	sshll.u32 s1, $0xD;
	s1 =	sshrl.u32 s1, $0x2  }
0xb9: {  	s3 =	sand.u32 $0x4000, s31;
	s1 =	sadd.s32 s1, s30  }
0xba: {  	s0 =	sor.u32 s3, s0;
	s1 =	sshll.u32 s1, $0x11  }
0xbb: {  	s0 =	sor.u32 s1, s0  }
0xbc: {  	s0 =	sadd.s32 $0x8F2B, s0  }
0xbd: {  	[sflag:s0] =	ssyncadd.remote.s32 $0x1  }
0xbe: {  	_ =	sfence.sel $0xFFFF  }
0xbf: {  	[dreg:$0x0] =	wrdreg $0xFFFFFFFF;
	(pc) =	sbr.abs _section_cstart, $3  }
0xc0: {  	[dreg:$0x1] =	wrdreg $0xFFFFFFFF  }
0xc1: {  	_ =	task.clear_ibuf [dreg:s6], $0x2FFFF;
	_ =	strace $0x9FFFFFFF  }
0xc2: {  	(tm) =	ssettm $0x7FFFFFFF  }
0xc3: {  	_ =	shalt  }
tec
execute0_lowered:
.L_overlay_start_1:
0x0: {  	(tag) =	ssettag $0x1  }
0x1: {  	s5 =	rddreg [dreg:$0x0];
	s1 =	srdreg.scid  }
0x2: {  	s0 =	stileid.u32;
	s2 =	rddreg [dreg:$0x1]  }
0x3: {  	s3 =	simm.s32 $0x0;
	s6 =	sand.u32 $0x1, s1;
	s1 =	rddreg [dreg:$0x2]  }
0x4: {  	s14 =	simm.s32 $0xE80;
	s4 =	sshll.u32 s0, $0x1;
	[smem:$0x7FF] =	sst s3  }
0x5: {  	s8 =	smul.u32 $0x18880, s0;
	s31 =	sshll.u32 s0, $0x6;
	s4 =	sor.u32 s6, s4  }
0x6: {  	_ =	strace $0x80000050;
	s9 =	smul.u32 $0x31100, s6;
	s6 =	ssub.s32 $0x2, s6  }
0x7: {  	s7 =	smul.u32 $0xF0, s4;
	s4 =	sadd.s32 $0x7200, s5;
	s15 =	sshrl.u32 s8, $0x3  }
0x8: {  	s30 =	sshrl.u32 s6, $0x1;
	s13 =	sadd.s32 s8, s2;
	s11 =	sadd.s32 s15, s5  }
0x9: {  	s9 =	sadd.s32 s9, s5;
	s12 =	ssub.s32 s6, s30;
	s6 =	sor.u32 $0x1C03, s31  }
0xa: {  	s10 =	sadd.s32 s7, s5;
	s5 =	sadd.s32 $0x8B200, s11;
	s16 =	sadd.s32 $0xBC400, s9  }
0xb: {  	s9 =	smax.u32 s12, $0x1;
	s11 =	simm.s32 $0x3;
	s12 =	simm.s32 $0xF00  }
0xc: {  	s7 =	sadd.s32 $0x87600, s10;
	s8 =	sadd.s32 $0x89400, s10;
	s10 =	sshrl.u32 s13, $0x3  }
0xd: {  	s13 =	simm.s32 $0x80;
	s15 =	sadd.s32 s15, s16;
	s16 =	simm.s32 $0x0  }
.LBB2_1:
0xe: {  	[spmem:s10], [sflag:s6] =	dma.local [hbm:s5], $0x3110  }
0xf: {  	_ =	swait.ge [sflag:s11], $0x3110  }
0x10: {  	[sflag:s11] =	ssyncset.done $0x0  }
0x11: {  	[sflag:s11] =	ssyncadd.s32 $0xFFFFCEF0  }
0x12: {  	[bflag:$0x0] =	sbarrier.arrive $0xFFFF  }
0x13: {  	[tilespmem:s3], [sflag:$0x3] =	stream.linear.gather [hbm4b:s7+s3], $0x780, $0x38;
	[tilespmem:$0x1E780] =	vst v63  }
0x14: {  	_ =	swait.ge [sflag:s11], $0x780  }
0x15: {  	[sflag:s11] =	ssyncset.done $0x0  }
0x16: {  	s18 =	simm.s32 $0x780;
	[sflag:s11] =	ssyncadd.s32 $0xFFFFF880  }
0x17: {  	[tilespmem:s18], [sflag:$0x3] =	stream.linear.gather [hbm4b:s8+s3], $0x780, $0x38;
	[tilespmem:$0x1E780] =	vst v63  }
0x18: {  	s17 =	sand.u32 $0x1, s3;
	_ =	swait.ge [sflag:s11], $0x780  }
0x19: {  	s19 =	sxor.u32 $0x1, s17;
	[sflag:s11] =	ssyncset.done $0x0  }
0x1a: {  	s29 =	simm.s32 $0x1;
	s20 =	smul.u32 $0xA000, s19;
	[sflag:s11] =	ssyncadd.s32 $0xFFFFF880  }
0x1b: {  	[tilespmem:s12], [sflag:$0x3] =	stream.indirect.gather [hbm4b:s4+s13], $0x50, s3, s13, $0xb8;
	[tilespmem:$0x1E780] =	vst v63  }
0x1c: {  	s21 =	smul.u32 $0xA000, s17;
	s30 =	sand.u32 $0x1, s29;
	_ =	swait.ge [sflag:s11], $0x2800  }
0x1d: {  	s17 =	sadd.s32 $0x1, s19;
	s20 =	sshrl.u32 s20, $0x2;
	[sflag:s11] =	ssyncset.done $0x0  }
0x1e: {  	s28 =	sshrl.u32 s21, $0x2;
	s20 =	sadd.s32 $0xF00, s20;
	[sflag:s11] =	ssyncadd.s32 $0xFFFFD800  }
0x1f: {  	[tilespmem:s20], [sflag:s17] =	stream.indirect.gather [hbm4b:s4+s13], $0x50, s13, s13, $0xb8;
	[tilespmem:$0x1E780] =	vst v63  }
0x20: {  	s31 =	sxor.u32 $0x1, s30;
	s19 =	sadd.s32 $0xF00, s28  }
0x21: {  	[spmem:s2] =	stream.indirect.scatter.add.f32 [tilespmem:s19], [sflag:$0x3], $0x50, s18, s13, $0xb8;
	[tilespmem:$0x1E780] =	vst v63  }
0x22: {  	s23 =	smul.u32 $0xA000, s31;
	_ =	swait.ge [sflag:s11], $0x2800  }
0x23: {  	s22 =	simm.s32 $0x2;
	[sflag:s11] =	ssyncset.done $0x0  }
0x24: {  	s23 =	sshrl.u32 s23, $0x2;
	s18 =	smul.u32 $0xA000, s30;
	[sflag:s11] =	ssyncadd.s32 $0xFFFFD800  }
0x25: {  	s20 =	sadd.s32 $0x1, s31;
	s19 =	simm.s32 $0x800;
	_ =	swait.ge [sflag:s17], $0x2800  }
0x26: {  	s21 =	sshrl.u32 s18, $0x2;
	s18 =	simm.s32 $0x100;
	[sflag:s17] =	ssyncset.done $0x0  }
.LBB2_2:
0x27: {  	s23 =	sadd.s32 $0xF00, s23;
	[sflag:s17] =	ssyncadd.s32 $0xFFFFD800  }
0x28: {  	s24 =	smov.u32 s22;
	s25 =	sadd.s32 $0x1, s22;
	s17 =	smov.u32 s20  }
0x29: {  	[tilespmem:s23], [sflag:s17] =	stream.indirect.gather [hbm4b:s4+s13], $0x50, s18, s13, $0xb8;
	[tilespmem:$0x1E780] =	vst v63  }
0x2a: {  	p0 =	sne.s32 s22, $0xD;
	s20 =	sadd.s32 $0xF00, s21;
	s18 =	sadd.s32 $0x80, s18  }
0x2b: {  	[spmem:s2] =	stream.indirect.scatter.add.f32 [tilespmem:s20], [sflag:$0x3], $0x50, s19, s13, $0xb8;
	[tilespmem:$0x1E780] =	vst v63  }
.Ltmp0:
0x2c: {  	s20 =	sand.u32 $0x1, s24;
	_ =	swait.ge [sflag:s11], $0x2800;
	(pc) =	sbr.rel @p0 .LBB2_2-.Ltmp0, $4  }
0x2d: {  	s21 =	sxor.u32 $0x1, s20;
	s22 =	smul.u32 $0xA000, s20;
	[sflag:s11] =	ssyncset.done $0x0  }
0x2e: {  	s23 =	smul.u32 $0xA000, s21;
	s20 =	sadd.s32 $0x1, s21;
	[sflag:s11] =	ssyncadd.s32 $0xFFFFD800  }
0x2f: {  	s19 =	sadd.s32 $0x80, s19;
	s21 =	sshrl.u32 s22, $0x2;
	_ =	swait.ge [sflag:s17], $0x2800  }
0x30: {  	s22 =	smov.u32 s25;
	s23 =	sshrl.u32 s23, $0x2;
	[sflag:s17] =	ssyncset.done $0x0  }
0x31: {  	s22 =	sadd.s32 $0xF00, s23;
	[sflag:s17] =	ssyncadd.s32 $0xFFFFD800  }
0x32: {  	[tilespmem:s22], [sflag:s20] =	stream.indirect.gather [hbm4b:s4+s13], $0x50, s18, s13, $0xb8;
	[tilespmem:$0x1E780] =	vst v63  }
0x33: {  	s31 =	sadd.s32 $0xF00, s21  }
0x34: {  	[spmem:s2] =	stream.indirect.scatter.add.f32 [tilespmem:s31], [sflag:$0x3], $0x50, s19, s13, $0xb8;
	[tilespmem:$0x1E780] =	vst v63  }
0x35: {  	_ =	swait.ge [sflag:s11], $0x2800  }
0x36: {  	[sflag:s11] =	ssyncset.done $0x0  }
0x37: {  	[sflag:s11] =	ssyncadd.s32 $0xFFFFD800  }
0x38: {  	_ =	swait.ge [sflag:s20], $0x2800  }
0x39: {  	[sflag:s20] =	ssyncset.done $0x0  }
0x3a: {  	[sflag:s20] =	ssyncadd.s32 $0xFFFFD800  }
0x3b: {  	[spmem:s2] =	stream.indirect.scatter.add.f32 [tilespmem:s12], [sflag:$0x3], $0x50, s14, s13, $0xb8;
	[tilespmem:$0x1E780] =	vst v63  }
0x3c: {  	_ =	swait.ge [sflag:s11], $0x2800  }
0x3d: {  	s16 =	sadd.s32 $0x1, s16;
	[sflag:s11] =	ssyncset.done $0x0  }
0x3e: {  	p0 =	sne.s32 s16, s9;
	[sflag:s11] =	ssyncadd.s32 $0xFFFFD800  }
.Ltmp1:
0x3f: {  	[bflag:$0x0] =	sbarrier.arrive $0xFFFF;
	(pc) =	sbr.rel @p0 .LBB2_1-.Ltmp1, $4  }
0x40: {  	[hbm:s15], [sflag:s6] =	dma.local [spmem:s10], $0x3110  }
0x41: {  	_ =	swait.ge [sflag:s11], $0x3110  }
0x42: {  	[sflag:s11] =	ssyncset.done $0x0  }
0x43: {  	[sflag:s11] =	ssyncadd.s32 $0xFFFFCEF0  }
0x44: {  	_ =	sfence.sel $0x180000  }
0x45: {  	[bflag:$0x0] =	sbarrier.arrive $0xFFFF  }
0x46: {  	p0 =	sne.s32 s0, $0x0;
	_ =	strace $0x90000050  }
0x47: {  	s0 =	sadd.s32 @!p0 $0x100000, s1;
	[bflag:$0x2] =	sbarrier.arrive $0xFFFF  }
0x48: {  	[sflag:s0] =	ssyncadd.tile.s32 @!p0 $0x1;
	_ =	shalt  }
.Lfunc_end2:
_tile_overlayer_lowered:
.L_overlay_start_2:
0x49: {  	(tag) =	ssettag $0x2  }
0x4a: {  	s0 =	rddreg [dreg:$0x0];
	s2 =	stileid.u32  }
0x4b: {  	s1 =	rddreg [dreg:$0x1];
	p0 =	sne.s32 s2, $0x0  }
0x4c: {  	s3 =	rddreg [dreg:$0x2];
	[bflag:$0x3] =	sbarrier.arrive $0xFFFF;
	s2 =	simm.s32 @!p0 $0x1C03  }
0x4d: {  	[timem:s3], [sflag:s2] =	dma.local @!p0 [hbm:s0], s1  }
0x4e: {  	s0 =	simm.s32 @!p0 $0x3  }
0x4f: {  	_ =	swait.ge @!p0 [sflag:s0], s1  }
0x50: {  	s1 =	ssub.s32 @!p0 $0x0, s1;
	[sflag:s0] =	ssyncset.done @!p0 $0x0  }
0x51: {  	[sflag:s0] =	ssyncadd.s32 @!p0 s1  }
0x52: {  	[bflag:$0x3] =	sbarrier.arrive $0xFFFF  }
0x53: {  	_ =	shalt  }

// kernel: kernel.35.cloned.1.call-start
scs
__scs_entry_jumppad:
0x0: {  	(pc) =	sbr.rel $0x88, $3  }
0x1: {  	(tag) =	ssettag $0x0;
	lr =	simm.s32 $0x1  }
0x2: {  	[smem:$0x3F7B] =	sst lr;
	_ =	strace $0xD0000000  }
0x3: {  	_ = 	snop  }
0x4: {  	_ = 	snop  }
0x5: {  	_ = 	snop  }
0x6: {  	_ = 	snop  }
0x7: {  	_ = 	snop  }
__scs_overlays_trampoline_lowered:
0x8: {  	[smem:$0x3F8A] =	sst s0  }
0x9: {  	[smem:$0x3F8B] =	sst s1  }
0xa: {  	[smem:$0x3F8C] =	sst s2  }
0xb: {  	[smem:$0x3F8D] =	sst s3  }
0xc: {  	[smem:$0x3F8E] =	sst s4  }
0xd: {  	[smem:$0x3F8F] =	sst s5  }
0xe: {  	[smem:$0x3F90] =	sst s6  }
0xf: {  	[smem:$0x3F91] =	sst s7  }
0x10: {  	[smem:$0x3F92] =	sst s8  }
0x11: {  	[smem:$0x3F93] =	sst s9;
	s0 =	simm.s32 @!p0 $0x0  }
0x12: {  	s1 =	sld [smem:$0x3F79];
	s0 =	simm.s32 @p0 $0x1  }
0x13: {  	[smem:$0x3F94] =	sst s0;
	s0 =	simm.s32 @!p1 $0x0  }
0x14: {  	s2 =	sld [smem:$0x3F78];
	s0 =	simm.s32 @p1 $0x1  }
0x15: {  	[smem:$0x3F95] =	sst s0;
	s0 =	simm.s32 @!p2 $0x0  }
0x16: {  	s3 =	sld [smem:$0x3FDB];
	s0 =	simm.s32 @p2 $0x1  }
0x17: {  	s4 =	simm.s32 $0x1BF5;
	[smem:$0x3F97] =	sst s0  }
0x18: {  	s0 =	sld [smem:$0x3F7A];
	_ =	swait.ge [sflag:s4], $0x0  }
0x19: {  	s7 =	sld [smem:$0x3F7B]  }
0x1a: {  	s8 =	sadd.s32 $0xFFFFE003, lr  }
0x1b: {  	s9 =	sadd.s32 $0xFFFFFEF7, lr;
	s5 =	simm.s32 $0xFFFFFFFF;
	p2 =	slt.u32 s8, $0xFFFFF086  }
0x1c: {  	p1 =	slt.u32 s9, $0xF7A;
	s5 =	simm.s32 @!p2 $0x0  }
0x1d: {  	s5 =	simm.s32 @p1 $0x1;
	p0 =	seq.s32 s7, s2  }
0x1e: {  	s7 =	smul.u32 @!p0 $0xF7A, s2;
	p2 =	seq.s32 @!p0 s5, $0x0  }
0x1f: {  	s9 =	smul.u32 $0xF7A, s1;
	s8 =	simm.s32 @!p0 $0x1BF5;
	p2 =	por !p2, p0  }
0x20: {  	[sflag:s8] =	ssyncset.s32 @!p0 $0xFFFFF086;
	s6 =	sadd.s32 @!p0 s3, s7;
	s7 =	simm.s32 @!p0 $0x108  }
0x21: {  	s3 =	sadd.s32 s3, s9;
	s6 =	sadd.s32 @!p0 $0x88, s6;
	s7 =	simm.s32 @p2 $0x1082  }
0x22: {  	[simem:s7], [sflag:s8] =	dma.local @!p0 [hbm:s6], $0xF7A  }
0x23: {  	s9 =	sor.u32 $0xD0000000, s2;
	s6 =	simm.s32 $0x108;
	_ =	swait.ge @!p0 [sflag:s8], $0x0  }
0x24: {  	s3 =	sadd.s32 $0x88, s3;
	s6 =	simm.s32 @!p1 $0x1082;
	[sflag:s4] =	ssyncset.s32 $0xFFFFF086  }
0x25: {  	[simem:s6], [sflag:s4] =	dma.local [hbm:s3], $0xF7A  }
0x26: {  	[smem:$0x3F7B] =	sst s1;
	(tag) =	ssettag s2;
	_ =	strace s9  }
0x27: {  	s1 =	sld [smem:$0x3F8B]  }
0x28: {  	s2 =	sld [smem:$0x3F8C]  }
0x29: {  	s4 =	sld [smem:$0x3F8E]  }
0x2a: {  	p0 =	seq.s32 s5, $0x0;
	s5 =	sld [smem:$0x3F8F]  }
0x2b: {  	s6 =	sld [smem:$0x3F90]  }
0x2c: {  	s7 =	sld [smem:$0x3F91]  }
0x2d: {  	s3 =	simm.s32 $0x108;
	s8 =	sld [smem:$0x3F92]  }
0x2e: {  	s3 =	simm.s32 @!p0 $0x1082;
	s9 =	sld [smem:$0x3F93]  }
0x2f: {  	lr =	sadd.s32 s0, s3;
	s0 =	sld [smem:$0x3F8A]  }
0x30: {  	s3 =	sld [smem:$0x3F8D]  }
0x31: {  	[smem:$0x3F96] =	sst s10  }
0x32: {  	s10 =	sld [smem:$0x3F94];
	_ =	sdelay $0x3  }
0x33: {  	p0 =	seq.s32 s10, $0x1;
	s10 =	sld [smem:$0x3F96];
	_ =	sdelay $0x3  }
0x34: {  	[smem:$0x3F96] =	sst s10  }
0x35: {  	s10 =	sld [smem:$0x3F95];
	_ =	sdelay $0x3  }
0x36: {  	p1 =	seq.s32 s10, $0x1;
	s10 =	sld [smem:$0x3F96];
	_ =	sdelay $0x3  }
0x37: {  	[smem:$0x3F96] =	sst s10  }
0x38: {  	s10 =	sld [smem:$0x3F97]  }
0x39: {  	_ = 	snop;
	(pc) =	sbr.ind lr, $3  }
0x3a: {  	_ = 	snop  }
0x3b: {  	_ = 	snop  }
0x3c: {  	p2 =	seq.s32 s10, $0x1;
	s10 =	sld [smem:$0x3F96]  }
0x3d: {  	_ =	shalt  }
0x3e: {  	_ =	shalt  }
0x3f: {  	_ =	shalt  }
0x40: {  	_ =	shalt  }
0x41: {  	_ =	shalt  }
0x42: {  	_ =	shalt  }
0x43: {  	_ =	shalt  }
0x44: {  	_ =	shalt  }
0x45: {  	_ =	shalt  }
0x46: {  	_ =	shalt  }
0x47: {  	_ =	shalt  }
0x48: {  	_ =	shalt  }
0x49: {  	_ =	shalt  }
0x4a: {  	_ =	shalt  }
0x4b: {  	_ =	shalt  }
0x4c: {  	_ =	shalt  }
0x4d: {  	_ =	shalt  }
0x4e: {  	_ =	shalt  }
0x4f: {  	_ =	shalt  }
0x50: {  	_ =	shalt  }
0x51: {  	_ =	shalt  }
0x52: {  	_ =	shalt  }
0x53: {  	_ =	shalt  }
0x54: {  	_ =	shalt  }
0x55: {  	_ =	shalt  }
0x56: {  	_ =	shalt  }
0x57: {  	_ =	shalt  }
0x58: {  	_ =	shalt  }
0x59: {  	_ =	shalt  }
0x5a: {  	_ =	shalt  }
0x5b: {  	_ =	shalt  }
0x5c: {  	_ =	shalt  }
0x5d: {  	_ =	shalt  }
0x5e: {  	_ =	shalt  }
0x5f: {  	_ =	shalt  }
0x60: {  	_ =	shalt  }
0x61: {  	_ =	shalt  }
0x62: {  	_ =	shalt  }
0x63: {  	_ =	shalt  }
0x64: {  	_ =	shalt  }
0x65: {  	_ =	shalt  }
0x66: {  	_ =	shalt  }
0x67: {  	_ =	shalt  }
0x68: {  	_ =	shalt  }
0x69: {  	_ =	shalt  }
0x6a: {  	_ =	shalt  }
0x6b: {  	_ =	shalt  }
0x6c: {  	_ =	shalt  }
0x6d: {  	_ =	shalt  }
0x6e: {  	_ =	shalt  }
0x6f: {  	_ =	shalt  }
0x70: {  	_ =	shalt  }
0x71: {  	_ =	shalt  }
0x72: {  	_ =	shalt  }
0x73: {  	_ =	shalt  }
0x74: {  	_ =	shalt  }
0x75: {  	_ =	shalt  }
0x76: {  	_ =	shalt  }
0x77: {  	_ =	shalt  }
0x78: {  	_ =	shalt  }
0x79: {  	_ =	shalt  }
0x7a: {  	_ =	shalt  }
0x7b: {  	_ =	shalt  }
0x7c: {  	_ =	shalt  }
0x7d: {  	_ =	shalt  }
0x7e: {  	_ =	shalt  }
0x7f: {  	_ =	shalt  }
0x80: {  	_ =	shalt  }
0x81: {  	_ =	shalt  }
0x82: {  	_ =	shalt  }
0x83: {  	_ =	shalt  }
0x84: {  	_ =	shalt  }
0x85: {  	_ =	shalt  }
0x86: {  	_ =	shalt  }
0x87: {  	_ =	shalt  }
.Lfunc_end0:
.L_simem_size_0:
called_computation.4_lowered:
.L_overlay_start_0:
0x88: {  	s2 =	sld [smem:$0x3FD9]  }
0x89: {  	s3 =	sld [smem:$0x3FFE];
	_ =	sdelay $0x1  }
0x8a: {  	s1 =	srdreg.scid  }
0x8b: {  	s0 =	sand.u32 $0x1, s1  }
0x8c: {  	s16 =	sshll.u32 s0, $0xA;
	s2 =	sadd.s32 s3, s2  }
0x8d: {  	s2 =	sadd.s32 s2, s16  }
0x8e: {  	[smem:$0x3FA2] =	sst s2  }
0x8f: {  	_ = 	snop  }
0x90: {  	(tm) =	ssettm $0x1  }
0x91: {  	s17 =	sld [smem:$0x3FFB];
	_ =	sdelay $0x3  }
0x92: {  	_ =	strace s17  }
0x93: {  	s2 =	sld [smem:$0x3FFC];
	_ =	sdelay $0x3  }
0x94: {  	_ =	strace s2  }
0x95: {  	s2 =	sld [smem:$0x3FFD];
	_ =	sdelay $0x3  }
0x96: {  	_ =	strace s2  }
0x97: {  	_ =	strace $0x8FFFFFFF  }
0x98: {  	s18 =	sld [smem:$0x3FDB];
	_ =	sdelay $0x1  }
0x99: {  	s19 =	simm.s32 $_scs_section_size  }
0x9a: {  	s4 =	simm.s32 $_size__tile_overlayer_lowered;
	s5 =	simm.s32 $_tile_overlayer_lowered  }
0x9b: {  	s22 =	simm.s32 $0x1BFF;
	s21 =	sshll.u32 s5, $0x1;
	s2 =	sadd.s32 s19, s18  }
0x9c: {  	s6 =	simm.s32 $0x0;
	s20 =	sshll.u32 s4, $0x1;
	s4 =	sadd.s32 s21, s2  }
0x9d: {  	[timem:s6], [sflag:s22] =	dma.local [hbm:s4], s20  }
0x9e: {  	_ =	swait.ge [sflag:s22], s20  }
0x9f: {  	s3 =	ssub.s32 $0x0, s20;
	[sflag:s22] =	ssyncset.done $0x0  }
0xa0: {  	[sflag:s22] =	ssyncadd.s32 s3;
	_ =	sdelay $0x1  }
0xa1: {  	s23 =	simm.s32 $0x1B8B  }
0xa2: {  	_ =	swait.ge [sflag:s23], $0x1  }
0xa3: {  	[sflag:s23] =	ssyncset.done $0x0  }
0xa4: {  	s25 =	simm.s32 $0x1B8E;
	s24 =	sld [smem:$0x3FFE];
	[sflag:s23] =	ssyncadd.s32 $0xFFFFFFFF  }
0xa5: {  	s26 =	simm.s32 $execute0_lowered;
	[smem:$0x3FD2] =	sst s25  }
0xa6: {  	s4 =	sshll.u32 s26, $0x1;
	_ =	strace $0x80000052;
	[dreg:$0x1] =	wrdreg $0xFFFFFFFF  }
0xa7: {  	s28 =	simm.s32 $_size_execute0_lowered;
	s2 =	sadd.s32 s2, s4;
	[dreg:$0x0] =	wrdreg $0x0  }
0xa8: {  	s4 =	sshll.u32 s28, $0x1;
	[dreg:$0x2] =	wrdreg s2  }
0xa9: {  	[dreg:$0x3] =	wrdreg s4  }
0xaa: {  	[dreg:$0x4] =	wrdreg $0xC0  }
0xab: {  	_ =	task [dreg:s6], $0x5FFFF  }
0xac: {  	[dreg:$0x1] =	wrdreg $0xFFFFFFFF  }
0xad: {  	[dreg:$0x0] =	wrdreg $0x60  }
0xae: {  	[dreg:$0x2] =	wrdreg s24  }
0xaf: {  	[dreg:$0x3] =	wrdreg $0x8F000  }
0xb0: {  	[dreg:$0x4] =	wrdreg $0x9  }
0xb1: {  	_ =	task.clear_ibuf [dreg:s6], $0x5FFFF;
	_ =	strace $0x90000052  }
0xb2: {  	s29 =	simm.s32 $0x9;
	_ =	strace $0x80000054  }
0xb3: {  	_ =	swait.ge [sflag:s29], $0x1  }
0xb4: {  	[sflag:s29] =	ssyncadd.s32 $0xFFFFFFFF  }
0xb5: {  	_ =	strace $0x90000054  }
0xb6: {  	_ =	sfence  }
0xb7: {  	s30 =	sld [smem:$0x0];
	_ =	sdelay $0x2  }
0xb8: {  	s31 =	sshll.u32 s1, $0xD;
	s1 =	sshrl.u32 s1, $0x2  }
0xb9: {  	s3 =	sand.u32 $0x4000, s31;
	s1 =	sadd.s32 s1, s30  }
0xba: {  	s0 =	sor.u32 s3, s0;
	s1 =	sshll.u32 s1, $0x11  }
0xbb: {  	s0 =	sor.u32 s1, s0  }
0xbc: {  	s0 =	sadd.s32 $0x8F2B, s0  }
0xbd: {  	[sflag:s0] =	ssyncadd.remote.s32 $0x1  }
0xbe: {  	_ =	sfence.sel $0xFFFF  }
0xbf: {  	[dreg:$0x0] =	wrdreg $0xFFFFFFFF;
	(pc) =	sbr.abs _section_cstart, $3  }
0xc0: {  	[dreg:$0x1] =	wrdreg $0xFFFFFFFF  }
0xc1: {  	_ =	task.clear_ibuf [dreg:s6], $0x2FFFF;
	_ =	strace $0x9FFFFFFF  }
0xc2: {  	(tm) =	ssettm $0x7FFFFFFF  }
0xc3: {  	_ =	shalt  }
tec
execute0_lowered:
.L_overlay_start_1:
0x0: {  	(tag) =	ssettag $0x1  }
0x1: {  	s5 =	rddreg [dreg:$0x0];
	s1 =	srdreg.scid  }
0x2: {  	s0 =	stileid.u32;
	s2 =	rddreg [dreg:$0x1]  }
0x3: {  	s3 =	simm.s32 $0x0;
	s6 =	sand.u32 $0x1, s1;
	s1 =	rddreg [dreg:$0x2]  }
0x4: {  	s14 =	simm.s32 $0x4E80;
	s4 =	sshll.u32 s0, $0x1;
	[smem:$0x7FF] =	sst s3  }
0x5: {  	s8 =	smul.u32 $0x9E00, s0;
	s31 =	sshll.u32 s0, $0x6;
	s4 =	sor.u32 s6, s4  }
0x6: {  	_ =	strace $0x80000053;
	s9 =	smul.u32 $0x13C00, s6;
	s6 =	ssub.s32 $0x2, s6  }
0x7: {  	s7 =	smul.u32 $0x4F0, s4;
	s4 =	sadd.s32 $0x7200, s5;
	s15 =	sshrl.u32 s8, $0x3  }
0x8: {  	s30 =	sshrl.u32 s6, $0x1;
	s13 =	sadd.s32 s8, s2;
	s11 =	sadd.s32 s15, s5  }
0x9: {  	s9 =	sadd.s32 s9, s5;
	s12 =	ssub.s32 s6, s30;
	s6 =	sor.u32 $0x1C03, s31  }
0xa: {  	s10 =	sadd.s32 s7, s5;
	s5 =	sadd.s32 $0x4C200, s11;
	s16 =	sadd.s32 $0xFCE00, s9  }
0xb: {  	s9 =	smax.u32 s12, $0x1;
	s11 =	simm.s32 $0x3;
	s12 =	simm.s32 $0x4F00  }
0xc: {  	s7 =	sadd.s32 $0x2E800, s10;
	s8 =	sadd.s32 $0x38600, s10;
	s10 =	sshrl.u32 s13, $0x3  }
0xd: {  	s13 =	simm.s32 $0x80;
	s15 =	sadd.s32 s15, s16;
	s16 =	simm.s32 $0x0  }
.LBB2_1:
0xe: {  	[spmem:s10], [sflag:s6] =	dma.local [hbm:s5], $0x13C0  }
0xf: {  	_ =	swait.ge [sflag:s11], $0x13C0  }
0x10: {  	[sflag:s11] =	ssyncset.done $0x0  }
0x11: {  	[sflag:s11] =	ssyncadd.s32 $0xFFFFEC40  }
0x12: {  	[bflag:$0x0] =	sbarrier.arrive $0xFFFF  }
0x13: {  	[tilespmem:s3], [sflag:$0x3] =	stream.linear.gather [hbm4b:s7+s3], $0x2780, $0x38;
	[tilespmem:$0x12D00] =	vst v63  }
0x14: {  	_ =	swait.ge [sflag:s11], $0x2780  }
0x15: {  	[sflag:s11] =	ssyncset.done $0x0  }
0x16: {  	s18 =	simm.s32 $0x2780;
	[sflag:s11] =	ssyncadd.s32 $0xFFFFD880  }
0x17: {  	[tilespmem:s18], [sflag:$0x3] =	stream.linear.gather [hbm4b:s8+s3], $0x2780, $0x38;
	[tilespmem:$0x12D00] =	vst v63  }
0x18: {  	_ =	swait.ge [sflag:s11], $0x2780  }
0x19: {  	[sflag:s11] =	ssyncset.done $0x0  }
0x1a: {  	s17 =	sand.u32 $0x1, s3;
	[sflag:s11] =	ssyncadd.s32 $0xFFFFD880  }
0x1b: {  	[tilespmem:s12], [sflag:$0x3] =	stream.indirect.gather [hbm4b:s4+s13], $0x40, s3, s13, $0xb8;
	[tilespmem:$0x12D00] =	vst v63  }
0x1c: {  	s19 =	sxor.u32 $0x1, s17;
	_ =	swait.ge [sflag:s11], $0x2000  }
0x1d: {  	s21 =	sshll.u32 s17, $0xD;
	s20 =	sshll.u32 s19, $0xD;
	[sflag:s11] =	ssyncset.done $0x0  }
0x1e: {  	s17 =	sadd.s32 $0x1, s19;
	s28 =	sor.u32 $0x4F00, s20;
	[sflag:s11] =	ssyncadd.s32 $0xFFFFE000  }
0x1f: {  	[tilespmem:s28], [sflag:s17] =	stream.indirect.gather [hbm4b:s4+s13], $0x40, s13, s13, $0xb8;
	[tilespmem:$0x12D00] =	vst v63  }
0x20: {  	s29 =	sor.u32 $0x4F00, s21  }
0x21: {  	[spmem:s2] =	stream.indirect.scatter.add.f32 [tilespmem:s29], [sflag:$0x3], $0x40, s18, s13, $0xb8;
	[tilespmem:$0x12D00] =	vst v63  }
0x22: {  	s30 =	simm.s32 $0x1;
	_ =	swait.ge [sflag:s11], $0x2000  }
0x23: {  	s31 =	sand.u32 $0x1, s30;
	s21 =	simm.s32 $0x2;
	[sflag:s11] =	ssyncset.done $0x0  }
0x24: {  	s19 =	simm.s32 $0x2800;
	s22 =	sxor.u32 $0x1, s31;
	[sflag:s11] =	ssyncadd.s32 $0xFFFFE000  }
0x25: {  	s20 =	sshll.u32 s31, $0xD;
	s23 =	sshll.u32 s22, $0xD;
	_ =	swait.ge [sflag:s17], $0x2000  }
0x26: {  	s22 =	sadd.s32 $0x1, s22;
	s18 =	simm.s32 $0x100;
	[sflag:s17] =	ssyncset.done $0x0  }
.LBB2_2:
0x27: {  	s23 =	sor.u32 $0x4F00, s23;
	[sflag:s17] =	ssyncadd.s32 $0xFFFFE000  }
0x28: {  	s24 =	smov.u32 s21;
	s25 =	sadd.s32 $0x1, s21;
	s17 =	smov.u32 s22  }
0x29: {  	[tilespmem:s23], [sflag:s17] =	stream.indirect.gather [hbm4b:s4+s13], $0x40, s18, s13, $0xb8;
	[tilespmem:$0x12D00] =	vst v63  }
0x2a: {  	p0 =	sne.s32 s21, $0x4D;
	s20 =	sor.u32 $0x4F00, s20  }
0x2b: {  	[spmem:s2] =	stream.indirect.scatter.add.f32 [tilespmem:s20], [sflag:$0x3], $0x40, s19, s13, $0xb8;
	[tilespmem:$0x12D00] =	vst v63  }
.Ltmp0:
0x2c: {  	_ =	swait.ge [sflag:s11], $0x2000;
	(pc) =	sbr.rel @p0 .LBB2_2-.Ltmp0, $4  }
0x2d: {  	s18 =	sadd.s32 $0x80, s18;
	s20 =	sand.u32 $0x1, s24;
	[sflag:s11] =	ssyncset.done $0x0  }
0x2e: {  	s19 =	sadd.s32 $0x80, s19;
	s21 =	sxor.u32 $0x1, s20;
	[sflag:s11] =	ssyncadd.s32 $0xFFFFE000  }
0x2f: {  	s20 =	sshll.u32 s20, $0xD;
	s23 =	sshll.u32 s21, $0xD;
	_ =	swait.ge [sflag:s17], $0x2000  }
0x30: {  	s22 =	sadd.s32 $0x1, s21;
	s21 =	smov.u32 s25;
	[sflag:s17] =	ssyncset.done $0x0  }
0x31: {  	s21 =	sor.u32 $0x4F00, s23;
	[sflag:s17] =	ssyncadd.s32 $0xFFFFE000  }
0x32: {  	[tilespmem:s21], [sflag:s22] =	stream.indirect.gather [hbm4b:s4+s13], $0x40, s18, s13, $0xb8;
	[tilespmem:$0x12D00] =	vst v63  }
0x33: {  	s31 =	sor.u32 $0x4F00, s20  }
0x34: {  	[spmem:s2] =	stream.indirect.scatter.add.f32 [tilespmem:s31], [sflag:$0x3], $0x40, s19, s13, $0xb8;
	[tilespmem:$0x12D00] =	vst v63  }
0x35: {  	_ =	swait.ge [sflag:s11], $0x2000  }
0x36: {  	[sflag:s11] =	ssyncset.done $0x0  }
0x37: {  	[sflag:s11] =	ssyncadd.s32 $0xFFFFE000  }
0x38: {  	_ =	swait.ge [sflag:s22], $0x2000  }
0x39: {  	[sflag:s22] =	ssyncset.done $0x0  }
0x3a: {  	[sflag:s22] =	ssyncadd.s32 $0xFFFFE000  }
0x3b: {  	[spmem:s2] =	stream.indirect.scatter.add.f32 [tilespmem:s12], [sflag:$0x3], $0x40, s14, s13, $0xb8;
	[tilespmem:$0x12D00] =	vst v63  }
0x3c: {  	_ =	swait.ge [sflag:s11], $0x2000  }
0x3d: {  	s16 =	sadd.s32 $0x1, s16;
	[sflag:s11] =	ssyncset.done $0x0  }
0x3e: {  	p0 =	sne.s32 s16, s9;
	[sflag:s11] =	ssyncadd.s32 $0xFFFFE000  }
.Ltmp1:
0x3f: {  	[bflag:$0x0] =	sbarrier.arrive $0xFFFF;
	(pc) =	sbr.rel @p0 .LBB2_1-.Ltmp1, $4  }
0x40: {  	[hbm:s15], [sflag:s6] =	dma.local [spmem:s10], $0x13C0  }
0x41: {  	_ =	swait.ge [sflag:s11], $0x13C0  }
0x42: {  	[sflag:s11] =	ssyncset.done $0x0  }
0x43: {  	[sflag:s11] =	ssyncadd.s32 $0xFFFFEC40  }
0x44: {  	_ =	sfence.sel $0x180000  }
0x45: {  	[bflag:$0x0] =	sbarrier.arrive $0xFFFF  }
0x46: {  	p0 =	sne.s32 s0, $0x0;
	_ =	strace $0x90000053  }
0x47: {  	s0 =	sadd.s32 @!p0 $0x100000, s1;
	[bflag:$0x2] =	sbarrier.arrive $0xFFFF  }
0x48: {  	[sflag:s0] =	ssyncadd.tile.s32 @!p0 $0x1;
	_ =	shalt  }
.Lfunc_end2:
_tile_overlayer_lowered:
.L_overlay_start_2:
0x49: {  	(tag) =	ssettag $0x2  }
0x4a: {  	s0 =	rddreg [dreg:$0x0];
	s2 =	stileid.u32  }
0x4b: {  	s1 =	rddreg [dreg:$0x1];
	p0 =	sne.s32 s2, $0x0  }
0x4c: {  	s3 =	rddreg [dreg:$0x2];
	[bflag:$0x3] =	sbarrier.arrive $0xFFFF;
	s2 =	simm.s32 @!p0 $0x1C03  }
0x4d: {  	[timem:s3], [sflag:s2] =	dma.local @!p0 [hbm:s0], s1  }
0x4e: {  	s0 =	simm.s32 @!p0 $0x3  }
0x4f: {  	_ =	swait.ge @!p0 [sflag:s0], s1  }
0x50: {  	s1 =	ssub.s32 @!p0 $0x0, s1;
	[sflag:s0] =	ssyncset.done @!p0 $0x0  }
0x51: {  	[sflag:s0] =	ssyncadd.s32 @!p0 s1  }
0x52: {  	[bflag:$0x3] =	sbarrier.arrive $0xFFFF  }
0x53: {  	_ =	shalt  }

// kernel: kernel.38.cloned.1.call-start
scs
__scs_entry_jumppad:
0x0: {  	(pc) =	sbr.rel $0x88, $3  }
0x1: {  	(tag) =	ssettag $0x0;
	lr =	simm.s32 $0x1  }
0x2: {  	[smem:$0x3F7B] =	sst lr;
	_ =	strace $0xD0000000  }
0x3: {  	_ = 	snop  }
0x4: {  	_ = 	snop  }
0x5: {  	_ = 	snop  }
0x6: {  	_ = 	snop  }
0x7: {  	_ = 	snop  }
__scs_overlays_trampoline_lowered:
0x8: {  	[smem:$0x3F8A] =	sst s0  }
0x9: {  	[smem:$0x3F8B] =	sst s1  }
0xa: {  	[smem:$0x3F8C] =	sst s2  }
0xb: {  	[smem:$0x3F8D] =	sst s3  }
0xc: {  	[smem:$0x3F8E] =	sst s4  }
0xd: {  	[smem:$0x3F8F] =	sst s5  }
0xe: {  	[smem:$0x3F90] =	sst s6  }
0xf: {  	[smem:$0x3F91] =	sst s7  }
0x10: {  	[smem:$0x3F92] =	sst s8  }
0x11: {  	[smem:$0x3F93] =	sst s9;
	s0 =	simm.s32 @!p0 $0x0  }
0x12: {  	s1 =	sld [smem:$0x3F79];
	s0 =	simm.s32 @p0 $0x1  }
0x13: {  	[smem:$0x3F94] =	sst s0;
	s0 =	simm.s32 @!p1 $0x0  }
0x14: {  	s2 =	sld [smem:$0x3F78];
	s0 =	simm.s32 @p1 $0x1  }
0x15: {  	[smem:$0x3F95] =	sst s0;
	s0 =	simm.s32 @!p2 $0x0  }
0x16: {  	s3 =	sld [smem:$0x3FDB];
	s0 =	simm.s32 @p2 $0x1  }
0x17: {  	s4 =	simm.s32 $0x1BF5;
	[smem:$0x3F97] =	sst s0  }
0x18: {  	s0 =	sld [smem:$0x3F7A];
	_ =	swait.ge [sflag:s4], $0x0  }
0x19: {  	s7 =	sld [smem:$0x3F7B]  }
0x1a: {  	s8 =	sadd.s32 $0xFFFFE003, lr  }
0x1b: {  	s9 =	sadd.s32 $0xFFFFFEF7, lr;
	s5 =	simm.s32 $0xFFFFFFFF;
	p2 =	slt.u32 s8, $0xFFFFF086  }
0x1c: {  	p1 =	slt.u32 s9, $0xF7A;
	s5 =	simm.s32 @!p2 $0x0  }
0x1d: {  	s5 =	simm.s32 @p1 $0x1;
	p0 =	seq.s32 s7, s2  }
0x1e: {  	s7 =	smul.u32 @!p0 $0xF7A, s2;
	p2 =	seq.s32 @!p0 s5, $0x0  }
0x1f: {  	s9 =	smul.u32 $0xF7A, s1;
	s8 =	simm.s32 @!p0 $0x1BF5;
	p2 =	por !p2, p0  }
0x20: {  	[sflag:s8] =	ssyncset.s32 @!p0 $0xFFFFF086;
	s6 =	sadd.s32 @!p0 s3, s7;
	s7 =	simm.s32 @!p0 $0x108  }
0x21: {  	s3 =	sadd.s32 s3, s9;
	s6 =	sadd.s32 @!p0 $0x88, s6;
	s7 =	simm.s32 @p2 $0x1082  }
0x22: {  	[simem:s7], [sflag:s8] =	dma.local @!p0 [hbm:s6], $0xF7A  }
0x23: {  	s9 =	sor.u32 $0xD0000000, s2;
	s6 =	simm.s32 $0x108;
	_ =	swait.ge @!p0 [sflag:s8], $0x0  }
0x24: {  	s3 =	sadd.s32 $0x88, s3;
	s6 =	simm.s32 @!p1 $0x1082;
	[sflag:s4] =	ssyncset.s32 $0xFFFFF086  }
0x25: {  	[simem:s6], [sflag:s4] =	dma.local [hbm:s3], $0xF7A  }
0x26: {  	[smem:$0x3F7B] =	sst s1;
	(tag) =	ssettag s2;
	_ =	strace s9  }
0x27: {  	s1 =	sld [smem:$0x3F8B]  }
0x28: {  	s2 =	sld [smem:$0x3F8C]  }
0x29: {  	s4 =	sld [smem:$0x3F8E]  }
0x2a: {  	p0 =	seq.s32 s5, $0x0;
	s5 =	sld [smem:$0x3F8F]  }
0x2b: {  	s6 =	sld [smem:$0x3F90]  }
0x2c: {  	s7 =	sld [smem:$0x3F91]  }
0x2d: {  	s3 =	simm.s32 $0x108;
	s8 =	sld [smem:$0x3F92]  }
0x2e: {  	s3 =	simm.s32 @!p0 $0x1082;
	s9 =	sld [smem:$0x3F93]  }
0x2f: {  	lr =	sadd.s32 s0, s3;
	s0 =	sld [smem:$0x3F8A]  }
0x30: {  	s3 =	sld [smem:$0x3F8D]  }
0x31: {  	[smem:$0x3F96] =	sst s10  }
0x32: {  	s10 =	sld [smem:$0x3F94];
	_ =	sdelay $0x3  }
0x33: {  	p0 =	seq.s32 s10, $0x1;
	s10 =	sld [smem:$0x3F96];
	_ =	sdelay $0x3  }
0x34: {  	[smem:$0x3F96] =	sst s10  }
0x35: {  	s10 =	sld [smem:$0x3F95];
	_ =	sdelay $0x3  }
0x36: {  	p1 =	seq.s32 s10, $0x1;
	s10 =	sld [smem:$0x3F96];
	_ =	sdelay $0x3  }
0x37: {  	[smem:$0x3F96] =	sst s10  }
0x38: {  	s10 =	sld [smem:$0x3F97]  }
0x39: {  	_ = 	snop;
	(pc) =	sbr.ind lr, $3  }
0x3a: {  	_ = 	snop  }
0x3b: {  	_ = 	snop  }
0x3c: {  	p2 =	seq.s32 s10, $0x1;
	s10 =	sld [smem:$0x3F96]  }
0x3d: {  	_ =	shalt  }
0x3e: {  	_ =	shalt  }
0x3f: {  	_ =	shalt  }
0x40: {  	_ =	shalt  }
0x41: {  	_ =	shalt  }
0x42: {  	_ =	shalt  }
0x43: {  	_ =	shalt  }
0x44: {  	_ =	shalt  }
0x45: {  	_ =	shalt  }
0x46: {  	_ =	shalt  }
0x47: {  	_ =	shalt  }
0x48: {  	_ =	shalt  }
0x49: {  	_ =	shalt  }
0x4a: {  	_ =	shalt  }
0x4b: {  	_ =	shalt  }
0x4c: {  	_ =	shalt  }
0x4d: {  	_ =	shalt  }
0x4e: {  	_ =	shalt  }
0x4f: {  	_ =	shalt  }
0x50: {  	_ =	shalt  }
0x51: {  	_ =	shalt  }
0x52: {  	_ =	shalt  }
0x53: {  	_ =	shalt  }
0x54: {  	_ =	shalt  }
0x55: {  	_ =	shalt  }
0x56: {  	_ =	shalt  }
0x57: {  	_ =	shalt  }
0x58: {  	_ =	shalt  }
0x59: {  	_ =	shalt  }
0x5a: {  	_ =	shalt  }
0x5b: {  	_ =	shalt  }
0x5c: {  	_ =	shalt  }
0x5d: {  	_ =	shalt  }
0x5e: {  	_ =	shalt  }
0x5f: {  	_ =	shalt  }
0x60: {  	_ =	shalt  }
0x61: {  	_ =	shalt  }
0x62: {  	_ =	shalt  }
0x63: {  	_ =	shalt  }
0x64: {  	_ =	shalt  }
0x65: {  	_ =	shalt  }
0x66: {  	_ =	shalt  }
0x67: {  	_ =	shalt  }
0x68: {  	_ =	shalt  }
0x69: {  	_ =	shalt  }
0x6a: {  	_ =	shalt  }
0x6b: {  	_ =	shalt  }
0x6c: {  	_ =	shalt  }
0x6d: {  	_ =	shalt  }
0x6e: {  	_ =	shalt  }
0x6f: {  	_ =	shalt  }
0x70: {  	_ =	shalt  }
0x71: {  	_ =	shalt  }
0x72: {  	_ =	shalt  }
0x73: {  	_ =	shalt  }
0x74: {  	_ =	shalt  }
0x75: {  	_ =	shalt  }
0x76: {  	_ =	shalt  }
0x77: {  	_ =	shalt  }
0x78: {  	_ =	shalt  }
0x79: {  	_ =	shalt  }
0x7a: {  	_ =	shalt  }
0x7b: {  	_ =	shalt  }
0x7c: {  	_ =	shalt  }
0x7d: {  	_ =	shalt  }
0x7e: {  	_ =	shalt  }
0x7f: {  	_ =	shalt  }
0x80: {  	_ =	shalt  }
0x81: {  	_ =	shalt  }
0x82: {  	_ =	shalt  }
0x83: {  	_ =	shalt  }
0x84: {  	_ =	shalt  }
0x85: {  	_ =	shalt  }
0x86: {  	_ =	shalt  }
0x87: {  	_ =	shalt  }
.Lfunc_end0:
.L_simem_size_0:
called_computation.5_lowered:
.L_overlay_start_0:
0x88: {  	s2 =	sld [smem:$0x3FD9]  }
0x89: {  	s3 =	sld [smem:$0x3FFE];
	_ =	sdelay $0x1  }
0x8a: {  	s1 =	srdreg.scid  }
0x8b: {  	s0 =	sand.u32 $0x1, s1  }
0x8c: {  	s16 =	sshll.u32 s0, $0xA;
	s2 =	sadd.s32 s3, s2  }
0x8d: {  	s2 =	sadd.s32 s2, s16  }
0x8e: {  	[smem:$0x3FA2] =	sst s2  }
0x8f: {  	_ = 	snop  }
0x90: {  	(tm) =	ssettm $0x1  }
0x91: {  	s17 =	sld [smem:$0x3FFB];
	_ =	sdelay $0x3  }
0x92: {  	_ =	strace s17  }
0x93: {  	s2 =	sld [smem:$0x3FFC];
	_ =	sdelay $0x3  }
0x94: {  	_ =	strace s2  }
0x95: {  	s2 =	sld [smem:$0x3FFD];
	_ =	sdelay $0x3  }
0x96: {  	_ =	strace s2  }
0x97: {  	_ =	strace $0x8FFFFFFF  }
0x98: {  	s18 =	sld [smem:$0x3FDB];
	_ =	sdelay $0x1  }
0x99: {  	s19 =	simm.s32 $_scs_section_size  }
0x9a: {  	s4 =	simm.s32 $_size__tile_overlayer_lowered;
	s5 =	simm.s32 $_tile_overlayer_lowered  }
0x9b: {  	s22 =	simm.s32 $0x1BFF;
	s21 =	sshll.u32 s5, $0x1;
	s2 =	sadd.s32 s19, s18  }
0x9c: {  	s6 =	simm.s32 $0x0;
	s20 =	sshll.u32 s4, $0x1;
	s4 =	sadd.s32 s21, s2  }
0x9d: {  	[timem:s6], [sflag:s22] =	dma.local [hbm:s4], s20  }
0x9e: {  	_ =	swait.ge [sflag:s22], s20  }
0x9f: {  	s3 =	ssub.s32 $0x0, s20;
	[sflag:s22] =	ssyncset.done $0x0  }
0xa0: {  	[sflag:s22] =	ssyncadd.s32 s3;
	_ =	sdelay $0x1  }
0xa1: {  	s23 =	simm.s32 $0x1B8B  }
0xa2: {  	_ =	swait.ge [sflag:s23], $0x1  }
0xa3: {  	[sflag:s23] =	ssyncset.done $0x0  }
0xa4: {  	s25 =	simm.s32 $0x1B8E;
	s24 =	sld [smem:$0x3FFE];
	[sflag:s23] =	ssyncadd.s32 $0xFFFFFFFF  }
0xa5: {  	s26 =	simm.s32 $execute0_lowered;
	[smem:$0x3FD2] =	sst s25  }
0xa6: {  	s4 =	sshll.u32 s26, $0x1;
	_ =	strace $0x80000055;
	[dreg:$0x1] =	wrdreg $0xFFFFFFFF  }
0xa7: {  	s28 =	simm.s32 $_size_execute0_lowered;
	s2 =	sadd.s32 s2, s4;
	[dreg:$0x0] =	wrdreg $0x0  }
0xa8: {  	s4 =	sshll.u32 s28, $0x1;
	[dreg:$0x2] =	wrdreg s2  }
0xa9: {  	[dreg:$0x3] =	wrdreg s4  }
0xaa: {  	[dreg:$0x4] =	wrdreg $0xC0  }
0xab: {  	_ =	task [dreg:s6], $0x5FFFF  }
0xac: {  	[dreg:$0x1] =	wrdreg $0xFFFFFFFF  }
0xad: {  	[dreg:$0x0] =	wrdreg $0x60  }
0xae: {  	[dreg:$0x2] =	wrdreg s24  }
0xaf: {  	[dreg:$0x3] =	wrdreg $0x8F000  }
0xb0: {  	[dreg:$0x4] =	wrdreg $0x9  }
0xb1: {  	_ =	task.clear_ibuf [dreg:s6], $0x5FFFF;
	_ =	strace $0x90000055  }
0xb2: {  	s29 =	simm.s32 $0x9;
	_ =	strace $0x80000057  }
0xb3: {  	_ =	swait.ge [sflag:s29], $0x1  }
0xb4: {  	[sflag:s29] =	ssyncadd.s32 $0xFFFFFFFF  }
0xb5: {  	_ =	strace $0x90000057  }
0xb6: {  	_ =	sfence  }
0xb7: {  	s30 =	sld [smem:$0x0];
	_ =	sdelay $0x2  }
0xb8: {  	s31 =	sshll.u32 s1, $0xD;
	s1 =	sshrl.u32 s1, $0x2  }
0xb9: {  	s3 =	sand.u32 $0x4000, s31;
	s1 =	sadd.s32 s1, s30  }
0xba: {  	s0 =	sor.u32 s3, s0;
	s1 =	sshll.u32 s1, $0x11  }
0xbb: {  	s0 =	sor.u32 s1, s0  }
0xbc: {  	s0 =	sadd.s32 $0x8F2B, s0  }
0xbd: {  	[sflag:s0] =	ssyncadd.remote.s32 $0x1  }
0xbe: {  	_ =	sfence.sel $0xFFFF  }
0xbf: {  	[dreg:$0x0] =	wrdreg $0xFFFFFFFF;
	(pc) =	sbr.abs _section_cstart, $3  }
0xc0: {  	[dreg:$0x1] =	wrdreg $0xFFFFFFFF  }
0xc1: {  	_ =	task.clear_ibuf [dreg:s6], $0x2FFFF;
	_ =	strace $0x9FFFFFFF  }
0xc2: {  	(tm) =	ssettm $0x7FFFFFFF  }
0xc3: {  	_ =	shalt  }
tec
execute0_lowered:
.L_overlay_start_1:
0x0: {  	(tag) =	ssettag $0x1  }
0x1: {  	s5 =	rddreg [dreg:$0x0];
	s1 =	srdreg.scid  }
0x2: {  	s0 =	stileid.u32;
	s2 =	rddreg [dreg:$0x1]  }
0x3: {  	s3 =	simm.s32 $0x0;
	s6 =	sand.u32 $0x1, s1;
	s1 =	rddreg [dreg:$0x2]  }
0x4: {  	s14 =	simm.s32 $0x4E80;
	s4 =	sshll.u32 s0, $0x1;
	[smem:$0x7FF] =	sst s3  }
0x5: {  	s8 =	smul.u32 $0x9E00, s0;
	s31 =	sshll.u32 s0, $0x6;
	s4 =	sor.u32 s6, s4  }
0x6: {  	_ =	strace $0x80000056;
	s9 =	smul.u32 $0x13C00, s6;
	s6 =	ssub.s32 $0x2, s6  }
0x7: {  	s7 =	smul.u32 $0x4F0, s4;
	s4 =	sadd.s32 $0x7200, s5;
	s15 =	sshrl.u32 s8, $0x3  }
0x8: {  	s30 =	sshrl.u32 s6, $0x1;
	s13 =	sadd.s32 s8, s2;
	s11 =	sadd.s32 s15, s5  }
0x9: {  	s9 =	sadd.s32 s9, s5;
	s12 =	ssub.s32 s6, s30;
	s6 =	sor.u32 $0x1C03, s31  }
0xa: {  	s10 =	sadd.s32 s7, s5;
	s5 =	sadd.s32 $0x4C200, s11;
	s16 =	sadd.s32 $0x199200, s9  }
0xb: {  	s9 =	smax.u32 s12, $0x1;
	s11 =	simm.s32 $0x3;
	s12 =	simm.s32 $0x4F00  }
0xc: {  	s7 =	sadd.s32 $0x2E800, s10;
	s8 =	sadd.s32 $0x38600, s10;
	s10 =	sshrl.u32 s13, $0x3  }
0xd: {  	s13 =	simm.s32 $0x80;
	s15 =	sadd.s32 s15, s16;
	s16 =	simm.s32 $0x0  }
.LBB2_1:
0xe: {  	[spmem:s10], [sflag:s6] =	dma.local [hbm:s5], $0x13C0  }
0xf: {  	_ =	swait.ge [sflag:s11], $0x13C0  }
0x10: {  	[sflag:s11] =	ssyncset.done $0x0  }
0x11: {  	[sflag:s11] =	ssyncadd.s32 $0xFFFFEC40  }
0x12: {  	[bflag:$0x0] =	sbarrier.arrive $0xFFFF  }
0x13: {  	[tilespmem:s3], [sflag:$0x3] =	stream.linear.gather [hbm4b:s7+s3], $0x2780, $0x38;
	[tilespmem:$0x12D00] =	vst v63  }
0x14: {  	_ =	swait.ge [sflag:s11], $0x2780  }
0x15: {  	[sflag:s11] =	ssyncset.done $0x0  }
0x16: {  	s18 =	simm.s32 $0x2780;
	[sflag:s11] =	ssyncadd.s32 $0xFFFFD880  }
0x17: {  	[tilespmem:s18], [sflag:$0x3] =	stream.linear.gather [hbm4b:s8+s3], $0x2780, $0x38;
	[tilespmem:$0x12D00] =	vst v63  }
0x18: {  	_ =	swait.ge [sflag:s11], $0x2780  }
0x19: {  	[sflag:s11] =	ssyncset.done $0x0  }
0x1a: {  	s17 =	sand.u32 $0x1, s3;
	[sflag:s11] =	ssyncadd.s32 $0xFFFFD880  }
0x1b: {  	[tilespmem:s12], [sflag:$0x3] =	stream.indirect.gather [hbm4b:s4+s13], $0x40, s3, s13, $0xb8;
	[tilespmem:$0x12D00] =	vst v63  }
0x1c: {  	s19 =	sxor.u32 $0x1, s17;
	_ =	swait.ge [sflag:s11], $0x2000  }
0x1d: {  	s21 =	sshll.u32 s17, $0xD;
	s20 =	sshll.u32 s19, $0xD;
	[sflag:s11] =	ssyncset.done $0x0  }
0x1e: {  	s17 =	sadd.s32 $0x1, s19;
	s28 =	sor.u32 $0x4F00, s20;
	[sflag:s11] =	ssyncadd.s32 $0xFFFFE000  }
0x1f: {  	[tilespmem:s28], [sflag:s17] =	stream.indirect.gather [hbm4b:s4+s13], $0x40, s13, s13, $0xb8;
	[tilespmem:$0x12D00] =	vst v63  }
0x20: {  	s29 =	sor.u32 $0x4F00, s21  }
0x21: {  	[spmem:s2] =	stream.indirect.scatter.add.f32 [tilespmem:s29], [sflag:$0x3], $0x40, s18, s13, $0xb8;
	[tilespmem:$0x12D00] =	vst v63  }
0x22: {  	s30 =	simm.s32 $0x1;
	_ =	swait.ge [sflag:s11], $0x2000  }
0x23: {  	s31 =	sand.u32 $0x1, s30;
	s21 =	simm.s32 $0x2;
	[sflag:s11] =	ssyncset.done $0x0  }
0x24: {  	s19 =	simm.s32 $0x2800;
	s22 =	sxor.u32 $0x1, s31;
	[sflag:s11] =	ssyncadd.s32 $0xFFFFE000  }
0x25: {  	s20 =	sshll.u32 s31, $0xD;
	s23 =	sshll.u32 s22, $0xD;
	_ =	swait.ge [sflag:s17], $0x2000  }
0x26: {  	s22 =	sadd.s32 $0x1, s22;
	s18 =	simm.s32 $0x100;
	[sflag:s17] =	ssyncset.done $0x0  }
.LBB2_2:
0x27: {  	s23 =	sor.u32 $0x4F00, s23;
	[sflag:s17] =	ssyncadd.s32 $0xFFFFE000  }
0x28: {  	s24 =	smov.u32 s21;
	s25 =	sadd.s32 $0x1, s21;
	s17 =	smov.u32 s22  }
0x29: {  	[tilespmem:s23], [sflag:s17] =	stream.indirect.gather [hbm4b:s4+s13], $0x40, s18, s13, $0xb8;
	[tilespmem:$0x12D00] =	vst v63  }
0x2a: {  	p0 =	sne.s32 s21, $0x4D;
	s20 =	sor.u32 $0x4F00, s20  }
0x2b: {  	[spmem:s2] =	stream.indirect.scatter.add.f32 [tilespmem:s20], [sflag:$0x3], $0x40, s19, s13, $0xb8;
	[tilespmem:$0x12D00] =	vst v63  }
.Ltmp0:
0x2c: {  	_ =	swait.ge [sflag:s11], $0x2000;
	(pc) =	sbr.rel @p0 .LBB2_2-.Ltmp0, $4  }
0x2d: {  	s18 =	sadd.s32 $0x80, s18;
	s20 =	sand.u32 $0x1, s24;
	[sflag:s11] =	ssyncset.done $0x0  }
0x2e: {  	s19 =	sadd.s32 $0x80, s19;
	s21 =	sxor.u32 $0x1, s20;
	[sflag:s11] =	ssyncadd.s32 $0xFFFFE000  }
0x2f: {  	s20 =	sshll.u32 s20, $0xD;
	s23 =	sshll.u32 s21, $0xD;
	_ =	swait.ge [sflag:s17], $0x2000  }
0x30: {  	s22 =	sadd.s32 $0x1, s21;
	s21 =	smov.u32 s25;
	[sflag:s17] =	ssyncset.done $0x0  }
0x31: {  	s21 =	sor.u32 $0x4F00, s23;
	[sflag:s17] =	ssyncadd.s32 $0xFFFFE000  }
0x32: {  	[tilespmem:s21], [sflag:s22] =	stream.indirect.gather [hbm4b:s4+s13], $0x40, s18, s13, $0xb8;
	[tilespmem:$0x12D00] =	vst v63  }
0x33: {  	s31 =	sor.u32 $0x4F00, s20  }
0x34: {  	[spmem:s2] =	stream.indirect.scatter.add.f32 [tilespmem:s31], [sflag:$0x3], $0x40, s19, s13, $0xb8;
	[tilespmem:$0x12D00] =	vst v63  }
0x35: {  	_ =	swait.ge [sflag:s11], $0x2000  }
0x36: {  	[sflag:s11] =	ssyncset.done $0x0  }
0x37: {  	[sflag:s11] =	ssyncadd.s32 $0xFFFFE000  }
0x38: {  	_ =	swait.ge [sflag:s22], $0x2000  }
0x39: {  	[sflag:s22] =	ssyncset.done $0x0  }
0x3a: {  	[sflag:s22] =	ssyncadd.s32 $0xFFFFE000  }
0x3b: {  	[spmem:s2] =	stream.indirect.scatter.add.f32 [tilespmem:s12], [sflag:$0x3], $0x40, s14, s13, $0xb8;
	[tilespmem:$0x12D00] =	vst v63  }
0x3c: {  	_ =	swait.ge [sflag:s11], $0x2000  }
0x3d: {  	s16 =	sadd.s32 $0x1, s16;
	[sflag:s11] =	ssyncset.done $0x0  }
0x3e: {  	p0 =	sne.s32 s16, s9;
	[sflag:s11] =	ssyncadd.s32 $0xFFFFE000  }
.Ltmp1:
0x3f: {  	[bflag:$0x0] =	sbarrier.arrive $0xFFFF;
	(pc) =	sbr.rel @p0 .LBB2_1-.Ltmp1, $4  }
0x40: {  	[hbm:s15], [sflag:s6] =	dma.local [spmem:s10], $0x13C0  }
0x41: {  	_ =	swait.ge [sflag:s11], $0x13C0  }
0x42: {  	[sflag:s11] =	ssyncset.done $0x0  }
0x43: {  	[sflag:s11] =	ssyncadd.s32 $0xFFFFEC40  }
0x44: {  	_ =	sfence.sel $0x180000  }
0x45: {  	[bflag:$0x0] =	sbarrier.arrive $0xFFFF  }
0x46: {  	p0 =	sne.s32 s0, $0x0;
	_ =	strace $0x90000056  }
0x47: {  	s0 =	sadd.s32 @!p0 $0x100000, s1;
	[bflag:$0x2] =	sbarrier.arrive $0xFFFF  }
0x48: {  	[sflag:s0] =	ssyncadd.tile.s32 @!p0 $0x1;
	_ =	shalt  }
.Lfunc_end2:
_tile_overlayer_lowered:
.L_overlay_start_2:
0x49: {  	(tag) =	ssettag $0x2  }
0x4a: {  	s0 =	rddreg [dreg:$0x0];
	s2 =	stileid.u32  }
0x4b: {  	s1 =	rddreg [dreg:$0x1];
	p0 =	sne.s32 s2, $0x0  }
0x4c: {  	s3 =	rddreg [dreg:$0x2];
	[bflag:$0x3] =	sbarrier.arrive $0xFFFF;
	s2 =	simm.s32 @!p0 $0x1C03  }
0x4d: {  	[timem:s3], [sflag:s2] =	dma.local @!p0 [hbm:s0], s1  }
0x4e: {  	s0 =	simm.s32 @!p0 $0x3  }
0x4f: {  	_ =	swait.ge @!p0 [sflag:s0], s1  }
0x50: {  	s1 =	ssub.s32 @!p0 $0x0, s1;
	[sflag:s0] =	ssyncset.done @!p0 $0x0  }
0x51: {  	[sflag:s0] =	ssyncadd.s32 @!p0 s1  }
0x52: {  	[bflag:$0x3] =	sbarrier.arrive $0xFFFF  }
0x53: {  	_ =	shalt  }

// kernel: kernel.41.cloned.1.call-start
scs
__scs_entry_jumppad:
0x0: {  	(pc) =	sbr.rel $0x88, $3  }
0x1: {  	(tag) =	ssettag $0x0;
	lr =	simm.s32 $0x1  }
0x2: {  	[smem:$0x3F7B] =	sst lr;
	_ =	strace $0xD0000000  }
0x3: {  	_ = 	snop  }
0x4: {  	_ = 	snop  }
0x5: {  	_ = 	snop  }
0x6: {  	_ = 	snop  }
0x7: {  	_ = 	snop  }
__scs_overlays_trampoline_lowered:
0x8: {  	[smem:$0x3F8A] =	sst s0  }
0x9: {  	[smem:$0x3F8B] =	sst s1  }
0xa: {  	[smem:$0x3F8C] =	sst s2  }
0xb: {  	[smem:$0x3F8D] =	sst s3  }
0xc: {  	[smem:$0x3F8E] =	sst s4  }
0xd: {  	[smem:$0x3F8F] =	sst s5  }
0xe: {  	[smem:$0x3F90] =	sst s6  }
0xf: {  	[smem:$0x3F91] =	sst s7  }
0x10: {  	[smem:$0x3F92] =	sst s8  }
0x11: {  	[smem:$0x3F93] =	sst s9;
	s0 =	simm.s32 @!p0 $0x0  }
0x12: {  	s1 =	sld [smem:$0x3F79];
	s0 =	simm.s32 @p0 $0x1  }
0x13: {  	[smem:$0x3F94] =	sst s0;
	s0 =	simm.s32 @!p1 $0x0  }
0x14: {  	s2 =	sld [smem:$0x3F78];
	s0 =	simm.s32 @p1 $0x1  }
0x15: {  	[smem:$0x3F95] =	sst s0;
	s0 =	simm.s32 @!p2 $0x0  }
0x16: {  	s3 =	sld [smem:$0x3FDB];
	s0 =	simm.s32 @p2 $0x1  }
0x17: {  	s4 =	simm.s32 $0x1BF5;
	[smem:$0x3F97] =	sst s0  }
0x18: {  	s0 =	sld [smem:$0x3F7A];
	_ =	swait.ge [sflag:s4], $0x0  }
0x19: {  	s7 =	sld [smem:$0x3F7B]  }
0x1a: {  	s8 =	sadd.s32 $0xFFFFE003, lr  }
0x1b: {  	s9 =	sadd.s32 $0xFFFFFEF7, lr;
	s5 =	simm.s32 $0xFFFFFFFF;
	p2 =	slt.u32 s8, $0xFFFFF086  }
0x1c: {  	p1 =	slt.u32 s9, $0xF7A;
	s5 =	simm.s32 @!p2 $0x0  }
0x1d: {  	s5 =	simm.s32 @p1 $0x1;
	p0 =	seq.s32 s7, s2  }
0x1e: {  	s7 =	smul.u32 @!p0 $0xF7A, s2;
	p2 =	seq.s32 @!p0 s5, $0x0  }
0x1f: {  	s9 =	smul.u32 $0xF7A, s1;
	s8 =	simm.s32 @!p0 $0x1BF5;
	p2 =	por !p2, p0  }
0x20: {  	[sflag:s8] =	ssyncset.s32 @!p0 $0xFFFFF086;
	s6 =	sadd.s32 @!p0 s3, s7;
	s7 =	simm.s32 @!p0 $0x108  }
0x21: {  	s3 =	sadd.s32 s3, s9;
	s6 =	sadd.s32 @!p0 $0x88, s6;
	s7 =	simm.s32 @p2 $0x1082  }
0x22: {  	[simem:s7], [sflag:s8] =	dma.local @!p0 [hbm:s6], $0xF7A  }
0x23: {  	s9 =	sor.u32 $0xD0000000, s2;
	s6 =	simm.s32 $0x108;
	_ =	swait.ge @!p0 [sflag:s8], $0x0  }
0x24: {  	s3 =	sadd.s32 $0x88, s3;
	s6 =	simm.s32 @!p1 $0x1082;
	[sflag:s4] =	ssyncset.s32 $0xFFFFF086  }
0x25: {  	[simem:s6], [sflag:s4] =	dma.local [hbm:s3], $0xF7A  }
0x26: {  	[smem:$0x3F7B] =	sst s1;
	(tag) =	ssettag s2;
	_ =	strace s9  }
0x27: {  	s1 =	sld [smem:$0x3F8B]  }
0x28: {  	s2 =	sld [smem:$0x3F8C]  }
0x29: {  	s4 =	sld [smem:$0x3F8E]  }
0x2a: {  	p0 =	seq.s32 s5, $0x0;
	s5 =	sld [smem:$0x3F8F]  }
0x2b: {  	s6 =	sld [smem:$0x3F90]  }
0x2c: {  	s7 =	sld [smem:$0x3F91]  }
0x2d: {  	s3 =	simm.s32 $0x108;
	s8 =	sld [smem:$0x3F92]  }
0x2e: {  	s3 =	simm.s32 @!p0 $0x1082;
	s9 =	sld [smem:$0x3F93]  }
0x2f: {  	lr =	sadd.s32 s0, s3;
	s0 =	sld [smem:$0x3F8A]  }
0x30: {  	s3 =	sld [smem:$0x3F8D]  }
0x31: {  	[smem:$0x3F96] =	sst s10  }
0x32: {  	s10 =	sld [smem:$0x3F94];
	_ =	sdelay $0x3  }
0x33: {  	p0 =	seq.s32 s10, $0x1;
	s10 =	sld [smem:$0x3F96];
	_ =	sdelay $0x3  }
0x34: {  	[smem:$0x3F96] =	sst s10  }
0x35: {  	s10 =	sld [smem:$0x3F95];
	_ =	sdelay $0x3  }
0x36: {  	p1 =	seq.s32 s10, $0x1;
	s10 =	sld [smem:$0x3F96];
	_ =	sdelay $0x3  }
0x37: {  	[smem:$0x3F96] =	sst s10  }
0x38: {  	s10 =	sld [smem:$0x3F97]  }
0x39: {  	_ = 	snop;
	(pc) =	sbr.ind lr, $3  }
0x3a: {  	_ = 	snop  }
0x3b: {  	_ = 	snop  }
0x3c: {  	p2 =	seq.s32 s10, $0x1;
	s10 =	sld [smem:$0x3F96]  }
0x3d: {  	_ =	shalt  }
0x3e: {  	_ =	shalt  }
0x3f: {  	_ =	shalt  }
0x40: {  	_ =	shalt  }
0x41: {  	_ =	shalt  }
0x42: {  	_ =	shalt  }
0x43: {  	_ =	shalt  }
0x44: {  	_ =	shalt  }
0x45: {  	_ =	shalt  }
0x46: {  	_ =	shalt  }
0x47: {  	_ =	shalt  }
0x48: {  	_ =	shalt  }
0x49: {  	_ =	shalt  }
0x4a: {  	_ =	shalt  }
0x4b: {  	_ =	shalt  }
0x4c: {  	_ =	shalt  }
0x4d: {  	_ =	shalt  }
0x4e: {  	_ =	shalt  }
0x4f: {  	_ =	shalt  }
0x50: {  	_ =	shalt  }
0x51: {  	_ =	shalt  }
0x52: {  	_ =	shalt  }
0x53: {  	_ =	shalt  }
0x54: {  	_ =	shalt  }
0x55: {  	_ =	shalt  }
0x56: {  	_ =	shalt  }
0x57: {  	_ =	shalt  }
0x58: {  	_ =	shalt  }
0x59: {  	_ =	shalt  }
0x5a: {  	_ =	shalt  }
0x5b: {  	_ =	shalt  }
0x5c: {  	_ =	shalt  }
0x5d: {  	_ =	shalt  }
0x5e: {  	_ =	shalt  }
0x5f: {  	_ =	shalt  }
0x60: {  	_ =	shalt  }
0x61: {  	_ =	shalt  }
0x62: {  	_ =	shalt  }
0x63: {  	_ =	shalt  }
0x64: {  	_ =	shalt  }
0x65: {  	_ =	shalt  }
0x66: {  	_ =	shalt  }
0x67: {  	_ =	shalt  }
0x68: {  	_ =	shalt  }
0x69: {  	_ =	shalt  }
0x6a: {  	_ =	shalt  }
0x6b: {  	_ =	shalt  }
0x6c: {  	_ =	shalt  }
0x6d: {  	_ =	shalt  }
0x6e: {  	_ =	shalt  }
0x6f: {  	_ =	shalt  }
0x70: {  	_ =	shalt  }
0x71: {  	_ =	shalt  }
0x72: {  	_ =	shalt  }
0x73: {  	_ =	shalt  }
0x74: {  	_ =	shalt  }
0x75: {  	_ =	shalt  }
0x76: {  	_ =	shalt  }
0x77: {  	_ =	shalt  }
0x78: {  	_ =	shalt  }
0x79: {  	_ =	shalt  }
0x7a: {  	_ =	shalt  }
0x7b: {  	_ =	shalt  }
0x7c: {  	_ =	shalt  }
0x7d: {  	_ =	shalt  }
0x7e: {  	_ =	shalt  }
0x7f: {  	_ =	shalt  }
0x80: {  	_ =	shalt  }
0x81: {  	_ =	shalt  }
0x82: {  	_ =	shalt  }
0x83: {  	_ =	shalt  }
0x84: {  	_ =	shalt  }
0x85: {  	_ =	shalt  }
0x86: {  	_ =	shalt  }
0x87: {  	_ =	shalt  }
.Lfunc_end0:
.L_simem_size_0:
called_computation.6_lowered:
.L_overlay_start_0:
0x88: {  	s2 =	sld [smem:$0x3FD9]  }
0x89: {  	s3 =	sld [smem:$0x3FFE];
	_ =	sdelay $0x1  }
0x8a: {  	s1 =	srdreg.scid  }
0x8b: {  	s0 =	sand.u32 $0x1, s1  }
0x8c: {  	s17 =	sshll.u32 s0, $0xA;
	s2 =	sadd.s32 s3, s2  }
0x8d: {  	s2 =	sadd.s32 s2, s17  }
0x8e: {  	[smem:$0x3FA2] =	sst s2  }
0x8f: {  	_ = 	snop  }
0x90: {  	(tm) =	ssettm $0x1  }
0x91: {  	s18 =	sld [smem:$0x3FFB];
	_ =	sdelay $0x3  }
0x92: {  	_ =	strace s18  }
0x93: {  	s2 =	sld [smem:$0x3FFC];
	_ =	sdelay $0x3  }
0x94: {  	_ =	strace s2  }
0x95: {  	s2 =	sld [smem:$0x3FFD];
	_ =	sdelay $0x3  }
0x96: {  	_ =	strace s2  }
0x97: {  	_ =	strace $0x8FFFFFFF  }
0x98: {  	s19 =	sld [smem:$0x3FDB];
	_ =	sdelay $0x1  }
0x99: {  	s20 =	simm.s32 $_scs_section_size  }
0x9a: {  	s4 =	simm.s32 $_size__tile_overlayer_lowered;
	s5 =	simm.s32 $_tile_overlayer_lowered  }
0x9b: {  	s6 =	simm.s32 $0x1BFF;
	s21 =	sshll.u32 s5, $0x1;
	s3 =	sadd.s32 s20, s19  }
0x9c: {  	s22 =	simm.s32 $0x0;
	s4 =	sshll.u32 s4, $0x1;
	s5 =	sadd.s32 s21, s3  }
0x9d: {  	[timem:s22], [sflag:s6] =	dma.local [hbm:s5], s4  }
0x9e: {  	_ =	swait.ge [sflag:s6], s4  }
0x9f: {  	s4 =	ssub.s32 $0x0, s4;
	[sflag:s6] =	ssyncset.done $0x0  }
0xa0: {  	[sflag:s6] =	ssyncadd.s32 s4;
	_ =	sdelay $0x1  }
0xa1: {  	s23 =	simm.s32 $0x1B8B  }
0xa2: {  	_ =	swait.ge [sflag:s23], $0x1  }
0xa3: {  	[sflag:s23] =	ssyncset.done $0x0  }
0xa4: {  	[sflag:s23] =	ssyncadd.s32 $0xFFFFFFFF  }
0xa5: {  	s4 =	sld [smem:$0x0]  }
0xa6: {  	s5 =	sand.u32 $0xFFFFFFFE, s1  }
0xa7: {  	p0 =	sne.s32 s1, s5  }
0xa8: {  	s5 =	sshll.u32 @p0 s5, $0xE  }
0xa9: {  	s5 =	sadd.s32 @p0 $0x11B8D, s5;
	s6 =	sshll.u32 @p0 s4, $0x11  }
0xaa: {  	s5 =	sor.u32 @p0 s6, s5  }
0xab: {  	[sflag:s5] =	ssyncadd.remote.s32 @p0 $0x1;
	_ =	sdelay $0x1  }
0xac: {  	s5 =	simm.s32 @p0 $0x1B8D  }
0xad: {  	_ =	swait.eq @p0 [sflag:s5], $0x1  }
0xae: {  	[sflag:s5] =	ssyncadd.s32 @p0 $0xFFFFFFFF  }
0xaf: {  	s6 =	sshll.u32 @!p0 s1, $0xE  }
0xb0: {  	s6 =	sor.u32 @!p0 $0x4000, s6;
	s5 =	simm.s32 @!p0 $0x1B8D  }
0xb1: {  	s4 =	sshll.u32 @!p0 s4, $0x11;
	s6 =	sadd.s32 @!p0 $0x11B8D, s6;
	_ =	swait.eq @!p0 [sflag:s5], $0x1  }
0xb2: {  	s4 =	sor.u32 @!p0 s4, s6;
	[sflag:s5] =	ssyncadd.s32 @!p0 $0xFFFFFFFF  }
0xb3: {  	s25 =	simm.s32 $0x1B8E;
	s24 =	sld [smem:$0x3FFE];
	[sflag:s4] =	ssyncadd.remote.s32 @!p0 $0x1  }
0xb4: {  	s26 =	simm.s32 $execute0_lowered;
	[smem:$0x3FD2] =	sst s25  }
0xb5: {  	s5 =	sshll.u32 s26, $0x1;
	_ =	strace $0x8000005E;
	[dreg:$0x1] =	wrdreg $0xFFFFFFFF  }
0xb6: {  	s28 =	simm.s32 $_size_execute0_lowered;
	s3 =	sadd.s32 s3, s5;
	[dreg:$0x0] =	wrdreg $0x0  }
0xb7: {  	s5 =	sshll.u32 s28, $0x1;
	[dreg:$0x2] =	wrdreg s3  }
0xb8: {  	[dreg:$0x3] =	wrdreg s5  }
0xb9: {  	[dreg:$0x4] =	wrdreg $0xC0  }
0xba: {  	_ =	task [dreg:s22], $0x5FFFF  }
0xbb: {  	[dreg:$0x1] =	wrdreg $0xFFFFFFFF  }
0xbc: {  	[dreg:$0x0] =	wrdreg $0x60  }
0xbd: {  	[dreg:$0x2] =	wrdreg s24  }
0xbe: {  	[dreg:$0x3] =	wrdreg $0x53000  }
0xbf: {  	[dreg:$0x4] =	wrdreg $0x9  }
0xc0: {  	_ =	task.clear_ibuf [dreg:s22], $0x5FFFF;
	_ =	strace $0x9000005E  }
0xc1: {  	s29 =	simm.s32 $0x9;
	_ =	strace $0x80000060  }
0xc2: {  	_ =	swait.ge [sflag:s29], $0x1  }
0xc3: {  	[sflag:s29] =	ssyncadd.s32 $0xFFFFFFFF  }
0xc4: {  	_ =	strace $0x90000060  }
0xc5: {  	_ =	sfence  }
0xc6: {  	s30 =	sld [smem:$0x0];
	_ =	sdelay $0x2  }
0xc7: {  	s31 =	sshll.u32 s1, $0xD;
	s1 =	sshrl.u32 s1, $0x2  }
0xc8: {  	s4 =	sand.u32 $0x4000, s31;
	s1 =	sadd.s32 s1, s30  }
0xc9: {  	s0 =	sor.u32 s4, s0;
	s1 =	sshll.u32 s1, $0x11  }
0xca: {  	s0 =	sor.u32 s1, s0  }
0xcb: {  	s0 =	sadd.s32 $0x8F2B, s0  }
0xcc: {  	[sflag:s0] =	ssyncadd.remote.s32 $0x1  }
0xcd: {  	_ =	sfence.sel $0xFFFF  }
0xce: {  	[dreg:$0x0] =	wrdreg $0xFFFFFFFF;
	(pc) =	sbr.abs _section_cstart, $3  }
0xcf: {  	[dreg:$0x1] =	wrdreg $0xFFFFFFFF  }
0xd0: {  	_ =	task.clear_ibuf [dreg:s22], $0x2FFFF;
	_ =	strace $0x9FFFFFFF  }
0xd1: {  	(tm) =	ssettm $0x7FFFFFFF  }
tec
execute0_lowered:
.L_overlay_start_1:
0x0: {  	(tag) =	ssettag $0x1  }
0x1: {  	s20 =	rddreg [dreg:$0x0]  }
0x2: {  	s2 =	rddreg [dreg:$0x1];
	s1 =	stileid.u32  }
0x3: {  	s0 =	rddreg [dreg:$0x2];
	s3 =	simm.s32 $0x0;
	s5 =	srdreg.scid  }
0x4: {  	s4 =	smul.u32 $0x280, s1;
	[smem:$0x7FF] =	sst s3  }
0x5: {  	s22 =	sand.u32 $0x1, s5;
	s28 =	sshll.u32 s1, $0x1;
	s30 =	sshll.u32 s1, $0x6  }
0x6: {  	_ =	strace $0x8000005F;
	s8 =	sor.u32 s22, s28;
	s21 =	sshrl.u32 s4, $0x3  }
0x7: {  	s5 =	sor.u32 $0x1C03, s30;
	s6 =	sadd.s32 s4, s2;
	s29 =	sadd.s32 s21, s20  }
0x8: {  	s7 =	sshrl.u32 s6, $0x3;
	s6 =	simm.s32 $0x3;
	s4 =	sadd.s32 $0x3E400, s29  }
0x9: {  	[spmem:s7], [sflag:s5] =	dma.local [hbm:s4], $0x50  }
0xa: {  	s8 =	smul.u32 $0x30, s8;
	_ =	swait.ge [sflag:s6], $0x50  }
0xb: {  	[sflag:s6] =	ssyncset.done $0x0  }
0xc: {  	s9 =	sadd.s32 s8, s20;
	[sflag:s6] =	ssyncadd.s32 $0xFFFFFFB0  }
0xd: {  	s8 =	sadd.s32 $0x24A00, s9;
	[bflag:$0x0] =	sbarrier.arrive $0xFFFF  }
0xe: {  	[tilespmem:s3], [sflag:$0x3] =	stream.linear.gather [hbm4b:s8+s3], $0x180, $0x38;
	[tilespmem:$0x5580] =	vst v63  }
0xf: {  	_ =	swait.ge [sflag:s6], $0x180  }
0x10: {  	[sflag:s6] =	ssyncset.done $0x0  }
0x11: {  	s10 =	simm.s32 $0x180;
	s9 =	sadd.s32 $0x25000, s9;
	[sflag:s6] =	ssyncadd.s32 $0xFFFFFE80  }
0x12: {  	[tilespmem:s10], [sflag:$0x3] =	stream.linear.gather [hbm4b:s9+s3], $0x180, $0x38;
	[tilespmem:$0x5580] =	vst v63  }
0x13: {  	_ =	swait.ge [sflag:s6], $0x180  }
0x14: {  	s12 =	simm.s32 $0x80;
	[sflag:s6] =	ssyncset.done $0x0  }
0x15: {  	s13 =	simm.s32 $0x300;
	s11 =	sadd.s32 $0x25C00, s20;
	[sflag:s6] =	ssyncadd.s32 $0xFFFFFE80  }
0x16: {  	[tilespmem:s13], [sflag:$0x3] =	stream.indirect.gather [hbm4b:s11+s12], $0x50, s3, s12, $0xb8;
	[tilespmem:$0x5580] =	vst v63  }
0x17: {  	_ =	swait.ge [sflag:s6], $0x2800  }
0x18: {  	[sflag:s6] =	ssyncset.done $0x0  }
0x19: {  	s14 =	simm.s32 $0x2B00;
	[sflag:s6] =	ssyncadd.s32 $0xFFFFD800  }
0x1a: {  	[tilespmem:s14], [sflag:$0x2] =	stream.indirect.gather [hbm4b:s11+s12], $0x50, s12, s12, $0xb8;
	[tilespmem:$0x5580] =	vst v63  }
0x1b: {  	_ = 	snop  }
0x1c: {  	[spmem:s2] =	stream.indirect.scatter.add.f32 [tilespmem:s13], [sflag:$0x3], $0x50, s10, s12, $0xb8;
	[tilespmem:$0x5580] =	vst v63  }
0x1d: {  	_ =	swait.ge [sflag:s6], $0x2800  }
0x1e: {  	[sflag:s6] =	ssyncset.done $0x0  }
0x1f: {  	s15 =	simm.s32 $0x2;
	[sflag:s6] =	ssyncadd.s32 $0xFFFFD800  }
0x20: {  	_ =	swait.ge [sflag:s15], $0x2800  }
0x21: {  	[sflag:s15] =	ssyncset.done $0x0  }
0x22: {  	s16 =	simm.s32 $0x100;
	[sflag:s15] =	ssyncadd.s32 $0xFFFFD800  }
0x23: {  	[tilespmem:s13], [sflag:$0x1] =	stream.indirect.gather [hbm4b:s11+s12], $0x50, s16, s12, $0xb8;
	[tilespmem:$0x5580] =	vst v63  }
0x24: {  	s17 =	simm.s32 $0x200  }
0x25: {  	[spmem:s2] =	stream.indirect.scatter.add.f32 [tilespmem:s14], [sflag:$0x3], $0x50, s17, s12, $0xb8;
	[tilespmem:$0x5580] =	vst v63  }
0x26: {  	_ =	swait.ge [sflag:s6], $0x2800  }
0x27: {  	[sflag:s6] =	ssyncset.done $0x0  }
0x28: {  	s18 =	simm.s32 $0x1;
	[sflag:s6] =	ssyncadd.s32 $0xFFFFD800  }
0x29: {  	s23 =	smul.u32 $0x500, s22;
	s22 =	ssub.s32 $0x2, s22;
	_ =	swait.ge [sflag:s18], $0x2800  }
0x2a: {  	s31 =	sshrl.u32 s22, $0x1;
	[sflag:s18] =	ssyncset.done $0x0  }
0x2b: {  	s19 =	simm.s32 $0x280;
	s22 =	ssub.s32 s22, s31;
	[sflag:s18] =	ssyncadd.s32 $0xFFFFD800  }
0x2c: {  	[spmem:s2] =	stream.indirect.scatter.add.f32 [tilespmem:s13], [sflag:$0x3], $0x50, s19, s12, $0xb8;
	[tilespmem:$0x5580] =	vst v63  }
0x2d: {  	s22 =	smax.u32 s22, $0x1;
	_ =	swait.ge [sflag:s6], $0x2800  }
0x2e: {  	s20 =	sadd.s32 s23, s20;
	p0 =	sne.s32 s22, $0x1;
	[sflag:s6] =	ssyncset.done $0x0  }
.Ltmp0:
0x2f: {  	s20 =	sadd.s32 $0x3EA00, s20;
	[sflag:s6] =	ssyncadd.s32 $0xFFFFD800;
	(pc) =	sbr.rel @!p0 .LBB2_2-.Ltmp0, $4  }
0x30: {  	s20 =	sadd.s32 s21, s20;
	[bflag:$0x0] =	sbarrier.arrive $0xFFFF  }
0x31: {  	[hbm:s20], [sflag:s5] =	dma.local [spmem:s7], $0x50  }
0x32: {  	_ =	swait.ge [sflag:s6], $0x50  }
0x33: {  	s21 =	sadd.s32 $0xFFFFFFFF, s22;
	[sflag:s6] =	ssyncset.done $0x0  }
.LBB2_1:
0x34: {  	p0 =	sne.s32 s21, $0x1;
	s21 =	sadd.s32 $0xFFFFFFFF, s21;
	[sflag:s6] =	ssyncadd.s32 $0xFFFFFFB0  }
0x35: {  	[spmem:s7], [sflag:s5] =	dma.local [hbm:s4], $0x50  }
0x36: {  	_ =	swait.ge [sflag:s6], $0x50  }
0x37: {  	[sflag:s6] =	ssyncset.done $0x0  }
0x38: {  	[sflag:s6] =	ssyncadd.s32 $0xFFFFFFB0  }
0x39: {  	[bflag:$0x0] =	sbarrier.arrive $0xFFFF  }
0x3a: {  	[tilespmem:s3], [sflag:$0x3] =	stream.linear.gather [hbm4b:s8+s3], $0x180, $0x38;
	[tilespmem:$0x5580] =	vst v63  }
0x3b: {  	_ =	swait.ge [sflag:s6], $0x180  }
0x3c: {  	[sflag:s6] =	ssyncset.done $0x0  }
0x3d: {  	[sflag:s6] =	ssyncadd.s32 $0xFFFFFE80  }
0x3e: {  	[tilespmem:s10], [sflag:$0x3] =	stream.linear.gather [hbm4b:s9+s3], $0x180, $0x38;
	[tilespmem:$0x5580] =	vst v63  }
0x3f: {  	_ =	swait.ge [sflag:s6], $0x180  }
0x40: {  	[sflag:s6] =	ssyncset.done $0x0  }
0x41: {  	[sflag:s6] =	ssyncadd.s32 $0xFFFFFE80  }
0x42: {  	[tilespmem:s13], [sflag:$0x3] =	stream.indirect.gather [hbm4b:s11+s12], $0x50, s3, s12, $0xb8;
	[tilespmem:$0x5580] =	vst v63  }
0x43: {  	_ =	swait.ge [sflag:s6], $0x2800  }
0x44: {  	[sflag:s6] =	ssyncset.done $0x0  }
0x45: {  	[sflag:s6] =	ssyncadd.s32 $0xFFFFD800  }
0x46: {  	[tilespmem:s14], [sflag:$0x2] =	stream.indirect.gather [hbm4b:s11+s12], $0x50, s12, s12, $0xb8;
	[tilespmem:$0x5580] =	vst v63  }
0x47: {  	_ = 	snop  }
0x48: {  	[spmem:s2] =	stream.indirect.scatter.add.f32 [tilespmem:s13], [sflag:$0x3], $0x50, s10, s12, $0xb8;
	[tilespmem:$0x5580] =	vst v63  }
0x49: {  	_ =	swait.ge [sflag:s6], $0x2800  }
0x4a: {  	[sflag:s6] =	ssyncset.done $0x0  }
0x4b: {  	[sflag:s6] =	ssyncadd.s32 $0xFFFFD800  }
0x4c: {  	_ =	swait.ge [sflag:s15], $0x2800  }
0x4d: {  	[sflag:s15] =	ssyncset.done $0x0  }
0x4e: {  	[sflag:s15] =	ssyncadd.s32 $0xFFFFD800  }
0x4f: {  	[tilespmem:s13], [sflag:$0x1] =	stream.indirect.gather [hbm4b:s11+s12], $0x50, s16, s12, $0xb8;
	[tilespmem:$0x5580] =	vst v63  }
0x50: {  	_ = 	snop  }
0x51: {  	[spmem:s2] =	stream.indirect.scatter.add.f32 [tilespmem:s14], [sflag:$0x3], $0x50, s17, s12, $0xb8;
	[tilespmem:$0x5580] =	vst v63  }
0x52: {  	_ =	swait.ge [sflag:s6], $0x2800  }
0x53: {  	[sflag:s6] =	ssyncset.done $0x0  }
0x54: {  	[sflag:s6] =	ssyncadd.s32 $0xFFFFD800  }
0x55: {  	_ =	swait.ge [sflag:s18], $0x2800  }
0x56: {  	[sflag:s18] =	ssyncset.done $0x0  }
0x57: {  	[sflag:s18] =	ssyncadd.s32 $0xFFFFD800  }
0x58: {  	[spmem:s2] =	stream.indirect.scatter.add.f32 [tilespmem:s13], [sflag:$0x3], $0x50, s19, s12, $0xb8;
	[tilespmem:$0x5580] =	vst v63  }
0x59: {  	_ =	swait.ge [sflag:s6], $0x2800  }
0x5a: {  	[sflag:s6] =	ssyncset.done $0x0  }
.Ltmp1:
0x5b: {  	[sflag:s6] =	ssyncadd.s32 $0xFFFFD800;
	(pc) =	sbr.rel @p0 .LBB2_1-.Ltmp1, $4  }
0x5c: {  	[bflag:$0x0] =	sbarrier.arrive $0xFFFF  }
0x5d: {  	[hbm:s20], [sflag:s5] =	dma.local [spmem:s7], $0x50  }
0x5e: {  	_ =	swait.ge [sflag:s6], $0x50  }
0x5f: {  	[sflag:s6] =	ssyncset.done $0x0  }
.LBB2_2:
0x60: {  	[sflag:s6] =	ssyncadd.s32 $0xFFFFFFB0  }
0x61: {  	_ =	sfence.sel $0x180000  }
0x62: {  	[bflag:$0x0] =	sbarrier.arrive $0xFFFF  }
0x63: {  	p0 =	sne.s32 s1, $0x0;
	_ =	strace $0x9000005F  }
0x64: {  	s0 =	sadd.s32 @!p0 $0x100000, s0;
	[bflag:$0x2] =	sbarrier.arrive $0xFFFF  }
0x65: {  	[sflag:s0] =	ssyncadd.tile.s32 @!p0 $0x1;
	_ =	shalt  }
.Lfunc_end2:
_tile_overlayer_lowered:
.L_overlay_start_2:
0x66: {  	(tag) =	ssettag $0x2  }
0x67: {  	s0 =	rddreg [dreg:$0x0];
	s2 =	stileid.u32  }
0x68: {  	s1 =	rddreg [dreg:$0x1];
	p0 =	sne.s32 s2, $0x0  }
0x69: {  	s3 =	rddreg [dreg:$0x2];
	[bflag:$0x3] =	sbarrier.arrive $0xFFFF;
	s2 =	simm.s32 @!p0 $0x1C03  }
0x6a: {  	[timem:s3], [sflag:s2] =	dma.local @!p0 [hbm:s0], s1  }
0x6b: {  	s0 =	simm.s32 @!p0 $0x3  }
0x6c: {  	_ =	swait.ge @!p0 [sflag:s0], s1  }
0x6d: {  	s1 =	ssub.s32 @!p0 $0x0, s1;
	[sflag:s0] =	ssyncset.done @!p0 $0x0  }
0x6e: {  	[sflag:s0] =	ssyncadd.s32 @!p0 s1  }
0x6f: {  	[bflag:$0x3] =	sbarrier.arrive $0xFFFF  }
0x70: {  	_ =	shalt  }

// kernel: kernel.44.cloned.1.call-start
scs
__scs_entry_jumppad:
0x0: {  	(pc) =	sbr.rel $0x88, $3  }
0x1: {  	(tag) =	ssettag $0x0;
	lr =	simm.s32 $0x1  }
0x2: {  	[smem:$0x3F7B] =	sst lr;
	_ =	strace $0xD0000000  }
0x3: {  	_ = 	snop  }
0x4: {  	_ = 	snop  }
0x5: {  	_ = 	snop  }
0x6: {  	_ = 	snop  }
0x7: {  	_ = 	snop  }
__scs_overlays_trampoline_lowered:
0x8: {  	[smem:$0x3F8A] =	sst s0  }
0x9: {  	[smem:$0x3F8B] =	sst s1  }
0xa: {  	[smem:$0x3F8C] =	sst s2  }
0xb: {  	[smem:$0x3F8D] =	sst s3  }
0xc: {  	[smem:$0x3F8E] =	sst s4  }
0xd: {  	[smem:$0x3F8F] =	sst s5  }
0xe: {  	[smem:$0x3F90] =	sst s6  }
0xf: {  	[smem:$0x3F91] =	sst s7  }
0x10: {  	[smem:$0x3F92] =	sst s8  }
0x11: {  	[smem:$0x3F93] =	sst s9;
	s0 =	simm.s32 @!p0 $0x0  }
0x12: {  	s1 =	sld [smem:$0x3F79];
	s0 =	simm.s32 @p0 $0x1  }
0x13: {  	[smem:$0x3F94] =	sst s0;
	s0 =	simm.s32 @!p1 $0x0  }
0x14: {  	s2 =	sld [smem:$0x3F78];
	s0 =	simm.s32 @p1 $0x1  }
0x15: {  	[smem:$0x3F95] =	sst s0;
	s0 =	simm.s32 @!p2 $0x0  }
0x16: {  	s3 =	sld [smem:$0x3FDB];
	s0 =	simm.s32 @p2 $0x1  }
0x17: {  	s4 =	simm.s32 $0x1BF5;
	[smem:$0x3F97] =	sst s0  }
0x18: {  	s0 =	sld [smem:$0x3F7A];
	_ =	swait.ge [sflag:s4], $0x0  }
0x19: {  	s7 =	sld [smem:$0x3F7B]  }
0x1a: {  	s8 =	sadd.s32 $0xFFFFE003, lr  }
0x1b: {  	s9 =	sadd.s32 $0xFFFFFEF7, lr;
	s5 =	simm.s32 $0xFFFFFFFF;
	p2 =	slt.u32 s8, $0xFFFFF086  }
0x1c: {  	p1 =	slt.u32 s9, $0xF7A;
	s5 =	simm.s32 @!p2 $0x0  }
0x1d: {  	s5 =	simm.s32 @p1 $0x1;
	p0 =	seq.s32 s7, s2  }
0x1e: {  	s7 =	smul.u32 @!p0 $0xF7A, s2;
	p2 =	seq.s32 @!p0 s5, $0x0  }
0x1f: {  	s9 =	smul.u32 $0xF7A, s1;
	s8 =	simm.s32 @!p0 $0x1BF5;
	p2 =	por !p2, p0  }
0x20: {  	[sflag:s8] =	ssyncset.s32 @!p0 $0xFFFFF086;
	s6 =	sadd.s32 @!p0 s3, s7;
	s7 =	simm.s32 @!p0 $0x108  }
0x21: {  	s3 =	sadd.s32 s3, s9;
	s6 =	sadd.s32 @!p0 $0x88, s6;
	s7 =	simm.s32 @p2 $0x1082  }
0x22: {  	[simem:s7], [sflag:s8] =	dma.local @!p0 [hbm:s6], $0xF7A  }
0x23: {  	s9 =	sor.u32 $0xD0000000, s2;
	s6 =	simm.s32 $0x108;
	_ =	swait.ge @!p0 [sflag:s8], $0x0  }
0x24: {  	s3 =	sadd.s32 $0x88, s3;
	s6 =	simm.s32 @!p1 $0x1082;
	[sflag:s4] =	ssyncset.s32 $0xFFFFF086  }
0x25: {  	[simem:s6], [sflag:s4] =	dma.local [hbm:s3], $0xF7A  }
0x26: {  	[smem:$0x3F7B] =	sst s1;
	(tag) =	ssettag s2;
	_ =	strace s9  }
0x27: {  	s1 =	sld [smem:$0x3F8B]  }
0x28: {  	s2 =	sld [smem:$0x3F8C]  }
0x29: {  	s4 =	sld [smem:$0x3F8E]  }
0x2a: {  	p0 =	seq.s32 s5, $0x0;
	s5 =	sld [smem:$0x3F8F]  }
0x2b: {  	s6 =	sld [smem:$0x3F90]  }
0x2c: {  	s7 =	sld [smem:$0x3F91]  }
0x2d: {  	s3 =	simm.s32 $0x108;
	s8 =	sld [smem:$0x3F92]  }
0x2e: {  	s3 =	simm.s32 @!p0 $0x1082;
	s9 =	sld [smem:$0x3F93]  }
0x2f: {  	lr =	sadd.s32 s0, s3;
	s0 =	sld [smem:$0x3F8A]  }
0x30: {  	s3 =	sld [smem:$0x3F8D]  }
0x31: {  	[smem:$0x3F96] =	sst s10  }
0x32: {  	s10 =	sld [smem:$0x3F94];
	_ =	sdelay $0x3  }
0x33: {  	p0 =	seq.s32 s10, $0x1;
	s10 =	sld [smem:$0x3F96];
	_ =	sdelay $0x3  }
0x34: {  	[smem:$0x3F96] =	sst s10  }
0x35: {  	s10 =	sld [smem:$0x3F95];
	_ =	sdelay $0x3  }
0x36: {  	p1 =	seq.s32 s10, $0x1;
	s10 =	sld [smem:$0x3F96];
	_ =	sdelay $0x3  }
0x37: {  	[smem:$0x3F96] =	sst s10  }
0x38: {  	s10 =	sld [smem:$0x3F97]  }
0x39: {  	_ = 	snop;
	(pc) =	sbr.ind lr, $3  }
0x3a: {  	_ = 	snop  }
0x3b: {  	_ = 	snop  }
0x3c: {  	p2 =	seq.s32 s10, $0x1;
	s10 =	sld [smem:$0x3F96]  }
0x3d: {  	_ =	shalt  }
0x3e: {  	_ =	shalt  }
0x3f: {  	_ =	shalt  }
0x40: {  	_ =	shalt  }
0x41: {  	_ =	shalt  }
0x42: {  	_ =	shalt  }
0x43: {  	_ =	shalt  }
0x44: {  	_ =	shalt  }
0x45: {  	_ =	shalt  }
0x46: {  	_ =	shalt  }
0x47: {  	_ =	shalt  }
0x48: {  	_ =	shalt  }
0x49: {  	_ =	shalt  }
0x4a: {  	_ =	shalt  }
0x4b: {  	_ =	shalt  }
0x4c: {  	_ =	shalt  }
0x4d: {  	_ =	shalt  }
0x4e: {  	_ =	shalt  }
0x4f: {  	_ =	shalt  }
0x50: {  	_ =	shalt  }
0x51: {  	_ =	shalt  }
0x52: {  	_ =	shalt  }
0x53: {  	_ =	shalt  }
0x54: {  	_ =	shalt  }
0x55: {  	_ =	shalt  }
0x56: {  	_ =	shalt  }
0x57: {  	_ =	shalt  }
0x58: {  	_ =	shalt  }
0x59: {  	_ =	shalt  }
0x5a: {  	_ =	shalt  }
0x5b: {  	_ =	shalt  }
0x5c: {  	_ =	shalt  }
0x5d: {  	_ =	shalt  }
0x5e: {  	_ =	shalt  }
0x5f: {  	_ =	shalt  }
0x60: {  	_ =	shalt  }
0x61: {  	_ =	shalt  }
0x62: {  	_ =	shalt  }
0x63: {  	_ =	shalt  }
0x64: {  	_ =	shalt  }
0x65: {  	_ =	shalt  }
0x66: {  	_ =	shalt  }
0x67: {  	_ =	shalt  }
0x68: {  	_ =	shalt  }
0x69: {  	_ =	shalt  }
0x6a: {  	_ =	shalt  }
0x6b: {  	_ =	shalt  }
0x6c: {  	_ =	shalt  }
0x6d: {  	_ =	shalt  }
0x6e: {  	_ =	shalt  }
0x6f: {  	_ =	shalt  }
0x70: {  	_ =	shalt  }
0x71: {  	_ =	shalt  }
0x72: {  	_ =	shalt  }
0x73: {  	_ =	shalt  }
0x74: {  	_ =	shalt  }
0x75: {  	_ =	shalt  }
0x76: {  	_ =	shalt  }
0x77: {  	_ =	shalt  }
0x78: {  	_ =	shalt  }
0x79: {  	_ =	shalt  }
0x7a: {  	_ =	shalt  }
0x7b: {  	_ =	shalt  }
0x7c: {  	_ =	shalt  }
0x7d: {  	_ =	shalt  }
0x7e: {  	_ =	shalt  }
0x7f: {  	_ =	shalt  }
0x80: {  	_ =	shalt  }
0x81: {  	_ =	shalt  }
0x82: {  	_ =	shalt  }
0x83: {  	_ =	shalt  }
0x84: {  	_ =	shalt  }
0x85: {  	_ =	shalt  }
0x86: {  	_ =	shalt  }
0x87: {  	_ =	shalt  }
.Lfunc_end0:
.L_simem_size_0:
called_computation.7_lowered:
.L_overlay_start_0:
0x88: {  	s2 =	sld [smem:$0x3FD9]  }
0x89: {  	s3 =	sld [smem:$0x3FFE];
	_ =	sdelay $0x1  }
0x8a: {  	s1 =	srdreg.scid  }
0x8b: {  	s0 =	sand.u32 $0x1, s1  }
0x8c: {  	s16 =	sshll.u32 s0, $0xA;
	s2 =	sadd.s32 s3, s2  }
0x8d: {  	s2 =	sadd.s32 s2, s16  }
0x8e: {  	[smem:$0x3FA2] =	sst s2  }
0x8f: {  	_ = 	snop  }
0x90: {  	(tm) =	ssettm $0x1  }
0x91: {  	s17 =	sld [smem:$0x3FFB];
	_ =	sdelay $0x3  }
0x92: {  	_ =	strace s17  }
0x93: {  	s2 =	sld [smem:$0x3FFC];
	_ =	sdelay $0x3  }
0x94: {  	_ =	strace s2  }
0x95: {  	s2 =	sld [smem:$0x3FFD];
	_ =	sdelay $0x3  }
0x96: {  	_ =	strace s2  }
0x97: {  	_ =	strace $0x8FFFFFFF  }
0x98: {  	s18 =	sld [smem:$0x3FDB];
	_ =	sdelay $0x1  }
0x99: {  	s19 =	simm.s32 $_scs_section_size  }
0x9a: {  	s4 =	simm.s32 $_size__tile_overlayer_lowered;
	s5 =	simm.s32 $_tile_overlayer_lowered  }
0x9b: {  	s22 =	simm.s32 $0x1BFF;
	s21 =	sshll.u32 s5, $0x1;
	s2 =	sadd.s32 s19, s18  }
0x9c: {  	s6 =	simm.s32 $0x0;
	s20 =	sshll.u32 s4, $0x1;
	s4 =	sadd.s32 s21, s2  }
0x9d: {  	[timem:s6], [sflag:s22] =	dma.local [hbm:s4], s20  }
0x9e: {  	_ =	swait.ge [sflag:s22], s20  }
0x9f: {  	s3 =	ssub.s32 $0x0, s20;
	[sflag:s22] =	ssyncset.done $0x0  }
0xa0: {  	[sflag:s22] =	ssyncadd.s32 s3;
	_ =	sdelay $0x1  }
0xa1: {  	s23 =	simm.s32 $0x1B8B  }
0xa2: {  	_ =	swait.ge [sflag:s23], $0x1  }
0xa3: {  	[sflag:s23] =	ssyncset.done $0x0  }
0xa4: {  	s25 =	simm.s32 $0x1B8E;
	s24 =	sld [smem:$0x3FFE];
	[sflag:s23] =	ssyncadd.s32 $0xFFFFFFFF  }
0xa5: {  	s26 =	simm.s32 $execute0_lowered;
	[smem:$0x3FD2] =	sst s25  }
0xa6: {  	s4 =	sshll.u32 s26, $0x1;
	_ =	strace $0x80000058;
	[dreg:$0x1] =	wrdreg $0xFFFFFFFF  }
0xa7: {  	s28 =	simm.s32 $_size_execute0_lowered;
	s2 =	sadd.s32 s2, s4;
	[dreg:$0x0] =	wrdreg $0x0  }
0xa8: {  	s4 =	sshll.u32 s28, $0x1;
	[dreg:$0x2] =	wrdreg s2  }
0xa9: {  	[dreg:$0x3] =	wrdreg s4  }
0xaa: {  	[dreg:$0x4] =	wrdreg $0xC0  }
0xab: {  	_ =	task [dreg:s6], $0x5FFFF  }
0xac: {  	[dreg:$0x1] =	wrdreg $0xFFFFFFFF  }
0xad: {  	[dreg:$0x0] =	wrdreg $0x60  }
0xae: {  	[dreg:$0x2] =	wrdreg s24  }
0xaf: {  	[dreg:$0x3] =	wrdreg $0x8F000  }
0xb0: {  	[dreg:$0x4] =	wrdreg $0x9  }
0xb1: {  	_ =	task.clear_ibuf [dreg:s6], $0x5FFFF;
	_ =	strace $0x90000058  }
0xb2: {  	s29 =	simm.s32 $0x9;
	_ =	strace $0x8000005A  }
0xb3: {  	_ =	swait.ge [sflag:s29], $0x1  }
0xb4: {  	[sflag:s29] =	ssyncadd.s32 $0xFFFFFFFF  }
0xb5: {  	_ =	strace $0x9000005A  }
0xb6: {  	_ =	sfence  }
0xb7: {  	s30 =	sld [smem:$0x0];
	_ =	sdelay $0x2  }
0xb8: {  	s31 =	sshll.u32 s1, $0xD;
	s1 =	sshrl.u32 s1, $0x2  }
0xb9: {  	s3 =	sand.u32 $0x4000, s31;
	s1 =	sadd.s32 s1, s30  }
0xba: {  	s0 =	sor.u32 s3, s0;
	s1 =	sshll.u32 s1, $0x11  }
0xbb: {  	s0 =	sor.u32 s1, s0  }
0xbc: {  	s0 =	sadd.s32 $0x8F2B, s0  }
0xbd: {  	[sflag:s0] =	ssyncadd.remote.s32 $0x1  }
0xbe: {  	_ =	sfence.sel $0xFFFF  }
0xbf: {  	[dreg:$0x0] =	wrdreg $0xFFFFFFFF;
	(pc) =	sbr.abs _section_cstart, $3  }
0xc0: {  	[dreg:$0x1] =	wrdreg $0xFFFFFFFF  }
0xc1: {  	_ =	task.clear_ibuf [dreg:s6], $0x2FFFF;
	_ =	strace $0x9FFFFFFF  }
0xc2: {  	(tm) =	ssettm $0x7FFFFFFF  }
0xc3: {  	_ =	shalt  }
tec
execute0_lowered:
.L_overlay_start_1:
0x0: {  	(tag) =	ssettag $0x1  }
0x1: {  	s5 =	rddreg [dreg:$0x0];
	s1 =	srdreg.scid  }
0x2: {  	s0 =	stileid.u32;
	s2 =	rddreg [dreg:$0x1]  }
0x3: {  	s3 =	simm.s32 $0x0;
	s6 =	sand.u32 $0x1, s1;
	s1 =	rddreg [dreg:$0x2]  }
0x4: {  	s14 =	simm.s32 $0x4E80;
	s4 =	sshll.u32 s0, $0x1;
	[smem:$0x7FF] =	sst s3  }
0x5: {  	s8 =	smul.u32 $0x9E00, s0;
	s31 =	sshll.u32 s0, $0x6;
	s4 =	sor.u32 s6, s4  }
0x6: {  	_ =	strace $0x80000059;
	s9 =	smul.u32 $0x13C00, s6;
	s6 =	ssub.s32 $0x2, s6  }
0x7: {  	s7 =	smul.u32 $0x4F0, s4;
	s4 =	sadd.s32 $0x7200, s5;
	s15 =	sshrl.u32 s8, $0x3  }
0x8: {  	s30 =	sshrl.u32 s6, $0x1;
	s13 =	sadd.s32 s8, s2;
	s11 =	sadd.s32 s15, s5  }
0x9: {  	s9 =	sadd.s32 s9, s5;
	s12 =	ssub.s32 s6, s30;
	s6 =	sor.u32 $0x1C03, s31  }
0xa: {  	s10 =	sadd.s32 s7, s5;
	s5 =	sadd.s32 $0x4C200, s11;
	s16 =	sadd.s32 $0x124000, s9  }
0xb: {  	s9 =	smax.u32 s12, $0x1;
	s11 =	simm.s32 $0x3;
	s12 =	simm.s32 $0x4F00  }
0xc: {  	s7 =	sadd.s32 $0x1AC00, s10;
	s8 =	sadd.s32 $0x42400, s10;
	s10 =	sshrl.u32 s13, $0x3  }
0xd: {  	s13 =	simm.s32 $0x80;
	s15 =	sadd.s32 s15, s16;
	s16 =	simm.s32 $0x0  }
.LBB2_1:
0xe: {  	[spmem:s10], [sflag:s6] =	dma.local [hbm:s5], $0x13C0  }
0xf: {  	_ =	swait.ge [sflag:s11], $0x13C0  }
0x10: {  	[sflag:s11] =	ssyncset.done $0x0  }
0x11: {  	[sflag:s11] =	ssyncadd.s32 $0xFFFFEC40  }
0x12: {  	[bflag:$0x0] =	sbarrier.arrive $0xFFFF  }
0x13: {  	[tilespmem:s3], [sflag:$0x3] =	stream.linear.gather [hbm4b:s7+s3], $0x2780, $0x38;
	[tilespmem:$0x12D00] =	vst v63  }
0x14: {  	_ =	swait.ge [sflag:s11], $0x2780  }
0x15: {  	[sflag:s11] =	ssyncset.done $0x0  }
0x16: {  	s18 =	simm.s32 $0x2780;
	[sflag:s11] =	ssyncadd.s32 $0xFFFFD880  }
0x17: {  	[tilespmem:s18], [sflag:$0x3] =	stream.linear.gather [hbm4b:s8+s3], $0x2780, $0x38;
	[tilespmem:$0x12D00] =	vst v63  }
0x18: {  	_ =	swait.ge [sflag:s11], $0x2780  }
0x19: {  	[sflag:s11] =	ssyncset.done $0x0  }
0x1a: {  	s17 =	sand.u32 $0x1, s3;
	[sflag:s11] =	ssyncadd.s32 $0xFFFFD880  }
0x1b: {  	[tilespmem:s12], [sflag:$0x3] =	stream.indirect.gather [hbm4b:s4+s13], $0x40, s3, s13, $0xb8;
	[tilespmem:$0x12D00] =	vst v63  }
0x1c: {  	s19 =	sxor.u32 $0x1, s17;
	_ =	swait.ge [sflag:s11], $0x2000  }
0x1d: {  	s21 =	sshll.u32 s17, $0xD;
	s20 =	sshll.u32 s19, $0xD;
	[sflag:s11] =	ssyncset.done $0x0  }
0x1e: {  	s17 =	sadd.s32 $0x1, s19;
	s28 =	sor.u32 $0x4F00, s20;
	[sflag:s11] =	ssyncadd.s32 $0xFFFFE000  }
0x1f: {  	[tilespmem:s28], [sflag:s17] =	stream.indirect.gather [hbm4b:s4+s13], $0x40, s13, s13, $0xb8;
	[tilespmem:$0x12D00] =	vst v63  }
0x20: {  	s29 =	sor.u32 $0x4F00, s21  }
0x21: {  	[spmem:s2] =	stream.indirect.scatter.add.f32 [tilespmem:s29], [sflag:$0x3], $0x40, s18, s13, $0xb8;
	[tilespmem:$0x12D00] =	vst v63  }
0x22: {  	s30 =	simm.s32 $0x1;
	_ =	swait.ge [sflag:s11], $0x2000  }
0x23: {  	s31 =	sand.u32 $0x1, s30;
	s21 =	simm.s32 $0x2;
	[sflag:s11] =	ssyncset.done $0x0  }
0x24: {  	s19 =	simm.s32 $0x2800;
	s22 =	sxor.u32 $0x1, s31;
	[sflag:s11] =	ssyncadd.s32 $0xFFFFE000  }
0x25: {  	s20 =	sshll.u32 s31, $0xD;
	s23 =	sshll.u32 s22, $0xD;
	_ =	swait.ge [sflag:s17], $0x2000  }
0x26: {  	s22 =	sadd.s32 $0x1, s22;
	s18 =	simm.s32 $0x100;
	[sflag:s17] =	ssyncset.done $0x0  }
.LBB2_2:
0x27: {  	s23 =	sor.u32 $0x4F00, s23;
	[sflag:s17] =	ssyncadd.s32 $0xFFFFE000  }
0x28: {  	s24 =	smov.u32 s21;
	s25 =	sadd.s32 $0x1, s21;
	s17 =	smov.u32 s22  }
0x29: {  	[tilespmem:s23], [sflag:s17] =	stream.indirect.gather [hbm4b:s4+s13], $0x40, s18, s13, $0xb8;
	[tilespmem:$0x12D00] =	vst v63  }
0x2a: {  	p0 =	sne.s32 s21, $0x4D;
	s20 =	sor.u32 $0x4F00, s20  }
0x2b: {  	[spmem:s2] =	stream.indirect.scatter.add.f32 [tilespmem:s20], [sflag:$0x3], $0x40, s19, s13, $0xb8;
	[tilespmem:$0x12D00] =	vst v63  }
.Ltmp0:
0x2c: {  	_ =	swait.ge [sflag:s11], $0x2000;
	(pc) =	sbr.rel @p0 .LBB2_2-.Ltmp0, $4  }
0x2d: {  	s18 =	sadd.s32 $0x80, s18;
	s20 =	sand.u32 $0x1, s24;
	[sflag:s11] =	ssyncset.done $0x0  }
0x2e: {  	s19 =	sadd.s32 $0x80, s19;
	s21 =	sxor.u32 $0x1, s20;
	[sflag:s11] =	ssyncadd.s32 $0xFFFFE000  }
0x2f: {  	s20 =	sshll.u32 s20, $0xD;
	s23 =	sshll.u32 s21, $0xD;
	_ =	swait.ge [sflag:s17], $0x2000  }
0x30: {  	s22 =	sadd.s32 $0x1, s21;
	s21 =	smov.u32 s25;
	[sflag:s17] =	ssyncset.done $0x0  }
0x31: {  	s21 =	sor.u32 $0x4F00, s23;
	[sflag:s17] =	ssyncadd.s32 $0xFFFFE000  }
0x32: {  	[tilespmem:s21], [sflag:s22] =	stream.indirect.gather [hbm4b:s4+s13], $0x40, s18, s13, $0xb8;
	[tilespmem:$0x12D00] =	vst v63  }
0x33: {  	s31 =	sor.u32 $0x4F00, s20  }
0x34: {  	[spmem:s2] =	stream.indirect.scatter.add.f32 [tilespmem:s31], [sflag:$0x3], $0x40, s19, s13, $0xb8;
	[tilespmem:$0x12D00] =	vst v63  }
0x35: {  	_ =	swait.ge [sflag:s11], $0x2000  }
0x36: {  	[sflag:s11] =	ssyncset.done $0x0  }
0x37: {  	[sflag:s11] =	ssyncadd.s32 $0xFFFFE000  }
0x38: {  	_ =	swait.ge [sflag:s22], $0x2000  }
0x39: {  	[sflag:s22] =	ssyncset.done $0x0  }
0x3a: {  	[sflag:s22] =	ssyncadd.s32 $0xFFFFE000  }
0x3b: {  	[spmem:s2] =	stream.indirect.scatter.add.f32 [tilespmem:s12], [sflag:$0x3], $0x40, s14, s13, $0xb8;
	[tilespmem:$0x12D00] =	vst v63  }
0x3c: {  	_ =	swait.ge [sflag:s11], $0x2000  }
0x3d: {  	s16 =	sadd.s32 $0x1, s16;
	[sflag:s11] =	ssyncset.done $0x0  }
0x3e: {  	p0 =	sne.s32 s16, s9;
	[sflag:s11] =	ssyncadd.s32 $0xFFFFE000  }
.Ltmp1:
0x3f: {  	[bflag:$0x0] =	sbarrier.arrive $0xFFFF;
	(pc) =	sbr.rel @p0 .LBB2_1-.Ltmp1, $4  }
0x40: {  	[hbm:s15], [sflag:s6] =	dma.local [spmem:s10], $0x13C0  }
0x41: {  	_ =	swait.ge [sflag:s11], $0x13C0  }
0x42: {  	[sflag:s11] =	ssyncset.done $0x0  }
0x43: {  	[sflag:s11] =	ssyncadd.s32 $0xFFFFEC40  }
0x44: {  	_ =	sfence.sel $0x180000  }
0x45: {  	[bflag:$0x0] =	sbarrier.arrive $0xFFFF  }
0x46: {  	p0 =	sne.s32 s0, $0x0;
	_ =	strace $0x90000059  }
0x47: {  	s0 =	sadd.s32 @!p0 $0x100000, s1;
	[bflag:$0x2] =	sbarrier.arrive $0xFFFF  }
0x48: {  	[sflag:s0] =	ssyncadd.tile.s32 @!p0 $0x1;
	_ =	shalt  }
.Lfunc_end2:
_tile_overlayer_lowered:
.L_overlay_start_2:
0x49: {  	(tag) =	ssettag $0x2  }
0x4a: {  	s0 =	rddreg [dreg:$0x0];
	s2 =	stileid.u32  }
0x4b: {  	s1 =	rddreg [dreg:$0x1];
	p0 =	sne.s32 s2, $0x0  }
0x4c: {  	s3 =	rddreg [dreg:$0x2];
	[bflag:$0x3] =	sbarrier.arrive $0xFFFF;
	s2 =	simm.s32 @!p0 $0x1C03  }
0x4d: {  	[timem:s3], [sflag:s2] =	dma.local @!p0 [hbm:s0], s1  }
0x4e: {  	s0 =	simm.s32 @!p0 $0x3  }
0x4f: {  	_ =	swait.ge @!p0 [sflag:s0], s1  }
0x50: {  	s1 =	ssub.s32 @!p0 $0x0, s1;
	[sflag:s0] =	ssyncset.done @!p0 $0x0  }
0x51: {  	[sflag:s0] =	ssyncadd.s32 @!p0 s1  }
0x52: {  	[bflag:$0x3] =	sbarrier.arrive $0xFFFF  }
0x53: {  	_ =	shalt  }

// kernel: kernel.47.cloned.1.call-start
scs
__scs_entry_jumppad:
0x0: {  	(pc) =	sbr.rel $0x88, $3  }
0x1: {  	(tag) =	ssettag $0x0;
	lr =	simm.s32 $0x1  }
0x2: {  	[smem:$0x3F7B] =	sst lr;
	_ =	strace $0xD0000000  }
0x3: {  	_ = 	snop  }
0x4: {  	_ = 	snop  }
0x5: {  	_ = 	snop  }
0x6: {  	_ = 	snop  }
0x7: {  	_ = 	snop  }
__scs_overlays_trampoline_lowered:
0x8: {  	[smem:$0x3F8A] =	sst s0  }
0x9: {  	[smem:$0x3F8B] =	sst s1  }
0xa: {  	[smem:$0x3F8C] =	sst s2  }
0xb: {  	[smem:$0x3F8D] =	sst s3  }
0xc: {  	[smem:$0x3F8E] =	sst s4  }
0xd: {  	[smem:$0x3F8F] =	sst s5  }
0xe: {  	[smem:$0x3F90] =	sst s6  }
0xf: {  	[smem:$0x3F91] =	sst s7  }
0x10: {  	[smem:$0x3F92] =	sst s8  }
0x11: {  	[smem:$0x3F93] =	sst s9;
	s0 =	simm.s32 @!p0 $0x0  }
0x12: {  	s1 =	sld [smem:$0x3F79];
	s0 =	simm.s32 @p0 $0x1  }
0x13: {  	[smem:$0x3F94] =	sst s0;
	s0 =	simm.s32 @!p1 $0x0  }
0x14: {  	s2 =	sld [smem:$0x3F78];
	s0 =	simm.s32 @p1 $0x1  }
0x15: {  	[smem:$0x3F95] =	sst s0;
	s0 =	simm.s32 @!p2 $0x0  }
0x16: {  	s3 =	sld [smem:$0x3FDB];
	s0 =	simm.s32 @p2 $0x1  }
0x17: {  	s4 =	simm.s32 $0x1BF5;
	[smem:$0x3F97] =	sst s0  }
0x18: {  	s0 =	sld [smem:$0x3F7A];
	_ =	swait.ge [sflag:s4], $0x0  }
0x19: {  	s7 =	sld [smem:$0x3F7B]  }
0x1a: {  	s8 =	sadd.s32 $0xFFFFE003, lr  }
0x1b: {  	s9 =	sadd.s32 $0xFFFFFEF7, lr;
	s5 =	simm.s32 $0xFFFFFFFF;
	p2 =	slt.u32 s8, $0xFFFFF086  }
0x1c: {  	p1 =	slt.u32 s9, $0xF7A;
	s5 =	simm.s32 @!p2 $0x0  }
0x1d: {  	s5 =	simm.s32 @p1 $0x1;
	p0 =	seq.s32 s7, s2  }
0x1e: {  	s7 =	smul.u32 @!p0 $0xF7A, s2;
	p2 =	seq.s32 @!p0 s5, $0x0  }
0x1f: {  	s9 =	smul.u32 $0xF7A, s1;
	s8 =	simm.s32 @!p0 $0x1BF5;
	p2 =	por !p2, p0  }
0x20: {  	[sflag:s8] =	ssyncset.s32 @!p0 $0xFFFFF086;
	s6 =	sadd.s32 @!p0 s3, s7;
	s7 =	simm.s32 @!p0 $0x108  }
0x21: {  	s3 =	sadd.s32 s3, s9;
	s6 =	sadd.s32 @!p0 $0x88, s6;
	s7 =	simm.s32 @p2 $0x1082  }
0x22: {  	[simem:s7], [sflag:s8] =	dma.local @!p0 [hbm:s6], $0xF7A  }
0x23: {  	s9 =	sor.u32 $0xD0000000, s2;
	s6 =	simm.s32 $0x108;
	_ =	swait.ge @!p0 [sflag:s8], $0x0  }
0x24: {  	s3 =	sadd.s32 $0x88, s3;
	s6 =	simm.s32 @!p1 $0x1082;
	[sflag:s4] =	ssyncset.s32 $0xFFFFF086  }
0x25: {  	[simem:s6], [sflag:s4] =	dma.local [hbm:s3], $0xF7A  }
0x26: {  	[smem:$0x3F7B] =	sst s1;
	(tag) =	ssettag s2;
	_ =	strace s9  }
0x27: {  	s1 =	sld [smem:$0x3F8B]  }
0x28: {  	s2 =	sld [smem:$0x3F8C]  }
0x29: {  	s4 =	sld [smem:$0x3F8E]  }
0x2a: {  	p0 =	seq.s32 s5, $0x0;
	s5 =	sld [smem:$0x3F8F]  }
0x2b: {  	s6 =	sld [smem:$0x3F90]  }
0x2c: {  	s7 =	sld [smem:$0x3F91]  }
0x2d: {  	s3 =	simm.s32 $0x108;
	s8 =	sld [smem:$0x3F92]  }
0x2e: {  	s3 =	simm.s32 @!p0 $0x1082;
	s9 =	sld [smem:$0x3F93]  }
0x2f: {  	lr =	sadd.s32 s0, s3;
	s0 =	sld [smem:$0x3F8A]  }
0x30: {  	s3 =	sld [smem:$0x3F8D]  }
0x31: {  	[smem:$0x3F96] =	sst s10  }
0x32: {  	s10 =	sld [smem:$0x3F94];
	_ =	sdelay $0x3  }
0x33: {  	p0 =	seq.s32 s10, $0x1;
	s10 =	sld [smem:$0x3F96];
	_ =	sdelay $0x3  }
0x34: {  	[smem:$0x3F96] =	sst s10  }
0x35: {  	s10 =	sld [smem:$0x3F95];
	_ =	sdelay $0x3  }
0x36: {  	p1 =	seq.s32 s10, $0x1;
	s10 =	sld [smem:$0x3F96];
	_ =	sdelay $0x3  }
0x37: {  	[smem:$0x3F96] =	sst s10  }
0x38: {  	s10 =	sld [smem:$0x3F97]  }
0x39: {  	_ = 	snop;
	(pc) =	sbr.ind lr, $3  }
0x3a: {  	_ = 	snop  }
0x3b: {  	_ = 	snop  }
0x3c: {  	p2 =	seq.s32 s10, $0x1;
	s10 =	sld [smem:$0x3F96]  }
0x3d: {  	_ =	shalt  }
0x3e: {  	_ =	shalt  }
0x3f: {  	_ =	shalt  }
0x40: {  	_ =	shalt  }
0x41: {  	_ =	shalt  }
0x42: {  	_ =	shalt  }
0x43: {  	_ =	shalt  }
0x44: {  	_ =	shalt  }
0x45: {  	_ =	shalt  }
0x46: {  	_ =	shalt  }
0x47: {  	_ =	shalt  }
0x48: {  	_ =	shalt  }
0x49: {  	_ =	shalt  }
0x4a: {  	_ =	shalt  }
0x4b: {  	_ =	shalt  }
0x4c: {  	_ =	shalt  }
0x4d: {  	_ =	shalt  }
0x4e: {  	_ =	shalt  }
0x4f: {  	_ =	shalt  }
0x50: {  	_ =	shalt  }
0x51: {  	_ =	shalt  }
0x52: {  	_ =	shalt  }
0x53: {  	_ =	shalt  }
0x54: {  	_ =	shalt  }
0x55: {  	_ =	shalt  }
0x56: {  	_ =	shalt  }
0x57: {  	_ =	shalt  }
0x58: {  	_ =	shalt  }
0x59: {  	_ =	shalt  }
0x5a: {  	_ =	shalt  }
0x5b: {  	_ =	shalt  }
0x5c: {  	_ =	shalt  }
0x5d: {  	_ =	shalt  }
0x5e: {  	_ =	shalt  }
0x5f: {  	_ =	shalt  }
0x60: {  	_ =	shalt  }
0x61: {  	_ =	shalt  }
0x62: {  	_ =	shalt  }
0x63: {  	_ =	shalt  }
0x64: {  	_ =	shalt  }
0x65: {  	_ =	shalt  }
0x66: {  	_ =	shalt  }
0x67: {  	_ =	shalt  }
0x68: {  	_ =	shalt  }
0x69: {  	_ =	shalt  }
0x6a: {  	_ =	shalt  }
0x6b: {  	_ =	shalt  }
0x6c: {  	_ =	shalt  }
0x6d: {  	_ =	shalt  }
0x6e: {  	_ =	shalt  }
0x6f: {  	_ =	shalt  }
0x70: {  	_ =	shalt  }
0x71: {  	_ =	shalt  }
0x72: {  	_ =	shalt  }
0x73: {  	_ =	shalt  }
0x74: {  	_ =	shalt  }
0x75: {  	_ =	shalt  }
0x76: {  	_ =	shalt  }
0x77: {  	_ =	shalt  }
0x78: {  	_ =	shalt  }
0x79: {  	_ =	shalt  }
0x7a: {  	_ =	shalt  }
0x7b: {  	_ =	shalt  }
0x7c: {  	_ =	shalt  }
0x7d: {  	_ =	shalt  }
0x7e: {  	_ =	shalt  }
0x7f: {  	_ =	shalt  }
0x80: {  	_ =	shalt  }
0x81: {  	_ =	shalt  }
0x82: {  	_ =	shalt  }
0x83: {  	_ =	shalt  }
0x84: {  	_ =	shalt  }
0x85: {  	_ =	shalt  }
0x86: {  	_ =	shalt  }
0x87: {  	_ =	shalt  }
.Lfunc_end0:
.L_simem_size_0:
called_computation.8_lowered:
.L_overlay_start_0:
0x88: {  	s2 =	sld [smem:$0x3FD9]  }
0x89: {  	s3 =	sld [smem:$0x3FFE];
	_ =	sdelay $0x1  }
0x8a: {  	s1 =	srdreg.scid  }
0x8b: {  	s0 =	sand.u32 $0x1, s1  }
0x8c: {  	s16 =	sshll.u32 s0, $0xA;
	s2 =	sadd.s32 s3, s2  }
0x8d: {  	s2 =	sadd.s32 s2, s16  }
0x8e: {  	[smem:$0x3FA2] =	sst s2  }
0x8f: {  	_ = 	snop  }
0x90: {  	(tm) =	ssettm $0x1  }
0x91: {  	s17 =	sld [smem:$0x3FFB];
	_ =	sdelay $0x3  }
0x92: {  	_ =	strace s17  }
0x93: {  	s2 =	sld [smem:$0x3FFC];
	_ =	sdelay $0x3  }
0x94: {  	_ =	strace s2  }
0x95: {  	s2 =	sld [smem:$0x3FFD];
	_ =	sdelay $0x3  }
0x96: {  	_ =	strace s2  }
0x97: {  	_ =	strace $0x8FFFFFFF  }
0x98: {  	s18 =	sld [smem:$0x3FDB];
	_ =	sdelay $0x1  }
0x99: {  	s19 =	simm.s32 $_scs_section_size  }
0x9a: {  	s4 =	simm.s32 $_size__tile_overlayer_lowered;
	s5 =	simm.s32 $_tile_overlayer_lowered  }
0x9b: {  	s22 =	simm.s32 $0x1BFF;
	s21 =	sshll.u32 s5, $0x1;
	s2 =	sadd.s32 s19, s18  }
0x9c: {  	s6 =	simm.s32 $0x0;
	s20 =	sshll.u32 s4, $0x1;
	s4 =	sadd.s32 s21, s2  }
0x9d: {  	[timem:s6], [sflag:s22] =	dma.local [hbm:s4], s20  }
0x9e: {  	_ =	swait.ge [sflag:s22], s20  }
0x9f: {  	s3 =	ssub.s32 $0x0, s20;
	[sflag:s22] =	ssyncset.done $0x0  }
0xa0: {  	[sflag:s22] =	ssyncadd.s32 s3;
	_ =	sdelay $0x1  }
0xa1: {  	s23 =	simm.s32 $0x1B8B  }
0xa2: {  	_ =	swait.ge [sflag:s23], $0x1  }
0xa3: {  	[sflag:s23] =	ssyncset.done $0x0  }
0xa4: {  	s25 =	simm.s32 $0x1B8E;
	s24 =	sld [smem:$0x3FFE];
	[sflag:s23] =	ssyncadd.s32 $0xFFFFFFFF  }
0xa5: {  	s26 =	simm.s32 $execute0_lowered;
	[smem:$0x3FD2] =	sst s25  }
0xa6: {  	s4 =	sshll.u32 s26, $0x1;
	_ =	strace $0x8000005B;
	[dreg:$0x1] =	wrdreg $0xFFFFFFFF  }
0xa7: {  	s28 =	simm.s32 $_size_execute0_lowered;
	s2 =	sadd.s32 s2, s4;
	[dreg:$0x0] =	wrdreg $0x0  }
0xa8: {  	s4 =	sshll.u32 s28, $0x1;
	[dreg:$0x2] =	wrdreg s2  }
0xa9: {  	[dreg:$0x3] =	wrdreg s4  }
0xaa: {  	[dreg:$0x4] =	wrdreg $0xC0  }
0xab: {  	_ =	task [dreg:s6], $0x5FFFF  }
0xac: {  	[dreg:$0x1] =	wrdreg $0xFFFFFFFF  }
0xad: {  	[dreg:$0x0] =	wrdreg $0x60  }
0xae: {  	[dreg:$0x2] =	wrdreg s24  }
0xaf: {  	[dreg:$0x3] =	wrdreg $0x8F000  }
0xb0: {  	[dreg:$0x4] =	wrdreg $0xA  }
0xb1: {  	_ =	task.clear_ibuf [dreg:s6], $0x5FFFF;
	_ =	strace $0x9000005B  }
0xb2: {  	s29 =	simm.s32 $0xA;
	_ =	strace $0x8000005D  }
0xb3: {  	_ =	swait.ge [sflag:s29], $0x1  }
0xb4: {  	[sflag:s29] =	ssyncadd.s32 $0xFFFFFFFF  }
0xb5: {  	_ =	strace $0x9000005D  }
0xb6: {  	_ =	sfence  }
0xb7: {  	s30 =	sld [smem:$0x0];
	_ =	sdelay $0x2  }
0xb8: {  	s31 =	sshll.u32 s1, $0xD;
	s1 =	sshrl.u32 s1, $0x2  }
0xb9: {  	s3 =	sand.u32 $0x4000, s31;
	s1 =	sadd.s32 s1, s30  }
0xba: {  	s0 =	sor.u32 s3, s0;
	s1 =	sshll.u32 s1, $0x11  }
0xbb: {  	s0 =	sor.u32 s1, s0  }
0xbc: {  	s0 =	sadd.s32 $0x8F2B, s0  }
0xbd: {  	[sflag:s0] =	ssyncadd.remote.s32 $0x1  }
0xbe: {  	_ =	sfence.sel $0xFFFF  }
0xbf: {  	[dreg:$0x0] =	wrdreg $0xFFFFFFFF;
	(pc) =	sbr.abs _section_cstart, $3  }
0xc0: {  	[dreg:$0x1] =	wrdreg $0xFFFFFFFF  }
0xc1: {  	_ =	task.clear_ibuf [dreg:s6], $0x2FFFF;
	_ =	strace $0x9FFFFFFF  }
0xc2: {  	(tm) =	ssettm $0x7FFFFFFF  }
0xc3: {  	_ =	shalt  }
tec
execute0_lowered:
.L_overlay_start_1:
0x0: {  	(tag) =	ssettag $0x1  }
0x1: {  	s5 =	rddreg [dreg:$0x0];
	s1 =	srdreg.scid  }
0x2: {  	s0 =	stileid.u32;
	s2 =	rddreg [dreg:$0x1]  }
0x3: {  	s3 =	simm.s32 $0x0;
	s6 =	sand.u32 $0x1, s1;
	s1 =	rddreg [dreg:$0x2]  }
0x4: {  	s14 =	simm.s32 $0x4E80;
	s4 =	sshll.u32 s0, $0x1;
	[smem:$0x7FF] =	sst s3  }
0x5: {  	s8 =	smul.u32 $0x9E00, s0;
	s31 =	sshll.u32 s0, $0x6;
	s4 =	sor.u32 s6, s4  }
0x6: {  	_ =	strace $0x8000005C;
	s9 =	smul.u32 $0x13C00, s6;
	s6 =	ssub.s32 $0x2, s6  }
0x7: {  	s7 =	smul.u32 $0x4F0, s4;
	s4 =	sadd.s32 $0x7200, s5;
	s15 =	sshrl.u32 s8, $0x3  }
0x8: {  	s30 =	sshrl.u32 s6, $0x1;
	s13 =	sadd.s32 s8, s2;
	s11 =	sadd.s32 s15, s5  }
0x9: {  	s9 =	sadd.s32 s9, s5;
	s12 =	ssub.s32 s6, s30;
	s6 =	sor.u32 $0x1C03, s31  }
0xa: {  	s10 =	sadd.s32 s7, s5;
	s5 =	sadd.s32 $0x4C200, s11;
	s16 =	sadd.s32 $0x14B200, s9  }
0xb: {  	s9 =	smax.u32 s12, $0x1;
	s11 =	simm.s32 $0x3;
	s12 =	simm.s32 $0x4F00  }
0xc: {  	s7 =	sadd.s32 $0x1AC00, s10;
	s8 =	sadd.s32 $0x42400, s10;
	s10 =	sshrl.u32 s13, $0x3  }
0xd: {  	s13 =	simm.s32 $0x80;
	s15 =	sadd.s32 s15, s16;
	s16 =	simm.s32 $0x0  }
.LBB2_1:
0xe: {  	[spmem:s10], [sflag:s6] =	dma.local [hbm:s5], $0x13C0  }
0xf: {  	_ =	swait.ge [sflag:s11], $0x13C0  }
0x10: {  	[sflag:s11] =	ssyncset.done $0x0  }
0x11: {  	[sflag:s11] =	ssyncadd.s32 $0xFFFFEC40  }
0x12: {  	[bflag:$0x0] =	sbarrier.arrive $0xFFFF  }
0x13: {  	[tilespmem:s3], [sflag:$0x3] =	stream.linear.gather [hbm4b:s7+s3], $0x2780, $0x38;
	[tilespmem:$0x12D00] =	vst v63  }
0x14: {  	_ =	swait.ge [sflag:s11], $0x2780  }
0x15: {  	[sflag:s11] =	ssyncset.done $0x0  }
0x16: {  	s18 =	simm.s32 $0x2780;
	[sflag:s11] =	ssyncadd.s32 $0xFFFFD880  }
0x17: {  	[tilespmem:s18], [sflag:$0x3] =	stream.linear.gather [hbm4b:s8+s3], $0x2780, $0x38;
	[tilespmem:$0x12D00] =	vst v63  }
0x18: {  	_ =	swait.ge [sflag:s11], $0x2780  }
0x19: {  	[sflag:s11] =	ssyncset.done $0x0  }
0x1a: {  	s17 =	sand.u32 $0x1, s3;
	[sflag:s11] =	ssyncadd.s32 $0xFFFFD880  }
0x1b: {  	[tilespmem:s12], [sflag:$0x3] =	stream.indirect.gather [hbm4b:s4+s13], $0x40, s3, s13, $0xb8;
	[tilespmem:$0x12D00] =	vst v63  }
0x1c: {  	s19 =	sxor.u32 $0x1, s17;
	_ =	swait.ge [sflag:s11], $0x2000  }
0x1d: {  	s21 =	sshll.u32 s17, $0xD;
	s20 =	sshll.u32 s19, $0xD;
	[sflag:s11] =	ssyncset.done $0x0  }
0x1e: {  	s17 =	sadd.s32 $0x1, s19;
	s28 =	sor.u32 $0x4F00, s20;
	[sflag:s11] =	ssyncadd.s32 $0xFFFFE000  }
0x1f: {  	[tilespmem:s28], [sflag:s17] =	stream.indirect.gather [hbm4b:s4+s13], $0x40, s13, s13, $0xb8;
	[tilespmem:$0x12D00] =	vst v63  }
0x20: {  	s29 =	sor.u32 $0x4F00, s21  }
0x21: {  	[spmem:s2] =	stream.indirect.scatter.add.f32 [tilespmem:s29], [sflag:$0x3], $0x40, s18, s13, $0xb8;
	[tilespmem:$0x12D00] =	vst v63  }
0x22: {  	s30 =	simm.s32 $0x1;
	_ =	swait.ge [sflag:s11], $0x2000  }
0x23: {  	s31 =	sand.u32 $0x1, s30;
	s21 =	simm.s32 $0x2;
	[sflag:s11] =	ssyncset.done $0x0  }
0x24: {  	s19 =	simm.s32 $0x2800;
	s22 =	sxor.u32 $0x1, s31;
	[sflag:s11] =	ssyncadd.s32 $0xFFFFE000  }
0x25: {  	s20 =	sshll.u32 s31, $0xD;
	s23 =	sshll.u32 s22, $0xD;
	_ =	swait.ge [sflag:s17], $0x2000  }
0x26: {  	s22 =	sadd.s32 $0x1, s22;
	s18 =	simm.s32 $0x100;
	[sflag:s17] =	ssyncset.done $0x0  }
.LBB2_2:
0x27: {  	s23 =	sor.u32 $0x4F00, s23;
	[sflag:s17] =	ssyncadd.s32 $0xFFFFE000  }
0x28: {  	s24 =	smov.u32 s21;
	s25 =	sadd.s32 $0x1, s21;
	s17 =	smov.u32 s22  }
0x29: {  	[tilespmem:s23], [sflag:s17] =	stream.indirect.gather [hbm4b:s4+s13], $0x40, s18, s13, $0xb8;
	[tilespmem:$0x12D00] =	vst v63  }
0x2a: {  	p0 =	sne.s32 s21, $0x4D;
	s20 =	sor.u32 $0x4F00, s20  }
0x2b: {  	[spmem:s2] =	stream.indirect.scatter.add.f32 [tilespmem:s20], [sflag:$0x3], $0x40, s19, s13, $0xb8;
	[tilespmem:$0x12D00] =	vst v63  }
.Ltmp0:
0x2c: {  	_ =	swait.ge [sflag:s11], $0x2000;
	(pc) =	sbr.rel @p0 .LBB2_2-.Ltmp0, $4  }
0x2d: {  	s18 =	sadd.s32 $0x80, s18;
	s20 =	sand.u32 $0x1, s24;
	[sflag:s11] =	ssyncset.done $0x0  }
0x2e: {  	s19 =	sadd.s32 $0x80, s19;
	s21 =	sxor.u32 $0x1, s20;
	[sflag:s11] =	ssyncadd.s32 $0xFFFFE000  }
0x2f: {  	s20 =	sshll.u32 s20, $0xD;
	s23 =	sshll.u32 s21, $0xD;
	_ =	swait.ge [sflag:s17], $0x2000  }
0x30: {  	s22 =	sadd.s32 $0x1, s21;
	s21 =	smov.u32 s25;
	[sflag:s17] =	ssyncset.done $0x0  }
0x31: {  	s21 =	sor.u32 $0x4F00, s23;
	[sflag:s17] =	ssyncadd.s32 $0xFFFFE000  }
0x32: {  	[tilespmem:s21], [sflag:s22] =	stream.indirect.gather [hbm4b:s4+s13], $0x40, s18, s13, $0xb8;
	[tilespmem:$0x12D00] =	vst v63  }
0x33: {  	s31 =	sor.u32 $0x4F00, s20  }
0x34: {  	[spmem:s2] =	stream.indirect.scatter.add.f32 [tilespmem:s31], [sflag:$0x3], $0x40, s19, s13, $0xb8;
	[tilespmem:$0x12D00] =	vst v63  }
0x35: {  	_ =	swait.ge [sflag:s11], $0x2000  }
0x36: {  	[sflag:s11] =	ssyncset.done $0x0  }
0x37: {  	[sflag:s11] =	ssyncadd.s32 $0xFFFFE000  }
0x38: {  	_ =	swait.ge [sflag:s22], $0x2000  }
0x39: {  	[sflag:s22] =	ssyncset.done $0x0  }
0x3a: {  	[sflag:s22] =	ssyncadd.s32 $0xFFFFE000  }
0x3b: {  	[spmem:s2] =	stream.indirect.scatter.add.f32 [tilespmem:s12], [sflag:$0x3], $0x40, s14, s13, $0xb8;
	[tilespmem:$0x12D00] =	vst v63  }
0x3c: {  	_ =	swait.ge [sflag:s11], $0x2000  }
0x3d: {  	s16 =	sadd.s32 $0x1, s16;
	[sflag:s11] =	ssyncset.done $0x0  }
0x3e: {  	p0 =	sne.s32 s16, s9;
	[sflag:s11] =	ssyncadd.s32 $0xFFFFE000  }
.Ltmp1:
0x3f: {  	[bflag:$0x0] =	sbarrier.arrive $0xFFFF;
	(pc) =	sbr.rel @p0 .LBB2_1-.Ltmp1, $4  }
0x40: {  	[hbm:s15], [sflag:s6] =	dma.local [spmem:s10], $0x13C0  }
0x41: {  	_ =	swait.ge [sflag:s11], $0x13C0  }
0x42: {  	[sflag:s11] =	ssyncset.done $0x0  }
0x43: {  	[sflag:s11] =	ssyncadd.s32 $0xFFFFEC40  }
0x44: {  	_ =	sfence.sel $0x180000  }
0x45: {  	[bflag:$0x0] =	sbarrier.arrive $0xFFFF  }
0x46: {  	p0 =	sne.s32 s0, $0x0;
	_ =	strace $0x9000005C  }
0x47: {  	s0 =	sadd.s32 @!p0 $0x100000, s1;
	[bflag:$0x2] =	sbarrier.arrive $0xFFFF  }
0x48: {  	[sflag:s0] =	ssyncadd.tile.s32 @!p0 $0x1;
	_ =	shalt  }
.Lfunc_end2:
_tile_overlayer_lowered:
.L_overlay_start_2:
0x49: {  	(tag) =	ssettag $0x2  }
0x4a: {  	s0 =	rddreg [dreg:$0x0];
	s2 =	stileid.u32  }
0x4b: {  	s1 =	rddreg [dreg:$0x1];
	p0 =	sne.s32 s2, $0x0  }
0x4c: {  	s3 =	rddreg [dreg:$0x2];
	[bflag:$0x3] =	sbarrier.arrive $0xFFFF;
	s2 =	simm.s32 @!p0 $0x1C03  }
0x4d: {  	[timem:s3], [sflag:s2] =	dma.local @!p0 [hbm:s0], s1  }
0x4e: {  	s0 =	simm.s32 @!p0 $0x3  }
0x4f: {  	_ =	swait.ge @!p0 [sflag:s0], s1  }
0x50: {  	s1 =	ssub.s32 @!p0 $0x0, s1;
	[sflag:s0] =	ssyncset.done @!p0 $0x0  }
0x51: {  	[sflag:s0] =	ssyncadd.s32 @!p0 s1  }
0x52: {  	[bflag:$0x3] =	sbarrier.arrive $0xFFFF  }
0x53: {  	_ =	shalt  }

// kernel: kernel.50.cloned.1.call-start
scs
__scs_entry_jumppad:
0x0: {  	(pc) =	sbr.rel $0x88, $3  }
0x1: {  	(tag) =	ssettag $0x0;
	lr =	simm.s32 $0x1  }
0x2: {  	[smem:$0x3F7B] =	sst lr;
	_ =	strace $0xD0000000  }
0x3: {  	_ = 	snop  }
0x4: {  	_ = 	snop  }
0x5: {  	_ = 	snop  }
0x6: {  	_ = 	snop  }
0x7: {  	_ = 	snop  }
__scs_overlays_trampoline_lowered:
0x8: {  	[smem:$0x3F8A] =	sst s0  }
0x9: {  	[smem:$0x3F8B] =	sst s1  }
0xa: {  	[smem:$0x3F8C] =	sst s2  }
0xb: {  	[smem:$0x3F8D] =	sst s3  }
0xc: {  	[smem:$0x3F8E] =	sst s4  }
0xd: {  	[smem:$0x3F8F] =	sst s5  }
0xe: {  	[smem:$0x3F90] =	sst s6  }
0xf: {  	[smem:$0x3F91] =	sst s7  }
0x10: {  	[smem:$0x3F92] =	sst s8  }
0x11: {  	[smem:$0x3F93] =	sst s9;
	s0 =	simm.s32 @!p0 $0x0  }
0x12: {  	s1 =	sld [smem:$0x3F79];
	s0 =	simm.s32 @p0 $0x1  }
0x13: {  	[smem:$0x3F94] =	sst s0;
	s0 =	simm.s32 @!p1 $0x0  }
0x14: {  	s2 =	sld [smem:$0x3F78];
	s0 =	simm.s32 @p1 $0x1  }
0x15: {  	[smem:$0x3F95] =	sst s0;
	s0 =	simm.s32 @!p2 $0x0  }
0x16: {  	s3 =	sld [smem:$0x3FDB];
	s0 =	simm.s32 @p2 $0x1  }
0x17: {  	s4 =	simm.s32 $0x1BF5;
	[smem:$0x3F97] =	sst s0  }
0x18: {  	s0 =	sld [smem:$0x3F7A];
	_ =	swait.ge [sflag:s4], $0x0  }
0x19: {  	s7 =	sld [smem:$0x3F7B]  }
0x1a: {  	s8 =	sadd.s32 $0xFFFFE003, lr  }
0x1b: {  	s9 =	sadd.s32 $0xFFFFFEF7, lr;
	s5 =	simm.s32 $0xFFFFFFFF;
	p2 =	slt.u32 s8, $0xFFFFF086  }
0x1c: {  	p1 =	slt.u32 s9, $0xF7A;
	s5 =	simm.s32 @!p2 $0x0  }
0x1d: {  	s5 =	simm.s32 @p1 $0x1;
	p0 =	seq.s32 s7, s2  }
0x1e: {  	s7 =	smul.u32 @!p0 $0xF7A, s2;
	p2 =	seq.s32 @!p0 s5, $0x0  }
0x1f: {  	s9 =	smul.u32 $0xF7A, s1;
	s8 =	simm.s32 @!p0 $0x1BF5;
	p2 =	por !p2, p0  }
0x20: {  	[sflag:s8] =	ssyncset.s32 @!p0 $0xFFFFF086;
	s6 =	sadd.s32 @!p0 s3, s7;
	s7 =	simm.s32 @!p0 $0x108  }
0x21: {  	s3 =	sadd.s32 s3, s9;
	s6 =	sadd.s32 @!p0 $0x88, s6;
	s7 =	simm.s32 @p2 $0x1082  }
0x22: {  	[simem:s7], [sflag:s8] =	dma.local @!p0 [hbm:s6], $0xF7A  }
0x23: {  	s9 =	sor.u32 $0xD0000000, s2;
	s6 =	simm.s32 $0x108;
	_ =	swait.ge @!p0 [sflag:s8], $0x0  }
0x24: {  	s3 =	sadd.s32 $0x88, s3;
	s6 =	simm.s32 @!p1 $0x1082;
	[sflag:s4] =	ssyncset.s32 $0xFFFFF086  }
0x25: {  	[simem:s6], [sflag:s4] =	dma.local [hbm:s3], $0xF7A  }
0x26: {  	[smem:$0x3F7B] =	sst s1;
	(tag) =	ssettag s2;
	_ =	strace s9  }
0x27: {  	s1 =	sld [smem:$0x3F8B]  }
0x28: {  	s2 =	sld [smem:$0x3F8C]  }
0x29: {  	s4 =	sld [smem:$0x3F8E]  }
0x2a: {  	p0 =	seq.s32 s5, $0x0;
	s5 =	sld [smem:$0x3F8F]  }
0x2b: {  	s6 =	sld [smem:$0x3F90]  }
0x2c: {  	s7 =	sld [smem:$0x3F91]  }
0x2d: {  	s3 =	simm.s32 $0x108;
	s8 =	sld [smem:$0x3F92]  }
0x2e: {  	s3 =	simm.s32 @!p0 $0x1082;
	s9 =	sld [smem:$0x3F93]  }
0x2f: {  	lr =	sadd.s32 s0, s3;
	s0 =	sld [smem:$0x3F8A]  }
0x30: {  	s3 =	sld [smem:$0x3F8D]  }
0x31: {  	[smem:$0x3F96] =	sst s10  }
0x32: {  	s10 =	sld [smem:$0x3F94];
	_ =	sdelay $0x3  }
0x33: {  	p0 =	seq.s32 s10, $0x1;
	s10 =	sld [smem:$0x3F96];
	_ =	sdelay $0x3  }
0x34: {  	[smem:$0x3F96] =	sst s10  }
0x35: {  	s10 =	sld [smem:$0x3F95];
	_ =	sdelay $0x3  }
0x36: {  	p1 =	seq.s32 s10, $0x1;
	s10 =	sld [smem:$0x3F96];
	_ =	sdelay $0x3  }
0x37: {  	[smem:$0x3F96] =	sst s10  }
0x38: {  	s10 =	sld [smem:$0x3F97]  }
0x39: {  	_ = 	snop;
	(pc) =	sbr.ind lr, $3  }
0x3a: {  	_ = 	snop  }
0x3b: {  	_ = 	snop  }
0x3c: {  	p2 =	seq.s32 s10, $0x1;
	s10 =	sld [smem:$0x3F96]  }
0x3d: {  	_ =	shalt  }
0x3e: {  	_ =	shalt  }
0x3f: {  	_ =	shalt  }
0x40: {  	_ =	shalt  }
0x41: {  	_ =	shalt  }
0x42: {  	_ =	shalt  }
0x43: {  	_ =	shalt  }
0x44: {  	_ =	shalt  }
0x45: {  	_ =	shalt  }
0x46: {  	_ =	shalt  }
0x47: {  	_ =	shalt  }
0x48: {  	_ =	shalt  }
0x49: {  	_ =	shalt  }
0x4a: {  	_ =	shalt  }
0x4b: {  	_ =	shalt  }
0x4c: {  	_ =	shalt  }
0x4d: {  	_ =	shalt  }
0x4e: {  	_ =	shalt  }
0x4f: {  	_ =	shalt  }
0x50: {  	_ =	shalt  }
0x51: {  	_ =	shalt  }
0x52: {  	_ =	shalt  }
0x53: {  	_ =	shalt  }
0x54: {  	_ =	shalt  }
0x55: {  	_ =	shalt  }
0x56: {  	_ =	shalt  }
0x57: {  	_ =	shalt  }
0x58: {  	_ =	shalt  }
0x59: {  	_ =	shalt  }
0x5a: {  	_ =	shalt  }
0x5b: {  	_ =	shalt  }
0x5c: {  	_ =	shalt  }
0x5d: {  	_ =	shalt  }
0x5e: {  	_ =	shalt  }
0x5f: {  	_ =	shalt  }
0x60: {  	_ =	shalt  }
0x61: {  	_ =	shalt  }
0x62: {  	_ =	shalt  }
0x63: {  	_ =	shalt  }
0x64: {  	_ =	shalt  }
0x65: {  	_ =	shalt  }
0x66: {  	_ =	shalt  }
0x67: {  	_ =	shalt  }
0x68: {  	_ =	shalt  }
0x69: {  	_ =	shalt  }
0x6a: {  	_ =	shalt  }
0x6b: {  	_ =	shalt  }
0x6c: {  	_ =	shalt  }
0x6d: {  	_ =	shalt  }
0x6e: {  	_ =	shalt  }
0x6f: {  	_ =	shalt  }
0x70: {  	_ =	shalt  }
0x71: {  	_ =	shalt  }
0x72: {  	_ =	shalt  }
0x73: {  	_ =	shalt  }
0x74: {  	_ =	shalt  }
0x75: {  	_ =	shalt  }
0x76: {  	_ =	shalt  }
0x77: {  	_ =	shalt  }
0x78: {  	_ =	shalt  }
0x79: {  	_ =	shalt  }
0x7a: {  	_ =	shalt  }
0x7b: {  	_ =	shalt  }
0x7c: {  	_ =	shalt  }
0x7d: {  	_ =	shalt  }
0x7e: {  	_ =	shalt  }
0x7f: {  	_ =	shalt  }
0x80: {  	_ =	shalt  }
0x81: {  	_ =	shalt  }
0x82: {  	_ =	shalt  }
0x83: {  	_ =	shalt  }
0x84: {  	_ =	shalt  }
0x85: {  	_ =	shalt  }
0x86: {  	_ =	shalt  }
0x87: {  	_ =	shalt  }
.Lfunc_end0:
.L_simem_size_0:
called_computation.9_lowered:
.L_overlay_start_0:
0x88: {  	s2 =	sld [smem:$0x3FD9]  }
0x89: {  	s3 =	sld [smem:$0x3FFE];
	_ =	sdelay $0x1  }
0x8a: {  	s1 =	srdreg.scid  }
0x8b: {  	s0 =	sand.u32 $0x1, s1  }
0x8c: {  	s17 =	sshll.u32 s0, $0xA;
	s2 =	sadd.s32 s3, s2  }
0x8d: {  	s2 =	sadd.s32 s2, s17  }
0x8e: {  	[smem:$0x3FA2] =	sst s2  }
0x8f: {  	_ = 	snop  }
0x90: {  	(tm) =	ssettm $0x1  }
0x91: {  	s18 =	sld [smem:$0x3FFB];
	_ =	sdelay $0x3  }
0x92: {  	_ =	strace s18  }
0x93: {  	s2 =	sld [smem:$0x3FFC];
	_ =	sdelay $0x3  }
0x94: {  	_ =	strace s2  }
0x95: {  	s2 =	sld [smem:$0x3FFD];
	_ =	sdelay $0x3  }
0x96: {  	_ =	strace s2  }
0x97: {  	_ =	strace $0x8FFFFFFF  }
0x98: {  	s19 =	sld [smem:$0x3FDB];
	_ =	sdelay $0x1  }
0x99: {  	s20 =	simm.s32 $_scs_section_size  }
0x9a: {  	s4 =	simm.s32 $_size__tile_overlayer_lowered;
	s5 =	simm.s32 $_tile_overlayer_lowered  }
0x9b: {  	s6 =	simm.s32 $0x1BFF;
	s21 =	sshll.u32 s5, $0x1;
	s3 =	sadd.s32 s20, s19  }
0x9c: {  	s22 =	simm.s32 $0x0;
	s4 =	sshll.u32 s4, $0x1;
	s5 =	sadd.s32 s21, s3  }
0x9d: {  	[timem:s22], [sflag:s6] =	dma.local [hbm:s5], s4  }
0x9e: {  	_ =	swait.ge [sflag:s6], s4  }
0x9f: {  	s4 =	ssub.s32 $0x0, s4;
	[sflag:s6] =	ssyncset.done $0x0  }
0xa0: {  	[sflag:s6] =	ssyncadd.s32 s4;
	_ =	sdelay $0x1  }
0xa1: {  	s23 =	simm.s32 $0x1B8B  }
0xa2: {  	_ =	swait.ge [sflag:s23], $0x1  }
0xa3: {  	[sflag:s23] =	ssyncset.done $0x0  }
0xa4: {  	[sflag:s23] =	ssyncadd.s32 $0xFFFFFFFF  }
0xa5: {  	s4 =	sld [smem:$0x0]  }
0xa6: {  	s5 =	sand.u32 $0xFFFFFFFE, s1  }
0xa7: {  	p0 =	sne.s32 s1, s5  }
0xa8: {  	s5 =	sshll.u32 @p0 s5, $0xE  }
0xa9: {  	s5 =	sadd.s32 @p0 $0x11B8D, s5;
	s6 =	sshll.u32 @p0 s4, $0x11  }
0xaa: {  	s5 =	sor.u32 @p0 s6, s5  }
0xab: {  	[sflag:s5] =	ssyncadd.remote.s32 @p0 $0x1;
	_ =	sdelay $0x1  }
0xac: {  	s5 =	simm.s32 @p0 $0x1B8D  }
0xad: {  	_ =	swait.eq @p0 [sflag:s5], $0x1  }
0xae: {  	[sflag:s5] =	ssyncadd.s32 @p0 $0xFFFFFFFF  }
0xaf: {  	s6 =	sshll.u32 @!p0 s1, $0xE  }
0xb0: {  	s6 =	sor.u32 @!p0 $0x4000, s6;
	s5 =	simm.s32 @!p0 $0x1B8D  }
0xb1: {  	s4 =	sshll.u32 @!p0 s4, $0x11;
	s6 =	sadd.s32 @!p0 $0x11B8D, s6;
	_ =	swait.eq @!p0 [sflag:s5], $0x1  }
0xb2: {  	s4 =	sor.u32 @!p0 s4, s6;
	[sflag:s5] =	ssyncadd.s32 @!p0 $0xFFFFFFFF  }
0xb3: {  	s25 =	simm.s32 $0x1B8E;
	s24 =	sld [smem:$0x3FFE];
	[sflag:s4] =	ssyncadd.remote.s32 @!p0 $0x1  }
0xb4: {  	s26 =	simm.s32 $execute0_lowered;
	[smem:$0x3FD2] =	sst s25  }
0xb5: {  	s5 =	sshll.u32 s26, $0x1;
	_ =	strace $0x80000061;
	[dreg:$0x1] =	wrdreg $0xFFFFFFFF  }
0xb6: {  	s28 =	simm.s32 $_size_execute0_lowered;
	s3 =	sadd.s32 s3, s5;
	[dreg:$0x0] =	wrdreg $0x0  }
0xb7: {  	s5 =	sshll.u32 s28, $0x1;
	[dreg:$0x2] =	wrdreg s3  }
0xb8: {  	[dreg:$0x3] =	wrdreg s5  }
0xb9: {  	[dreg:$0x4] =	wrdreg $0xC0  }
0xba: {  	_ =	task [dreg:s22], $0x5FFFF  }
0xbb: {  	[dreg:$0x1] =	wrdreg $0xFFFFFFFF  }
0xbc: {  	[dreg:$0x0] =	wrdreg $0x60  }
0xbd: {  	[dreg:$0x2] =	wrdreg s24  }
0xbe: {  	[dreg:$0x3] =	wrdreg $0x53000  }
0xbf: {  	[dreg:$0x4] =	wrdreg $0xA  }
0xc0: {  	_ =	task.clear_ibuf [dreg:s22], $0x5FFFF;
	_ =	strace $0x90000061  }
0xc1: {  	s29 =	simm.s32 $0xA;
	_ =	strace $0x80000063  }
0xc2: {  	_ =	swait.ge [sflag:s29], $0x1  }
0xc3: {  	[sflag:s29] =	ssyncadd.s32 $0xFFFFFFFF  }
0xc4: {  	_ =	strace $0x90000063  }
0xc5: {  	_ =	sfence  }
0xc6: {  	s30 =	sld [smem:$0x0];
	_ =	sdelay $0x2  }
0xc7: {  	s31 =	sshll.u32 s1, $0xD;
	s1 =	sshrl.u32 s1, $0x2  }
0xc8: {  	s4 =	sand.u32 $0x4000, s31;
	s1 =	sadd.s32 s1, s30  }
0xc9: {  	s0 =	sor.u32 s4, s0;
	s1 =	sshll.u32 s1, $0x11  }
0xca: {  	s0 =	sor.u32 s1, s0  }
0xcb: {  	s0 =	sadd.s32 $0x8F2B, s0  }
0xcc: {  	[sflag:s0] =	ssyncadd.remote.s32 $0x1  }
0xcd: {  	_ =	sfence.sel $0xFFFF  }
0xce: {  	[dreg:$0x0] =	wrdreg $0xFFFFFFFF;
	(pc) =	sbr.abs _section_cstart, $3  }
0xcf: {  	[dreg:$0x1] =	wrdreg $0xFFFFFFFF  }
0xd0: {  	_ =	task.clear_ibuf [dreg:s22], $0x2FFFF;
	_ =	strace $0x9FFFFFFF  }
0xd1: {  	(tm) =	ssettm $0x7FFFFFFF  }
tec
execute0_lowered:
.L_overlay_start_1:
0x0: {  	(tag) =	ssettag $0x1  }
0x1: {  	s20 =	rddreg [dreg:$0x0]  }
0x2: {  	s2 =	rddreg [dreg:$0x1];
	s1 =	stileid.u32  }
0x3: {  	s0 =	rddreg [dreg:$0x2];
	s3 =	simm.s32 $0x0;
	s5 =	srdreg.scid  }
0x4: {  	s4 =	smul.u32 $0x280, s1;
	[smem:$0x7FF] =	sst s3  }
0x5: {  	s22 =	sand.u32 $0x1, s5;
	s28 =	sshll.u32 s1, $0x1;
	s30 =	sshll.u32 s1, $0x6  }
0x6: {  	_ =	strace $0x80000062;
	s8 =	sor.u32 s22, s28;
	s21 =	sshrl.u32 s4, $0x3  }
0x7: {  	s5 =	sor.u32 $0x1C03, s30;
	s6 =	sadd.s32 s4, s2;
	s29 =	sadd.s32 s21, s20  }
0x8: {  	s7 =	sshrl.u32 s6, $0x3;
	s6 =	simm.s32 $0x3;
	s4 =	sadd.s32 $0x3E400, s29  }
0x9: {  	[spmem:s7], [sflag:s5] =	dma.local [hbm:s4], $0x50  }
0xa: {  	s8 =	smul.u32 $0x30, s8;
	_ =	swait.ge [sflag:s6], $0x50  }
0xb: {  	[sflag:s6] =	ssyncset.done $0x0  }
0xc: {  	s9 =	sadd.s32 s8, s20;
	[sflag:s6] =	ssyncadd.s32 $0xFFFFFFB0  }
0xd: {  	s8 =	sadd.s32 $0x24A00, s9;
	[bflag:$0x0] =	sbarrier.arrive $0xFFFF  }
0xe: {  	[tilespmem:s3], [sflag:$0x3] =	stream.linear.gather [hbm4b:s8+s3], $0x180, $0x38;
	[tilespmem:$0x5580] =	vst v63  }
0xf: {  	_ =	swait.ge [sflag:s6], $0x180  }
0x10: {  	[sflag:s6] =	ssyncset.done $0x0  }
0x11: {  	s10 =	simm.s32 $0x180;
	s9 =	sadd.s32 $0x25600, s9;
	[sflag:s6] =	ssyncadd.s32 $0xFFFFFE80  }
0x12: {  	[tilespmem:s10], [sflag:$0x3] =	stream.linear.gather [hbm4b:s9+s3], $0x180, $0x38;
	[tilespmem:$0x5580] =	vst v63  }
0x13: {  	_ =	swait.ge [sflag:s6], $0x180  }
0x14: {  	s12 =	simm.s32 $0x80;
	[sflag:s6] =	ssyncset.done $0x0  }
0x15: {  	s13 =	simm.s32 $0x300;
	s11 =	sadd.s32 $0x7200, s20;
	[sflag:s6] =	ssyncadd.s32 $0xFFFFFE80  }
0x16: {  	[tilespmem:s13], [sflag:$0x3] =	stream.indirect.gather [hbm4b:s11+s12], $0x50, s3, s12, $0xb8;
	[tilespmem:$0x5580] =	vst v63  }
0x17: {  	_ =	swait.ge [sflag:s6], $0x2800  }
0x18: {  	[sflag:s6] =	ssyncset.done $0x0  }
0x19: {  	s14 =	simm.s32 $0x2B00;
	[sflag:s6] =	ssyncadd.s32 $0xFFFFD800  }
0x1a: {  	[tilespmem:s14], [sflag:$0x2] =	stream.indirect.gather [hbm4b:s11+s12], $0x50, s12, s12, $0xb8;
	[tilespmem:$0x5580] =	vst v63  }
0x1b: {  	_ = 	snop  }
0x1c: {  	[spmem:s2] =	stream.indirect.scatter.add.f32 [tilespmem:s13], [sflag:$0x3], $0x50, s10, s12, $0xb8;
	[tilespmem:$0x5580] =	vst v63  }
0x1d: {  	_ =	swait.ge [sflag:s6], $0x2800  }
0x1e: {  	[sflag:s6] =	ssyncset.done $0x0  }
0x1f: {  	s15 =	simm.s32 $0x2;
	[sflag:s6] =	ssyncadd.s32 $0xFFFFD800  }
0x20: {  	_ =	swait.ge [sflag:s15], $0x2800  }
0x21: {  	[sflag:s15] =	ssyncset.done $0x0  }
0x22: {  	s16 =	simm.s32 $0x100;
	[sflag:s15] =	ssyncadd.s32 $0xFFFFD800  }
0x23: {  	[tilespmem:s13], [sflag:$0x1] =	stream.indirect.gather [hbm4b:s11+s12], $0x50, s16, s12, $0xb8;
	[tilespmem:$0x5580] =	vst v63  }
0x24: {  	s17 =	simm.s32 $0x200  }
0x25: {  	[spmem:s2] =	stream.indirect.scatter.add.f32 [tilespmem:s14], [sflag:$0x3], $0x50, s17, s12, $0xb8;
	[tilespmem:$0x5580] =	vst v63  }
0x26: {  	_ =	swait.ge [sflag:s6], $0x2800  }
0x27: {  	[sflag:s6] =	ssyncset.done $0x0  }
0x28: {  	s18 =	simm.s32 $0x1;
	[sflag:s6] =	ssyncadd.s32 $0xFFFFD800  }
0x29: {  	s23 =	smul.u32 $0x500, s22;
	s22 =	ssub.s32 $0x2, s22;
	_ =	swait.ge [sflag:s18], $0x2800  }
0x2a: {  	s31 =	sshrl.u32 s22, $0x1;
	[sflag:s18] =	ssyncset.done $0x0  }
0x2b: {  	s19 =	simm.s32 $0x280;
	s22 =	ssub.s32 s22, s31;
	[sflag:s18] =	ssyncadd.s32 $0xFFFFD800  }
0x2c: {  	[spmem:s2] =	stream.indirect.scatter.add.f32 [tilespmem:s13], [sflag:$0x3], $0x50, s19, s12, $0xb8;
	[tilespmem:$0x5580] =	vst v63  }
0x2d: {  	s22 =	smax.u32 s22, $0x1;
	_ =	swait.ge [sflag:s6], $0x2800  }
0x2e: {  	s20 =	sadd.s32 s23, s20;
	p0 =	sne.s32 s22, $0x1;
	[sflag:s6] =	ssyncset.done $0x0  }
.Ltmp0:
0x2f: {  	s20 =	sadd.s32 $0x1FA00, s20;
	[sflag:s6] =	ssyncadd.s32 $0xFFFFD800;
	(pc) =	sbr.rel @!p0 .LBB2_2-.Ltmp0, $4  }
0x30: {  	s20 =	sadd.s32 s21, s20;
	[bflag:$0x0] =	sbarrier.arrive $0xFFFF  }
0x31: {  	[hbm:s20], [sflag:s5] =	dma.local [spmem:s7], $0x50  }
0x32: {  	_ =	swait.ge [sflag:s6], $0x50  }
0x33: {  	s21 =	sadd.s32 $0xFFFFFFFF, s22;
	[sflag:s6] =	ssyncset.done $0x0  }
.LBB2_1:
0x34: {  	p0 =	sne.s32 s21, $0x1;
	s21 =	sadd.s32 $0xFFFFFFFF, s21;
	[sflag:s6] =	ssyncadd.s32 $0xFFFFFFB0  }
0x35: {  	[spmem:s7], [sflag:s5] =	dma.local [hbm:s4], $0x50  }
0x36: {  	_ =	swait.ge [sflag:s6], $0x50  }
0x37: {  	[sflag:s6] =	ssyncset.done $0x0  }
0x38: {  	[sflag:s6] =	ssyncadd.s32 $0xFFFFFFB0  }
0x39: {  	[bflag:$0x0] =	sbarrier.arrive $0xFFFF  }
0x3a: {  	[tilespmem:s3], [sflag:$0x3] =	stream.linear.gather [hbm4b:s8+s3], $0x180, $0x38;
	[tilespmem:$0x5580] =	vst v63  }
0x3b: {  	_ =	swait.ge [sflag:s6], $0x180  }
0x3c: {  	[sflag:s6] =	ssyncset.done $0x0  }
0x3d: {  	[sflag:s6] =	ssyncadd.s32 $0xFFFFFE80  }
0x3e: {  	[tilespmem:s10], [sflag:$0x3] =	stream.linear.gather [hbm4b:s9+s3], $0x180, $0x38;
	[tilespmem:$0x5580] =	vst v63  }
0x3f: {  	_ =	swait.ge [sflag:s6], $0x180  }
0x40: {  	[sflag:s6] =	ssyncset.done $0x0  }
0x41: {  	[sflag:s6] =	ssyncadd.s32 $0xFFFFFE80  }
0x42: {  	[tilespmem:s13], [sflag:$0x3] =	stream.indirect.gather [hbm4b:s11+s12], $0x50, s3, s12, $0xb8;
	[tilespmem:$0x5580] =	vst v63  }
0x43: {  	_ =	swait.ge [sflag:s6], $0x2800  }
0x44: {  	[sflag:s6] =	ssyncset.done $0x0  }
0x45: {  	[sflag:s6] =	ssyncadd.s32 $0xFFFFD800  }
0x46: {  	[tilespmem:s14], [sflag:$0x2] =	stream.indirect.gather [hbm4b:s11+s12], $0x50, s12, s12, $0xb8;
	[tilespmem:$0x5580] =	vst v63  }
0x47: {  	_ = 	snop  }
0x48: {  	[spmem:s2] =	stream.indirect.scatter.add.f32 [tilespmem:s13], [sflag:$0x3], $0x50, s10, s12, $0xb8;
	[tilespmem:$0x5580] =	vst v63  }
0x49: {  	_ =	swait.ge [sflag:s6], $0x2800  }
0x4a: {  	[sflag:s6] =	ssyncset.done $0x0  }
0x4b: {  	[sflag:s6] =	ssyncadd.s32 $0xFFFFD800  }
0x4c: {  	_ =	swait.ge [sflag:s15], $0x2800  }
0x4d: {  	[sflag:s15] =	ssyncset.done $0x0  }
0x4e: {  	[sflag:s15] =	ssyncadd.s32 $0xFFFFD800  }
0x4f: {  	[tilespmem:s13], [sflag:$0x1] =	stream.indirect.gather [hbm4b:s11+s12], $0x50, s16, s12, $0xb8;
	[tilespmem:$0x5580] =	vst v63  }
0x50: {  	_ = 	snop  }
0x51: {  	[spmem:s2] =	stream.indirect.scatter.add.f32 [tilespmem:s14], [sflag:$0x3], $0x50, s17, s12, $0xb8;
	[tilespmem:$0x5580] =	vst v63  }
0x52: {  	_ =	swait.ge [sflag:s6], $0x2800  }
0x53: {  	[sflag:s6] =	ssyncset.done $0x0  }
0x54: {  	[sflag:s6] =	ssyncadd.s32 $0xFFFFD800  }
0x55: {  	_ =	swait.ge [sflag:s18], $0x2800  }
0x56: {  	[sflag:s18] =	ssyncset.done $0x0  }
0x57: {  	[sflag:s18] =	ssyncadd.s32 $0xFFFFD800  }
0x58: {  	[spmem:s2] =	stream.indirect.scatter.add.f32 [tilespmem:s13], [sflag:$0x3], $0x50, s19, s12, $0xb8;
	[tilespmem:$0x5580] =	vst v63  }
0x59: {  	_ =	swait.ge [sflag:s6], $0x2800  }
0x5a: {  	[sflag:s6] =	ssyncset.done $0x0  }
.Ltmp1:
0x5b: {  	[sflag:s6] =	ssyncadd.s32 $0xFFFFD800;
	(pc) =	sbr.rel @p0 .LBB2_1-.Ltmp1, $4  }
0x5c: {  	[bflag:$0x0] =	sbarrier.arrive $0xFFFF  }
0x5d: {  	[hbm:s20], [sflag:s5] =	dma.local [spmem:s7], $0x50  }
0x5e: {  	_ =	swait.ge [sflag:s6], $0x50  }
0x5f: {  	[sflag:s6] =	ssyncset.done $0x0  }
.LBB2_2:
0x60: {  	[sflag:s6] =	ssyncadd.s32 $0xFFFFFFB0  }
0x61: {  	_ =	sfence.sel $0x180000  }
0x62: {  	[bflag:$0x0] =	sbarrier.arrive $0xFFFF  }
0x63: {  	p0 =	sne.s32 s1, $0x0;
	_ =	strace $0x90000062  }
0x64: {  	s0 =	sadd.s32 @!p0 $0x100000, s0;
	[bflag:$0x2] =	sbarrier.arrive $0xFFFF  }
0x65: {  	[sflag:s0] =	ssyncadd.tile.s32 @!p0 $0x1;
	_ =	shalt  }
.Lfunc_end2:
_tile_overlayer_lowered:
.L_overlay_start_2:
0x66: {  	(tag) =	ssettag $0x2  }
0x67: {  	s0 =	rddreg [dreg:$0x0];
	s2 =	stileid.u32  }
0x68: {  	s1 =	rddreg [dreg:$0x1];
	p0 =	sne.s32 s2, $0x0  }
0x69: {  	s3 =	rddreg [dreg:$0x2];
	[bflag:$0x3] =	sbarrier.arrive $0xFFFF;
	s2 =	simm.s32 @!p0 $0x1C03  }
0x6a: {  	[timem:s3], [sflag:s2] =	dma.local @!p0 [hbm:s0], s1  }
0x6b: {  	s0 =	simm.s32 @!p0 $0x3  }
0x6c: {  	_ =	swait.ge @!p0 [sflag:s0], s1  }
0x6d: {  	s1 =	ssub.s32 @!p0 $0x0, s1;
	[sflag:s0] =	ssyncset.done @!p0 $0x0  }
0x6e: {  	[sflag:s0] =	ssyncadd.s32 @!p0 s1  }
0x6f: {  	[bflag:$0x3] =	sbarrier.arrive $0xFFFF  }
0x70: {  	_ =	shalt  }

</sc_bundles>
